<compile_context>
chip_gen: v7x
topology: tpu7x:2x2x1
jax: 0.10.2.dev20260603
libtpu: 0.0.44.dev20260713+nightly
codegen_flags: <defaults>
</compile_context>

<pallas_src>
import functools

import jax
import jax.numpy as jnp
from jax import lax
from jax.experimental import pallas as pl
from jax.experimental.pallas import tpu as pltpu
from jax.experimental.pallas import tpu_sc as plsc



def _top16_sorted(d2_vregs):
    runs = [lax.sort(v) for v in d2_vregs]
    while len(runs) > 1:
        nxt = []
        for a, b in zip(runs[0::2], runs[1::2]):
            nxt.append(lax.sort(jnp.minimum(a, lax.rev(b, (0,)))))
        runs = nxt
    return runs[0]


_GDN = lax.GatherDimensionNumbers(offset_dims=(), collapsed_slice_dims=(0,),
                                  start_index_map=(0,))


def _lane_perm(v, idx16):
    return lax.gather(v, idx16[:, None], _GDN, slice_sizes=(1,),
                      mode=lax.GatherScatterMode.PROMISE_IN_BOUNDS)


def _lane_sum(v):
    lane = lax.iota(jnp.int32, 16)
    for sh in (8, 4, 2, 1):
        v = v + _lane_perm(v, (lane + sh) % 16)
    return v


def _sc_stage_rows(nrows, nsv, inv2bw2, sxv, syv, szv, dxv, dyv, dzv, obuf):

    ns = nsv * 16

    @plsc.parallel_loop(0, nrows, step=1, unroll=4)
    def row_body(r):
        cb = (r // 16) * 16
        off16 = jnp.full((16,), r - cb, jnp.int32)
        dnx = _lane_perm(dxv[pl.ds(cb, 16)], off16)
        dny = _lane_perm(dyv[pl.ds(cb, 16)], off16)
        dnz = _lane_perm(dzv[pl.ds(cb, 16)], off16)
        d2s = []
        for j in range(nsv):
            sl = pl.ds(j * 16, 16)
            ax = sxv[sl] - dnx
            ay = syv[sl] - dny
            az = szv[sl] - dnz
            d2s.append(ax * ax + ay * ay + az * az)
        t16 = _top16_sorted(d2s)
        tv = _lane_perm(t16, jnp.full((16,), 15, jnp.int32))
        ws = [jnp.where(d2 <= tv, jnp.exp(d2 * (-inv2bw2)), 0.0) for d2 in d2s]
        accs = ws
        while len(accs) > 1:
            accs = [a + b for a, b in zip(accs[0::2], accs[1::2])]
        denom = _lane_sum(accs[0]) + 1e-8
        invv = jnp.ones((16,), jnp.float32) / denom
        for j in range(nsv):
            obuf[pl.ds(r * ns + j * 16, 16)] = ws[j] * invv


def _sc_weights_body(l4x, l3x, l2x, wT1, wT2,
                     sx1, sy1, sz1, dx1, dy1, dz1, ob1,
                     sx2, sy2, sz2, dx2, dy2, dz2, ob2):
    wid = lax.axis_index("s") * 2 + lax.axis_index("c")
    b = wid // 4
    q = wid % 4

    pltpu.sync_copy(l4x.at[pl.ds((b * 3 + 0) * 64, 64)], sx1)
    pltpu.sync_copy(l4x.at[pl.ds((b * 3 + 1) * 64, 64)], sy1)
    pltpu.sync_copy(l4x.at[pl.ds((b * 3 + 2) * 64, 64)], sz1)
    pltpu.sync_copy(l3x.at[pl.ds((b * 3 + 0) * 256 + q * 64, 64)], dx1)
    pltpu.sync_copy(l3x.at[pl.ds((b * 3 + 1) * 256 + q * 64, 64)], dy1)
    pltpu.sync_copy(l3x.at[pl.ds((b * 3 + 2) * 256 + q * 64, 64)], dz1)
    _sc_stage_rows(64, 4, 3.125, sx1, sy1, sz1, dx1, dy1, dz1, ob1)
    pltpu.sync_copy(ob1, wT1.at[pl.ds((b * 256 + q * 64) * 64, 64 * 64)])

    pltpu.sync_copy(l3x.at[pl.ds((b * 3 + 0) * 256, 256)], sx2)
    pltpu.sync_copy(l3x.at[pl.ds((b * 3 + 1) * 256, 256)], sy2)
    pltpu.sync_copy(l3x.at[pl.ds((b * 3 + 2) * 256, 256)], sz2)
    pltpu.sync_copy(l2x.at[pl.ds((b * 3 + 0) * 1024 + q * 256, 256)], dx2)
    pltpu.sync_copy(l2x.at[pl.ds((b * 3 + 1) * 1024 + q * 256, 256)], dy2)
    pltpu.sync_copy(l2x.at[pl.ds((b * 3 + 2) * 1024 + q * 256, 256)], dz2)
    _sc_stage_rows(256, 16, 12.5, sx2, sy2, sz2, dx2, dy2, dz2, ob2)
    pltpu.sync_copy(ob2, wT2.at[pl.ds((b * 1024 + q * 256) * 256, 256 * 256)])


def _sc_weights(l4_xyz, l3_xyz, l2_xyz):
    B = l4_xyz.shape[0]
    mesh = plsc.VectorSubcoreMesh(core_axis_name="c", subcore_axis_name="s",
                                  num_cores=2, num_subcores=16)
    f32 = jnp.float32
    run = pl.kernel(
        _sc_weights_body,
        out_type=(jax.ShapeDtypeStruct((B * 256 * 64,), f32),
                  jax.ShapeDtypeStruct((B * 1024 * 256,), f32)),
        mesh=mesh,
        compiler_params=pltpu.CompilerParams(needs_layout_passes=False),
        scratch_types=[
            pltpu.VMEM((64,), f32), pltpu.VMEM((64,), f32), pltpu.VMEM((64,), f32),
            pltpu.VMEM((64,), f32), pltpu.VMEM((64,), f32), pltpu.VMEM((64,), f32),
            pltpu.VMEM((64 * 64,), f32),
            pltpu.VMEM((256,), f32), pltpu.VMEM((256,), f32), pltpu.VMEM((256,), f32),
            pltpu.VMEM((256,), f32), pltpu.VMEM((256,), f32), pltpu.VMEM((256,), f32),
            pltpu.VMEM((256 * 256,), f32),
        ],
    )
    wT1f, wT2f = run(l4_xyz.reshape(-1), l3_xyz.reshape(-1), l2_xyz.reshape(-1))
    return wT1f.reshape(B, 256, 64), wT2f.reshape(B, 1024, 256)



def _tc_stage(wT, spoints, dpoints, Wa, ba, Wb, bb):
    interp = lax.dot_general(spoints, wT, (((1,), (1,)), ((), ())),
                             preferred_element_type=jnp.float32)
    new = interp + dpoints
    h = jnp.maximum(jnp.dot(Wa, new, preferred_element_type=jnp.float32) + ba, 0.0)
    return jnp.maximum(jnp.dot(Wb, h, preferred_element_type=jnp.float32) + bb, 0.0)


def _tc_body(wT1_ref, l4p_ref, l3p_ref, wT2_ref, l2p_ref,
             W1_ref, b1_ref, W2_ref, b2_ref, W3_ref, b3_ref, W4_ref, b4_ref,
             out_ref):
    l3_new = _tc_stage(wT1_ref[0], l4p_ref[0], l3p_ref[0],
                       W1_ref[...], b1_ref[...], W2_ref[...], b2_ref[...])
    out_ref[0] = _tc_stage(wT2_ref[0], l3_new, l2p_ref[0],
                           W3_ref[...], b3_ref[...], W4_ref[...], b4_ref[...])


def kernel(l1_xyz, l1_points, l2_xyz, l2_points, l3_xyz, l3_points, l4_xyz,
           l4_points, W1, b1, W2, b2, W3, b3, W4, b4):
    del l1_xyz, l1_points
    B = l2_xyz.shape[0]
    wT1, wT2 = _sc_weights(l4_xyz, l3_xyz, l2_xyz)
    b1c, b2c = b1[:, None], b2[:, None]
    b3c, b4c = b3[:, None], b4[:, None]

    def bspec(shape):
        return pl.BlockSpec((1,) + shape, lambda b: (b, 0, 0))

    def wspec(shape):
        return pl.BlockSpec(shape, lambda b: (0,) * len(shape))

    return pl.pallas_call(
        _tc_body,
        grid=(B,),
        in_specs=[
            bspec((256, 64)), bspec((512, 64)), bspec((512, 256)),
            bspec((1024, 256)), bspec((512, 1024)),
            wspec((512, 512)), wspec((512, 1)), wspec((512, 512)), wspec((512, 1)),
            wspec((256, 512)), wspec((256, 1)), wspec((256, 256)), wspec((256, 1)),
        ],
        out_specs=pl.BlockSpec((1, 256, 1024), lambda b: (b, 0, 0)),
        out_shape=jax.ShapeDtypeStruct((B, 256, 1024), jnp.float32),
    )(wT1, l4_points, l3_points, wT2, l2_points,
      W1, b1c, W2, b2c, W3, b3c, W4, b4c)

# --- scband reference (transcript-rebuilt; emitter-appended) ---
"""Pipeline reference for scband-point-dec-32650341384579 (READ-ONLY COPY).

The authoritative reference and input builder live on the scoring server;
editing this copy changes nothing except your own understanding.
"""

import jax, jax.numpy as jnp
import numpy as np


def _pairwise_sqdist(a, b):
    # a: [B,3,N], b: [B,3,M] -> [B,N,M]
    a2 = jnp.sum(a * a, axis=1)[:, :, None]
    b2 = jnp.sum(b * b, axis=1)[:, None, :]
    ab = jnp.einsum('bcn,bcm->bnm', a, b)
    return jnp.maximum(a2 + b2 - 2.0 * ab, 0.0)


def _point_deconv(sxyz, spoints, dxyz, dpoints, W1, b1, W2, b2, nsample, bandwidth):
    # kNN (nsample) Gaussian-kernel interpolation from sparse points onto dense points,
    # skip connection with dense features, then shared 1x1-conv MLP.
    d2 = _pairwise_sqdist(dxyz, sxyz)  # [B, Nd, Ns]
    k = min(nsample, sxyz.shape[2])
    negv, idx = jax.lax.top_k(-d2, k)  # nearest k
    d2k = -negv
    w = jnp.exp(-d2k / (2.0 * bandwidth * bandwidth))
    w = w / (jnp.sum(w, axis=-1, keepdims=True) + 1e-8)  # [B, Nd, k]
    # gather sparse features: spoints [B,C,Ns] -> [B,C,Nd,k]
    gathered = jnp.take_along_axis(spoints[:, :, None, :], idx[:, None, :, :], axis=3)
    interp = jnp.sum(gathered * w[:, None, :, :], axis=-1)  # [B,C,Nd]
    new = interp + dpoints
    h = jax.nn.relu(jnp.einsum('oc,bcn->bon', W1, new) + b1[None, :, None])
    h = jax.nn.relu(jnp.einsum('oc,bcn->bon', W2, h) + b2[None, :, None])
    return h


def setup_inputs(seed: int = 0) -> dict:
    key = jax.random.key(seed)
    ks = jax.random.split(key, 20)
    B = 8
    inp = {
        'l1_xyz': jax.random.normal(ks[0], (B, 3, 4096), dtype=jnp.float32),
        'l1_points': jax.random.normal(ks[1], (B, 128, 4096), dtype=jnp.float32),
        'l2_xyz': jax.random.normal(ks[2], (B, 3, 1024), dtype=jnp.float32),
        'l2_points': jax.random.normal(ks[3], (B, 512, 1024), dtype=jnp.float32),
        'l3_xyz': jax.random.normal(ks[4], (B, 3, 256), dtype=jnp.float32),
        'l3_points': jax.random.normal(ks[5], (B, 512, 256), dtype=jnp.float32),
        'l4_xyz': jax.random.normal(ks[6], (B, 3, 64), dtype=jnp.float32),
        'l4_points': jax.random.normal(ks[7], (B, 512, 64), dtype=jnp.float32),
        # fp4 params (in 512 -> mlp [512, 512])
        'W1': jax.random.normal(ks[8], (512, 512), dtype=jnp.float32) * 0.02,
        'b1': jnp.zeros((512,), dtype=jnp.float32),
        'W2': jax.random.normal(ks[9], (512, 512), dtype=jnp.float32) * 0.02,
        'b2': jnp.zeros((512,), dtype=jnp.float32),
        # fp3 params (in 512 -> mlp [256, 256])
        'W3': jax.random.normal(ks[10], (256, 512), dtype=jnp.float32) * 0.02,
        'b3': jnp.zeros((256,), dtype=jnp.float32),
        'W4': jax.random.normal(ks[11], (256, 256), dtype=jnp.float32) * 0.02,
        'b4': jnp.zeros((256,), dtype=jnp.float32),
    }
    return inp


def reference(l1_xyz, l1_points, l2_xyz, l2_points, l3_xyz, l3_points, l4_xyz, l4_points,
              W1, b1, W2, b2, W3, b3, W4, b4):
    bw = 0.05
    l3_new = _point_deconv(l4_xyz, l4_points, l3_xyz, l3_points, W1, b1, W2, b2, 16, 8 * bw)
    l2_new = _point_deconv(l3_xyz, l3_new, l2_xyz, l2_points, W3, b3, W4, b4, 16, 4 * bw)
    return l2_new

if __name__ == "__main__":
    import jax
    _d = setup_inputs()
    print(jax.jit(kernel)(*tuple(_d.values())))

</pallas_src>

<mosaic_0001>
#map = affine_map<(d0, d1) -> (0)>
module attributes {stable_mosaic.version = 14 : i64} {
  func.func @_sc_weights_body(%arg0: i32, %arg1: i32, %arg2: memref<1536xf32, #tpu.memory_space<hbm>>, %arg3: memref<6144xf32, #tpu.memory_space<hbm>>, %arg4: memref<24576xf32, #tpu.memory_space<hbm>>, %arg5: memref<131072xf32, #tpu.memory_space<hbm>>, %arg6: memref<2097152xf32, #tpu.memory_space<hbm>>, %arg7: memref<64xf32, #tpu.memory_space<vmem>>, %arg8: memref<64xf32, #tpu.memory_space<vmem>>, %arg9: memref<64xf32, #tpu.memory_space<vmem>>, %arg10: memref<64xf32, #tpu.memory_space<vmem>>, %arg11: memref<64xf32, #tpu.memory_space<vmem>>, %arg12: memref<64xf32, #tpu.memory_space<vmem>>, %arg13: memref<4096xf32, #tpu.memory_space<vmem>>, %arg14: memref<256xf32, #tpu.memory_space<vmem>>, %arg15: memref<256xf32, #tpu.memory_space<vmem>>, %arg16: memref<256xf32, #tpu.memory_space<vmem>>, %arg17: memref<256xf32, #tpu.memory_space<vmem>>, %arg18: memref<256xf32, #tpu.memory_space<vmem>>, %arg19: memref<256xf32, #tpu.memory_space<vmem>>, %arg20: memref<65536xf32, #tpu.memory_space<vmem>>) attributes {dimension_semantics = [#tpu.dimension_semantics<core_parallel>, #tpu.dimension_semantics<subcore_parallel>], iteration_bounds = array<i64: 2, 16>, scalar_prefetch = 0 : i64, scratch_operands = 14 : i64, tpu.core_type = #tpu.core_type<sc_vector_subcore>, window_params = [{transform_indices = #map}, {transform_indices = #map}, {transform_indices = #map}, {transform_indices = #map}, {transform_indices = #map}]} {
    %mul3A = arith.constant 2 : i32
    %mul3A_0 = arith.muli %arg1, %mul3A : i32
    %add3A = arith.addi %mul3A_0, %arg0 : i32
    %jit3A = arith.constant 4 : i32
    %div3A = arith.divsi %add3A, %jit3A : i32
    %sign3A = arith.constant 0 : i32
    %sign3A_1 = arith.cmpi sgt, %add3A, %sign3A : i32
    %sign3A_2 = arith.extui %sign3A_1 : i1 to i32
    %sign3A_3 = arith.constant 0 : i32
    %sign3A_4 = arith.cmpi slt, %add3A, %sign3A_3 : i32
    %sign3A_5 = arith.extui %sign3A_4 : i1 to i32
    %sign3A_6 = arith.subi %sign3A_2, %sign3A_5 : i32
    %sign3A_7 = arith.constant 0 : i32
    %sign3A_8 = arith.cmpi sgt, %jit3A, %sign3A_7 : i32
    %sign3A_9 = arith.extui %sign3A_8 : i1 to i32
    %sign3A_10 = arith.constant 0 : i32
    %sign3A_11 = arith.cmpi slt, %jit3A, %sign3A_10 : i32
    %sign3A_12 = arith.extui %sign3A_11 : i1 to i32
    %sign3A_13 = arith.subi %sign3A_9, %sign3A_12 : i32
    %ne3A = arith.cmpi ne, %sign3A_6, %sign3A_13 : i32
    %rem3A = arith.remsi %add3A, %jit3A : i32
    %ne3A_14 = arith.constant 0 : i32
    %ne3A_15 = arith.cmpi ne, %rem3A, %ne3A_14 : i32
    %and3A = arith.andi %ne3A, %ne3A_15 : i1
    %sub3A = arith.constant 1 : i32
    %sub3A_16 = arith.subi %div3A, %sub3A : i32
    %select_n3A = arith.select %and3A, %sub3A_16, %div3A : i32
    %jit3A_17 = arith.constant 4 : i32
    %eq3A = arith.constant 0 : i32
    %eq3A_18 = arith.cmpi eq, %jit3A_17, %eq3A : i32
    %jit3A_19 = arith.constant 1 : i32
    %select_n3A_20 = arith.select %eq3A_18, %jit3A_19, %jit3A_17 : i32
    %rem3A_21 = arith.remsi %add3A, %select_n3A_20 : i32
    %ne3A_22 = arith.constant 0 : i32
    %ne3A_23 = arith.cmpi ne, %rem3A_21, %ne3A_22 : i32
    %lt3A = arith.constant 0 : i32
    %lt3A_24 = arith.cmpi slt, %rem3A_21, %lt3A : i32
    %lt3A_25 = arith.constant 0 : i32
    %lt3A_26 = arith.cmpi slt, %select_n3A_20, %lt3A_25 : i32
    %ne3A_27 = arith.xori %lt3A_24, %lt3A_26 : i1
    %and3A_28 = arith.andi %ne3A_27, %ne3A_23 : i1
    %add3A_29 = arith.addi %rem3A_21, %select_n3A_20 : i32
    %select_n3A_30 = arith.select %and3A_28, %add3A_29, %rem3A_21 : i32
    %mul3A_31 = arith.constant 3 : i32
    %mul3A_32 = arith.muli %select_n3A, %mul3A_31 : i32
    %add3A_33 = arith.constant 0 : i32
    %add3A_34 = arith.addi %mul3A_32, %add3A_33 : i32
    %mul3A_35 = arith.constant 64 : i32
    %mul3A_36 = arith.muli %add3A_34, %mul3A_35 : i32
    "tpu.region"() ({
      %run_scoped3A = tpu.sem_alloc : memref<!tpu.dma_semaphore, #tpu.memory_space<semaphore_mem>>
      %dma_start3A = tpu.memref_slice %arg2[%mul3A_36] : memref<1536xf32, #tpu.memory_space<hbm>> -> memref<64xf32, #tpu.memory_space<hbm>>
      %dma_start3A_140 = tpu.memref_slice %arg2[%mul3A_36] : memref<1536xf32, #tpu.memory_space<hbm>> -> memref<64xf32, #tpu.memory_space<hbm>>
      tpu.enqueue_dma source(%dma_start3A_140 : memref<64xf32, #tpu.memory_space<hbm>>) target(%arg7 : memref<64xf32, #tpu.memory_space<vmem>>) target_semaphore(%run_scoped3A : memref<!tpu.dma_semaphore, #tpu.memory_space<semaphore_mem>>)
      %dma_wait3A = tpu.memref_slice %arg2[%mul3A_36] : memref<1536xf32, #tpu.memory_space<hbm>> -> memref<64xf32, #tpu.memory_space<hbm>>
      %dma_wait3A_141 = tpu.memref_slice %arg2[%mul3A_36] : memref<1536xf32, #tpu.memory_space<hbm>> -> memref<64xf32, #tpu.memory_space<hbm>>
      tpu.wait_dma2 semaphore(%run_scoped3A : memref<!tpu.dma_semaphore, #tpu.memory_space<semaphore_mem>>) src(%dma_wait3A_141 : memref<64xf32, #tpu.memory_space<hbm>>) dst(%arg7 : memref<64xf32, #tpu.memory_space<vmem>>)
      tpu.yield
    }) : () -> ()
    %mul3A_37 = arith.constant 3 : i32
    %mul3A_38 = arith.muli %select_n3A, %mul3A_37 : i32
    %add3A_39 = arith.constant 1 : i32
    %add3A_40 = arith.addi %mul3A_38, %add3A_39 : i32
    %mul3A_41 = arith.constant 64 : i32
    %mul3A_42 = arith.muli %add3A_40, %mul3A_41 : i32
    "tpu.region"() ({
      %run_scoped3A = tpu.sem_alloc : memref<!tpu.dma_semaphore, #tpu.memory_space<semaphore_mem>>
      %dma_start3A = tpu.memref_slice %arg2[%mul3A_42] : memref<1536xf32, #tpu.memory_space<hbm>> -> memref<64xf32, #tpu.memory_space<hbm>>
      %dma_start3A_140 = tpu.memref_slice %arg2[%mul3A_42] : memref<1536xf32, #tpu.memory_space<hbm>> -> memref<64xf32, #tpu.memory_space<hbm>>
      tpu.enqueue_dma source(%dma_start3A_140 : memref<64xf32, #tpu.memory_space<hbm>>) target(%arg8 : memref<64xf32, #tpu.memory_space<vmem>>) target_semaphore(%run_scoped3A : memref<!tpu.dma_semaphore, #tpu.memory_space<semaphore_mem>>)
      %dma_wait3A = tpu.memref_slice %arg2[%mul3A_42] : memref<1536xf32, #tpu.memory_space<hbm>> -> memref<64xf32, #tpu.memory_space<hbm>>
      %dma_wait3A_141 = tpu.memref_slice %arg2[%mul3A_42] : memref<1536xf32, #tpu.memory_space<hbm>> -> memref<64xf32, #tpu.memory_space<hbm>>
      tpu.wait_dma2 semaphore(%run_scoped3A : memref<!tpu.dma_semaphore, #tpu.memory_space<semaphore_mem>>) src(%dma_wait3A_141 : memref<64xf32, #tpu.memory_space<hbm>>) dst(%arg8 : memref<64xf32, #tpu.memory_space<vmem>>)
      tpu.yield
    }) : () -> ()
    %mul3A_43 = arith.constant 3 : i32
    %mul3A_44 = arith.muli %select_n3A, %mul3A_43 : i32
    %add3A_45 = arith.constant 2 : i32
    %add3A_46 = arith.addi %mul3A_44, %add3A_45 : i32
    %mul3A_47 = arith.constant 64 : i32
    %mul3A_48 = arith.muli %add3A_46, %mul3A_47 : i32
    "tpu.region"() ({
      %run_scoped3A = tpu.sem_alloc : memref<!tpu.dma_semaphore, #tpu.memory_space<semaphore_mem>>
      %dma_start3A = tpu.memref_slice %arg2[%mul3A_48] : memref<1536xf32, #tpu.memory_space<hbm>> -> memref<64xf32, #tpu.memory_space<hbm>>
      %dma_start3A_140 = tpu.memref_slice %arg2[%mul3A_48] : memref<1536xf32, #tpu.memory_space<hbm>> -> memref<64xf32, #tpu.memory_space<hbm>>
      tpu.enqueue_dma source(%dma_start3A_140 : memref<64xf32, #tpu.memory_space<hbm>>) target(%arg9 : memref<64xf32, #tpu.memory_space<vmem>>) target_semaphore(%run_scoped3A : memref<!tpu.dma_semaphore, #tpu.memory_space<semaphore_mem>>)
      %dma_wait3A = tpu.memref_slice %arg2[%mul3A_48] : memref<1536xf32, #tpu.memory_space<hbm>> -> memref<64xf32, #tpu.memory_space<hbm>>
      %dma_wait3A_141 = tpu.memref_slice %arg2[%mul3A_48] : memref<1536xf32, #tpu.memory_space<hbm>> -> memref<64xf32, #tpu.memory_space<hbm>>
      tpu.wait_dma2 semaphore(%run_scoped3A : memref<!tpu.dma_semaphore, #tpu.memory_space<semaphore_mem>>) src(%dma_wait3A_141 : memref<64xf32, #tpu.memory_space<hbm>>) dst(%arg9 : memref<64xf32, #tpu.memory_space<vmem>>)
      tpu.yield
    }) : () -> ()
    %mul3A_49 = arith.constant 3 : i32
    %mul3A_50 = arith.muli %select_n3A, %mul3A_49 : i32
    %add3A_51 = arith.constant 0 : i32
    %add3A_52 = arith.addi %mul3A_50, %add3A_51 : i32
    %mul3A_53 = arith.constant 256 : i32
    %mul3A_54 = arith.muli %add3A_52, %mul3A_53 : i32
    %mul3A_55 = arith.constant 64 : i32
    %mul3A_56 = arith.muli %select_n3A_30, %mul3A_55 : i32
    %add3A_57 = arith.addi %mul3A_54, %mul3A_56 : i32
    "tpu.region"() ({
      %run_scoped3A = tpu.sem_alloc : memref<!tpu.dma_semaphore, #tpu.memory_space<semaphore_mem>>
      %dma_start3A = tpu.memref_slice %arg3[%add3A_57] : memref<6144xf32, #tpu.memory_space<hbm>> -> memref<64xf32, #tpu.memory_space<hbm>>
      %dma_start3A_140 = tpu.memref_slice %arg3[%add3A_57] : memref<6144xf32, #tpu.memory_space<hbm>> -> memref<64xf32, #tpu.memory_space<hbm>>
      tpu.enqueue_dma source(%dma_start3A_140 : memref<64xf32, #tpu.memory_space<hbm>>) target(%arg10 : memref<64xf32, #tpu.memory_space<vmem>>) target_semaphore(%run_scoped3A : memref<!tpu.dma_semaphore, #tpu.memory_space<semaphore_mem>>)
      %dma_wait3A = tpu.memref_slice %arg3[%add3A_57] : memref<6144xf32, #tpu.memory_space<hbm>> -> memref<64xf32, #tpu.memory_space<hbm>>
      %dma_wait3A_141 = tpu.memref_slice %arg3[%add3A_57] : memref<6144xf32, #tpu.memory_space<hbm>> -> memref<64xf32, #tpu.memory_space<hbm>>
      tpu.wait_dma2 semaphore(%run_scoped3A : memref<!tpu.dma_semaphore, #tpu.memory_space<semaphore_mem>>) src(%dma_wait3A_141 : memref<64xf32, #tpu.memory_space<hbm>>) dst(%arg10 : memref<64xf32, #tpu.memory_space<vmem>>)
      tpu.yield
    }) : () -> ()
    %mul3A_58 = arith.constant 3 : i32
    %mul3A_59 = arith.muli %select_n3A, %mul3A_58 : i32
    %add3A_60 = arith.constant 1 : i32
    %add3A_61 = arith.addi %mul3A_59, %add3A_60 : i32
    %mul3A_62 = arith.constant 256 : i32
    %mul3A_63 = arith.muli %add3A_61, %mul3A_62 : i32
    %mul3A_64 = arith.constant 64 : i32
    %mul3A_65 = arith.muli %select_n3A_30, %mul3A_64 : i32
    %add3A_66 = arith.addi %mul3A_63, %mul3A_65 : i32
    "tpu.region"() ({
      %run_scoped3A = tpu.sem_alloc : memref<!tpu.dma_semaphore, #tpu.memory_space<semaphore_mem>>
      %dma_start3A = tpu.memref_slice %arg3[%add3A_66] : memref<6144xf32, #tpu.memory_space<hbm>> -> memref<64xf32, #tpu.memory_space<hbm>>
      %dma_start3A_140 = tpu.memref_slice %arg3[%add3A_66] : memref<6144xf32, #tpu.memory_space<hbm>> -> memref<64xf32, #tpu.memory_space<hbm>>
      tpu.enqueue_dma source(%dma_start3A_140 : memref<64xf32, #tpu.memory_space<hbm>>) target(%arg11 : memref<64xf32, #tpu.memory_space<vmem>>) target_semaphore(%run_scoped3A : memref<!tpu.dma_semaphore, #tpu.memory_space<semaphore_mem>>)
      %dma_wait3A = tpu.memref_slice %arg3[%add3A_66] : memref<6144xf32, #tpu.memory_space<hbm>> -> memref<64xf32, #tpu.memory_space<hbm>>
      %dma_wait3A_141 = tpu.memref_slice %arg3[%add3A_66] : memref<6144xf32, #tpu.memory_space<hbm>> -> memref<64xf32, #tpu.memory_space<hbm>>
      tpu.wait_dma2 semaphore(%run_scoped3A : memref<!tpu.dma_semaphore, #tpu.memory_space<semaphore_mem>>) src(%dma_wait3A_141 : memref<64xf32, #tpu.memory_space<hbm>>) dst(%arg11 : memref<64xf32, #tpu.memory_space<vmem>>)
      tpu.yield
    }) : () -> ()
    %mul3A_67 = arith.constant 3 : i32
    %mul3A_68 = arith.muli %select_n3A, %mul3A_67 : i32
    %add3A_69 = arith.constant 2 : i32
    %add3A_70 = arith.addi %mul3A_68, %add3A_69 : i32
    %mul3A_71 = arith.constant 256 : i32
    %mul3A_72 = arith.muli %add3A_70, %mul3A_71 : i32
    %mul3A_73 = arith.constant 64 : i32
    %mul3A_74 = arith.muli %select_n3A_30, %mul3A_73 : i32
    %add3A_75 = arith.addi %mul3A_72, %mul3A_74 : i32
    "tpu.region"() ({
      %run_scoped3A = tpu.sem_alloc : memref<!tpu.dma_semaphore, #tpu.memory_space<semaphore_mem>>
      %dma_start3A = tpu.memref_slice %arg3[%add3A_75] : memref<6144xf32, #tpu.memory_space<hbm>> -> memref<64xf32, #tpu.memory_space<hbm>>
      %dma_start3A_140 = tpu.memref_slice %arg3[%add3A_75] : memref<6144xf32, #tpu.memory_space<hbm>> -> memref<64xf32, #tpu.memory_space<hbm>>
      tpu.enqueue_dma source(%dma_start3A_140 : memref<64xf32, #tpu.memory_space<hbm>>) target(%arg12 : memref<64xf32, #tpu.memory_space<vmem>>) target_semaphore(%run_scoped3A : memref<!tpu.dma_semaphore, #tpu.memory_space<semaphore_mem>>)
      %dma_wait3A = tpu.memref_slice %arg3[%add3A_75] : memref<6144xf32, #tpu.memory_space<hbm>> -> memref<64xf32, #tpu.memory_space<hbm>>
      %dma_wait3A_141 = tpu.memref_slice %arg3[%add3A_75] : memref<6144xf32, #tpu.memory_space<hbm>> -> memref<64xf32, #tpu.memory_space<hbm>>
      tpu.wait_dma2 semaphore(%run_scoped3A : memref<!tpu.dma_semaphore, #tpu.memory_space<semaphore_mem>>) src(%dma_wait3A_141 : memref<64xf32, #tpu.memory_space<hbm>>) dst(%arg12 : memref<64xf32, #tpu.memory_space<vmem>>)
      tpu.yield
    }) : () -> ()
    %parallel_loop3A = arith.constant 0 : i32
    %parallel_loop3A_76 = arith.constant 64 : i32
    %parallel_loop3A_77 = arith.constant 1 : i32
    scf.for %parallel_loop3A_140 = %parallel_loop3A to %parallel_loop3A_76 step %parallel_loop3A_77  : i32 {
      %parallel_loop3A_141 = arith.constant 16 : i32
      %parallel_loop3A_142 = arith.divsi %parallel_loop3A_140, %parallel_loop3A_141 : i32
      %parallel_loop3A_143 = arith.constant 0 : i32
      %parallel_loop3A_144 = arith.cmpi sgt, %parallel_loop3A_140, %parallel_loop3A_143 : i32
      %parallel_loop3A_145 = arith.extui %parallel_loop3A_144 : i1 to i32
      %parallel_loop3A_146 = arith.constant 0 : i32
      %parallel_loop3A_147 = arith.cmpi slt, %parallel_loop3A_140, %parallel_loop3A_146 : i32
      %parallel_loop3A_148 = arith.extui %parallel_loop3A_147 : i1 to i32
      %parallel_loop3A_149 = arith.subi %parallel_loop3A_145, %parallel_loop3A_148 : i32
      %parallel_loop3A_150 = arith.constant 0 : i32
      %parallel_loop3A_151 = arith.cmpi sgt, %parallel_loop3A_141, %parallel_loop3A_150 : i32
      %parallel_loop3A_152 = arith.extui %parallel_loop3A_151 : i1 to i32
      %parallel_loop3A_153 = arith.constant 0 : i32
      %parallel_loop3A_154 = arith.cmpi slt, %parallel_loop3A_141, %parallel_loop3A_153 : i32
      %parallel_loop3A_155 = arith.extui %parallel_loop3A_154 : i1 to i32
      %parallel_loop3A_156 = arith.subi %parallel_loop3A_152, %parallel_loop3A_155 : i32
      %parallel_loop3A_157 = arith.cmpi ne, %parallel_loop3A_149, %parallel_loop3A_156 : i32
      %parallel_loop3A_158 = arith.remsi %parallel_loop3A_140, %parallel_loop3A_141 : i32
      %parallel_loop3A_159 = arith.constant 0 : i32
      %parallel_loop3A_160 = arith.cmpi ne, %parallel_loop3A_158, %parallel_loop3A_159 : i32
      %parallel_loop3A_161 = arith.andi %parallel_loop3A_157, %parallel_loop3A_160 : i1
      %parallel_loop3A_162 = arith.constant 1 : i32
      %parallel_loop3A_163 = arith.subi %parallel_loop3A_142, %parallel_loop3A_162 : i32
      %parallel_loop3A_164 = arith.select %parallel_loop3A_161, %parallel_loop3A_163, %parallel_loop3A_142 : i32
      %parallel_loop3A_165 = arith.constant 16 : i32
      %parallel_loop3A_166 = arith.muli %parallel_loop3A_164, %parallel_loop3A_165 : i32
      %parallel_loop3A_167 = arith.subi %parallel_loop3A_140, %parallel_loop3A_166 : i32
      %parallel_loop3A_168 = vector.broadcast %parallel_loop3A_167 : i32 to vector<16xi32>
      %parallel_loop3A_169 = arith.index_cast %parallel_loop3A_166 : i32 to index
      %parallel_loop3A_170 = tpu.vector_load %arg10[%parallel_loop3A_169] {strides = array<i32>} : memref<64xf32, #tpu.memory_space<vmem>>, vector<16xf32>,
      %parallel_loop3A_171 = vector.shape_cast %parallel_loop3A_168 : vector<16xi32> to vector<16x1xi32>
      %parallel_loop3A_172 = vector.shape_cast %parallel_loop3A_171 : vector<16x1xi32> to vector<16xi32>
      %parallel_loop3A_173 = tpu.dynamic_gather %parallel_loop3A_170[%parallel_loop3A_172] in [0] : vector<16xf32>, vector<16xi32> -> vector<16xf32>
      %parallel_loop3A_174 = arith.index_cast %parallel_loop3A_166 : i32 to index
      %parallel_loop3A_175 = tpu.vector_load %arg11[%parallel_loop3A_174] {strides = array<i32>} : memref<64xf32, #tpu.memory_space<vmem>>, vector<16xf32>,
      %parallel_loop3A_176 = vector.shape_cast %parallel_loop3A_168 : vector<16xi32> to vector<16x1xi32>
      %parallel_loop3A_177 = vector.shape_cast %parallel_loop3A_176 : vector<16x1xi32> to vector<16xi32>
      %parallel_loop3A_178 = tpu.dynamic_gather %parallel_loop3A_175[%parallel_loop3A_177] in [0] : vector<16xf32>, vector<16xi32> -> vector<16xf32>
      %parallel_loop3A_179 = arith.index_cast %parallel_loop3A_166 : i32 to index
      %parallel_loop3A_180 = tpu.vector_load %arg12[%parallel_loop3A_179] {strides = array<i32>} : memref<64xf32, #tpu.memory_space<vmem>>, vector<16xf32>,
      %parallel_loop3A_181 = vector.shape_cast %parallel_loop3A_168 : vector<16xi32> to vector<16x1xi32>
      %parallel_loop3A_182 = vector.shape_cast %parallel_loop3A_181 : vector<16x1xi32> to vector<16xi32>
      %parallel_loop3A_183 = tpu.dynamic_gather %parallel_loop3A_180[%parallel_loop3A_182] in [0] : vector<16xf32>, vector<16xi32> -> vector<16xf32>
      %parallel_loop3A_184 = arith.constant 0 : index
      %parallel_loop3A_185 = tpu.vector_load %arg7[%parallel_loop3A_184] {strides = array<i32>} : memref<64xf32, #tpu.memory_space<vmem>>, vector<16xf32>,
      %parallel_loop3A_186 = arith.subf %parallel_loop3A_185, %parallel_loop3A_173 : vector<16xf32>
      %parallel_loop3A_187 = arith.constant 0 : index
      %parallel_loop3A_188 = tpu.vector_load %arg8[%parallel_loop3A_187] {strides = array<i32>} : memref<64xf32, #tpu.memory_space<vmem>>, vector<16xf32>,
      %parallel_loop3A_189 = arith.subf %parallel_loop3A_188, %parallel_loop3A_178 : vector<16xf32>
      %parallel_loop3A_190 = arith.constant 0 : index
      %parallel_loop3A_191 = tpu.vector_load %arg9[%parallel_loop3A_190] {strides = array<i32>} : memref<64xf32, #tpu.memory_space<vmem>>, vector<16xf32>,
      %parallel_loop3A_192 = arith.subf %parallel_loop3A_191, %parallel_loop3A_183 : vector<16xf32>
      %parallel_loop3A_193 = arith.mulf %parallel_loop3A_186, %parallel_loop3A_186 : vector<16xf32>
      %parallel_loop3A_194 = arith.mulf %parallel_loop3A_189, %parallel_loop3A_189 : vector<16xf32>
      %parallel_loop3A_195 = arith.addf %parallel_loop3A_193, %parallel_loop3A_194 : vector<16xf32>
      %parallel_loop3A_196 = arith.mulf %parallel_loop3A_192, %parallel_loop3A_192 : vector<16xf32>
      %parallel_loop3A_197 = arith.addf %parallel_loop3A_195, %parallel_loop3A_196 : vector<16xf32>
      %parallel_loop3A_198 = arith.constant 16 : index
      %parallel_loop3A_199 = tpu.vector_load %arg7[%parallel_loop3A_198] {strides = array<i32>} : memref<64xf32, #tpu.memory_space<vmem>>, vector<16xf32>,
      %parallel_loop3A_200 = arith.subf %parallel_loop3A_199, %parallel_loop3A_173 : vector<16xf32>
      %parallel_loop3A_201 = arith.constant 16 : index
      %parallel_loop3A_202 = tpu.vector_load %arg8[%parallel_loop3A_201] {strides = array<i32>} : memref<64xf32, #tpu.memory_space<vmem>>, vector<16xf32>,
      %parallel_loop3A_203 = arith.subf %parallel_loop3A_202, %parallel_loop3A_178 : vector<16xf32>
      %parallel_loop3A_204 = arith.constant 16 : index
      %parallel_loop3A_205 = tpu.vector_load %arg9[%parallel_loop3A_204] {strides = array<i32>} : memref<64xf32, #tpu.memory_space<vmem>>, vector<16xf32>,
      %parallel_loop3A_206 = arith.subf %parallel_loop3A_205, %parallel_loop3A_183 : vector<16xf32>
      %parallel_loop3A_207 = arith.mulf %parallel_loop3A_200, %parallel_loop3A_200 : vector<16xf32>
      %parallel_loop3A_208 = arith.mulf %parallel_loop3A_203, %parallel_loop3A_203 : vector<16xf32>
      %parallel_loop3A_209 = arith.addf %parallel_loop3A_207, %parallel_loop3A_208 : vector<16xf32>
      %parallel_loop3A_210 = arith.mulf %parallel_loop3A_206, %parallel_loop3A_206 : vector<16xf32>
      %parallel_loop3A_211 = arith.addf %parallel_loop3A_209, %parallel_loop3A_210 : vector<16xf32>
      %parallel_loop3A_212 = arith.constant 32 : index
      %parallel_loop3A_213 = tpu.vector_load %arg7[%parallel_loop3A_212] {strides = array<i32>} : memref<64xf32, #tpu.memory_space<vmem>>, vector<16xf32>,
      %parallel_loop3A_214 = arith.subf %parallel_loop3A_213, %parallel_loop3A_173 : vector<16xf32>
      %parallel_loop3A_215 = arith.constant 32 : index
      %parallel_loop3A_216 = tpu.vector_load %arg8[%parallel_loop3A_215] {strides = array<i32>} : memref<64xf32, #tpu.memory_space<vmem>>, vector<16xf32>,
      %parallel_loop3A_217 = arith.subf %parallel_loop3A_216, %parallel_loop3A_178 : vector<16xf32>
      %parallel_loop3A_218 = arith.constant 32 : index
      %parallel_loop3A_219 = tpu.vector_load %arg9[%parallel_loop3A_218] {strides = array<i32>} : memref<64xf32, #tpu.memory_space<vmem>>, vector<16xf32>,
      %parallel_loop3A_220 = arith.subf %parallel_loop3A_219, %parallel_loop3A_183 : vector<16xf32>
      %parallel_loop3A_221 = arith.mulf %parallel_loop3A_214, %parallel_loop3A_214 : vector<16xf32>
      %parallel_loop3A_222 = arith.mulf %parallel_loop3A_217, %parallel_loop3A_217 : vector<16xf32>
      %parallel_loop3A_223 = arith.addf %parallel_loop3A_221, %parallel_loop3A_222 : vector<16xf32>
      %parallel_loop3A_224 = arith.mulf %parallel_loop3A_220, %parallel_loop3A_220 : vector<16xf32>
      %parallel_loop3A_225 = arith.addf %parallel_loop3A_223, %parallel_loop3A_224 : vector<16xf32>
      %parallel_loop3A_226 = arith.constant 48 : index
      %parallel_loop3A_227 = tpu.vector_load %arg7[%parallel_loop3A_226] {strides = array<i32>} : memref<64xf32, #tpu.memory_space<vmem>>, vector<16xf32>,
      %parallel_loop3A_228 = arith.subf %parallel_loop3A_227, %parallel_loop3A_173 : vector<16xf32>
      %parallel_loop3A_229 = arith.constant 48 : index
      %parallel_loop3A_230 = tpu.vector_load %arg8[%parallel_loop3A_229] {strides = array<i32>} : memref<64xf32, #tpu.memory_space<vmem>>, vector<16xf32>,
      %parallel_loop3A_231 = arith.subf %parallel_loop3A_230, %parallel_loop3A_178 : vector<16xf32>
      %parallel_loop3A_232 = arith.constant 48 : index
      %parallel_loop3A_233 = tpu.vector_load %arg9[%parallel_loop3A_232] {strides = array<i32>} : memref<64xf32, #tpu.memory_space<vmem>>, vector<16xf32>,
      %parallel_loop3A_234 = arith.subf %parallel_loop3A_233, %parallel_loop3A_183 : vector<16xf32>
      %parallel_loop3A_235 = arith.mulf %parallel_loop3A_228, %parallel_loop3A_228 : vector<16xf32>
      %parallel_loop3A_236 = arith.mulf %parallel_loop3A_231, %parallel_loop3A_231 : vector<16xf32>
      %parallel_loop3A_237 = arith.addf %parallel_loop3A_235, %parallel_loop3A_236 : vector<16xf32>
      %parallel_loop3A_238 = arith.mulf %parallel_loop3A_234, %parallel_loop3A_234 : vector<16xf32>
      %parallel_loop3A_239 = arith.addf %parallel_loop3A_237, %parallel_loop3A_238 : vector<16xf32>
      %parallel_loop3A_240 = arith.constant dense<true> : vector<16xi1>
      %parallel_loop3A_241, %parallel_loop3A_242, %parallel_loop3A_243 = tpu.sort %parallel_loop3A_197, %parallel_loop3A_197 masked %parallel_loop3A_240 : (vector<16xf32>, vector<16xf32>, vector<16xi1>) -> (vector<16xi1>, vector<16xf32>, vector<16xf32>)
      %parallel_loop3A_244 = arith.constant dense<true> : vector<16xi1>
      %parallel_loop3A_245, %parallel_loop3A_246, %parallel_loop3A_247 = tpu.sort %parallel_loop3A_211, %parallel_loop3A_211 masked %parallel_loop3A_244 : (vector<16xf32>, vector<16xf32>, vector<16xi1>) -> (vector<16xi1>, vector<16xf32>, vector<16xf32>)
      %parallel_loop3A_248 = arith.constant dense<true> : vector<16xi1>
      %parallel_loop3A_249, %parallel_loop3A_250, %parallel_loop3A_251 = tpu.sort %parallel_loop3A_225, %parallel_loop3A_225 masked %parallel_loop3A_248 : (vector<16xf32>, vector<16xf32>, vector<16xi1>) -> (vector<16xi1>, vector<16xf32>, vector<16xf32>)
      %parallel_loop3A_252 = arith.constant dense<true> : vector<16xi1>
      %parallel_loop3A_253, %parallel_loop3A_254, %parallel_loop3A_255 = tpu.sort %parallel_loop3A_239, %parallel_loop3A_239 masked %parallel_loop3A_252 : (vector<16xf32>, vector<16xf32>, vector<16xi1>) -> (vector<16xi1>, vector<16xf32>, vector<16xf32>)
      %parallel_loop3A_256 = arith.constant 15 : i32
      %parallel_loop3A_257 = vector.broadcast %parallel_loop3A_256 : i32 to vector<16xi32>
      %parallel_loop3A_258 = tpu.iota {dimensions = array<i32: 0>} : vector<16xi32>
      %parallel_loop3A_259 = arith.subi %parallel_loop3A_257, %parallel_loop3A_258 : vector<16xi32>
      %parallel_loop3A_260 = tpu.dynamic_gather %parallel_loop3A_246[%parallel_loop3A_259] in [0] : vector<16xf32>, vector<16xi32> -> vector<16xf32>
      %parallel_loop3A_261 = arith.minimumf %parallel_loop3A_242, %parallel_loop3A_260 : vector<16xf32>
      %parallel_loop3A_262 = arith.constant dense<true> : vector<16xi1>
      %parallel_loop3A_263, %parallel_loop3A_264, %parallel_loop3A_265 = tpu.sort %parallel_loop3A_261, %parallel_loop3A_261 masked %parallel_loop3A_262 : (vector<16xf32>, vector<16xf32>, vector<16xi1>) -> (vector<16xi1>, vector<16xf32>, vector<16xf32>)
      %parallel_loop3A_266 = arith.constant 15 : i32
      %parallel_loop3A_267 = vector.broadcast %parallel_loop3A_266 : i32 to vector<16xi32>
      %parallel_loop3A_268 = tpu.iota {dimensions = array<i32: 0>} : vector<16xi32>
      %parallel_loop3A_269 = arith.subi %parallel_loop3A_267, %parallel_loop3A_268 : vector<16xi32>
      %parallel_loop3A_270 = tpu.dynamic_gather %parallel_loop3A_254[%parallel_loop3A_269] in [0] : vector<16xf32>, vector<16xi32> -> vector<16xf32>
      %parallel_loop3A_271 = arith.minimumf %parallel_loop3A_250, %parallel_loop3A_270 : vector<16xf32>
      %parallel_loop3A_272 = arith.constant dense<true> : vector<16xi1>
      %parallel_loop3A_273, %parallel_loop3A_274, %parallel_loop3A_275 = tpu.sort %parallel_loop3A_271, %parallel_loop3A_271 masked %parallel_loop3A_272 : (vector<16xf32>, vector<16xf32>, vector<16xi1>) -> (vector<16xi1>, vector<16xf32>, vector<16xf32>)
      %parallel_loop3A_276 = arith.constant 15 : i32
      %parallel_loop3A_277 = vector.broadcast %parallel_loop3A_276 : i32 to vector<16xi32>
      %parallel_loop3A_278 = tpu.iota {dimensions = array<i32: 0>} : vector<16xi32>
      %parallel_loop3A_279 = arith.subi %parallel_loop3A_277, %parallel_loop3A_278 : vector<16xi32>
      %parallel_loop3A_280 = tpu.dynamic_gather %parallel_loop3A_274[%parallel_loop3A_279] in [0] : vector<16xf32>, vector<16xi32> -> vector<16xf32>
      %parallel_loop3A_281 = arith.minimumf %parallel_loop3A_264, %parallel_loop3A_280 : vector<16xf32>
      %parallel_loop3A_282 = arith.constant dense<true> : vector<16xi1>
      %parallel_loop3A_283, %parallel_loop3A_284, %parallel_loop3A_285 = tpu.sort %parallel_loop3A_281, %parallel_loop3A_281 masked %parallel_loop3A_282 : (vector<16xf32>, vector<16xf32>, vector<16xi1>) -> (vector<16xi1>, vector<16xf32>, vector<16xf32>)
      %parallel_loop3A_286 = arith.constant 15 : i32
      %parallel_loop3A_287 = vector.broadcast %parallel_loop3A_286 : i32 to vector<16xi32>
      %parallel_loop3A_288 = vector.shape_cast %parallel_loop3A_287 : vector<16xi32> to vector<16x1xi32>
      %parallel_loop3A_289 = vector.shape_cast %parallel_loop3A_288 : vector<16x1xi32> to vector<16xi32>
      %parallel_loop3A_290 = tpu.dynamic_gather %parallel_loop3A_284[%parallel_loop3A_289] in [0] : vector<16xf32>, vector<16xi32> -> vector<16xf32>
      %parallel_loop3A_291 = arith.cmpf ole, %parallel_loop3A_197, %parallel_loop3A_290 : vector<16xf32>
      %parallel_loop3A_292 = arith.constant -3.125000e+00 : f32
      %parallel_loop3A_293 = vector.broadcast %parallel_loop3A_292 : f32 to vector<16xf32>
      %parallel_loop3A_294 = arith.mulf %parallel_loop3A_197, %parallel_loop3A_293 : vector<16xf32>
      %parallel_loop3A_295 = math.exp %parallel_loop3A_294 : vector<16xf32>
      %parallel_loop3A_296 = arith.constant 0.000000e+00 : f32
      %parallel_loop3A_297 = vector.broadcast %parallel_loop3A_296 : f32 to vector<16xf32>
      %parallel_loop3A_298 = arith.select %parallel_loop3A_291, %parallel_loop3A_295, %parallel_loop3A_297 : vector<16xi1>, vector<16xf32>
      %parallel_loop3A_299 = arith.cmpf ole, %parallel_loop3A_211, %parallel_loop3A_290 : vector<16xf32>
      %parallel_loop3A_300 = arith.constant -3.125000e+00 : f32
      %parallel_loop3A_301 = vector.broadcast %parallel_loop3A_300 : f32 to vector<16xf32>
      %parallel_loop3A_302 = arith.mulf %parallel_loop3A_211, %parallel_loop3A_301 : vector<16xf32>
      %parallel_loop3A_303 = math.exp %parallel_loop3A_302 : vector<16xf32>
      %parallel_loop3A_304 = arith.constant 0.000000e+00 : f32
      %parallel_loop3A_305 = vector.broadcast %parallel_loop3A_304 : f32 to vector<16xf32>
      %parallel_loop3A_306 = arith.select %parallel_loop3A_299, %parallel_loop3A_303, %parallel_loop3A_305 : vector<16xi1>, vector<16xf32>
      %parallel_loop3A_307 = arith.cmpf ole, %parallel_loop3A_225, %parallel_loop3A_290 : vector<16xf32>
      %parallel_loop3A_308 = arith.constant -3.125000e+00 : f32
      %parallel_loop3A_309 = vector.broadcast %parallel_loop3A_308 : f32 to vector<16xf32>
      %parallel_loop3A_310 = arith.mulf %parallel_loop3A_225, %parallel_loop3A_309 : vector<16xf32>
      %parallel_loop3A_311 = math.exp %parallel_loop3A_310 : vector<16xf32>
      %parallel_loop3A_312 = arith.constant 0.000000e+00 : f32
      %parallel_loop3A_313 = vector.broadcast %parallel_loop3A_312 : f32 to vector<16xf32>
      %parallel_loop3A_314 = arith.select %parallel_loop3A_307, %parallel_loop3A_311, %parallel_loop3A_313 : vector<16xi1>, vector<16xf32>
      %parallel_loop3A_315 = arith.cmpf ole, %parallel_loop3A_239, %parallel_loop3A_290 : vector<16xf32>
      %parallel_loop3A_316 = arith.constant -3.125000e+00 : f32
      %parallel_loop3A_317 = vector.broadcast %parallel_loop3A_316 : f32 to vector<16xf32>
      %parallel_loop3A_318 = arith.mulf %parallel_loop3A_239, %parallel_loop3A_317 : vector<16xf32>
      %parallel_loop3A_319 = math.exp %parallel_loop3A_318 : vector<16xf32>
      %parallel_loop3A_320 = arith.constant 0.000000e+00 : f32
      %parallel_loop3A_321 = vector.broadcast %parallel_loop3A_320 : f32 to vector<16xf32>
      %parallel_loop3A_322 = arith.select %parallel_loop3A_315, %parallel_loop3A_319, %parallel_loop3A_321 : vector<16xi1>, vector<16xf32>
      %parallel_loop3A_323 = arith.addf %parallel_loop3A_298, %parallel_loop3A_306 : vector<16xf32>
      %parallel_loop3A_324 = arith.addf %parallel_loop3A_314, %parallel_loop3A_322 : vector<16xf32>
      %parallel_loop3A_325 = arith.addf %parallel_loop3A_323, %parallel_loop3A_324 : vector<16xf32>
      %parallel_loop3A_326 = tpu.iota {dimensions = array<i32: 0>} : vector<16xi32>
      %parallel_loop3A_327 = arith.constant 8 : i32
      %parallel_loop3A_328 = vector.broadcast %parallel_loop3A_327 : i32 to vector<16xi32>
      %parallel_loop3A_329 = arith.addi %parallel_loop3A_326, %parallel_loop3A_328 : vector<16xi32>
      %parallel_loop3A_330 = arith.constant 16 : i32
      %parallel_loop3A_331 = arith.constant 0 : i32
      %parallel_loop3A_332 = arith.cmpi eq, %parallel_loop3A_330, %parallel_loop3A_331 : i32
      %parallel_loop3A_333 = arith.constant 1 : i32
      %parallel_loop3A_334 = arith.select %parallel_loop3A_332, %parallel_loop3A_333, %parallel_loop3A_330 : i32
      %parallel_loop3A_335 = vector.broadcast %parallel_loop3A_334 : i32 to vector<16xi32>
      %parallel_loop3A_336 = arith.remsi %parallel_loop3A_329, %parallel_loop3A_335 : vector<16xi32>
      %parallel_loop3A_337 = arith.constant 0 : i32
      %parallel_loop3A_338 = vector.broadcast %parallel_loop3A_337 : i32 to vector<16xi32>
      %parallel_loop3A_339 = arith.cmpi ne, %parallel_loop3A_336, %parallel_loop3A_338 : vector<16xi32>
      %parallel_loop3A_340 = arith.constant 0 : i32
      %parallel_loop3A_341 = vector.broadcast %parallel_loop3A_340 : i32 to vector<16xi32>
      %parallel_loop3A_342 = arith.cmpi slt, %parallel_loop3A_336, %parallel_loop3A_341 : vector<16xi32>
      %parallel_loop3A_343 = arith.constant 0 : i32
      %parallel_loop3A_344 = arith.cmpi slt, %parallel_loop3A_334, %parallel_loop3A_343 : i32
      %parallel_loop3A_345 = vector.broadcast %parallel_loop3A_344 : i1 to vector<16xi1>
      %parallel_loop3A_346 = vector.broadcast %parallel_loop3A_345 : vector<16xi1> to vector<16xi1>
      %parallel_loop3A_347 = arith.xori %parallel_loop3A_342, %parallel_loop3A_346 : vector<16xi1>
      %parallel_loop3A_348 = arith.andi %parallel_loop3A_347, %parallel_loop3A_339 : vector<16xi1>
      %parallel_loop3A_349 = vector.broadcast %parallel_loop3A_334 : i32 to vector<16xi32>
      %parallel_loop3A_350 = arith.addi %parallel_loop3A_336, %parallel_loop3A_349 : vector<16xi32>
      %parallel_loop3A_351 = arith.select %parallel_loop3A_348, %parallel_loop3A_350, %parallel_loop3A_336 : vector<16xi1>, vector<16xi32>
      %parallel_loop3A_352 = vector.shape_cast %parallel_loop3A_351 : vector<16xi32> to vector<16x1xi32>
      %parallel_loop3A_353 = vector.shape_cast %parallel_loop3A_352 : vector<16x1xi32> to vector<16xi32>
      %parallel_loop3A_354 = tpu.dynamic_gather %parallel_loop3A_325[%parallel_loop3A_353] in [0] : vector<16xf32>, vector<16xi32> -> vector<16xf32>
      %parallel_loop3A_355 = arith.addf %parallel_loop3A_325, %parallel_loop3A_354 : vector<16xf32>
      %parallel_loop3A_356 = arith.constant 4 : i32
      %parallel_loop3A_357 = vector.broadcast %parallel_loop3A_356 : i32 to vector<16xi32>
      %parallel_loop3A_358 = arith.addi %parallel_loop3A_326, %parallel_loop3A_357 : vector<16xi32>
      %parallel_loop3A_359 = arith.constant 16 : i32
      %parallel_loop3A_360 = arith.constant 0 : i32
      %parallel_loop3A_361 = arith.cmpi eq, %parallel_loop3A_359, %parallel_loop3A_360 : i32
      %parallel_loop3A_362 = arith.constant 1 : i32
      %parallel_loop3A_363 = arith.select %parallel_loop3A_361, %parallel_loop3A_362, %parallel_loop3A_359 : i32
      %parallel_loop3A_364 = vector.broadcast %parallel_loop3A_363 : i32 to vector<16xi32>
      %parallel_loop3A_365 = arith.remsi %parallel_loop3A_358, %parallel_loop3A_364 : vector<16xi32>
      %parallel_loop3A_366 = arith.constant 0 : i32
      %parallel_loop3A_367 = vector.broadcast %parallel_loop3A_366 : i32 to vector<16xi32>
      %parallel_loop3A_368 = arith.cmpi ne, %parallel_loop3A_365, %parallel_loop3A_367 : vector<16xi32>
      %parallel_loop3A_369 = arith.constant 0 : i32
      %parallel_loop3A_370 = vector.broadcast %parallel_loop3A_369 : i32 to vector<16xi32>
      %parallel_loop3A_371 = arith.cmpi slt, %parallel_loop3A_365, %parallel_loop3A_370 : vector<16xi32>
      %parallel_loop3A_372 = arith.constant 0 : i32
      %parallel_loop3A_373 = arith.cmpi slt, %parallel_loop3A_363, %parallel_loop3A_372 : i32
      %parallel_loop3A_374 = vector.broadcast %parallel_loop3A_373 : i1 to vector<16xi1>
      %parallel_loop3A_375 = vector.broadcast %parallel_loop3A_374 : vector<16xi1> to vector<16xi1>
      %parallel_loop3A_376 = arith.xori %parallel_loop3A_371, %parallel_loop3A_375 : vector<16xi1>
      %parallel_loop3A_377 = arith.andi %parallel_loop3A_376, %parallel_loop3A_368 : vector<16xi1>
      %parallel_loop3A_378 = vector.broadcast %parallel_loop3A_363 : i32 to vector<16xi32>
      %parallel_loop3A_379 = arith.addi %parallel_loop3A_365, %parallel_loop3A_378 : vector<16xi32>
      %parallel_loop3A_380 = arith.select %parallel_loop3A_377, %parallel_loop3A_379, %parallel_loop3A_365 : vector<16xi1>, vector<16xi32>
      %parallel_loop3A_381 = vector.shape_cast %parallel_loop3A_380 : vector<16xi32> to vector<16x1xi32>
      %parallel_loop3A_382 = vector.shape_cast %parallel_loop3A_381 : vector<16x1xi32> to vector<16xi32>
      %parallel_loop3A_383 = tpu.dynamic_gather %parallel_loop3A_355[%parallel_loop3A_382] in [0] : vector<16xf32>, vector<16xi32> -> vector<16xf32>
      %parallel_loop3A_384 = arith.addf %parallel_loop3A_355, %parallel_loop3A_383 : vector<16xf32>
      %parallel_loop3A_385 = arith.constant 2 : i32
      %parallel_loop3A_386 = vector.broadcast %parallel_loop3A_385 : i32 to vector<16xi32>
      %parallel_loop3A_387 = arith.addi %parallel_loop3A_326, %parallel_loop3A_386 : vector<16xi32>
      %parallel_loop3A_388 = arith.constant 16 : i32
      %parallel_loop3A_389 = arith.constant 0 : i32
      %parallel_loop3A_390 = arith.cmpi eq, %parallel_loop3A_388, %parallel_loop3A_389 : i32
      %parallel_loop3A_391 = arith.constant 1 : i32
      %parallel_loop3A_392 = arith.select %parallel_loop3A_390, %parallel_loop3A_391, %parallel_loop3A_388 : i32
      %parallel_loop3A_393 = vector.broadcast %parallel_loop3A_392 : i32 to vector<16xi32>
      %parallel_loop3A_394 = arith.remsi %parallel_loop3A_387, %parallel_loop3A_393 : vector<16xi32>
      %parallel_loop3A_395 = arith.constant 0 : i32
      %parallel_loop3A_396 = vector.broadcast %parallel_loop3A_395 : i32 to vector<16xi32>
      %parallel_loop3A_397 = arith.cmpi ne, %parallel_loop3A_394, %parallel_loop3A_396 : vector<16xi32>
      %parallel_loop3A_398 = arith.constant 0 : i32
      %parallel_loop3A_399 = vector.broadcast %parallel_loop3A_398 : i32 to vector<16xi32>
      %parallel_loop3A_400 = arith.cmpi slt, %parallel_loop3A_394, %parallel_loop3A_399 : vector<16xi32>
      %parallel_loop3A_401 = arith.constant 0 : i32
      %parallel_loop3A_402 = arith.cmpi slt, %parallel_loop3A_392, %parallel_loop3A_401 : i32
      %parallel_loop3A_403 = vector.broadcast %parallel_loop3A_402 : i1 to vector<16xi1>
      %parallel_loop3A_404 = vector.broadcast %parallel_loop3A_403 : vector<16xi1> to vector<16xi1>
      %parallel_loop3A_405 = arith.xori %parallel_loop3A_400, %parallel_loop3A_404 : vector<16xi1>
      %parallel_loop3A_406 = arith.andi %parallel_loop3A_405, %parallel_loop3A_397 : vector<16xi1>
      %parallel_loop3A_407 = vector.broadcast %parallel_loop3A_392 : i32 to vector<16xi32>
      %parallel_loop3A_408 = arith.addi %parallel_loop3A_394, %parallel_loop3A_407 : vector<16xi32>
      %parallel_loop3A_409 = arith.select %parallel_loop3A_406, %parallel_loop3A_408, %parallel_loop3A_394 : vector<16xi1>, vector<16xi32>
      %parallel_loop3A_410 = vector.shape_cast %parallel_loop3A_409 : vector<16xi32> to vector<16x1xi32>
      %parallel_loop3A_411 = vector.shape_cast %parallel_loop3A_410 : vector<16x1xi32> to vector<16xi32>
      %parallel_loop3A_412 = tpu.dynamic_gather %parallel_loop3A_384[%parallel_loop3A_411] in [0] : vector<16xf32>, vector<16xi32> -> vector<16xf32>
      %parallel_loop3A_413 = arith.addf %parallel_loop3A_384, %parallel_loop3A_412 : vector<16xf32>
      %parallel_loop3A_414 = arith.constant 1 : i32
      %parallel_loop3A_415 = vector.broadcast %parallel_loop3A_414 : i32 to vector<16xi32>
      %parallel_loop3A_416 = arith.addi %parallel_loop3A_326, %parallel_loop3A_415 : vector<16xi32>
      %parallel_loop3A_417 = arith.constant 16 : i32
      %parallel_loop3A_418 = arith.constant 0 : i32
      %parallel_loop3A_419 = arith.cmpi eq, %parallel_loop3A_417, %parallel_loop3A_418 : i32
      %parallel_loop3A_420 = arith.constant 1 : i32
      %parallel_loop3A_421 = arith.select %parallel_loop3A_419, %parallel_loop3A_420, %parallel_loop3A_417 : i32
      %parallel_loop3A_422 = vector.broadcast %parallel_loop3A_421 : i32 to vector<16xi32>
      %parallel_loop3A_423 = arith.remsi %parallel_loop3A_416, %parallel_loop3A_422 : vector<16xi32>
      %parallel_loop3A_424 = arith.constant 0 : i32
      %parallel_loop3A_425 = vector.broadcast %parallel_loop3A_424 : i32 to vector<16xi32>
      %parallel_loop3A_426 = arith.cmpi ne, %parallel_loop3A_423, %parallel_loop3A_425 : vector<16xi32>
      %parallel_loop3A_427 = arith.constant 0 : i32
      %parallel_loop3A_428 = vector.broadcast %parallel_loop3A_427 : i32 to vector<16xi32>
      %parallel_loop3A_429 = arith.cmpi slt, %parallel_loop3A_423, %parallel_loop3A_428 : vector<16xi32>
      %parallel_loop3A_430 = arith.constant 0 : i32
      %parallel_loop3A_431 = arith.cmpi slt, %parallel_loop3A_421, %parallel_loop3A_430 : i32
      %parallel_loop3A_432 = vector.broadcast %parallel_loop3A_431 : i1 to vector<16xi1>
      %parallel_loop3A_433 = vector.broadcast %parallel_loop3A_432 : vector<16xi1> to vector<16xi1>
      %parallel_loop3A_434 = arith.xori %parallel_loop3A_429, %parallel_loop3A_433 : vector<16xi1>
      %parallel_loop3A_435 = arith.andi %parallel_loop3A_434, %parallel_loop3A_426 : vector<16xi1>
      %parallel_loop3A_436 = vector.broadcast %parallel_loop3A_421 : i32 to vector<16xi32>
      %parallel_loop3A_437 = arith.addi %parallel_loop3A_423, %parallel_loop3A_436 : vector<16xi32>
      %parallel_loop3A_438 = arith.select %parallel_loop3A_435, %parallel_loop3A_437, %parallel_loop3A_423 : vector<16xi1>, vector<16xi32>
      %parallel_loop3A_439 = vector.shape_cast %parallel_loop3A_438 : vector<16xi32> to vector<16x1xi32>
      %parallel_loop3A_440 = vector.shape_cast %parallel_loop3A_439 : vector<16x1xi32> to vector<16xi32>
      %parallel_loop3A_441 = tpu.dynamic_gather %parallel_loop3A_413[%parallel_loop3A_440] in [0] : vector<16xf32>, vector<16xi32> -> vector<16xf32>
      %parallel_loop3A_442 = arith.addf %parallel_loop3A_413, %parallel_loop3A_441 : vector<16xf32>
      %parallel_loop3A_443 = arith.constant 9.99999993E-9 : f32
      %parallel_loop3A_444 = vector.broadcast %parallel_loop3A_443 : f32 to vector<16xf32>
      %parallel_loop3A_445 = arith.addf %parallel_loop3A_442, %parallel_loop3A_444 : vector<16xf32>
      %parallel_loop3A_446 = arith.constant 1.000000e+00 : f32
      %parallel_loop3A_447 = vector.broadcast %parallel_loop3A_446 : f32 to vector<16xf32>
      %parallel_loop3A_448 = arith.divf %parallel_loop3A_447, %parallel_loop3A_445 : vector<16xf32>
      %parallel_loop3A_449 = arith.mulf %parallel_loop3A_298, %parallel_loop3A_448 : vector<16xf32>
      %parallel_loop3A_450 = arith.constant 64 : i32
      %parallel_loop3A_451 = arith.muli %parallel_loop3A_140, %parallel_loop3A_450 : i32
      %parallel_loop3A_452 = arith.constant 0 : i32
      %parallel_loop3A_453 = arith.addi %parallel_loop3A_451, %parallel_loop3A_452 : i32
      %parallel_loop3A_454 = arith.index_cast %parallel_loop3A_453 : i32 to index
      %parallel_loop3A_455 = tpu.vector_load %arg13[%parallel_loop3A_454] {strides = array<i32>} : memref<4096xf32, #tpu.memory_space<vmem>>, vector<16xf32>,
      tpu.vector_store %arg13[%parallel_loop3A_454], %parallel_loop3A_449 {strides = array<i32>} : memref<4096xf32, #tpu.memory_space<vmem>>, vector<16xf32>,
      %parallel_loop3A_456 = arith.mulf %parallel_loop3A_306, %parallel_loop3A_448 : vector<16xf32>
      %parallel_loop3A_457 = arith.constant 64 : i32
      %parallel_loop3A_458 = arith.muli %parallel_loop3A_140, %parallel_loop3A_457 : i32
      %parallel_loop3A_459 = arith.constant 16 : i32
      %parallel_loop3A_460 = arith.addi %parallel_loop3A_458, %parallel_loop3A_459 : i32
      %parallel_loop3A_461 = arith.index_cast %parallel_loop3A_460 : i32 to index
      %parallel_loop3A_462 = tpu.vector_load %arg13[%parallel_loop3A_461] {strides = array<i32>} : memref<4096xf32, #tpu.memory_space<vmem>>, vector<16xf32>,
      tpu.vector_store %arg13[%parallel_loop3A_461], %parallel_loop3A_456 {strides = array<i32>} : memref<4096xf32, #tpu.memory_space<vmem>>, vector<16xf32>,
      %parallel_loop3A_463 = arith.mulf %parallel_loop3A_314, %parallel_loop3A_448 : vector<16xf32>
      %parallel_loop3A_464 = arith.constant 64 : i32
      %parallel_loop3A_465 = arith.muli %parallel_loop3A_140, %parallel_loop3A_464 : i32
      %parallel_loop3A_466 = arith.constant 32 : i32
      %parallel_loop3A_467 = arith.addi %parallel_loop3A_465, %parallel_loop3A_466 : i32
      %parallel_loop3A_468 = arith.index_cast %parallel_loop3A_467 : i32 to index
      %parallel_loop3A_469 = tpu.vector_load %arg13[%parallel_loop3A_468] {strides = array<i32>} : memref<4096xf32, #tpu.memory_space<vmem>>, vector<16xf32>,
      tpu.vector_store %arg13[%parallel_loop3A_468], %parallel_loop3A_463 {strides = array<i32>} : memref<4096xf32, #tpu.memory_space<vmem>>, vector<16xf32>,
      %parallel_loop3A_470 = arith.mulf %parallel_loop3A_322, %parallel_loop3A_448 : vector<16xf32>
      %parallel_loop3A_471 = arith.constant 64 : i32
      %parallel_loop3A_472 = arith.muli %parallel_loop3A_140, %parallel_loop3A_471 : i32
      %parallel_loop3A_473 = arith.constant 48 : i32
      %parallel_loop3A_474 = arith.addi %parallel_loop3A_472, %parallel_loop3A_473 : i32
      %parallel_loop3A_475 = arith.index_cast %parallel_loop3A_474 : i32 to index
      %parallel_loop3A_476 = tpu.vector_load %arg13[%parallel_loop3A_475] {strides = array<i32>} : memref<4096xf32, #tpu.memory_space<vmem>>, vector<16xf32>,
      tpu.vector_store %arg13[%parallel_loop3A_475], %parallel_loop3A_470 {strides = array<i32>} : memref<4096xf32, #tpu.memory_space<vmem>>, vector<16xf32>,
    } {sc.loop_unroll_factor = 4 : i64, sc.parallel_access}
    %mul3A_78 = arith.constant 256 : i32
    %mul3A_79 = arith.muli %select_n3A, %mul3A_78 : i32
    %mul3A_80 = arith.constant 64 : i32
    %mul3A_81 = arith.muli %select_n3A_30, %mul3A_80 : i32
    %add3A_82 = arith.addi %mul3A_79, %mul3A_81 : i32
    %mul3A_83 = arith.constant 64 : i32
    %mul3A_84 = arith.muli %add3A_82, %mul3A_83 : i32
    "tpu.region"() ({
      %run_scoped3A = tpu.sem_alloc : memref<!tpu.dma_semaphore, #tpu.memory_space<semaphore_mem>>
      %dma_start3A = tpu.memref_slice %arg5[%mul3A_84] : memref<131072xf32, #tpu.memory_space<hbm>> -> memref<4096xf32, #tpu.memory_space<hbm>>
      %dma_start3A_140 = tpu.memref_slice %arg5[%mul3A_84] : memref<131072xf32, #tpu.memory_space<hbm>> -> memref<4096xf32, #tpu.memory_space<hbm>>
      tpu.enqueue_dma source(%arg13 : memref<4096xf32, #tpu.memory_space<vmem>>) target(%dma_start3A_140 : memref<4096xf32, #tpu.memory_space<hbm>>) target_semaphore(%run_scoped3A : memref<!tpu.dma_semaphore, #tpu.memory_space<semaphore_mem>>)
      %dma_wait3A = tpu.memref_slice %arg5[%mul3A_84] : memref<131072xf32, #tpu.memory_space<hbm>> -> memref<4096xf32, #tpu.memory_space<hbm>>
      %dma_wait3A_141 = tpu.memref_slice %arg5[%mul3A_84] : memref<131072xf32, #tpu.memory_space<hbm>> -> memref<4096xf32, #tpu.memory_space<hbm>>
      tpu.wait_dma2 semaphore(%run_scoped3A : memref<!tpu.dma_semaphore, #tpu.memory_space<semaphore_mem>>) src(%arg13 : memref<4096xf32, #tpu.memory_space<vmem>>) dst(%dma_wait3A_141 : memref<4096xf32, #tpu.memory_space<hbm>>)
      tpu.yield
    }) : () -> ()
    %mul3A_85 = arith.constant 3 : i32
    %mul3A_86 = arith.muli %select_n3A, %mul3A_85 : i32
    %add3A_87 = arith.constant 0 : i32
    %add3A_88 = arith.addi %mul3A_86, %add3A_87 : i32
    %mul3A_89 = arith.constant 256 : i32
    %mul3A_90 = arith.muli %add3A_88, %mul3A_89 : i32
    "tpu.region"() ({
      %run_scoped3A = tpu.sem_alloc : memref<!tpu.dma_semaphore, #tpu.memory_space<semaphore_mem>>
      %dma_start3A = tpu.memref_slice %arg3[%mul3A_90] : memref<6144xf32, #tpu.memory_space<hbm>> -> memref<256xf32, #tpu.memory_space<hbm>>
      %dma_start3A_140 = tpu.memref_slice %arg3[%mul3A_90] : memref<6144xf32, #tpu.memory_space<hbm>> -> memref<256xf32, #tpu.memory_space<hbm>>
      tpu.enqueue_dma source(%dma_start3A_140 : memref<256xf32, #tpu.memory_space<hbm>>) target(%arg14 : memref<256xf32, #tpu.memory_space<vmem>>) target_semaphore(%run_scoped3A : memref<!tpu.dma_semaphore, #tpu.memory_space<semaphore_mem>>)
      %dma_wait3A = tpu.memref_slice %arg3[%mul3A_90] : memref<6144xf32, #tpu.memory_space<hbm>> -> memref<256xf32, #tpu.memory_space<hbm>>
      %dma_wait3A_141 = tpu.memref_slice %arg3[%mul3A_90] : memref<6144xf32, #tpu.memory_space<hbm>> -> memref<256xf32, #tpu.memory_space<hbm>>
      tpu.wait_dma2 semaphore(%run_scoped3A : memref<!tpu.dma_semaphore, #tpu.memory_space<semaphore_mem>>) src(%dma_wait3A_141 : memref<256xf32, #tpu.memory_space<hbm>>) dst(%arg14 : memref<256xf32, #tpu.memory_space<vmem>>)
      tpu.yield
    }) : () -> ()
    %mul3A_91 = arith.constant 3 : i32
    %mul3A_92 = arith.muli %select_n3A, %mul3A_91 : i32
    %add3A_93 = arith.constant 1 : i32
    %add3A_94 = arith.addi %mul3A_92, %add3A_93 : i32
    %mul3A_95 = arith.constant 256 : i32
    %mul3A_96 = arith.muli %add3A_94, %mul3A_95 : i32
    "tpu.region"() ({
      %run_scoped3A = tpu.sem_alloc : memref<!tpu.dma_semaphore, #tpu.memory_space<semaphore_mem>>
      %dma_start3A = tpu.memref_slice %arg3[%mul3A_96] : memref<6144xf32, #tpu.memory_space<hbm>> -> memref<256xf32, #tpu.memory_space<hbm>>
      %dma_start3A_140 = tpu.memref_slice %arg3[%mul3A_96] : memref<6144xf32, #tpu.memory_space<hbm>> -> memref<256xf32, #tpu.memory_space<hbm>>
      tpu.enqueue_dma source(%dma_start3A_140 : memref<256xf32, #tpu.memory_space<hbm>>) target(%arg15 : memref<256xf32, #tpu.memory_space<vmem>>) target_semaphore(%run_scoped3A : memref<!tpu.dma_semaphore, #tpu.memory_space<semaphore_mem>>)
      %dma_wait3A = tpu.memref_slice %arg3[%mul3A_96] : memref<6144xf32, #tpu.memory_space<hbm>> -> memref<256xf32, #tpu.memory_space<hbm>>
      %dma_wait3A_141 = tpu.memref_slice %arg3[%mul3A_96] : memref<6144xf32, #tpu.memory_space<hbm>> -> memref<256xf32, #tpu.memory_space<hbm>>
      tpu.wait_dma2 semaphore(%run_scoped3A : memref<!tpu.dma_semaphore, #tpu.memory_space<semaphore_mem>>) src(%dma_wait3A_141 : memref<256xf32, #tpu.memory_space<hbm>>) dst(%arg15 : memref<256xf32, #tpu.memory_space<vmem>>)
      tpu.yield
    }) : () -> ()
    %mul3A_97 = arith.constant 3 : i32
    %mul3A_98 = arith.muli %select_n3A, %mul3A_97 : i32
    %add3A_99 = arith.constant 2 : i32
    %add3A_100 = arith.addi %mul3A_98, %add3A_99 : i32
    %mul3A_101 = arith.constant 256 : i32
    %mul3A_102 = arith.muli %add3A_100, %mul3A_101 : i32
    "tpu.region"() ({
      %run_scoped3A = tpu.sem_alloc : memref<!tpu.dma_semaphore, #tpu.memory_space<semaphore_mem>>
      %dma_start3A = tpu.memref_slice %arg3[%mul3A_102] : memref<6144xf32, #tpu.memory_space<hbm>> -> memref<256xf32, #tpu.memory_space<hbm>>
      %dma_start3A_140 = tpu.memref_slice %arg3[%mul3A_102] : memref<6144xf32, #tpu.memory_space<hbm>> -> memref<256xf32, #tpu.memory_space<hbm>>
      tpu.enqueue_dma source(%dma_start3A_140 : memref<256xf32, #tpu.memory_space<hbm>>) target(%arg16 : memref<256xf32, #tpu.memory_space<vmem>>) target_semaphore(%run_scoped3A : memref<!tpu.dma_semaphore, #tpu.memory_space<semaphore_mem>>)
      %dma_wait3A = tpu.memref_slice %arg3[%mul3A_102] : memref<6144xf32, #tpu.memory_space<hbm>> -> memref<256xf32, #tpu.memory_space<hbm>>
      %dma_wait3A_141 = tpu.memref_slice %arg3[%mul3A_102] : memref<6144xf32, #tpu.memory_space<hbm>> -> memref<256xf32, #tpu.memory_space<hbm>>
      tpu.wait_dma2 semaphore(%run_scoped3A : memref<!tpu.dma_semaphore, #tpu.memory_space<semaphore_mem>>) src(%dma_wait3A_141 : memref<256xf32, #tpu.memory_space<hbm>>) dst(%arg16 : memref<256xf32, #tpu.memory_space<vmem>>)
      tpu.yield
    }) : () -> ()
    %mul3A_103 = arith.constant 3 : i32
    %mul3A_104 = arith.muli %select_n3A, %mul3A_103 : i32
    %add3A_105 = arith.constant 0 : i32
    %add3A_106 = arith.addi %mul3A_104, %add3A_105 : i32
    %mul3A_107 = arith.constant 1024 : i32
    %mul3A_108 = arith.muli %add3A_106, %mul3A_107 : i32
    %mul3A_109 = arith.constant 256 : i32
    %mul3A_110 = arith.muli %select_n3A_30, %mul3A_109 : i32
    %add3A_111 = arith.addi %mul3A_108, %mul3A_110 : i32
    "tpu.region"() ({
      %run_scoped3A = tpu.sem_alloc : memref<!tpu.dma_semaphore, #tpu.memory_space<semaphore_mem>>
      %dma_start3A = tpu.memref_slice %arg4[%add3A_111] : memref<24576xf32, #tpu.memory_space<hbm>> -> memref<256xf32, #tpu.memory_space<hbm>>
      %dma_start3A_140 = tpu.memref_slice %arg4[%add3A_111] : memref<24576xf32, #tpu.memory_space<hbm>> -> memref<256xf32, #tpu.memory_space<hbm>>
      tpu.enqueue_dma source(%dma_start3A_140 : memref<256xf32, #tpu.memory_space<hbm>>) target(%arg17 : memref<256xf32, #tpu.memory_space<vmem>>) target_semaphore(%run_scoped3A : memref<!tpu.dma_semaphore, #tpu.memory_space<semaphore_mem>>)
      %dma_wait3A = tpu.memref_slice %arg4[%add3A_111] : memref<24576xf32, #tpu.memory_space<hbm>> -> memref<256xf32, #tpu.memory_space<hbm>>
      %dma_wait3A_141 = tpu.memref_slice %arg4[%add3A_111] : memref<24576xf32, #tpu.memory_space<hbm>> -> memref<256xf32, #tpu.memory_space<hbm>>
      tpu.wait_dma2 semaphore(%run_scoped3A : memref<!tpu.dma_semaphore, #tpu.memory_space<semaphore_mem>>) src(%dma_wait3A_141 : memref<256xf32, #tpu.memory_space<hbm>>) dst(%arg17 : memref<256xf32, #tpu.memory_space<vmem>>)
      tpu.yield
    }) : () -> ()
    %mul3A_112 = arith.constant 3 : i32
    %mul3A_113 = arith.muli %select_n3A, %mul3A_112 : i32
    %add3A_114 = arith.constant 1 : i32
    %add3A_115 = arith.addi %mul3A_113, %add3A_114 : i32
    %mul3A_116 = arith.constant 1024 : i32
    %mul3A_117 = arith.muli %add3A_115, %mul3A_116 : i32
    %mul3A_118 = arith.constant 256 : i32
    %mul3A_119 = arith.muli %select_n3A_30, %mul3A_118 : i32
    %add3A_120 = arith.addi %mul3A_117, %mul3A_119 : i32
    "tpu.region"() ({
      %run_scoped3A = tpu.sem_alloc : memref<!tpu.dma_semaphore, #tpu.memory_space<semaphore_mem>>
      %dma_start3A = tpu.memref_slice %arg4[%add3A_120] : memref<24576xf32, #tpu.memory_space<hbm>> -> memref<256xf32, #tpu.memory_space<hbm>>
      %dma_start3A_140 = tpu.memref_slice %arg4[%add3A_120] : memref<24576xf32, #tpu.memory_space<hbm>> -> memref<256xf32, #tpu.memory_space<hbm>>
      tpu.enqueue_dma source(%dma_start3A_140 : memref<256xf32, #tpu.memory_space<hbm>>) target(%arg18 : memref<256xf32, #tpu.memory_space<vmem>>) target_semaphore(%run_scoped3A : memref<!tpu.dma_semaphore, #tpu.memory_space<semaphore_mem>>)
      %dma_wait3A = tpu.memref_slice %arg4[%add3A_120] : memref<24576xf32, #tpu.memory_space<hbm>> -> memref<256xf32, #tpu.memory_space<hbm>>
      %dma_wait3A_141 = tpu.memref_slice %arg4[%add3A_120] : memref<24576xf32, #tpu.memory_space<hbm>> -> memref<256xf32, #tpu.memory_space<hbm>>
      tpu.wait_dma2 semaphore(%run_scoped3A : memref<!tpu.dma_semaphore, #tpu.memory_space<semaphore_mem>>) src(%dma_wait3A_141 : memref<256xf32, #tpu.memory_space<hbm>>) dst(%arg18 : memref<256xf32, #tpu.memory_space<vmem>>)
      tpu.yield
    }) : () -> ()
    %mul3A_121 = arith.constant 3 : i32
    %mul3A_122 = arith.muli %select_n3A, %mul3A_121 : i32
    %add3A_123 = arith.constant 2 : i32
    %add3A_124 = arith.addi %mul3A_122, %add3A_123 : i32
    %mul3A_125 = arith.constant 1024 : i32
    %mul3A_126 = arith.muli %add3A_124, %mul3A_125 : i32
    %mul3A_127 = arith.constant 256 : i32
    %mul3A_128 = arith.muli %select_n3A_30, %mul3A_127 : i32
    %add3A_129 = arith.addi %mul3A_126, %mul3A_128 : i32
    "tpu.region"() ({
      %run_scoped3A = tpu.sem_alloc : memref<!tpu.dma_semaphore, #tpu.memory_space<semaphore_mem>>
      %dma_start3A = tpu.memref_slice %arg4[%add3A_129] : memref<24576xf32, #tpu.memory_space<hbm>> -> memref<256xf32, #tpu.memory_space<hbm>>
      %dma_start3A_140 = tpu.memref_slice %arg4[%add3A_129] : memref<24576xf32, #tpu.memory_space<hbm>> -> memref<256xf32, #tpu.memory_space<hbm>>
      tpu.enqueue_dma source(%dma_start3A_140 : memref<256xf32, #tpu.memory_space<hbm>>) target(%arg19 : memref<256xf32, #tpu.memory_space<vmem>>) target_semaphore(%run_scoped3A : memref<!tpu.dma_semaphore, #tpu.memory_space<semaphore_mem>>)
      %dma_wait3A = tpu.memref_slice %arg4[%add3A_129] : memref<24576xf32, #tpu.memory_space<hbm>> -> memref<256xf32, #tpu.memory_space<hbm>>
      %dma_wait3A_141 = tpu.memref_slice %arg4[%add3A_129] : memref<24576xf32, #tpu.memory_space<hbm>> -> memref<256xf32, #tpu.memory_space<hbm>>
      tpu.wait_dma2 semaphore(%run_scoped3A : memref<!tpu.dma_semaphore, #tpu.memory_space<semaphore_mem>>) src(%dma_wait3A_141 : memref<256xf32, #tpu.memory_space<hbm>>) dst(%arg19 : memref<256xf32, #tpu.memory_space<vmem>>)
      tpu.yield
    }) : () -> ()
    %parallel_loop3A_130 = arith.constant 0 : i32
    %parallel_loop3A_131 = arith.constant 256 : i32
    %parallel_loop3A_132 = arith.constant 1 : i32
    scf.for %parallel_loop3A_140 = %parallel_loop3A_130 to %parallel_loop3A_131 step %parallel_loop3A_132  : i32 {
      %parallel_loop3A_141 = arith.constant 16 : i32
      %parallel_loop3A_142 = arith.divsi %parallel_loop3A_140, %parallel_loop3A_141 : i32
      %parallel_loop3A_143 = arith.constant 0 : i32
      %parallel_loop3A_144 = arith.cmpi sgt, %parallel_loop3A_140, %parallel_loop3A_143 : i32
      %parallel_loop3A_145 = arith.extui %parallel_loop3A_144 : i1 to i32
      %parallel_loop3A_146 = arith.constant 0 : i32
      %parallel_loop3A_147 = arith.cmpi slt, %parallel_loop3A_140, %parallel_loop3A_146 : i32
      %parallel_loop3A_148 = arith.extui %parallel_loop3A_147 : i1 to i32
      %parallel_loop3A_149 = arith.subi %parallel_loop3A_145, %parallel_loop3A_148 : i32
      %parallel_loop3A_150 = arith.constant 0 : i32
      %parallel_loop3A_151 = arith.cmpi sgt, %parallel_loop3A_141, %parallel_loop3A_150 : i32
      %parallel_loop3A_152 = arith.extui %parallel_loop3A_151 : i1 to i32
      %parallel_loop3A_153 = arith.constant 0 : i32
      %parallel_loop3A_154 = arith.cmpi slt, %parallel_loop3A_141, %parallel_loop3A_153 : i32
      %parallel_loop3A_155 = arith.extui %parallel_loop3A_154 : i1 to i32
      %parallel_loop3A_156 = arith.subi %parallel_loop3A_152, %parallel_loop3A_155 : i32
      %parallel_loop3A_157 = arith.cmpi ne, %parallel_loop3A_149, %parallel_loop3A_156 : i32
      %parallel_loop3A_158 = arith.remsi %parallel_loop3A_140, %parallel_loop3A_141 : i32
      %parallel_loop3A_159 = arith.constant 0 : i32
      %parallel_loop3A_160 = arith.cmpi ne, %parallel_loop3A_158, %parallel_loop3A_159 : i32
      %parallel_loop3A_161 = arith.andi %parallel_loop3A_157, %parallel_loop3A_160 : i1
      %parallel_loop3A_162 = arith.constant 1 : i32
      %parallel_loop3A_163 = arith.subi %parallel_loop3A_142, %parallel_loop3A_162 : i32
      %parallel_loop3A_164 = arith.select %parallel_loop3A_161, %parallel_loop3A_163, %parallel_loop3A_142 : i32
      %parallel_loop3A_165 = arith.constant 16 : i32
      %parallel_loop3A_166 = arith.muli %parallel_loop3A_164, %parallel_loop3A_165 : i32
      %parallel_loop3A_167 = arith.subi %parallel_loop3A_140, %parallel_loop3A_166 : i32
      %parallel_loop3A_168 = vector.broadcast %parallel_loop3A_167 : i32 to vector<16xi32>
      %parallel_loop3A_169 = arith.index_cast %parallel_loop3A_166 : i32 to index
      %parallel_loop3A_170 = tpu.vector_load %arg17[%parallel_loop3A_169] {strides = array<i32>} : memref<256xf32, #tpu.memory_space<vmem>>, vector<16xf32>,
      %parallel_loop3A_171 = vector.shape_cast %parallel_loop3A_168 : vector<16xi32> to vector<16x1xi32>
      %parallel_loop3A_172 = vector.shape_cast %parallel_loop3A_171 : vector<16x1xi32> to vector<16xi32>
      %parallel_loop3A_173 = tpu.dynamic_gather %parallel_loop3A_170[%parallel_loop3A_172] in [0] : vector<16xf32>, vector<16xi32> -> vector<16xf32>
      %parallel_loop3A_174 = arith.index_cast %parallel_loop3A_166 : i32 to index
      %parallel_loop3A_175 = tpu.vector_load %arg18[%parallel_loop3A_174] {strides = array<i32>} : memref<256xf32, #tpu.memory_space<vmem>>, vector<16xf32>,
      %parallel_loop3A_176 = vector.shape_cast %parallel_loop3A_168 : vector<16xi32> to vector<16x1xi32>
      %parallel_loop3A_177 = vector.shape_cast %parallel_loop3A_176 : vector<16x1xi32> to vector<16xi32>
      %parallel_loop3A_178 = tpu.dynamic_gather %parallel_loop3A_175[%parallel_loop3A_177] in [0] : vector<16xf32>, vector<16xi32> -> vector<16xf32>
      %parallel_loop3A_179 = arith.index_cast %parallel_loop3A_166 : i32 to index
      %parallel_loop3A_180 = tpu.vector_load %arg19[%parallel_loop3A_179] {strides = array<i32>} : memref<256xf32, #tpu.memory_space<vmem>>, vector<16xf32>,
      %parallel_loop3A_181 = vector.shape_cast %parallel_loop3A_168 : vector<16xi32> to vector<16x1xi32>
      %parallel_loop3A_182 = vector.shape_cast %parallel_loop3A_181 : vector<16x1xi32> to vector<16xi32>
      %parallel_loop3A_183 = tpu.dynamic_gather %parallel_loop3A_180[%parallel_loop3A_182] in [0] : vector<16xf32>, vector<16xi32> -> vector<16xf32>
      %parallel_loop3A_184 = arith.constant 0 : index
      %parallel_loop3A_185 = tpu.vector_load %arg14[%parallel_loop3A_184] {strides = array<i32>} : memref<256xf32, #tpu.memory_space<vmem>>, vector<16xf32>,
      %parallel_loop3A_186 = arith.subf %parallel_loop3A_185, %parallel_loop3A_173 : vector<16xf32>
      %parallel_loop3A_187 = arith.constant 0 : index
      %parallel_loop3A_188 = tpu.vector_load %arg15[%parallel_loop3A_187] {strides = array<i32>} : memref<256xf32, #tpu.memory_space<vmem>>, vector<16xf32>,
      %parallel_loop3A_189 = arith.subf %parallel_loop3A_188, %parallel_loop3A_178 : vector<16xf32>
      %parallel_loop3A_190 = arith.constant 0 : index
      %parallel_loop3A_191 = tpu.vector_load %arg16[%parallel_loop3A_190] {strides = array<i32>} : memref<256xf32, #tpu.memory_space<vmem>>, vector<16xf32>,
      %parallel_loop3A_192 = arith.subf %parallel_loop3A_191, %parallel_loop3A_183 : vector<16xf32>
      %parallel_loop3A_193 = arith.mulf %parallel_loop3A_186, %parallel_loop3A_186 : vector<16xf32>
      %parallel_loop3A_194 = arith.mulf %parallel_loop3A_189, %parallel_loop3A_189 : vector<16xf32>
      %parallel_loop3A_195 = arith.addf %parallel_loop3A_193, %parallel_loop3A_194 : vector<16xf32>
      %parallel_loop3A_196 = arith.mulf %parallel_loop3A_192, %parallel_loop3A_192 : vector<16xf32>
      %parallel_loop3A_197 = arith.addf %parallel_loop3A_195, %parallel_loop3A_196 : vector<16xf32>
      %parallel_loop3A_198 = arith.constant 16 : index
      %parallel_loop3A_199 = tpu.vector_load %arg14[%parallel_loop3A_198] {strides = array<i32>} : memref<256xf32, #tpu.memory_space<vmem>>, vector<16xf32>,
      %parallel_loop3A_200 = arith.subf %parallel_loop3A_199, %parallel_loop3A_173 : vector<16xf32>
      %parallel_loop3A_201 = arith.constant 16 : index
      %parallel_loop3A_202 = tpu.vector_load %arg15[%parallel_loop3A_201] {strides = array<i32>} : memref<256xf32, #tpu.memory_space<vmem>>, vector<16xf32>,
      %parallel_loop3A_203 = arith.subf %parallel_loop3A_202, %parallel_loop3A_178 : vector<16xf32>
      %parallel_loop3A_204 = arith.constant 16 : index
      %parallel_loop3A_205 = tpu.vector_load %arg16[%parallel_loop3A_204] {strides = array<i32>} : memref<256xf32, #tpu.memory_space<vmem>>, vector<16xf32>,
      %parallel_loop3A_206 = arith.subf %parallel_loop3A_205, %parallel_loop3A_183 : vector<16xf32>
      %parallel_loop3A_207 = arith.mulf %parallel_loop3A_200, %parallel_loop3A_200 : vector<16xf32>
      %parallel_loop3A_208 = arith.mulf %parallel_loop3A_203, %parallel_loop3A_203 : vector<16xf32>
      %parallel_loop3A_209 = arith.addf %parallel_loop3A_207, %parallel_loop3A_208 : vector<16xf32>
      %parallel_loop3A_210 = arith.mulf %parallel_loop3A_206, %parallel_loop3A_206 : vector<16xf32>
      %parallel_loop3A_211 = arith.addf %parallel_loop3A_209, %parallel_loop3A_210 : vector<16xf32>
      %parallel_loop3A_212 = arith.constant 32 : index
      %parallel_loop3A_213 = tpu.vector_load %arg14[%parallel_loop3A_212] {strides = array<i32>} : memref<256xf32, #tpu.memory_space<vmem>>, vector<16xf32>,
      %parallel_loop3A_214 = arith.subf %parallel_loop3A_213, %parallel_loop3A_173 : vector<16xf32>
      %parallel_loop3A_215 = arith.constant 32 : index
      %parallel_loop3A_216 = tpu.vector_load %arg15[%parallel_loop3A_215] {strides = array<i32>} : memref<256xf32, #tpu.memory_space<vmem>>, vector<16xf32>,
      %parallel_loop3A_217 = arith.subf %parallel_loop3A_216, %parallel_loop3A_178 : vector<16xf32>
      %parallel_loop3A_218 = arith.constant 32 : index
      %parallel_loop3A_219 = tpu.vector_load %arg16[%parallel_loop3A_218] {strides = array<i32>} : memref<256xf32, #tpu.memory_space<vmem>>, vector<16xf32>,
      %parallel_loop3A_220 = arith.subf %parallel_loop3A_219, %parallel_loop3A_183 : vector<16xf32>
      %parallel_loop3A_221 = arith.mulf %parallel_loop3A_214, %parallel_loop3A_214 : vector<16xf32>
      %parallel_loop3A_222 = arith.mulf %parallel_loop3A_217, %parallel_loop3A_217 : vector<16xf32>
      %parallel_loop3A_223 = arith.addf %parallel_loop3A_221, %parallel_loop3A_222 : vector<16xf32>
      %parallel_loop3A_224 = arith.mulf %parallel_loop3A_220, %parallel_loop3A_220 : vector<16xf32>
      %parallel_loop3A_225 = arith.addf %parallel_loop3A_223, %parallel_loop3A_224 : vector<16xf32>
      %parallel_loop3A_226 = arith.constant 48 : index
      %parallel_loop3A_227 = tpu.vector_load %arg14[%parallel_loop3A_226] {strides = array<i32>} : memref<256xf32, #tpu.memory_space<vmem>>, vector<16xf32>,
      %parallel_loop3A_228 = arith.subf %parallel_loop3A_227, %parallel_loop3A_173 : vector<16xf32>
      %parallel_loop3A_229 = arith.constant 48 : index
      %parallel_loop3A_230 = tpu.vector_load %arg15[%parallel_loop3A_229] {strides = array<i32>} : memref<256xf32, #tpu.memory_space<vmem>>, vector<16xf32>,
      %parallel_loop3A_231 = arith.subf %parallel_loop3A_230, %parallel_loop3A_178 : vector<16xf32>
      %parallel_loop3A_232 = arith.constant 48 : index
      %parallel_loop3A_233 = tpu.vector_load %arg16[%parallel_loop3A_232] {strides = array<i32>} : memref<256xf32, #tpu.memory_space<vmem>>, vector<16xf32>,
      %parallel_loop3A_234 = arith.subf %parallel_loop3A_233, %parallel_loop3A_183 : vector<16xf32>
      %parallel_loop3A_235 = arith.mulf %parallel_loop3A_228, %parallel_loop3A_228 : vector<16xf32>
      %parallel_loop3A_236 = arith.mulf %parallel_loop3A_231, %parallel_loop3A_231 : vector<16xf32>
      %parallel_loop3A_237 = arith.addf %parallel_loop3A_235, %parallel_loop3A_236 : vector<16xf32>
      %parallel_loop3A_238 = arith.mulf %parallel_loop3A_234, %parallel_loop3A_234 : vector<16xf32>
      %parallel_loop3A_239 = arith.addf %parallel_loop3A_237, %parallel_loop3A_238 : vector<16xf32>
      %parallel_loop3A_240 = arith.constant 64 : index
      %parallel_loop3A_241 = tpu.vector_load %arg14[%parallel_loop3A_240] {strides = array<i32>} : memref<256xf32, #tpu.memory_space<vmem>>, vector<16xf32>,
      %parallel_loop3A_242 = arith.subf %parallel_loop3A_241, %parallel_loop3A_173 : vector<16xf32>
      %parallel_loop3A_243 = arith.constant 64 : index
      %parallel_loop3A_244 = tpu.vector_load %arg15[%parallel_loop3A_243] {strides = array<i32>} : memref<256xf32, #tpu.memory_space<vmem>>, vector<16xf32>,
      %parallel_loop3A_245 = arith.subf %parallel_loop3A_244, %parallel_loop3A_178 : vector<16xf32>
      %parallel_loop3A_246 = arith.constant 64 : index
      %parallel_loop3A_247 = tpu.vector_load %arg16[%parallel_loop3A_246] {strides = array<i32>} : memref<256xf32, #tpu.memory_space<vmem>>, vector<16xf32>,
      %parallel_loop3A_248 = arith.subf %parallel_loop3A_247, %parallel_loop3A_183 : vector<16xf32>
      %parallel_loop3A_249 = arith.mulf %parallel_loop3A_242, %parallel_loop3A_242 : vector<16xf32>
      %parallel_loop3A_250 = arith.mulf %parallel_loop3A_245, %parallel_loop3A_245 : vector<16xf32>
      %parallel_loop3A_251 = arith.addf %parallel_loop3A_249, %parallel_loop3A_250 : vector<16xf32>
      %parallel_loop3A_252 = arith.mulf %parallel_loop3A_248, %parallel_loop3A_248 : vector<16xf32>
      %parallel_loop3A_253 = arith.addf %parallel_loop3A_251, %parallel_loop3A_252 : vector<16xf32>
      %parallel_loop3A_254 = arith.constant 80 : index
      %parallel_loop3A_255 = tpu.vector_load %arg14[%parallel_loop3A_254] {strides = array<i32>} : memref<256xf32, #tpu.memory_space<vmem>>, vector<16xf32>,
      %parallel_loop3A_256 = arith.subf %parallel_loop3A_255, %parallel_loop3A_173 : vector<16xf32>
      %parallel_loop3A_257 = arith.constant 80 : index
      %parallel_loop3A_258 = tpu.vector_load %arg15[%parallel_loop3A_257] {strides = array<i32>} : memref<256xf32, #tpu.memory_space<vmem>>, vector<16xf32>,
      %parallel_loop3A_259 = arith.subf %parallel_loop3A_258, %parallel_loop3A_178 : vector<16xf32>
      %parallel_loop3A_260 = arith.constant 80 : index
      %parallel_loop3A_261 = tpu.vector_load %arg16[%parallel_loop3A_260] {strides = array<i32>} : memref<256xf32, #tpu.memory_space<vmem>>, vector<16xf32>,
      %parallel_loop3A_262 = arith.subf %parallel_loop3A_261, %parallel_loop3A_183 : vector<16xf32>
      %parallel_loop3A_263 = arith.mulf %parallel_loop3A_256, %parallel_loop3A_256 : vector<16xf32>
      %parallel_loop3A_264 = arith.mulf %parallel_loop3A_259, %parallel_loop3A_259 : vector<16xf32>
      %parallel_loop3A_265 = arith.addf %parallel_loop3A_263, %parallel_loop3A_264 : vector<16xf32>
      %parallel_loop3A_266 = arith.mulf %parallel_loop3A_262, %parallel_loop3A_262 : vector<16xf32>
      %parallel_loop3A_267 = arith.addf %parallel_loop3A_265, %parallel_loop3A_266 : vector<16xf32>
      %parallel_loop3A_268 = arith.constant 96 : index
      %parallel_loop3A_269 = tpu.vector_load %arg14[%parallel_loop3A_268] {strides = array<i32>} : memref<256xf32, #tpu.memory_space<vmem>>, vector<16xf32>,
      %parallel_loop3A_270 = arith.subf %parallel_loop3A_269, %parallel_loop3A_173 : vector<16xf32>
      %parallel_loop3A_271 = arith.constant 96 : index
      %parallel_loop3A_272 = tpu.vector_load %arg15[%parallel_loop3A_271] {strides = array<i32>} : memref<256xf32, #tpu.memory_space<vmem>>, vector<16xf32>,
      %parallel_loop3A_273 = arith.subf %parallel_loop3A_272, %parallel_loop3A_178 : vector<16xf32>
      %parallel_loop3A_274 = arith.constant 96 : index
      %parallel_loop3A_275 = tpu.vector_load %arg16[%parallel_loop3A_274] {strides = array<i32>} : memref<256xf32, #tpu.memory_space<vmem>>, vector<16xf32>,
      %parallel_loop3A_276 = arith.subf %parallel_loop3A_275, %parallel_loop3A_183 : vector<16xf32>
      %parallel_loop3A_277 = arith.mulf %parallel_loop3A_270, %parallel_loop3A_270 : vector<16xf32>
      %parallel_loop3A_278 = arith.mulf %parallel_loop3A_273, %parallel_loop3A_273 : vector<16xf32>
      %parallel_loop3A_279 = arith.addf %parallel_loop3A_277, %parallel_loop3A_278 : vector<16xf32>
      %parallel_loop3A_280 = arith.mulf %parallel_loop3A_276, %parallel_loop3A_276 : vector<16xf32>
      %parallel_loop3A_281 = arith.addf %parallel_loop3A_279, %parallel_loop3A_280 : vector<16xf32>
      %parallel_loop3A_282 = arith.constant 112 : index
      %parallel_loop3A_283 = tpu.vector_load %arg14[%parallel_loop3A_282] {strides = array<i32>} : memref<256xf32, #tpu.memory_space<vmem>>, vector<16xf32>,
      %parallel_loop3A_284 = arith.subf %parallel_loop3A_283, %parallel_loop3A_173 : vector<16xf32>
      %parallel_loop3A_285 = arith.constant 112 : index
      %parallel_loop3A_286 = tpu.vector_load %arg15[%parallel_loop3A_285] {strides = array<i32>} : memref<256xf32, #tpu.memory_space<vmem>>, vector<16xf32>,
      %parallel_loop3A_287 = arith.subf %parallel_loop3A_286, %parallel_loop3A_178 : vector<16xf32>
      %parallel_loop3A_288 = arith.constant 112 : index
      %parallel_loop3A_289 = tpu.vector_load %arg16[%parallel_loop3A_288] {strides = array<i32>} : memref<256xf32, #tpu.memory_space<vmem>>, vector<16xf32>,
      %parallel_loop3A_290 = arith.subf %parallel_loop3A_289, %parallel_loop3A_183 : vector<16xf32>
      %parallel_loop3A_291 = arith.mulf %parallel_loop3A_284, %parallel_loop3A_284 : vector<16xf32>
      %parallel_loop3A_292 = arith.mulf %parallel_loop3A_287, %parallel_loop3A_287 : vector<16xf32>
      %parallel_loop3A_293 = arith.addf %parallel_loop3A_291, %parallel_loop3A_292 : vector<16xf32>
      %parallel_loop3A_294 = arith.mulf %parallel_loop3A_290, %parallel_loop3A_290 : vector<16xf32>
      %parallel_loop3A_295 = arith.addf %parallel_loop3A_293, %parallel_loop3A_294 : vector<16xf32>
      %parallel_loop3A_296 = arith.constant 128 : index
      %parallel_loop3A_297 = tpu.vector_load %arg14[%parallel_loop3A_296] {strides = array<i32>} : memref<256xf32, #tpu.memory_space<vmem>>, vector<16xf32>,
      %parallel_loop3A_298 = arith.subf %parallel_loop3A_297, %parallel_loop3A_173 : vector<16xf32>
      %parallel_loop3A_299 = arith.constant 128 : index
      %parallel_loop3A_300 = tpu.vector_load %arg15[%parallel_loop3A_299] {strides = array<i32>} : memref<256xf32, #tpu.memory_space<vmem>>, vector<16xf32>,
      %parallel_loop3A_301 = arith.subf %parallel_loop3A_300, %parallel_loop3A_178 : vector<16xf32>
      %parallel_loop3A_302 = arith.constant 128 : index
      %parallel_loop3A_303 = tpu.vector_load %arg16[%parallel_loop3A_302] {strides = array<i32>} : memref<256xf32, #tpu.memory_space<vmem>>, vector<16xf32>,
      %parallel_loop3A_304 = arith.subf %parallel_loop3A_303, %parallel_loop3A_183 : vector<16xf32>
      %parallel_loop3A_305 = arith.mulf %parallel_loop3A_298, %parallel_loop3A_298 : vector<16xf32>
      %parallel_loop3A_306 = arith.mulf %parallel_loop3A_301, %parallel_loop3A_301 : vector<16xf32>
      %parallel_loop3A_307 = arith.addf %parallel_loop3A_305, %parallel_loop3A_306 : vector<16xf32>
      %parallel_loop3A_308 = arith.mulf %parallel_loop3A_304, %parallel_loop3A_304 : vector<16xf32>
      %parallel_loop3A_309 = arith.addf %parallel_loop3A_307, %parallel_loop3A_308 : vector<16xf32>
      %parallel_loop3A_310 = arith.constant 144 : index
      %parallel_loop3A_311 = tpu.vector_load %arg14[%parallel_loop3A_310] {strides = array<i32>} : memref<256xf32, #tpu.memory_space<vmem>>, vector<16xf32>,
      %parallel_loop3A_312 = arith.subf %parallel_loop3A_311, %parallel_loop3A_173 : vector<16xf32>
      %parallel_loop3A_313 = arith.constant 144 : index
      %parallel_loop3A_314 = tpu.vector_load %arg15[%parallel_loop3A_313] {strides = array<i32>} : memref<256xf32, #tpu.memory_space<vmem>>, vector<16xf32>,
      %parallel_loop3A_315 = arith.subf %parallel_loop3A_314, %parallel_loop3A_178 : vector<16xf32>
      %parallel_loop3A_316 = arith.constant 144 : index
      %parallel_loop3A_317 = tpu.vector_load %arg16[%parallel_loop3A_316] {strides = array<i32>} : memref<256xf32, #tpu.memory_space<vmem>>, vector<16xf32>,
      %parallel_loop3A_318 = arith.subf %parallel_loop3A_317, %parallel_loop3A_183 : vector<16xf32>
      %parallel_loop3A_319 = arith.mulf %parallel_loop3A_312, %parallel_loop3A_312 : vector<16xf32>
      %parallel_loop3A_320 = arith.mulf %parallel_loop3A_315, %parallel_loop3A_315 : vector<16xf32>
      %parallel_loop3A_321 = arith.addf %parallel_loop3A_319, %parallel_loop3A_320 : vector<16xf32>
      %parallel_loop3A_322 = arith.mulf %parallel_loop3A_318, %parallel_loop3A_318 : vector<16xf32>
      %parallel_loop3A_323 = arith.addf %parallel_loop3A_321, %parallel_loop3A_322 : vector<16xf32>
      %parallel_loop3A_324 = arith.constant 160 : index
      %parallel_loop3A_325 = tpu.vector_load %arg14[%parallel_loop3A_324] {strides = array<i32>} : memref<256xf32, #tpu.memory_space<vmem>>, vector<16xf32>,
      %parallel_loop3A_326 = arith.subf %parallel_loop3A_325, %parallel_loop3A_173 : vector<16xf32>
      %parallel_loop3A_327 = arith.constant 160 : index
      %parallel_loop3A_328 = tpu.vector_load %arg15[%parallel_loop3A_327] {strides = array<i32>} : memref<256xf32, #tpu.memory_space<vmem>>, vector<16xf32>,
      %parallel_loop3A_329 = arith.subf %parallel_loop3A_328, %parallel_loop3A_178 : vector<16xf32>
      %parallel_loop3A_330 = arith.constant 160 : index
      %parallel_loop3A_331 = tpu.vector_load %arg16[%parallel_loop3A_330] {strides = array<i32>} : memref<256xf32, #tpu.memory_space<vmem>>, vector<16xf32>,
      %parallel_loop3A_332 = arith.subf %parallel_loop3A_331, %parallel_loop3A_183 : vector<16xf32>
      %parallel_loop3A_333 = arith.mulf %parallel_loop3A_326, %parallel_loop3A_326 : vector<16xf32>
      %parallel_loop3A_334 = arith.mulf %parallel_loop3A_329, %parallel_loop3A_329 : vector<16xf32>
      %parallel_loop3A_335 = arith.addf %parallel_loop3A_333, %parallel_loop3A_334 : vector<16xf32>
      %parallel_loop3A_336 = arith.mulf %parallel_loop3A_332, %parallel_loop3A_332 : vector<16xf32>
      %parallel_loop3A_337 = arith.addf %parallel_loop3A_335, %parallel_loop3A_336 : vector<16xf32>
      %parallel_loop3A_338 = arith.constant 176 : index
      %parallel_loop3A_339 = tpu.vector_load %arg14[%parallel_loop3A_338] {strides = array<i32>} : memref<256xf32, #tpu.memory_space<vmem>>, vector<16xf32>,
      %parallel_loop3A_340 = arith.subf %parallel_loop3A_339, %parallel_loop3A_173 : vector<16xf32>
      %parallel_loop3A_341 = arith.constant 176 : index
      %parallel_loop3A_342 = tpu.vector_load %arg15[%parallel_loop3A_341] {strides = array<i32>} : memref<256xf32, #tpu.memory_space<vmem>>, vector<16xf32>,
      %parallel_loop3A_343 = arith.subf %parallel_loop3A_342, %parallel_loop3A_178 : vector<16xf32>
      %parallel_loop3A_344 = arith.constant 176 : index
      %parallel_loop3A_345 = tpu.vector_load %arg16[%parallel_loop3A_344] {strides = array<i32>} : memref<256xf32, #tpu.memory_space<vmem>>, vector<16xf32>,
      %parallel_loop3A_346 = arith.subf %parallel_loop3A_345, %parallel_loop3A_183 : vector<16xf32>
      %parallel_loop3A_347 = arith.mulf %parallel_loop3A_340, %parallel_loop3A_340 : vector<16xf32>
      %parallel_loop3A_348 = arith.mulf %parallel_loop3A_343, %parallel_loop3A_343 : vector<16xf32>
      %parallel_loop3A_349 = arith.addf %parallel_loop3A_347, %parallel_loop3A_348 : vector<16xf32>
      %parallel_loop3A_350 = arith.mulf %parallel_loop3A_346, %parallel_loop3A_346 : vector<16xf32>
      %parallel_loop3A_351 = arith.addf %parallel_loop3A_349, %parallel_loop3A_350 : vector<16xf32>
      %parallel_loop3A_352 = arith.constant 192 : index
      %parallel_loop3A_353 = tpu.vector_load %arg14[%parallel_loop3A_352] {strides = array<i32>} : memref<256xf32, #tpu.memory_space<vmem>>, vector<16xf32>,
      %parallel_loop3A_354 = arith.subf %parallel_loop3A_353, %parallel_loop3A_173 : vector<16xf32>
      %parallel_loop3A_355 = arith.constant 192 : index
      %parallel_loop3A_356 = tpu.vector_load %arg15[%parallel_loop3A_355] {strides = array<i32>} : memref<256xf32, #tpu.memory_space<vmem>>, vector<16xf32>,
      %parallel_loop3A_357 = arith.subf %parallel_loop3A_356, %parallel_loop3A_178 : vector<16xf32>
      %parallel_loop3A_358 = arith.constant 192 : index
      %parallel_loop3A_359 = tpu.vector_load %arg16[%parallel_loop3A_358] {strides = array<i32>} : memref<256xf32, #tpu.memory_space<vmem>>, vector<16xf32>,
      %parallel_loop3A_360 = arith.subf %parallel_loop3A_359, %parallel_loop3A_183 : vector<16xf32>
      %parallel_loop3A_361 = arith.mulf %parallel_loop3A_354, %parallel_loop3A_354 : vector<16xf32>
      %parallel_loop3A_362 = arith.mulf %parallel_loop3A_357, %parallel_loop3A_357 : vector<16xf32>
      %parallel_loop3A_363 = arith.addf %parallel_loop3A_361, %parallel_loop3A_362 : vector<16xf32>
      %parallel_loop3A_364 = arith.mulf %parallel_loop3A_360, %parallel_loop3A_360 : vector<16xf32>
      %parallel_loop3A_365 = arith.addf %parallel_loop3A_363, %parallel_loop3A_364 : vector<16xf32>
      %parallel_loop3A_366 = arith.constant 208 : index
      %parallel_loop3A_367 = tpu.vector_load %arg14[%parallel_loop3A_366] {strides = array<i32>} : memref<256xf32, #tpu.memory_space<vmem>>, vector<16xf32>,
      %parallel_loop3A_368 = arith.subf %parallel_loop3A_367, %parallel_loop3A_173 : vector<16xf32>
      %parallel_loop3A_369 = arith.constant 208 : index
      %parallel_loop3A_370 = tpu.vector_load %arg15[%parallel_loop3A_369] {strides = array<i32>} : memref<256xf32, #tpu.memory_space<vmem>>, vector<16xf32>,
      %parallel_loop3A_371 = arith.subf %parallel_loop3A_370, %parallel_loop3A_178 : vector<16xf32>
      %parallel_loop3A_372 = arith.constant 208 : index
      %parallel_loop3A_373 = tpu.vector_load %arg16[%parallel_loop3A_372] {strides = array<i32>} : memref<256xf32, #tpu.memory_space<vmem>>, vector<16xf32>,
      %parallel_loop3A_374 = arith.subf %parallel_loop3A_373, %parallel_loop3A_183 : vector<16xf32>
      %parallel_loop3A_375 = arith.mulf %parallel_loop3A_368, %parallel_loop3A_368 : vector<16xf32>
      %parallel_loop3A_376 = arith.mulf %parallel_loop3A_371, %parallel_loop3A_371 : vector<16xf32>
      %parallel_loop3A_377 = arith.addf %parallel_loop3A_375, %parallel_loop3A_376 : vector<16xf32>
      %parallel_loop3A_378 = arith.mulf %parallel_loop3A_374, %parallel_loop3A_374 : vector<16xf32>
      %parallel_loop3A_379 = arith.addf %parallel_loop3A_377, %parallel_loop3A_378 : vector<16xf32>
      %parallel_loop3A_380 = arith.constant 224 : index
      %parallel_loop3A_381 = tpu.vector_load %arg14[%parallel_loop3A_380] {strides = array<i32>} : memref<256xf32, #tpu.memory_space<vmem>>, vector<16xf32>,
      %parallel_loop3A_382 = arith.subf %parallel_loop3A_381, %parallel_loop3A_173 : vector<16xf32>
      %parallel_loop3A_383 = arith.constant 224 : index
      %parallel_loop3A_384 = tpu.vector_load %arg15[%parallel_loop3A_383] {strides = array<i32>} : memref<256xf32, #tpu.memory_space<vmem>>, vector<16xf32>,
      %parallel_loop3A_385 = arith.subf %parallel_loop3A_384, %parallel_loop3A_178 : vector<16xf32>
      %parallel_loop3A_386 = arith.constant 224 : index
      %parallel_loop3A_387 = tpu.vector_load %arg16[%parallel_loop3A_386] {strides = array<i32>} : memref<256xf32, #tpu.memory_space<vmem>>, vector<16xf32>,
      %parallel_loop3A_388 = arith.subf %parallel_loop3A_387, %parallel_loop3A_183 : vector<16xf32>
      %parallel_loop3A_389 = arith.mulf %parallel_loop3A_382, %parallel_loop3A_382 : vector<16xf32>
      %parallel_loop3A_390 = arith.mulf %parallel_loop3A_385, %parallel_loop3A_385 : vector<16xf32>
      %parallel_loop3A_391 = arith.addf %parallel_loop3A_389, %parallel_loop3A_390 : vector<16xf32>
      %parallel_loop3A_392 = arith.mulf %parallel_loop3A_388, %parallel_loop3A_388 : vector<16xf32>
      %parallel_loop3A_393 = arith.addf %parallel_loop3A_391, %parallel_loop3A_392 : vector<16xf32>
      %parallel_loop3A_394 = arith.constant 240 : index
      %parallel_loop3A_395 = tpu.vector_load %arg14[%parallel_loop3A_394] {strides = array<i32>} : memref<256xf32, #tpu.memory_space<vmem>>, vector<16xf32>,
      %parallel_loop3A_396 = arith.subf %parallel_loop3A_395, %parallel_loop3A_173 : vector<16xf32>
      %parallel_loop3A_397 = arith.constant 240 : index
      %parallel_loop3A_398 = tpu.vector_load %arg15[%parallel_loop3A_397] {strides = array<i32>} : memref<256xf32, #tpu.memory_space<vmem>>, vector<16xf32>,
      %parallel_loop3A_399 = arith.subf %parallel_loop3A_398, %parallel_loop3A_178 : vector<16xf32>
      %parallel_loop3A_400 = arith.constant 240 : index
      %parallel_loop3A_401 = tpu.vector_load %arg16[%parallel_loop3A_400] {strides = array<i32>} : memref<256xf32, #tpu.memory_space<vmem>>, vector<16xf32>,
      %parallel_loop3A_402 = arith.subf %parallel_loop3A_401, %parallel_loop3A_183 : vector<16xf32>
      %parallel_loop3A_403 = arith.mulf %parallel_loop3A_396, %parallel_loop3A_396 : vector<16xf32>
      %parallel_loop3A_404 = arith.mulf %parallel_loop3A_399, %parallel_loop3A_399 : vector<16xf32>
      %parallel_loop3A_405 = arith.addf %parallel_loop3A_403, %parallel_loop3A_404 : vector<16xf32>
      %parallel_loop3A_406 = arith.mulf %parallel_loop3A_402, %parallel_loop3A_402 : vector<16xf32>
      %parallel_loop3A_407 = arith.addf %parallel_loop3A_405, %parallel_loop3A_406 : vector<16xf32>
      %parallel_loop3A_408 = arith.constant dense<true> : vector<16xi1>
      %parallel_loop3A_409, %parallel_loop3A_410, %parallel_loop3A_411 = tpu.sort %parallel_loop3A_197, %parallel_loop3A_197 masked %parallel_loop3A_408 : (vector<16xf32>, vector<16xf32>, vector<16xi1>) -> (vector<16xi1>, vector<16xf32>, vector<16xf32>)
      %parallel_loop3A_412 = arith.constant dense<true> : vector<16xi1>
      %parallel_loop3A_413, %parallel_loop3A_414, %parallel_loop3A_415 = tpu.sort %parallel_loop3A_211, %parallel_loop3A_211 masked %parallel_loop3A_412 : (vector<16xf32>, vector<16xf32>, vector<16xi1>) -> (vector<16xi1>, vector<16xf32>, vector<16xf32>)
      %parallel_loop3A_416 = arith.constant dense<true> : vector<16xi1>
      %parallel_loop3A_417, %parallel_loop3A_418, %parallel_loop3A_419 = tpu.sort %parallel_loop3A_225, %parallel_loop3A_225 masked %parallel_loop3A_416 : (vector<16xf32>, vector<16xf32>, vector<16xi1>) -> (vector<16xi1>, vector<16xf32>, vector<16xf32>)
      %parallel_loop3A_420 = arith.constant dense<true> : vector<16xi1>
      %parallel_loop3A_421, %parallel_loop3A_422, %parallel_loop3A_423 = tpu.sort %parallel_loop3A_239, %parallel_loop3A_239 masked %parallel_loop3A_420 : (vector<16xf32>, vector<16xf32>, vector<16xi1>) -> (vector<16xi1>, vector<16xf32>, vector<16xf32>)
      %parallel_loop3A_424 = arith.constant dense<true> : vector<16xi1>
      %parallel_loop3A_425, %parallel_loop3A_426, %parallel_loop3A_427 = tpu.sort %parallel_loop3A_253, %parallel_loop3A_253 masked %parallel_loop3A_424 : (vector<16xf32>, vector<16xf32>, vector<16xi1>) -> (vector<16xi1>, vector<16xf32>, vector<16xf32>)
      %parallel_loop3A_428 = arith.constant dense<true> : vector<16xi1>
      %parallel_loop3A_429, %parallel_loop3A_430, %parallel_loop3A_431 = tpu.sort %parallel_loop3A_267, %parallel_loop3A_267 masked %parallel_loop3A_428 : (vector<16xf32>, vector<16xf32>, vector<16xi1>) -> (vector<16xi1>, vector<16xf32>, vector<16xf32>)
      %parallel_loop3A_432 = arith.constant dense<true> : vector<16xi1>
      %parallel_loop3A_433, %parallel_loop3A_434, %parallel_loop3A_435 = tpu.sort %parallel_loop3A_281, %parallel_loop3A_281 masked %parallel_loop3A_432 : (vector<16xf32>, vector<16xf32>, vector<16xi1>) -> (vector<16xi1>, vector<16xf32>, vector<16xf32>)
      %parallel_loop3A_436 = arith.constant dense<true> : vector<16xi1>
      %parallel_loop3A_437, %parallel_loop3A_438, %parallel_loop3A_439 = tpu.sort %parallel_loop3A_295, %parallel_loop3A_295 masked %parallel_loop3A_436 : (vector<16xf32>, vector<16xf32>, vector<16xi1>) -> (vector<16xi1>, vector<16xf32>, vector<16xf32>)
      %parallel_loop3A_440 = arith.constant dense<true> : vector<16xi1>
      %parallel_loop3A_441, %parallel_loop3A_442, %parallel_loop3A_443 = tpu.sort %parallel_loop3A_309, %parallel_loop3A_309 masked %parallel_loop3A_440 : (vector<16xf32>, vector<16xf32>, vector<16xi1>) -> (vector<16xi1>, vector<16xf32>, vector<16xf32>)
      %parallel_loop3A_444 = arith.constant dense<true> : vector<16xi1>
      %parallel_loop3A_445, %parallel_loop3A_446, %parallel_loop3A_447 = tpu.sort %parallel_loop3A_323, %parallel_loop3A_323 masked %parallel_loop3A_444 : (vector<16xf32>, vector<16xf32>, vector<16xi1>) -> (vector<16xi1>, vector<16xf32>, vector<16xf32>)
      %parallel_loop3A_448 = arith.constant dense<true> : vector<16xi1>
      %parallel_loop3A_449, %parallel_loop3A_450, %parallel_loop3A_451 = tpu.sort %parallel_loop3A_337, %parallel_loop3A_337 masked %parallel_loop3A_448 : (vector<16xf32>, vector<16xf32>, vector<16xi1>) -> (vector<16xi1>, vector<16xf32>, vector<16xf32>)
      %parallel_loop3A_452 = arith.constant dense<true> : vector<16xi1>
      %parallel_loop3A_453, %parallel_loop3A_454, %parallel_loop3A_455 = tpu.sort %parallel_loop3A_351, %parallel_loop3A_351 masked %parallel_loop3A_452 : (vector<16xf32>, vector<16xf32>, vector<16xi1>) -> (vector<16xi1>, vector<16xf32>, vector<16xf32>)
      %parallel_loop3A_456 = arith.constant dense<true> : vector<16xi1>
      %parallel_loop3A_457, %parallel_loop3A_458, %parallel_loop3A_459 = tpu.sort %parallel_loop3A_365, %parallel_loop3A_365 masked %parallel_loop3A_456 : (vector<16xf32>, vector<16xf32>, vector<16xi1>) -> (vector<16xi1>, vector<16xf32>, vector<16xf32>)
      %parallel_loop3A_460 = arith.constant dense<true> : vector<16xi1>
      %parallel_loop3A_461, %parallel_loop3A_462, %parallel_loop3A_463 = tpu.sort %parallel_loop3A_379, %parallel_loop3A_379 masked %parallel_loop3A_460 : (vector<16xf32>, vector<16xf32>, vector<16xi1>) -> (vector<16xi1>, vector<16xf32>, vector<16xf32>)
      %parallel_loop3A_464 = arith.constant dense<true> : vector<16xi1>
      %parallel_loop3A_465, %parallel_loop3A_466, %parallel_loop3A_467 = tpu.sort %parallel_loop3A_393, %parallel_loop3A_393 masked %parallel_loop3A_464 : (vector<16xf32>, vector<16xf32>, vector<16xi1>) -> (vector<16xi1>, vector<16xf32>, vector<16xf32>)
      %parallel_loop3A_468 = arith.constant dense<true> : vector<16xi1>
      %parallel_loop3A_469, %parallel_loop3A_470, %parallel_loop3A_471 = tpu.sort %parallel_loop3A_407, %parallel_loop3A_407 masked %parallel_loop3A_468 : (vector<16xf32>, vector<16xf32>, vector<16xi1>) -> (vector<16xi1>, vector<16xf32>, vector<16xf32>)
      %parallel_loop3A_472 = arith.constant 15 : i32
      %parallel_loop3A_473 = vector.broadcast %parallel_loop3A_472 : i32 to vector<16xi32>
      %parallel_loop3A_474 = tpu.iota {dimensions = array<i32: 0>} : vector<16xi32>
      %parallel_loop3A_475 = arith.subi %parallel_loop3A_473, %parallel_loop3A_474 : vector<16xi32>
      %parallel_loop3A_476 = tpu.dynamic_gather %parallel_loop3A_414[%parallel_loop3A_475] in [0] : vector<16xf32>, vector<16xi32> -> vector<16xf32>
      %parallel_loop3A_477 = arith.minimumf %parallel_loop3A_410, %parallel_loop3A_476 : vector<16xf32>
      %parallel_loop3A_478 = arith.constant dense<true> : vector<16xi1>
      %parallel_loop3A_479, %parallel_loop3A_480, %parallel_loop3A_481 = tpu.sort %parallel_loop3A_477, %parallel_loop3A_477 masked %parallel_loop3A_478 : (vector<16xf32>, vector<16xf32>, vector<16xi1>) -> (vector<16xi1>, vector<16xf32>, vector<16xf32>)
      %parallel_loop3A_482 = arith.constant 15 : i32
      %parallel_loop3A_483 = vector.broadcast %parallel_loop3A_482 : i32 to vector<16xi32>
      %parallel_loop3A_484 = tpu.iota {dimensions = array<i32: 0>} : vector<16xi32>
      %parallel_loop3A_485 = arith.subi %parallel_loop3A_483, %parallel_loop3A_484 : vector<16xi32>
      %parallel_loop3A_486 = tpu.dynamic_gather %parallel_loop3A_422[%parallel_loop3A_485] in [0] : vector<16xf32>, vector<16xi32> -> vector<16xf32>
      %parallel_loop3A_487 = arith.minimumf %parallel_loop3A_418, %parallel_loop3A_486 : vector<16xf32>
      %parallel_loop3A_488 = arith.constant dense<true> : vector<16xi1>
      %parallel_loop3A_489, %parallel_loop3A_490, %parallel_loop3A_491 = tpu.sort %parallel_loop3A_487, %parallel_loop3A_487 masked %parallel_loop3A_488 : (vector<16xf32>, vector<16xf32>, vector<16xi1>) -> (vector<16xi1>, vector<16xf32>, vector<16xf32>)
      %parallel_loop3A_492 = arith.constant 15 : i32
      %parallel_loop3A_493 = vector.broadcast %parallel_loop3A_492 : i32 to vector<16xi32>
      %parallel_loop3A_494 = tpu.iota {dimensions = array<i32: 0>} : vector<16xi32>
      %parallel_loop3A_495 = arith.subi %parallel_loop3A_493, %parallel_loop3A_494 : vector<16xi32>
      %parallel_loop3A_496 = tpu.dynamic_gather %parallel_loop3A_430[%parallel_loop3A_495] in [0] : vector<16xf32>, vector<16xi32> -> vector<16xf32>
      %parallel_loop3A_497 = arith.minimumf %parallel_loop3A_426, %parallel_loop3A_496 : vector<16xf32>
      %parallel_loop3A_498 = arith.constant dense<true> : vector<16xi1>
      %parallel_loop3A_499, %parallel_loop3A_500, %parallel_loop3A_501 = tpu.sort %parallel_loop3A_497, %parallel_loop3A_497 masked %parallel_loop3A_498 : (vector<16xf32>, vector<16xf32>, vector<16xi1>) -> (vector<16xi1>, vector<16xf32>, vector<16xf32>)
      %parallel_loop3A_502 = arith.constant 15 : i32
      %parallel_loop3A_503 = vector.broadcast %parallel_loop3A_502 : i32 to vector<16xi32>
      %parallel_loop3A_504 = tpu.iota {dimensions = array<i32: 0>} : vector<16xi32>
      %parallel_loop3A_505 = arith.subi %parallel_loop3A_503, %parallel_loop3A_504 : vector<16xi32>
      %parallel_loop3A_506 = tpu.dynamic_gather %parallel_loop3A_438[%parallel_loop3A_505] in [0] : vector<16xf32>, vector<16xi32> -> vector<16xf32>
      %parallel_loop3A_507 = arith.minimumf %parallel_loop3A_434, %parallel_loop3A_506 : vector<16xf32>
      %parallel_loop3A_508 = arith.constant dense<true> : vector<16xi1>
      %parallel_loop3A_509, %parallel_loop3A_510, %parallel_loop3A_511 = tpu.sort %parallel_loop3A_507, %parallel_loop3A_507 masked %parallel_loop3A_508 : (vector<16xf32>, vector<16xf32>, vector<16xi1>) -> (vector<16xi1>, vector<16xf32>, vector<16xf32>)
      %parallel_loop3A_512 = arith.constant 15 : i32
      %parallel_loop3A_513 = vector.broadcast %parallel_loop3A_512 : i32 to vector<16xi32>
      %parallel_loop3A_514 = tpu.iota {dimensions = array<i32: 0>} : vector<16xi32>
      %parallel_loop3A_515 = arith.subi %parallel_loop3A_513, %parallel_loop3A_514 : vector<16xi32>
      %parallel_loop3A_516 = tpu.dynamic_gather %parallel_loop3A_446[%parallel_loop3A_515] in [0] : vector<16xf32>, vector<16xi32> -> vector<16xf32>
      %parallel_loop3A_517 = arith.minimumf %parallel_loop3A_442, %parallel_loop3A_516 : vector<16xf32>
      %parallel_loop3A_518 = arith.constant dense<true> : vector<16xi1>
      %parallel_loop3A_519, %parallel_loop3A_520, %parallel_loop3A_521 = tpu.sort %parallel_loop3A_517, %parallel_loop3A_517 masked %parallel_loop3A_518 : (vector<16xf32>, vector<16xf32>, vector<16xi1>) -> (vector<16xi1>, vector<16xf32>, vector<16xf32>)
      %parallel_loop3A_522 = arith.constant 15 : i32
      %parallel_loop3A_523 = vector.broadcast %parallel_loop3A_522 : i32 to vector<16xi32>
      %parallel_loop3A_524 = tpu.iota {dimensions = array<i32: 0>} : vector<16xi32>
      %parallel_loop3A_525 = arith.subi %parallel_loop3A_523, %parallel_loop3A_524 : vector<16xi32>
      %parallel_loop3A_526 = tpu.dynamic_gather %parallel_loop3A_454[%parallel_loop3A_525] in [0] : vector<16xf32>, vector<16xi32> -> vector<16xf32>
      %parallel_loop3A_527 = arith.minimumf %parallel_loop3A_450, %parallel_loop3A_526 : vector<16xf32>
      %parallel_loop3A_528 = arith.constant dense<true> : vector<16xi1>
      %parallel_loop3A_529, %parallel_loop3A_530, %parallel_loop3A_531 = tpu.sort %parallel_loop3A_527, %parallel_loop3A_527 masked %parallel_loop3A_528 : (vector<16xf32>, vector<16xf32>, vector<16xi1>) -> (vector<16xi1>, vector<16xf32>, vector<16xf32>)
      %parallel_loop3A_532 = arith.constant 15 : i32
      %parallel_loop3A_533 = vector.broadcast %parallel_loop3A_532 : i32 to vector<16xi32>
      %parallel_loop3A_534 = tpu.iota {dimensions = array<i32: 0>} : vector<16xi32>
      %parallel_loop3A_535 = arith.subi %parallel_loop3A_533, %parallel_loop3A_534 : vector<16xi32>
      %parallel_loop3A_536 = tpu.dynamic_gather %parallel_loop3A_462[%parallel_loop3A_535] in [0] : vector<16xf32>, vector<16xi32> -> vector<16xf32>
      %parallel_loop3A_537 = arith.minimumf %parallel_loop3A_458, %parallel_loop3A_536 : vector<16xf32>
      %parallel_loop3A_538 = arith.constant dense<true> : vector<16xi1>
      %parallel_loop3A_539, %parallel_loop3A_540, %parallel_loop3A_541 = tpu.sort %parallel_loop3A_537, %parallel_loop3A_537 masked %parallel_loop3A_538 : (vector<16xf32>, vector<16xf32>, vector<16xi1>) -> (vector<16xi1>, vector<16xf32>, vector<16xf32>)
      %parallel_loop3A_542 = arith.constant 15 : i32
      %parallel_loop3A_543 = vector.broadcast %parallel_loop3A_542 : i32 to vector<16xi32>
      %parallel_loop3A_544 = tpu.iota {dimensions = array<i32: 0>} : vector<16xi32>
      %parallel_loop3A_545 = arith.subi %parallel_loop3A_543, %parallel_loop3A_544 : vector<16xi32>
      %parallel_loop3A_546 = tpu.dynamic_gather %parallel_loop3A_470[%parallel_loop3A_545] in [0] : vector<16xf32>, vector<16xi32> -> vector<16xf32>
      %parallel_loop3A_547 = arith.minimumf %parallel_loop3A_466, %parallel_loop3A_546 : vector<16xf32>
      %parallel_loop3A_548 = arith.constant dense<true> : vector<16xi1>
      %parallel_loop3A_549, %parallel_loop3A_550, %parallel_loop3A_551 = tpu.sort %parallel_loop3A_547, %parallel_loop3A_547 masked %parallel_loop3A_548 : (vector<16xf32>, vector<16xf32>, vector<16xi1>) -> (vector<16xi1>, vector<16xf32>, vector<16xf32>)
      %parallel_loop3A_552 = arith.constant 15 : i32
      %parallel_loop3A_553 = vector.broadcast %parallel_loop3A_552 : i32 to vector<16xi32>
      %parallel_loop3A_554 = tpu.iota {dimensions = array<i32: 0>} : vector<16xi32>
      %parallel_loop3A_555 = arith.subi %parallel_loop3A_553, %parallel_loop3A_554 : vector<16xi32>
      %parallel_loop3A_556 = tpu.dynamic_gather %parallel_loop3A_490[%parallel_loop3A_555] in [0] : vector<16xf32>, vector<16xi32> -> vector<16xf32>
      %parallel_loop3A_557 = arith.minimumf %parallel_loop3A_480, %parallel_loop3A_556 : vector<16xf32>
      %parallel_loop3A_558 = arith.constant dense<true> : vector<16xi1>
      %parallel_loop3A_559, %parallel_loop3A_560, %parallel_loop3A_561 = tpu.sort %parallel_loop3A_557, %parallel_loop3A_557 masked %parallel_loop3A_558 : (vector<16xf32>, vector<16xf32>, vector<16xi1>) -> (vector<16xi1>, vector<16xf32>, vector<16xf32>)
      %parallel_loop3A_562 = arith.constant 15 : i32
      %parallel_loop3A_563 = vector.broadcast %parallel_loop3A_562 : i32 to vector<16xi32>
      %parallel_loop3A_564 = tpu.iota {dimensions = array<i32: 0>} : vector<16xi32>
      %parallel_loop3A_565 = arith.subi %parallel_loop3A_563, %parallel_loop3A_564 : vector<16xi32>
      %parallel_loop3A_566 = tpu.dynamic_gather %parallel_loop3A_510[%parallel_loop3A_565] in [0] : vector<16xf32>, vector<16xi32> -> vector<16xf32>
      %parallel_loop3A_567 = arith.minimumf %parallel_loop3A_500, %parallel_loop3A_566 : vector<16xf32>
      %parallel_loop3A_568 = arith.constant dense<true> : vector<16xi1>
      %parallel_loop3A_569, %parallel_loop3A_570, %parallel_loop3A_571 = tpu.sort %parallel_loop3A_567, %parallel_loop3A_567 masked %parallel_loop3A_568 : (vector<16xf32>, vector<16xf32>, vector<16xi1>) -> (vector<16xi1>, vector<16xf32>, vector<16xf32>)
      %parallel_loop3A_572 = arith.constant 15 : i32
      %parallel_loop3A_573 = vector.broadcast %parallel_loop3A_572 : i32 to vector<16xi32>
      %parallel_loop3A_574 = tpu.iota {dimensions = array<i32: 0>} : vector<16xi32>
      %parallel_loop3A_575 = arith.subi %parallel_loop3A_573, %parallel_loop3A_574 : vector<16xi32>
      %parallel_loop3A_576 = tpu.dynamic_gather %parallel_loop3A_530[%parallel_loop3A_575] in [0] : vector<16xf32>, vector<16xi32> -> vector<16xf32>
      %parallel_loop3A_577 = arith.minimumf %parallel_loop3A_520, %parallel_loop3A_576 : vector<16xf32>
      %parallel_loop3A_578 = arith.constant dense<true> : vector<16xi1>
      %parallel_loop3A_579, %parallel_loop3A_580, %parallel_loop3A_581 = tpu.sort %parallel_loop3A_577, %parallel_loop3A_577 masked %parallel_loop3A_578 : (vector<16xf32>, vector<16xf32>, vector<16xi1>) -> (vector<16xi1>, vector<16xf32>, vector<16xf32>)
      %parallel_loop3A_582 = arith.constant 15 : i32
      %parallel_loop3A_583 = vector.broadcast %parallel_loop3A_582 : i32 to vector<16xi32>
      %parallel_loop3A_584 = tpu.iota {dimensions = array<i32: 0>} : vector<16xi32>
      %parallel_loop3A_585 = arith.subi %parallel_loop3A_583, %parallel_loop3A_584 : vector<16xi32>
      %parallel_loop3A_586 = tpu.dynamic_gather %parallel_loop3A_550[%parallel_loop3A_585] in [0] : vector<16xf32>, vector<16xi32> -> vector<16xf32>
      %parallel_loop3A_587 = arith.minimumf %parallel_loop3A_540, %parallel_loop3A_586 : vector<16xf32>
      %parallel_loop3A_588 = arith.constant dense<true> : vector<16xi1>
      %parallel_loop3A_589, %parallel_loop3A_590, %parallel_loop3A_591 = tpu.sort %parallel_loop3A_587, %parallel_loop3A_587 masked %parallel_loop3A_588 : (vector<16xf32>, vector<16xf32>, vector<16xi1>) -> (vector<16xi1>, vector<16xf32>, vector<16xf32>)
      %parallel_loop3A_592 = arith.constant 15 : i32
      %parallel_loop3A_593 = vector.broadcast %parallel_loop3A_592 : i32 to vector<16xi32>
      %parallel_loop3A_594 = tpu.iota {dimensions = array<i32: 0>} : vector<16xi32>
      %parallel_loop3A_595 = arith.subi %parallel_loop3A_593, %parallel_loop3A_594 : vector<16xi32>
      %parallel_loop3A_596 = tpu.dynamic_gather %parallel_loop3A_570[%parallel_loop3A_595] in [0] : vector<16xf32>, vector<16xi32> -> vector<16xf32>
      %parallel_loop3A_597 = arith.minimumf %parallel_loop3A_560, %parallel_loop3A_596 : vector<16xf32>
      %parallel_loop3A_598 = arith.constant dense<true> : vector<16xi1>
      %parallel_loop3A_599, %parallel_loop3A_600, %parallel_loop3A_601 = tpu.sort %parallel_loop3A_597, %parallel_loop3A_597 masked %parallel_loop3A_598 : (vector<16xf32>, vector<16xf32>, vector<16xi1>) -> (vector<16xi1>, vector<16xf32>, vector<16xf32>)
      %parallel_loop3A_602 = arith.constant 15 : i32
      %parallel_loop3A_603 = vector.broadcast %parallel_loop3A_602 : i32 to vector<16xi32>
      %parallel_loop3A_604 = tpu.iota {dimensions = array<i32: 0>} : vector<16xi32>
      %parallel_loop3A_605 = arith.subi %parallel_loop3A_603, %parallel_loop3A_604 : vector<16xi32>
      %parallel_loop3A_606 = tpu.dynamic_gather %parallel_loop3A_590[%parallel_loop3A_605] in [0] : vector<16xf32>, vector<16xi32> -> vector<16xf32>
      %parallel_loop3A_607 = arith.minimumf %parallel_loop3A_580, %parallel_loop3A_606 : vector<16xf32>
      %parallel_loop3A_608 = arith.constant dense<true> : vector<16xi1>
      %parallel_loop3A_609, %parallel_loop3A_610, %parallel_loop3A_611 = tpu.sort %parallel_loop3A_607, %parallel_loop3A_607 masked %parallel_loop3A_608 : (vector<16xf32>, vector<16xf32>, vector<16xi1>) -> (vector<16xi1>, vector<16xf32>, vector<16xf32>)
      %parallel_loop3A_612 = arith.constant 15 : i32
      %parallel_loop3A_613 = vector.broadcast %parallel_loop3A_612 : i32 to vector<16xi32>
      %parallel_loop3A_614 = tpu.iota {dimensions = array<i32: 0>} : vector<16xi32>
      %parallel_loop3A_615 = arith.subi %parallel_loop3A_613, %parallel_loop3A_614 : vector<16xi32>
      %parallel_loop3A_616 = tpu.dynamic_gather %parallel_loop3A_610[%parallel_loop3A_615] in [0] : vector<16xf32>, vector<16xi32> -> vector<16xf32>
      %parallel_loop3A_617 = arith.minimumf %parallel_loop3A_600, %parallel_loop3A_616 : vector<16xf32>
      %parallel_loop3A_618 = arith.constant dense<true> : vector<16xi1>
      %parallel_loop3A_619, %parallel_loop3A_620, %parallel_loop3A_621 = tpu.sort %parallel_loop3A_617, %parallel_loop3A_617 masked %parallel_loop3A_618 : (vector<16xf32>, vector<16xf32>, vector<16xi1>) -> (vector<16xi1>, vector<16xf32>, vector<16xf32>)
      %parallel_loop3A_622 = arith.constant 15 : i32
      %parallel_loop3A_623 = vector.broadcast %parallel_loop3A_622 : i32 to vector<16xi32>
      %parallel_loop3A_624 = vector.shape_cast %parallel_loop3A_623 : vector<16xi32> to vector<16x1xi32>
      %parallel_loop3A_625 = vector.shape_cast %parallel_loop3A_624 : vector<16x1xi32> to vector<16xi32>
      %parallel_loop3A_626 = tpu.dynamic_gather %parallel_loop3A_620[%parallel_loop3A_625] in [0] : vector<16xf32>, vector<16xi32> -> vector<16xf32>
      %parallel_loop3A_627 = arith.cmpf ole, %parallel_loop3A_197, %parallel_loop3A_626 : vector<16xf32>
      %parallel_loop3A_628 = arith.constant -1.250000e+01 : f32
      %parallel_loop3A_629 = vector.broadcast %parallel_loop3A_628 : f32 to vector<16xf32>
      %parallel_loop3A_630 = arith.mulf %parallel_loop3A_197, %parallel_loop3A_629 : vector<16xf32>
      %parallel_loop3A_631 = math.exp %parallel_loop3A_630 : vector<16xf32>
      %parallel_loop3A_632 = arith.constant 0.000000e+00 : f32
      %parallel_loop3A_633 = vector.broadcast %parallel_loop3A_632 : f32 to vector<16xf32>
      %parallel_loop3A_634 = arith.select %parallel_loop3A_627, %parallel_loop3A_631, %parallel_loop3A_633 : vector<16xi1>, vector<16xf32>
      %parallel_loop3A_635 = arith.cmpf ole, %parallel_loop3A_211, %parallel_loop3A_626 : vector<16xf32>
      %parallel_loop3A_636 = arith.constant -1.250000e+01 : f32
      %parallel_loop3A_637 = vector.broadcast %parallel_loop3A_636 : f32 to vector<16xf32>
      %parallel_loop3A_638 = arith.mulf %parallel_loop3A_211, %parallel_loop3A_637 : vector<16xf32>
      %parallel_loop3A_639 = math.exp %parallel_loop3A_638 : vector<16xf32>
      %parallel_loop3A_640 = arith.constant 0.000000e+00 : f32
      %parallel_loop3A_641 = vector.broadcast %parallel_loop3A_640 : f32 to vector<16xf32>
      %parallel_loop3A_642 = arith.select %parallel_loop3A_635, %parallel_loop3A_639, %parallel_loop3A_641 : vector<16xi1>, vector<16xf32>
      %parallel_loop3A_643 = arith.cmpf ole, %parallel_loop3A_225, %parallel_loop3A_626 : vector<16xf32>
      %parallel_loop3A_644 = arith.constant -1.250000e+01 : f32
      %parallel_loop3A_645 = vector.broadcast %parallel_loop3A_644 : f32 to vector<16xf32>
      %parallel_loop3A_646 = arith.mulf %parallel_loop3A_225, %parallel_loop3A_645 : vector<16xf32>
      %parallel_loop3A_647 = math.exp %parallel_loop3A_646 : vector<16xf32>
      %parallel_loop3A_648 = arith.constant 0.000000e+00 : f32
      %parallel_loop3A_649 = vector.broadcast %parallel_loop3A_648 : f32 to vector<16xf32>
      %parallel_loop3A_650 = arith.select %parallel_loop3A_643, %parallel_loop3A_647, %parallel_loop3A_649 : vector<16xi1>, vector<16xf32>
      %parallel_loop3A_651 = arith.cmpf ole, %parallel_loop3A_239, %parallel_loop3A_626 : vector<16xf32>
      %parallel_loop3A_652 = arith.constant -1.250000e+01 : f32
      %parallel_loop3A_653 = vector.broadcast %parallel_loop3A_652 : f32 to vector<16xf32>
      %parallel_loop3A_654 = arith.mulf %parallel_loop3A_239, %parallel_loop3A_653 : vector<16xf32>
      %parallel_loop3A_655 = math.exp %parallel_loop3A_654 : vector<16xf32>
      %parallel_loop3A_656 = arith.constant 0.000000e+00 : f32
      %parallel_loop3A_657 = vector.broadcast %parallel_loop3A_656 : f32 to vector<16xf32>
      %parallel_loop3A_658 = arith.select %parallel_loop3A_651, %parallel_loop3A_655, %parallel_loop3A_657 : vector<16xi1>, vector<16xf32>
      %parallel_loop3A_659 = arith.cmpf ole, %parallel_loop3A_253, %parallel_loop3A_626 : vector<16xf32>
      %parallel_loop3A_660 = arith.constant -1.250000e+01 : f32
      %parallel_loop3A_661 = vector.broadcast %parallel_loop3A_660 : f32 to vector<16xf32>
      %parallel_loop3A_662 = arith.mulf %parallel_loop3A_253, %parallel_loop3A_661 : vector<16xf32>
      %parallel_loop3A_663 = math.exp %parallel_loop3A_662 : vector<16xf32>
      %parallel_loop3A_664 = arith.constant 0.000000e+00 : f32
      %parallel_loop3A_665 = vector.broadcast %parallel_loop3A_664 : f32 to vector<16xf32>
      %parallel_loop3A_666 = arith.select %parallel_loop3A_659, %parallel_loop3A_663, %parallel_loop3A_665 : vector<16xi1>, vector<16xf32>
      %parallel_loop3A_667 = arith.cmpf ole, %parallel_loop3A_267, %parallel_loop3A_626 : vector<16xf32>
      %parallel_loop3A_668 = arith.constant -1.250000e+01 : f32
      %parallel_loop3A_669 = vector.broadcast %parallel_loop3A_668 : f32 to vector<16xf32>
      %parallel_loop3A_670 = arith.mulf %parallel_loop3A_267, %parallel_loop3A_669 : vector<16xf32>
      %parallel_loop3A_671 = math.exp %parallel_loop3A_670 : vector<16xf32>
      %parallel_loop3A_672 = arith.constant 0.000000e+00 : f32
      %parallel_loop3A_673 = vector.broadcast %parallel_loop3A_672 : f32 to vector<16xf32>
      %parallel_loop3A_674 = arith.select %parallel_loop3A_667, %parallel_loop3A_671, %parallel_loop3A_673 : vector<16xi1>, vector<16xf32>
      %parallel_loop3A_675 = arith.cmpf ole, %parallel_loop3A_281, %parallel_loop3A_626 : vector<16xf32>
      %parallel_loop3A_676 = arith.constant -1.250000e+01 : f32
      %parallel_loop3A_677 = vector.broadcast %parallel_loop3A_676 : f32 to vector<16xf32>
      %parallel_loop3A_678 = arith.mulf %parallel_loop3A_281, %parallel_loop3A_677 : vector<16xf32>
      %parallel_loop3A_679 = math.exp %parallel_loop3A_678 : vector<16xf32>
      %parallel_loop3A_680 = arith.constant 0.000000e+00 : f32
      %parallel_loop3A_681 = vector.broadcast %parallel_loop3A_680 : f32 to vector<16xf32>
      %parallel_loop3A_682 = arith.select %parallel_loop3A_675, %parallel_loop3A_679, %parallel_loop3A_681 : vector<16xi1>, vector<16xf32>
      %parallel_loop3A_683 = arith.cmpf ole, %parallel_loop3A_295, %parallel_loop3A_626 : vector<16xf32>
      %parallel_loop3A_684 = arith.constant -1.250000e+01 : f32
      %parallel_loop3A_685 = vector.broadcast %parallel_loop3A_684 : f32 to vector<16xf32>
      %parallel_loop3A_686 = arith.mulf %parallel_loop3A_295, %parallel_loop3A_685 : vector<16xf32>
      %parallel_loop3A_687 = math.exp %parallel_loop3A_686 : vector<16xf32>
      %parallel_loop3A_688 = arith.constant 0.000000e+00 : f32
      %parallel_loop3A_689 = vector.broadcast %parallel_loop3A_688 : f32 to vector<16xf32>
      %parallel_loop3A_690 = arith.select %parallel_loop3A_683, %parallel_loop3A_687, %parallel_loop3A_689 : vector<16xi1>, vector<16xf32>
      %parallel_loop3A_691 = arith.cmpf ole, %parallel_loop3A_309, %parallel_loop3A_626 : vector<16xf32>
      %parallel_loop3A_692 = arith.constant -1.250000e+01 : f32
      %parallel_loop3A_693 = vector.broadcast %parallel_loop3A_692 : f32 to vector<16xf32>
      %parallel_loop3A_694 = arith.mulf %parallel_loop3A_309, %parallel_loop3A_693 : vector<16xf32>
      %parallel_loop3A_695 = math.exp %parallel_loop3A_694 : vector<16xf32>
      %parallel_loop3A_696 = arith.constant 0.000000e+00 : f32
      %parallel_loop3A_697 = vector.broadcast %parallel_loop3A_696 : f32 to vector<16xf32>
      %parallel_loop3A_698 = arith.select %parallel_loop3A_691, %parallel_loop3A_695, %parallel_loop3A_697 : vector<16xi1>, vector<16xf32>
      %parallel_loop3A_699 = arith.cmpf ole, %parallel_loop3A_323, %parallel_loop3A_626 : vector<16xf32>
      %parallel_loop3A_700 = arith.constant -1.250000e+01 : f32
      %parallel_loop3A_701 = vector.broadcast %parallel_loop3A_700 : f32 to vector<16xf32>
      %parallel_loop3A_702 = arith.mulf %parallel_loop3A_323, %parallel_loop3A_701 : vector<16xf32>
      %parallel_loop3A_703 = math.exp %parallel_loop3A_702 : vector<16xf32>
      %parallel_loop3A_704 = arith.constant 0.000000e+00 : f32
      %parallel_loop3A_705 = vector.broadcast %parallel_loop3A_704 : f32 to vector<16xf32>
      %parallel_loop3A_706 = arith.select %parallel_loop3A_699, %parallel_loop3A_703, %parallel_loop3A_705 : vector<16xi1>, vector<16xf32>
      %parallel_loop3A_707 = arith.cmpf ole, %parallel_loop3A_337, %parallel_loop3A_626 : vector<16xf32>
      %parallel_loop3A_708 = arith.constant -1.250000e+01 : f32
      %parallel_loop3A_709 = vector.broadcast %parallel_loop3A_708 : f32 to vector<16xf32>
      %parallel_loop3A_710 = arith.mulf %parallel_loop3A_337, %parallel_loop3A_709 : vector<16xf32>
      %parallel_loop3A_711 = math.exp %parallel_loop3A_710 : vector<16xf32>
      %parallel_loop3A_712 = arith.constant 0.000000e+00 : f32
      %parallel_loop3A_713 = vector.broadcast %parallel_loop3A_712 : f32 to vector<16xf32>
      %parallel_loop3A_714 = arith.select %parallel_loop3A_707, %parallel_loop3A_711, %parallel_loop3A_713 : vector<16xi1>, vector<16xf32>
      %parallel_loop3A_715 = arith.cmpf ole, %parallel_loop3A_351, %parallel_loop3A_626 : vector<16xf32>
      %parallel_loop3A_716 = arith.constant -1.250000e+01 : f32
      %parallel_loop3A_717 = vector.broadcast %parallel_loop3A_716 : f32 to vector<16xf32>
      %parallel_loop3A_718 = arith.mulf %parallel_loop3A_351, %parallel_loop3A_717 : vector<16xf32>
      %parallel_loop3A_719 = math.exp %parallel_loop3A_718 : vector<16xf32>
      %parallel_loop3A_720 = arith.constant 0.000000e+00 : f32
      %parallel_loop3A_721 = vector.broadcast %parallel_loop3A_720 : f32 to vector<16xf32>
      %parallel_loop3A_722 = arith.select %parallel_loop3A_715, %parallel_loop3A_719, %parallel_loop3A_721 : vector<16xi1>, vector<16xf32>
      %parallel_loop3A_723 = arith.cmpf ole, %parallel_loop3A_365, %parallel_loop3A_626 : vector<16xf32>
      %parallel_loop3A_724 = arith.constant -1.250000e+01 : f32
      %parallel_loop3A_725 = vector.broadcast %parallel_loop3A_724 : f32 to vector<16xf32>
      %parallel_loop3A_726 = arith.mulf %parallel_loop3A_365, %parallel_loop3A_725 : vector<16xf32>
      %parallel_loop3A_727 = math.exp %parallel_loop3A_726 : vector<16xf32>
      %parallel_loop3A_728 = arith.constant 0.000000e+00 : f32
      %parallel_loop3A_729 = vector.broadcast %parallel_loop3A_728 : f32 to vector<16xf32>
      %parallel_loop3A_730 = arith.select %parallel_loop3A_723, %parallel_loop3A_727, %parallel_loop3A_729 : vector<16xi1>, vector<16xf32>
      %parallel_loop3A_731 = arith.cmpf ole, %parallel_loop3A_379, %parallel_loop3A_626 : vector<16xf32>
      %parallel_loop3A_732 = arith.constant -1.250000e+01 : f32
      %parallel_loop3A_733 = vector.broadcast %parallel_loop3A_732 : f32 to vector<16xf32>
      %parallel_loop3A_734 = arith.mulf %parallel_loop3A_379, %parallel_loop3A_733 : vector<16xf32>
      %parallel_loop3A_735 = math.exp %parallel_loop3A_734 : vector<16xf32>
      %parallel_loop3A_736 = arith.constant 0.000000e+00 : f32
      %parallel_loop3A_737 = vector.broadcast %parallel_loop3A_736 : f32 to vector<16xf32>
      %parallel_loop3A_738 = arith.select %parallel_loop3A_731, %parallel_loop3A_735, %parallel_loop3A_737 : vector<16xi1>, vector<16xf32>
      %parallel_loop3A_739 = arith.cmpf ole, %parallel_loop3A_393, %parallel_loop3A_626 : vector<16xf32>
      %parallel_loop3A_740 = arith.constant -1.250000e+01 : f32
      %parallel_loop3A_741 = vector.broadcast %parallel_loop3A_740 : f32 to vector<16xf32>
      %parallel_loop3A_742 = arith.mulf %parallel_loop3A_393, %parallel_loop3A_741 : vector<16xf32>
      %parallel_loop3A_743 = math.exp %parallel_loop3A_742 : vector<16xf32>
      %parallel_loop3A_744 = arith.constant 0.000000e+00 : f32
      %parallel_loop3A_745 = vector.broadcast %parallel_loop3A_744 : f32 to vector<16xf32>
      %parallel_loop3A_746 = arith.select %parallel_loop3A_739, %parallel_loop3A_743, %parallel_loop3A_745 : vector<16xi1>, vector<16xf32>
      %parallel_loop3A_747 = arith.cmpf ole, %parallel_loop3A_407, %parallel_loop3A_626 : vector<16xf32>
      %parallel_loop3A_748 = arith.constant -1.250000e+01 : f32
      %parallel_loop3A_749 = vector.broadcast %parallel_loop3A_748 : f32 to vector<16xf32>
      %parallel_loop3A_750 = arith.mulf %parallel_loop3A_407, %parallel_loop3A_749 : vector<16xf32>
      %parallel_loop3A_751 = math.exp %parallel_loop3A_750 : vector<16xf32>
      %parallel_loop3A_752 = arith.constant 0.000000e+00 : f32
      %parallel_loop3A_753 = vector.broadcast %parallel_loop3A_752 : f32 to vector<16xf32>
      %parallel_loop3A_754 = arith.select %parallel_loop3A_747, %parallel_loop3A_751, %parallel_loop3A_753 : vector<16xi1>, vector<16xf32>
      %parallel_loop3A_755 = arith.addf %parallel_loop3A_634, %parallel_loop3A_642 : vector<16xf32>
      %parallel_loop3A_756 = arith.addf %parallel_loop3A_650, %parallel_loop3A_658 : vector<16xf32>
      %parallel_loop3A_757 = arith.addf %parallel_loop3A_666, %parallel_loop3A_674 : vector<16xf32>
      %parallel_loop3A_758 = arith.addf %parallel_loop3A_682, %parallel_loop3A_690 : vector<16xf32>
      %parallel_loop3A_759 = arith.addf %parallel_loop3A_698, %parallel_loop3A_706 : vector<16xf32>
      %parallel_loop3A_760 = arith.addf %parallel_loop3A_714, %parallel_loop3A_722 : vector<16xf32>
      %parallel_loop3A_761 = arith.addf %parallel_loop3A_730, %parallel_loop3A_738 : vector<16xf32>
      %parallel_loop3A_762 = arith.addf %parallel_loop3A_746, %parallel_loop3A_754 : vector<16xf32>
      %parallel_loop3A_763 = arith.addf %parallel_loop3A_755, %parallel_loop3A_756 : vector<16xf32>
      %parallel_loop3A_764 = arith.addf %parallel_loop3A_757, %parallel_loop3A_758 : vector<16xf32>
      %parallel_loop3A_765 = arith.addf %parallel_loop3A_759, %parallel_loop3A_760 : vector<16xf32>
      %parallel_loop3A_766 = arith.addf %parallel_loop3A_761, %parallel_loop3A_762 : vector<16xf32>
      %parallel_loop3A_767 = arith.addf %parallel_loop3A_763, %parallel_loop3A_764 : vector<16xf32>
      %parallel_loop3A_768 = arith.addf %parallel_loop3A_765, %parallel_loop3A_766 : vector<16xf32>
      %parallel_loop3A_769 = arith.addf %parallel_loop3A_767, %parallel_loop3A_768 : vector<16xf32>
      %parallel_loop3A_770 = tpu.iota {dimensions = array<i32: 0>} : vector<16xi32>
      %parallel_loop3A_771 = arith.constant 8 : i32
      %parallel_loop3A_772 = vector.broadcast %parallel_loop3A_771 : i32 to vector<16xi32>
      %parallel_loop3A_773 = arith.addi %parallel_loop3A_770, %parallel_loop3A_772 : vector<16xi32>
      %parallel_loop3A_774 = arith.constant 16 : i32
      %parallel_loop3A_775 = arith.constant 0 : i32
      %parallel_loop3A_776 = arith.cmpi eq, %parallel_loop3A_774, %parallel_loop3A_775 : i32
      %parallel_loop3A_777 = arith.constant 1 : i32
      %parallel_loop3A_778 = arith.select %parallel_loop3A_776, %parallel_loop3A_777, %parallel_loop3A_774 : i32
      %parallel_loop3A_779 = vector.broadcast %parallel_loop3A_778 : i32 to vector<16xi32>
      %parallel_loop3A_780 = arith.remsi %parallel_loop3A_773, %parallel_loop3A_779 : vector<16xi32>
      %parallel_loop3A_781 = arith.constant 0 : i32
      %parallel_loop3A_782 = vector.broadcast %parallel_loop3A_781 : i32 to vector<16xi32>
      %parallel_loop3A_783 = arith.cmpi ne, %parallel_loop3A_780, %parallel_loop3A_782 : vector<16xi32>
      %parallel_loop3A_784 = arith.constant 0 : i32
      %parallel_loop3A_785 = vector.broadcast %parallel_loop3A_784 : i32 to vector<16xi32>
      %parallel_loop3A_786 = arith.cmpi slt, %parallel_loop3A_780, %parallel_loop3A_785 : vector<16xi32>
      %parallel_loop3A_787 = arith.constant 0 : i32
      %parallel_loop3A_788 = arith.cmpi slt, %parallel_loop3A_778, %parallel_loop3A_787 : i32
      %parallel_loop3A_789 = vector.broadcast %parallel_loop3A_788 : i1 to vector<16xi1>
      %parallel_loop3A_790 = vector.broadcast %parallel_loop3A_789 : vector<16xi1> to vector<16xi1>
      %parallel_loop3A_791 = arith.xori %parallel_loop3A_786, %parallel_loop3A_790 : vector<16xi1>
      %parallel_loop3A_792 = arith.andi %parallel_loop3A_791, %parallel_loop3A_783 : vector<16xi1>
      %parallel_loop3A_793 = vector.broadcast %parallel_loop3A_778 : i32 to vector<16xi32>
      %parallel_loop3A_794 = arith.addi %parallel_loop3A_780, %parallel_loop3A_793 : vector<16xi32>
      %parallel_loop3A_795 = arith.select %parallel_loop3A_792, %parallel_loop3A_794, %parallel_loop3A_780 : vector<16xi1>, vector<16xi32>
      %parallel_loop3A_796 = vector.shape_cast %parallel_loop3A_795 : vector<16xi32> to vector<16x1xi32>
      %parallel_loop3A_797 = vector.shape_cast %parallel_loop3A_796 : vector<16x1xi32> to vector<16xi32>
      %parallel_loop3A_798 = tpu.dynamic_gather %parallel_loop3A_769[%parallel_loop3A_797] in [0] : vector<16xf32>, vector<16xi32> -> vector<16xf32>
      %parallel_loop3A_799 = arith.addf %parallel_loop3A_769, %parallel_loop3A_798 : vector<16xf32>
      %parallel_loop3A_800 = arith.constant 4 : i32
      %parallel_loop3A_801 = vector.broadcast %parallel_loop3A_800 : i32 to vector<16xi32>
      %parallel_loop3A_802 = arith.addi %parallel_loop3A_770, %parallel_loop3A_801 : vector<16xi32>
      %parallel_loop3A_803 = arith.constant 16 : i32
      %parallel_loop3A_804 = arith.constant 0 : i32
      %parallel_loop3A_805 = arith.cmpi eq, %parallel_loop3A_803, %parallel_loop3A_804 : i32
      %parallel_loop3A_806 = arith.constant 1 : i32
      %parallel_loop3A_807 = arith.select %parallel_loop3A_805, %parallel_loop3A_806, %parallel_loop3A_803 : i32
      %parallel_loop3A_808 = vector.broadcast %parallel_loop3A_807 : i32 to vector<16xi32>
      %parallel_loop3A_809 = arith.remsi %parallel_loop3A_802, %parallel_loop3A_808 : vector<16xi32>
      %parallel_loop3A_810 = arith.constant 0 : i32
      %parallel_loop3A_811 = vector.broadcast %parallel_loop3A_810 : i32 to vector<16xi32>
      %parallel_loop3A_812 = arith.cmpi ne, %parallel_loop3A_809, %parallel_loop3A_811 : vector<16xi32>
      %parallel_loop3A_813 = arith.constant 0 : i32
      %parallel_loop3A_814 = vector.broadcast %parallel_loop3A_813 : i32 to vector<16xi32>
      %parallel_loop3A_815 = arith.cmpi slt, %parallel_loop3A_809, %parallel_loop3A_814 : vector<16xi32>
      %parallel_loop3A_816 = arith.constant 0 : i32
      %parallel_loop3A_817 = arith.cmpi slt, %parallel_loop3A_807, %parallel_loop3A_816 : i32
      %parallel_loop3A_818 = vector.broadcast %parallel_loop3A_817 : i1 to vector<16xi1>
      %parallel_loop3A_819 = vector.broadcast %parallel_loop3A_818 : vector<16xi1> to vector<16xi1>
      %parallel_loop3A_820 = arith.xori %parallel_loop3A_815, %parallel_loop3A_819 : vector<16xi1>
      %parallel_loop3A_821 = arith.andi %parallel_loop3A_820, %parallel_loop3A_812 : vector<16xi1>
      %parallel_loop3A_822 = vector.broadcast %parallel_loop3A_807 : i32 to vector<16xi32>
      %parallel_loop3A_823 = arith.addi %parallel_loop3A_809, %parallel_loop3A_822 : vector<16xi32>
      %parallel_loop3A_824 = arith.select %parallel_loop3A_821, %parallel_loop3A_823, %parallel_loop3A_809 : vector<16xi1>, vector<16xi32>
      %parallel_loop3A_825 = vector.shape_cast %parallel_loop3A_824 : vector<16xi32> to vector<16x1xi32>
      %parallel_loop3A_826 = vector.shape_cast %parallel_loop3A_825 : vector<16x1xi32> to vector<16xi32>
      %parallel_loop3A_827 = tpu.dynamic_gather %parallel_loop3A_799[%parallel_loop3A_826] in [0] : vector<16xf32>, vector<16xi32> -> vector<16xf32>
      %parallel_loop3A_828 = arith.addf %parallel_loop3A_799, %parallel_loop3A_827 : vector<16xf32>
      %parallel_loop3A_829 = arith.constant 2 : i32
      %parallel_loop3A_830 = vector.broadcast %parallel_loop3A_829 : i32 to vector<16xi32>
      %parallel_loop3A_831 = arith.addi %parallel_loop3A_770, %parallel_loop3A_830 : vector<16xi32>
      %parallel_loop3A_832 = arith.constant 16 : i32
      %parallel_loop3A_833 = arith.constant 0 : i32
      %parallel_loop3A_834 = arith.cmpi eq, %parallel_loop3A_832, %parallel_loop3A_833 : i32
      %parallel_loop3A_835 = arith.constant 1 : i32
      %parallel_loop3A_836 = arith.select %parallel_loop3A_834, %parallel_loop3A_835, %parallel_loop3A_832 : i32
      %parallel_loop3A_837 = vector.broadcast %parallel_loop3A_836 : i32 to vector<16xi32>
      %parallel_loop3A_838 = arith.remsi %parallel_loop3A_831, %parallel_loop3A_837 : vector<16xi32>
      %parallel_loop3A_839 = arith.constant 0 : i32
      %parallel_loop3A_840 = vector.broadcast %parallel_loop3A_839 : i32 to vector<16xi32>
      %parallel_loop3A_841 = arith.cmpi ne, %parallel_loop3A_838, %parallel_loop3A_840 : vector<16xi32>
      %parallel_loop3A_842 = arith.constant 0 : i32
      %parallel_loop3A_843 = vector.broadcast %parallel_loop3A_842 : i32 to vector<16xi32>
      %parallel_loop3A_844 = arith.cmpi slt, %parallel_loop3A_838, %parallel_loop3A_843 : vector<16xi32>
      %parallel_loop3A_845 = arith.constant 0 : i32
      %parallel_loop3A_846 = arith.cmpi slt, %parallel_loop3A_836, %parallel_loop3A_845 : i32
      %parallel_loop3A_847 = vector.broadcast %parallel_loop3A_846 : i1 to vector<16xi1>
      %parallel_loop3A_848 = vector.broadcast %parallel_loop3A_847 : vector<16xi1> to vector<16xi1>
      %parallel_loop3A_849 = arith.xori %parallel_loop3A_844, %parallel_loop3A_848 : vector<16xi1>
      %parallel_loop3A_850 = arith.andi %parallel_loop3A_849, %parallel_loop3A_841 : vector<16xi1>
      %parallel_loop3A_851 = vector.broadcast %parallel_loop3A_836 : i32 to vector<16xi32>
      %parallel_loop3A_852 = arith.addi %parallel_loop3A_838, %parallel_loop3A_851 : vector<16xi32>
      %parallel_loop3A_853 = arith.select %parallel_loop3A_850, %parallel_loop3A_852, %parallel_loop3A_838 : vector<16xi1>, vector<16xi32>
      %parallel_loop3A_854 = vector.shape_cast %parallel_loop3A_853 : vector<16xi32> to vector<16x1xi32>
      %parallel_loop3A_855 = vector.shape_cast %parallel_loop3A_854 : vector<16x1xi32> to vector<16xi32>
      %parallel_loop3A_856 = tpu.dynamic_gather %parallel_loop3A_828[%parallel_loop3A_855] in [0] : vector<16xf32>, vector<16xi32> -> vector<16xf32>
      %parallel_loop3A_857 = arith.addf %parallel_loop3A_828, %parallel_loop3A_856 : vector<16xf32>
      %parallel_loop3A_858 = arith.constant 1 : i32
      %parallel_loop3A_859 = vector.broadcast %parallel_loop3A_858 : i32 to vector<16xi32>
      %parallel_loop3A_860 = arith.addi %parallel_loop3A_770, %parallel_loop3A_859 : vector<16xi32>
      %parallel_loop3A_861 = arith.constant 16 : i32
      %parallel_loop3A_862 = arith.constant 0 : i32
      %parallel_loop3A_863 = arith.cmpi eq, %parallel_loop3A_861, %parallel_loop3A_862 : i32
      %parallel_loop3A_864 = arith.constant 1 : i32
      %parallel_loop3A_865 = arith.select %parallel_loop3A_863, %parallel_loop3A_864, %parallel_loop3A_861 : i32
      %parallel_loop3A_866 = vector.broadcast %parallel_loop3A_865 : i32 to vector<16xi32>
      %parallel_loop3A_867 = arith.remsi %parallel_loop3A_860, %parallel_loop3A_866 : vector<16xi32>
      %parallel_loop3A_868 = arith.constant 0 : i32
      %parallel_loop3A_869 = vector.broadcast %parallel_loop3A_868 : i32 to vector<16xi32>
      %parallel_loop3A_870 = arith.cmpi ne, %parallel_loop3A_867, %parallel_loop3A_869 : vector<16xi32>
      %parallel_loop3A_871 = arith.constant 0 : i32
      %parallel_loop3A_872 = vector.broadcast %parallel_loop3A_871 : i32 to vector<16xi32>
      %parallel_loop3A_873 = arith.cmpi slt, %parallel_loop3A_867, %parallel_loop3A_872 : vector<16xi32>
      %parallel_loop3A_874 = arith.constant 0 : i32
      %parallel_loop3A_875 = arith.cmpi slt, %parallel_loop3A_865, %parallel_loop3A_874 : i32
      %parallel_loop3A_876 = vector.broadcast %parallel_loop3A_875 : i1 to vector<16xi1>
      %parallel_loop3A_877 = vector.broadcast %parallel_loop3A_876 : vector<16xi1> to vector<16xi1>
      %parallel_loop3A_878 = arith.xori %parallel_loop3A_873, %parallel_loop3A_877 : vector<16xi1>
      %parallel_loop3A_879 = arith.andi %parallel_loop3A_878, %parallel_loop3A_870 : vector<16xi1>
      %parallel_loop3A_880 = vector.broadcast %parallel_loop3A_865 : i32 to vector<16xi32>
      %parallel_loop3A_881 = arith.addi %parallel_loop3A_867, %parallel_loop3A_880 : vector<16xi32>
      %parallel_loop3A_882 = arith.select %parallel_loop3A_879, %parallel_loop3A_881, %parallel_loop3A_867 : vector<16xi1>, vector<16xi32>
      %parallel_loop3A_883 = vector.shape_cast %parallel_loop3A_882 : vector<16xi32> to vector<16x1xi32>
      %parallel_loop3A_884 = vector.shape_cast %parallel_loop3A_883 : vector<16x1xi32> to vector<16xi32>
      %parallel_loop3A_885 = tpu.dynamic_gather %parallel_loop3A_857[%parallel_loop3A_884] in [0] : vector<16xf32>, vector<16xi32> -> vector<16xf32>
      %parallel_loop3A_886 = arith.addf %parallel_loop3A_857, %parallel_loop3A_885 : vector<16xf32>
      %parallel_loop3A_887 = arith.constant 9.99999993E-9 : f32
      %parallel_loop3A_888 = vector.broadcast %parallel_loop3A_887 : f32 to vector<16xf32>
      %parallel_loop3A_889 = arith.addf %parallel_loop3A_886, %parallel_loop3A_888 : vector<16xf32>
      %parallel_loop3A_890 = arith.constant 1.000000e+00 : f32
      %parallel_loop3A_891 = vector.broadcast %parallel_loop3A_890 : f32 to vector<16xf32>
      %parallel_loop3A_892 = arith.divf %parallel_loop3A_891, %parallel_loop3A_889 : vector<16xf32>
      %parallel_loop3A_893 = arith.mulf %parallel_loop3A_634, %parallel_loop3A_892 : vector<16xf32>
      %parallel_loop3A_894 = arith.constant 256 : i32
      %parallel_loop3A_895 = arith.muli %parallel_loop3A_140, %parallel_loop3A_894 : i32
      %parallel_loop3A_896 = arith.constant 0 : i32
      %parallel_loop3A_897 = arith.addi %parallel_loop3A_895, %parallel_loop3A_896 : i32
      %parallel_loop3A_898 = arith.index_cast %parallel_loop3A_897 : i32 to index
      %parallel_loop3A_899 = tpu.vector_load %arg20[%parallel_loop3A_898] {strides = array<i32>} : memref<65536xf32, #tpu.memory_space<vmem>>, vector<16xf32>,
      tpu.vector_store %arg20[%parallel_loop3A_898], %parallel_loop3A_893 {strides = array<i32>} : memref<65536xf32, #tpu.memory_space<vmem>>, vector<16xf32>,
      %parallel_loop3A_900 = arith.mulf %parallel_loop3A_642, %parallel_loop3A_892 : vector<16xf32>
      %parallel_loop3A_901 = arith.constant 256 : i32
      %parallel_loop3A_902 = arith.muli %parallel_loop3A_140, %parallel_loop3A_901 : i32
      %parallel_loop3A_903 = arith.constant 16 : i32
      %parallel_loop3A_904 = arith.addi %parallel_loop3A_902, %parallel_loop3A_903 : i32
      %parallel_loop3A_905 = arith.index_cast %parallel_loop3A_904 : i32 to index
      %parallel_loop3A_906 = tpu.vector_load %arg20[%parallel_loop3A_905] {strides = array<i32>} : memref<65536xf32, #tpu.memory_space<vmem>>, vector<16xf32>,
      tpu.vector_store %arg20[%parallel_loop3A_905], %parallel_loop3A_900 {strides = array<i32>} : memref<65536xf32, #tpu.memory_space<vmem>>, vector<16xf32>,
      %parallel_loop3A_907 = arith.mulf %parallel_loop3A_650, %parallel_loop3A_892 : vector<16xf32>
      %parallel_loop3A_908 = arith.constant 256 : i32
      %parallel_loop3A_909 = arith.muli %parallel_loop3A_140, %parallel_loop3A_908 : i32
      %parallel_loop3A_910 = arith.constant 32 : i32
      %parallel_loop3A_911 = arith.addi %parallel_loop3A_909, %parallel_loop3A_910 : i32
      %parallel_loop3A_912 = arith.index_cast %parallel_loop3A_911 : i32 to index
      %parallel_loop3A_913 = tpu.vector_load %arg20[%parallel_loop3A_912] {strides = array<i32>} : memref<65536xf32, #tpu.memory_space<vmem>>, vector<16xf32>,
      tpu.vector_store %arg20[%parallel_loop3A_912], %parallel_loop3A_907 {strides = array<i32>} : memref<65536xf32, #tpu.memory_space<vmem>>, vector<16xf32>,
      %parallel_loop3A_914 = arith.mulf %parallel_loop3A_658, %parallel_loop3A_892 : vector<16xf32>
      %parallel_loop3A_915 = arith.constant 256 : i32
      %parallel_loop3A_916 = arith.muli %parallel_loop3A_140, %parallel_loop3A_915 : i32
      %parallel_loop3A_917 = arith.constant 48 : i32
      %parallel_loop3A_918 = arith.addi %parallel_loop3A_916, %parallel_loop3A_917 : i32
      %parallel_loop3A_919 = arith.index_cast %parallel_loop3A_918 : i32 to index
      %parallel_loop3A_920 = tpu.vector_load %arg20[%parallel_loop3A_919] {strides = array<i32>} : memref<65536xf32, #tpu.memory_space<vmem>>, vector<16xf32>,
      tpu.vector_store %arg20[%parallel_loop3A_919], %parallel_loop3A_914 {strides = array<i32>} : memref<65536xf32, #tpu.memory_space<vmem>>, vector<16xf32>,
      %parallel_loop3A_921 = arith.mulf %parallel_loop3A_666, %parallel_loop3A_892 : vector<16xf32>
      %parallel_loop3A_922 = arith.constant 256 : i32
      %parallel_loop3A_923 = arith.muli %parallel_loop3A_140, %parallel_loop3A_922 : i32
      %parallel_loop3A_924 = arith.constant 64 : i32
      %parallel_loop3A_925 = arith.addi %parallel_loop3A_923, %parallel_loop3A_924 : i32
      %parallel_loop3A_926 = arith.index_cast %parallel_loop3A_925 : i32 to index
      %parallel_loop3A_927 = tpu.vector_load %arg20[%parallel_loop3A_926] {strides = array<i32>} : memref<65536xf32, #tpu.memory_space<vmem>>, vector<16xf32>,
      tpu.vector_store %arg20[%parallel_loop3A_926], %parallel_loop3A_921 {strides = array<i32>} : memref<65536xf32, #tpu.memory_space<vmem>>, vector<16xf32>,
      %parallel_loop3A_928 = arith.mulf %parallel_loop3A_674, %parallel_loop3A_892 : vector<16xf32>
      %parallel_loop3A_929 = arith.constant 256 : i32
      %parallel_loop3A_930 = arith.muli %parallel_loop3A_140, %parallel_loop3A_929 : i32
      %parallel_loop3A_931 = arith.constant 80 : i32
      %parallel_loop3A_932 = arith.addi %parallel_loop3A_930, %parallel_loop3A_931 : i32
      %parallel_loop3A_933 = arith.index_cast %parallel_loop3A_932 : i32 to index
      %parallel_loop3A_934 = tpu.vector_load %arg20[%parallel_loop3A_933] {strides = array<i32>} : memref<65536xf32, #tpu.memory_space<vmem>>, vector<16xf32>,
      tpu.vector_store %arg20[%parallel_loop3A_933], %parallel_loop3A_928 {strides = array<i32>} : memref<65536xf32, #tpu.memory_space<vmem>>, vector<16xf32>,
      %parallel_loop3A_935 = arith.mulf %parallel_loop3A_682, %parallel_loop3A_892 : vector<16xf32>
      %parallel_loop3A_936 = arith.constant 256 : i32
      %parallel_loop3A_937 = arith.muli %parallel_loop3A_140, %parallel_loop3A_936 : i32
      %parallel_loop3A_938 = arith.constant 96 : i32
      %parallel_loop3A_939 = arith.addi %parallel_loop3A_937, %parallel_loop3A_938 : i32
      %parallel_loop3A_940 = arith.index_cast %parallel_loop3A_939 : i32 to index
      %parallel_loop3A_941 = tpu.vector_load %arg20[%parallel_loop3A_940] {strides = array<i32>} : memref<65536xf32, #tpu.memory_space<vmem>>, vector<16xf32>,
      tpu.vector_store %arg20[%parallel_loop3A_940], %parallel_loop3A_935 {strides = array<i32>} : memref<65536xf32, #tpu.memory_space<vmem>>, vector<16xf32>,
      %parallel_loop3A_942 = arith.mulf %parallel_loop3A_690, %parallel_loop3A_892 : vector<16xf32>
      %parallel_loop3A_943 = arith.constant 256 : i32
      %parallel_loop3A_944 = arith.muli %parallel_loop3A_140, %parallel_loop3A_943 : i32
      %parallel_loop3A_945 = arith.constant 112 : i32
      %parallel_loop3A_946 = arith.addi %parallel_loop3A_944, %parallel_loop3A_945 : i32
      %parallel_loop3A_947 = arith.index_cast %parallel_loop3A_946 : i32 to index
      %parallel_loop3A_948 = tpu.vector_load %arg20[%parallel_loop3A_947] {strides = array<i32>} : memref<65536xf32, #tpu.memory_space<vmem>>, vector<16xf32>,
      tpu.vector_store %arg20[%parallel_loop3A_947], %parallel_loop3A_942 {strides = array<i32>} : memref<65536xf32, #tpu.memory_space<vmem>>, vector<16xf32>,
      %parallel_loop3A_949 = arith.mulf %parallel_loop3A_698, %parallel_loop3A_892 : vector<16xf32>
      %parallel_loop3A_950 = arith.constant 256 : i32
      %parallel_loop3A_951 = arith.muli %parallel_loop3A_140, %parallel_loop3A_950 : i32
      %parallel_loop3A_952 = arith.constant 128 : i32
      %parallel_loop3A_953 = arith.addi %parallel_loop3A_951, %parallel_loop3A_952 : i32
      %parallel_loop3A_954 = arith.index_cast %parallel_loop3A_953 : i32 to index
      %parallel_loop3A_955 = tpu.vector_load %arg20[%parallel_loop3A_954] {strides = array<i32>} : memref<65536xf32, #tpu.memory_space<vmem>>, vector<16xf32>,
      tpu.vector_store %arg20[%parallel_loop3A_954], %parallel_loop3A_949 {strides = array<i32>} : memref<65536xf32, #tpu.memory_space<vmem>>, vector<16xf32>,
      %parallel_loop3A_956 = arith.mulf %parallel_loop3A_706, %parallel_loop3A_892 : vector<16xf32>
      %parallel_loop3A_957 = arith.constant 256 : i32
      %parallel_loop3A_958 = arith.muli %parallel_loop3A_140, %parallel_loop3A_957 : i32
      %parallel_loop3A_959 = arith.constant 144 : i32
      %parallel_loop3A_960 = arith.addi %parallel_loop3A_958, %parallel_loop3A_959 : i32
      %parallel_loop3A_961 = arith.index_cast %parallel_loop3A_960 : i32 to index
      %parallel_loop3A_962 = tpu.vector_load %arg20[%parallel_loop3A_961] {strides = array<i32>} : memref<65536xf32, #tpu.memory_space<vmem>>, vector<16xf32>,
      tpu.vector_store %arg20[%parallel_loop3A_961], %parallel_loop3A_956 {strides = array<i32>} : memref<65536xf32, #tpu.memory_space<vmem>>, vector<16xf32>,
      %parallel_loop3A_963 = arith.mulf %parallel_loop3A_714, %parallel_loop3A_892 : vector<16xf32>
      %parallel_loop3A_964 = arith.constant 256 : i32
      %parallel_loop3A_965 = arith.muli %parallel_loop3A_140, %parallel_loop3A_964 : i32
      %parallel_loop3A_966 = arith.constant 160 : i32
      %parallel_loop3A_967 = arith.addi %parallel_loop3A_965, %parallel_loop3A_966 : i32
      %parallel_loop3A_968 = arith.index_cast %parallel_loop3A_967 : i32 to index
      %parallel_loop3A_969 = tpu.vector_load %arg20[%parallel_loop3A_968] {strides = array<i32>} : memref<65536xf32, #tpu.memory_space<vmem>>, vector<16xf32>,
      tpu.vector_store %arg20[%parallel_loop3A_968], %parallel_loop3A_963 {strides = array<i32>} : memref<65536xf32, #tpu.memory_space<vmem>>, vector<16xf32>,
      %parallel_loop3A_970 = arith.mulf %parallel_loop3A_722, %parallel_loop3A_892 : vector<16xf32>
      %parallel_loop3A_971 = arith.constant 256 : i32
      %parallel_loop3A_972 = arith.muli %parallel_loop3A_140, %parallel_loop3A_971 : i32
      %parallel_loop3A_973 = arith.constant 176 : i32
      %parallel_loop3A_974 = arith.addi %parallel_loop3A_972, %parallel_loop3A_973 : i32
      %parallel_loop3A_975 = arith.index_cast %parallel_loop3A_974 : i32 to index
      %parallel_loop3A_976 = tpu.vector_load %arg20[%parallel_loop3A_975] {strides = array<i32>} : memref<65536xf32, #tpu.memory_space<vmem>>, vector<16xf32>,
      tpu.vector_store %arg20[%parallel_loop3A_975], %parallel_loop3A_970 {strides = array<i32>} : memref<65536xf32, #tpu.memory_space<vmem>>, vector<16xf32>,
      %parallel_loop3A_977 = arith.mulf %parallel_loop3A_730, %parallel_loop3A_892 : vector<16xf32>
      %parallel_loop3A_978 = arith.constant 256 : i32
      %parallel_loop3A_979 = arith.muli %parallel_loop3A_140, %parallel_loop3A_978 : i32
      %parallel_loop3A_980 = arith.constant 192 : i32
      %parallel_loop3A_981 = arith.addi %parallel_loop3A_979, %parallel_loop3A_980 : i32
      %parallel_loop3A_982 = arith.index_cast %parallel_loop3A_981 : i32 to index
      %parallel_loop3A_983 = tpu.vector_load %arg20[%parallel_loop3A_982] {strides = array<i32>} : memref<65536xf32, #tpu.memory_space<vmem>>, vector<16xf32>,
      tpu.vector_store %arg20[%parallel_loop3A_982], %parallel_loop3A_977 {strides = array<i32>} : memref<65536xf32, #tpu.memory_space<vmem>>, vector<16xf32>,
      %parallel_loop3A_984 = arith.mulf %parallel_loop3A_738, %parallel_loop3A_892 : vector<16xf32>
      %parallel_loop3A_985 = arith.constant 256 : i32
      %parallel_loop3A_986 = arith.muli %parallel_loop3A_140, %parallel_loop3A_985 : i32
      %parallel_loop3A_987 = arith.constant 208 : i32
      %parallel_loop3A_988 = arith.addi %parallel_loop3A_986, %parallel_loop3A_987 : i32
      %parallel_loop3A_989 = arith.index_cast %parallel_loop3A_988 : i32 to index
      %parallel_loop3A_990 = tpu.vector_load %arg20[%parallel_loop3A_989] {strides = array<i32>} : memref<65536xf32, #tpu.memory_space<vmem>>, vector<16xf32>,
      tpu.vector_store %arg20[%parallel_loop3A_989], %parallel_loop3A_984 {strides = array<i32>} : memref<65536xf32, #tpu.memory_space<vmem>>, vector<16xf32>,
      %parallel_loop3A_991 = arith.mulf %parallel_loop3A_746, %parallel_loop3A_892 : vector<16xf32>
      %parallel_loop3A_992 = arith.constant 256 : i32
      %parallel_loop3A_993 = arith.muli %parallel_loop3A_140, %parallel_loop3A_992 : i32
      %parallel_loop3A_994 = arith.constant 224 : i32
      %parallel_loop3A_995 = arith.addi %parallel_loop3A_993, %parallel_loop3A_994 : i32
      %parallel_loop3A_996 = arith.index_cast %parallel_loop3A_995 : i32 to index
      %parallel_loop3A_997 = tpu.vector_load %arg20[%parallel_loop3A_996] {strides = array<i32>} : memref<65536xf32, #tpu.memory_space<vmem>>, vector<16xf32>,
      tpu.vector_store %arg20[%parallel_loop3A_996], %parallel_loop3A_991 {strides = array<i32>} : memref<65536xf32, #tpu.memory_space<vmem>>, vector<16xf32>,
      %parallel_loop3A_998 = arith.mulf %parallel_loop3A_754, %parallel_loop3A_892 : vector<16xf32>
      %parallel_loop3A_999 = arith.constant 256 : i32
      %parallel_loop3A_1000 = arith.muli %parallel_loop3A_140, %parallel_loop3A_999 : i32
      %parallel_loop3A_1001 = arith.constant 240 : i32
      %parallel_loop3A_1002 = arith.addi %parallel_loop3A_1000, %parallel_loop3A_1001 : i32
      %parallel_loop3A_1003 = arith.index_cast %parallel_loop3A_1002 : i32 to index
      %parallel_loop3A_1004 = tpu.vector_load %arg20[%parallel_loop3A_1003] {strides = array<i32>} : memref<65536xf32, #tpu.memory_space<vmem>>, vector<16xf32>,
      tpu.vector_store %arg20[%parallel_loop3A_1003], %parallel_loop3A_998 {strides = array<i32>} : memref<65536xf32, #tpu.memory_space<vmem>>, vector<16xf32>,
    } {sc.loop_unroll_factor = 4 : i64, sc.parallel_access}
    %mul3A_133 = arith.constant 1024 : i32
    %mul3A_134 = arith.muli %select_n3A, %mul3A_133 : i32
    %mul3A_135 = arith.constant 256 : i32
    %mul3A_136 = arith.muli %select_n3A_30, %mul3A_135 : i32
    %add3A_137 = arith.addi %mul3A_134, %mul3A_136 : i32
    %mul3A_138 = arith.constant 256 : i32
    %mul3A_139 = arith.muli %add3A_137, %mul3A_138 : i32
    "tpu.region"() ({
      %run_scoped3A = tpu.sem_alloc : memref<!tpu.dma_semaphore, #tpu.memory_space<semaphore_mem>>
      %dma_start3A = tpu.memref_slice %arg6[%mul3A_139] : memref<2097152xf32, #tpu.memory_space<hbm>> -> memref<65536xf32, #tpu.memory_space<hbm>>
      %dma_start3A_140 = tpu.memref_slice %arg6[%mul3A_139] : memref<2097152xf32, #tpu.memory_space<hbm>> -> memref<65536xf32, #tpu.memory_space<hbm>>
      tpu.enqueue_dma source(%arg20 : memref<65536xf32, #tpu.memory_space<vmem>>) target(%dma_start3A_140 : memref<65536xf32, #tpu.memory_space<hbm>>) target_semaphore(%run_scoped3A : memref<!tpu.dma_semaphore, #tpu.memory_space<semaphore_mem>>)
      %dma_wait3A = tpu.memref_slice %arg6[%mul3A_139] : memref<2097152xf32, #tpu.memory_space<hbm>> -> memref<65536xf32, #tpu.memory_space<hbm>>
      %dma_wait3A_141 = tpu.memref_slice %arg6[%mul3A_139] : memref<2097152xf32, #tpu.memory_space<hbm>> -> memref<65536xf32, #tpu.memory_space<hbm>>
      tpu.wait_dma2 semaphore(%run_scoped3A : memref<!tpu.dma_semaphore, #tpu.memory_space<semaphore_mem>>) src(%arg20 : memref<65536xf32, #tpu.memory_space<vmem>>) dst(%dma_wait3A_141 : memref<65536xf32, #tpu.memory_space<hbm>>)
      tpu.yield
    }) : () -> ()
    return
  }
}

module attributes {stable_mosaic.version = 14 : i64} {
  func.func @_tc_body(%arg0: i32, %arg1: memref<1x256x64xf32, #tpu.memory_space<vmem>>, %arg2: memref<1x512x64xf32, #tpu.memory_space<vmem>>, %arg3: memref<1x512x256xf32, #tpu.memory_space<vmem>>, %arg4: memref<1x1024x256xf32, #tpu.memory_space<vmem>>, %arg5: memref<1x512x1024xf32, #tpu.memory_space<vmem>>, %arg6: memref<512x512xf32, #tpu.memory_space<vmem>>, %arg7: memref<512x1xf32, #tpu.memory_space<vmem>>, %arg8: memref<512x512xf32, #tpu.memory_space<vmem>>, %arg9: memref<512x1xf32, #tpu.memory_space<vmem>>, %arg10: memref<256x512xf32, #tpu.memory_space<vmem>>, %arg11: memref<256x1xf32, #tpu.memory_space<vmem>>, %arg12: memref<256x256xf32, #tpu.memory_space<vmem>>, %arg13: memref<256x1xf32, #tpu.memory_space<vmem>>, %arg14: memref<1x256x1024xf32, #tpu.memory_space<vmem>>) attributes {dimension_semantics = [#tpu.dimension_semantics<arbitrary>], iteration_bounds = array<i64: 8>, scalar_prefetch = 0 : i64, scratch_operands = 0 : i64, tpu.core_type = #tpu.core_type<tc>, window_params = [{transform_indices = @transform_0, window_bounds = array<i64: 1, 256, 64>}, {transform_indices = @transform_1, window_bounds = array<i64: 1, 512, 64>}, {transform_indices = @transform_2, window_bounds = array<i64: 1, 512, 256>}, {transform_indices = @transform_3, window_bounds = array<i64: 1, 1024, 256>}, {transform_indices = @transform_4, window_bounds = array<i64: 1, 512, 1024>}, {pipeline_mode = #tpu.pipeline_mode<synchronous>, transform_indices = @transform_5, window_bounds = array<i64: 512, 512>}, {pipeline_mode = #tpu.pipeline_mode<synchronous>, transform_indices = @transform_6, window_bounds = array<i64: 512, 1>}, {pipeline_mode = #tpu.pipeline_mode<synchronous>, transform_indices = @transform_7, window_bounds = array<i64: 512, 512>}, {pipeline_mode = #tpu.pipeline_mode<synchronous>, transform_indices = @transform_8, window_bounds = array<i64: 512, 1>}, {pipeline_mode = #tpu.pipeline_mode<synchronous>, transform_indices = @transform_9, window_bounds = array<i64: 256, 512>}, {pipeline_mode = #tpu.pipeline_mode<synchronous>, transform_indices = @transform_10, window_bounds = array<i64: 256, 1>}, {pipeline_mode = #tpu.pipeline_mode<synchronous>, transform_indices = @transform_11, window_bounds = array<i64: 256, 256>}, {pipeline_mode = #tpu.pipeline_mode<synchronous>, transform_indices = @transform_12, window_bounds = array<i64: 256, 1>}, {transform_indices = @transform_13, window_bounds = array<i64: 1, 256, 1024>}]} {
    %get3A = arith.constant 0 : index
    %get3A_0 = arith.constant 0 : index
    %get3A_1 = arith.constant 0 : index
    %get3A_2 = vector.load %arg1[%get3A, %get3A_0, %get3A_1] : memref<1x256x64xf32, #tpu.memory_space<vmem>>, vector<1x256x64xf32>
    %get3A_3 = vector.shape_cast %get3A_2 : vector<1x256x64xf32> to vector<256x64xf32>
    %get3A_4 = arith.constant 0 : index
    %get3A_5 = arith.constant 0 : index
    %get3A_6 = arith.constant 0 : index
    %get3A_7 = vector.load %arg2[%get3A_4, %get3A_5, %get3A_6] : memref<1x512x64xf32, #tpu.memory_space<vmem>>, vector<1x512x64xf32>
    %get3A_8 = vector.shape_cast %get3A_7 : vector<1x512x64xf32> to vector<512x64xf32>
    %get3A_9 = arith.constant 0 : index
    %get3A_10 = arith.constant 0 : index
    %get3A_11 = arith.constant 0 : index
    %get3A_12 = vector.load %arg3[%get3A_9, %get3A_10, %get3A_11] : memref<1x512x256xf32, #tpu.memory_space<vmem>>, vector<1x512x256xf32>
    %get3A_13 = vector.shape_cast %get3A_12 : vector<1x512x256xf32> to vector<512x256xf32>
    %get3A_14 = arith.constant 0 : index
    %get3A_15 = arith.constant 0 : index
    %get3A_16 = vector.load %arg6[%get3A_14, %get3A_15] : memref<512x512xf32, #tpu.memory_space<vmem>>, vector<512x512xf32>
    %get3A_17 = arith.constant 0 : index
    %get3A_18 = arith.constant 0 : index
    %get3A_19 = vector.load %arg7[%get3A_17, %get3A_18] : memref<512x1xf32, #tpu.memory_space<vmem>>, vector<512x1xf32>
    %get3A_20 = arith.constant 0 : index
    %get3A_21 = arith.constant 0 : index
    %get3A_22 = vector.load %arg8[%get3A_20, %get3A_21] : memref<512x512xf32, #tpu.memory_space<vmem>>, vector<512x512xf32>
    %get3A_23 = arith.constant 0 : index
    %get3A_24 = arith.constant 0 : index
    %get3A_25 = vector.load %arg9[%get3A_23, %get3A_24] : memref<512x1xf32, #tpu.memory_space<vmem>>, vector<512x1xf32>
    %dot_general3A = arith.constant dense<0.000000e+00> : vector<512x256xf32>
    %dot_general3A_26 = tpu.matmul %get3A_8, %get3A_3, %dot_general3A {dimension_numbers = #tpu.dot_dimension_numbers<[1], [1], [0], [0], [0, 0, 1, 0], [], []>, transpose_lhs_hint = false} : vector<512x64xf32>, vector<256x64xf32>, vector<512x256xf32> -> vector<512x256xf32>
    %add3A = arith.addf %dot_general3A_26, %get3A_13 : vector<512x256xf32>
    %dot_general3A_27 = arith.constant dense<0.000000e+00> : vector<512x256xf32>
    %dot_general3A_28 = tpu.matmul %get3A_16, %add3A, %dot_general3A_27 {dimension_numbers = #tpu.dot_dimension_numbers<[1], [0], [0], [1], [0, 0, 1, 1], [], []>, transpose_lhs_hint = false} : vector<512x512xf32>, vector<512x256xf32>, vector<512x256xf32> -> vector<512x256xf32>
    %add3A_29 = vector.broadcast %get3A_19 : vector<512x1xf32> to vector<512x256xf32>
    %add3A_30 = arith.addf %dot_general3A_28, %add3A_29 : vector<512x256xf32>
    %max3A = arith.constant 0.000000e+00 : f32
    %max3A_31 = vector.broadcast %max3A : f32 to vector<512x256xf32>
    %max3A_32 = arith.maximumf %add3A_30, %max3A_31 : vector<512x256xf32>
    %dot_general3A_33 = arith.constant dense<0.000000e+00> : vector<512x256xf32>
    %dot_general3A_34 = tpu.matmul %get3A_22, %max3A_32, %dot_general3A_33 {dimension_numbers = #tpu.dot_dimension_numbers<[1], [0], [0], [1], [0, 0, 1, 1], [], []>, transpose_lhs_hint = false} : vector<512x512xf32>, vector<512x256xf32>, vector<512x256xf32> -> vector<512x256xf32>
    %add3A_35 = vector.broadcast %get3A_25 : vector<512x1xf32> to vector<512x256xf32>
    %add3A_36 = arith.addf %dot_general3A_34, %add3A_35 : vector<512x256xf32>
    %max3A_37 = arith.constant 0.000000e+00 : f32
    %max3A_38 = vector.broadcast %max3A_37 : f32 to vector<512x256xf32>
    %max3A_39 = arith.maximumf %add3A_36, %max3A_38 : vector<512x256xf32>
    %get3A_40 = arith.constant 0 : index
    %get3A_41 = arith.constant 0 : index
    %get3A_42 = arith.constant 0 : index
    %get3A_43 = vector.load %arg4[%get3A_40, %get3A_41, %get3A_42] : memref<1x1024x256xf32, #tpu.memory_space<vmem>>, vector<1x1024x256xf32>
    %get3A_44 = vector.shape_cast %get3A_43 : vector<1x1024x256xf32> to vector<1024x256xf32>
    %get3A_45 = arith.constant 0 : index
    %get3A_46 = arith.constant 0 : index
    %get3A_47 = arith.constant 0 : index
    %get3A_48 = vector.load %arg5[%get3A_45, %get3A_46, %get3A_47] : memref<1x512x1024xf32, #tpu.memory_space<vmem>>, vector<1x512x1024xf32>
    %get3A_49 = vector.shape_cast %get3A_48 : vector<1x512x1024xf32> to vector<512x1024xf32>
    %get3A_50 = arith.constant 0 : index
    %get3A_51 = arith.constant 0 : index
    %get3A_52 = vector.load %arg10[%get3A_50, %get3A_51] : memref<256x512xf32, #tpu.memory_space<vmem>>, vector<256x512xf32>
    %get3A_53 = arith.constant 0 : index
    %get3A_54 = arith.constant 0 : index
    %get3A_55 = vector.load %arg11[%get3A_53, %get3A_54] : memref<256x1xf32, #tpu.memory_space<vmem>>, vector<256x1xf32>
    %get3A_56 = arith.constant 0 : index
    %get3A_57 = arith.constant 0 : index
    %get3A_58 = vector.load %arg12[%get3A_56, %get3A_57] : memref<256x256xf32, #tpu.memory_space<vmem>>, vector<256x256xf32>
    %get3A_59 = arith.constant 0 : index
    %get3A_60 = arith.constant 0 : index
    %get3A_61 = vector.load %arg13[%get3A_59, %get3A_60] : memref<256x1xf32, #tpu.memory_space<vmem>>, vector<256x1xf32>
    %dot_general3A_62 = arith.constant dense<0.000000e+00> : vector<512x1024xf32>
    %dot_general3A_63 = tpu.matmul %max3A_39, %get3A_44, %dot_general3A_62 {dimension_numbers = #tpu.dot_dimension_numbers<[1], [1], [0], [0], [0, 0, 1, 0], [], []>, transpose_lhs_hint = false} : vector<512x256xf32>, vector<1024x256xf32>, vector<512x1024xf32> -> vector<512x1024xf32>
    %add3A_64 = arith.addf %dot_general3A_63, %get3A_49 : vector<512x1024xf32>
    %dot_general3A_65 = arith.constant dense<0.000000e+00> : vector<256x1024xf32>
    %dot_general3A_66 = tpu.matmul %get3A_52, %add3A_64, %dot_general3A_65 {dimension_numbers = #tpu.dot_dimension_numbers<[1], [0], [0], [1], [0, 0, 1, 1], [], []>, transpose_lhs_hint = false} : vector<256x512xf32>, vector<512x1024xf32>, vector<256x1024xf32> -> vector<256x1024xf32>
    %add3A_67 = vector.broadcast %get3A_55 : vector<256x1xf32> to vector<256x1024xf32>
    %add3A_68 = arith.addf %dot_general3A_66, %add3A_67 : vector<256x1024xf32>
    %max3A_69 = arith.constant 0.000000e+00 : f32
    %max3A_70 = vector.broadcast %max3A_69 : f32 to vector<256x1024xf32>
    %max3A_71 = arith.maximumf %add3A_68, %max3A_70 : vector<256x1024xf32>
    %dot_general3A_72 = arith.constant dense<0.000000e+00> : vector<256x1024xf32>
    %dot_general3A_73 = tpu.matmul %get3A_58, %max3A_71, %dot_general3A_72 {dimension_numbers = #tpu.dot_dimension_numbers<[1], [0], [0], [1], [0, 0, 1, 1], [], []>, transpose_lhs_hint = false} : vector<256x256xf32>, vector<256x1024xf32>, vector<256x1024xf32> -> vector<256x1024xf32>
    %add3A_74 = vector.broadcast %get3A_61 : vector<256x1xf32> to vector<256x1024xf32>
    %add3A_75 = arith.addf %dot_general3A_73, %add3A_74 : vector<256x1024xf32>
    %max3A_76 = arith.constant 0.000000e+00 : f32
    %max3A_77 = vector.broadcast %max3A_76 : f32 to vector<256x1024xf32>
    %max3A_78 = arith.maximumf %add3A_75, %max3A_77 : vector<256x1024xf32>
    %swap3A = arith.constant 0 : index
    %swap3A_79 = arith.constant 0 : index
    %swap3A_80 = arith.constant 0 : index
    %swap3A_81 = vector.load %arg14[%swap3A, %swap3A_79, %swap3A_80] : memref<1x256x1024xf32, #tpu.memory_space<vmem>>, vector<1x256x1024xf32>
    %swap3A_82 = vector.shape_cast %swap3A_81 : vector<1x256x1024xf32> to vector<256x1024xf32>
    %swap3A_83 = vector.shape_cast %max3A_78 : vector<256x1024xf32> to vector<1x256x1024xf32>
    tpu.vector_store %arg14[%swap3A, %swap3A_79, %swap3A_80], %swap3A_83 {strides = array<i32>} : memref<1x256x1024xf32, #tpu.memory_space<vmem>>, vector<1x256x1024xf32>,
    return
  }
  func.func @transform_0(%arg0: i32) -> (i32, i32, i32) {
    %c0_i32 = arith.constant 0 : i32
    %c0_i32_0 = arith.constant 0 : i32
    %c0_i32_1 = arith.constant 0 : i32
    return %arg0, %c0_i32, %c0_i32_0 : i32, i32, i32
  }
  func.func @transform_1(%arg0: i32) -> (i32, i32, i32) {
    %c0_i32 = arith.constant 0 : i32
    %c0_i32_0 = arith.constant 0 : i32
    %c0_i32_1 = arith.constant 0 : i32
    return %arg0, %c0_i32, %c0_i32_0 : i32, i32, i32
  }
  func.func @transform_2(%arg0: i32) -> (i32, i32, i32) {
    %c0_i32 = arith.constant 0 : i32
    %c0_i32_0 = arith.constant 0 : i32
    %c0_i32_1 = arith.constant 0 : i32
    return %arg0, %c0_i32, %c0_i32_0 : i32, i32, i32
  }
  func.func @transform_3(%arg0: i32) -> (i32, i32, i32) {
    %c0_i32 = arith.constant 0 : i32
    %c0_i32_0 = arith.constant 0 : i32
    %c0_i32_1 = arith.constant 0 : i32
    return %arg0, %c0_i32, %c0_i32_0 : i32, i32, i32
  }
  func.func @transform_4(%arg0: i32) -> (i32, i32, i32) {
    %c0_i32 = arith.constant 0 : i32
    %c0_i32_0 = arith.constant 0 : i32
    %c0_i32_1 = arith.constant 0 : i32
    return %arg0, %c0_i32, %c0_i32_0 : i32, i32, i32
  }
  func.func @transform_5(%arg0: i32) -> (i32, i32) {
    %c0_i32 = arith.constant 0 : i32
    %c0_i32_0 = arith.constant 0 : i32
    %c0_i32_1 = arith.constant 0 : i32
    return %c0_i32, %c0_i32_0 : i32, i32
  }
  func.func @transform_6(%arg0: i32) -> (i32, i32) {
    %c0_i32 = arith.constant 0 : i32
    %c0_i32_0 = arith.constant 0 : i32
    %c0_i32_1 = arith.constant 0 : i32
    return %c0_i32, %c0_i32_0 : i32, i32
  }
  func.func @transform_7(%arg0: i32) -> (i32, i32) {
    %c0_i32 = arith.constant 0 : i32
    %c0_i32_0 = arith.constant 0 : i32
    %c0_i32_1 = arith.constant 0 : i32
    return %c0_i32, %c0_i32_0 : i32, i32
  }
  func.func @transform_8(%arg0: i32) -> (i32, i32) {
    %c0_i32 = arith.constant 0 : i32
    %c0_i32_0 = arith.constant 0 : i32
    %c0_i32_1 = arith.constant 0 : i32
    return %c0_i32, %c0_i32_0 : i32, i32
  }
  func.func @transform_9(%arg0: i32) -> (i32, i32) {
    %c0_i32 = arith.constant 0 : i32
    %c0_i32_0 = arith.constant 0 : i32
    %c0_i32_1 = arith.constant 0 : i32
    return %c0_i32, %c0_i32_0 : i32, i32
  }
  func.func @transform_10(%arg0: i32) -> (i32, i32) {
    %c0_i32 = arith.constant 0 : i32
    %c0_i32_0 = arith.constant 0 : i32
    %c0_i32_1 = arith.constant 0 : i32
    return %c0_i32, %c0_i32_0 : i32, i32
  }
  func.func @transform_11(%arg0: i32) -> (i32, i32) {
    %c0_i32 = arith.constant 0 : i32
    %c0_i32_0 = arith.constant 0 : i32
    %c0_i32_1 = arith.constant 0 : i32
    return %c0_i32, %c0_i32_0 : i32, i32
  }
  func.func @transform_12(%arg0: i32) -> (i32, i32) {
    %c0_i32 = arith.constant 0 : i32
    %c0_i32_0 = arith.constant 0 : i32
    %c0_i32_1 = arith.constant 0 : i32
    return %c0_i32, %c0_i32_0 : i32, i32
  }
  func.func @transform_13(%arg0: i32) -> (i32, i32, i32) {
    %c0_i32 = arith.constant 0 : i32
    %c0_i32_0 = arith.constant 0 : i32
    %c0_i32_1 = arith.constant 0 : i32
    return %arg0, %c0_i32, %c0_i32_0 : i32, i32, i32
  }
}

</mosaic_0001>

<sc_bundles>
// kernel: kernel.4.cloned.1.call-start
scs
__scs_entry_jumppad:
0x0: {  	(pc) =	sbr.rel $0x88, $3  }
0x1: {  	(tag) =	ssettag $0x0;
	lr =	simm.s32 $0x1  }
0x2: {  	[smem:$0x3F93] =	sst lr;
	_ =	strace $0xD0000000  }
0x3: {  	_ = 	snop  }
0x4: {  	_ = 	snop  }
0x5: {  	_ = 	snop  }
0x6: {  	_ = 	snop  }
0x7: {  	_ = 	snop  }
__scs_overlays_trampoline_lowered:
0x8: {  	[smem:$0x3FA2] =	sst s0  }
0x9: {  	[smem:$0x3FA3] =	sst s1  }
0xa: {  	[smem:$0x3FA4] =	sst s2  }
0xb: {  	[smem:$0x3FA5] =	sst s3  }
0xc: {  	[smem:$0x3FA6] =	sst s4  }
0xd: {  	[smem:$0x3FA7] =	sst s5  }
0xe: {  	[smem:$0x3FA8] =	sst s6  }
0xf: {  	[smem:$0x3FA9] =	sst s7  }
0x10: {  	[smem:$0x3FAA] =	sst s8  }
0x11: {  	[smem:$0x3FAB] =	sst s9;
	s0 =	simm.s32 @!p0 $0x0  }
0x12: {  	s1 =	sld [smem:$0x3F91];
	s0 =	simm.s32 @p0 $0x1  }
0x13: {  	[smem:$0x3FAC] =	sst s0;
	s0 =	simm.s32 @!p1 $0x0  }
0x14: {  	s2 =	sld [smem:$0x3F90];
	s0 =	simm.s32 @p1 $0x1  }
0x15: {  	[smem:$0x3FAD] =	sst s0;
	s0 =	simm.s32 @!p2 $0x0  }
0x16: {  	s3 =	sld [smem:$0x3FDB];
	s0 =	simm.s32 @p2 $0x1  }
0x17: {  	s4 =	simm.s32 $0x1BF5;
	[smem:$0x3FAF] =	sst s0  }
0x18: {  	s0 =	sld [smem:$0x3F92];
	_ =	swait.ge [sflag:s4], $0x0  }
0x19: {  	s7 =	sld [smem:$0x3F93]  }
0x1a: {  	s8 =	sadd.s32 $0xFFFFE003, lr  }
0x1b: {  	s9 =	sadd.s32 $0xFFFFFEF7, lr;
	s5 =	simm.s32 $0xFFFFFFFF;
	p2 =	slt.u32 s8, $0xFFFFF086  }
0x1c: {  	p1 =	slt.u32 s9, $0xF7A;
	s5 =	simm.s32 @!p2 $0x0  }
0x1d: {  	s5 =	simm.s32 @p1 $0x1;
	p0 =	seq.s32 s7, s2  }
0x1e: {  	s7 =	smul.u32 @!p0 $0xF7A, s2;
	p2 =	seq.s32 @!p0 s5, $0x0  }
0x1f: {  	s9 =	smul.u32 $0xF7A, s1;
	s8 =	simm.s32 @!p0 $0x1BF5;
	p2 =	por !p2, p0  }
0x20: {  	[sflag:s8] =	ssyncset.s32 @!p0 $0xFFFFF086;
	s6 =	sadd.s32 @!p0 s3, s7;
	s7 =	simm.s32 @!p0 $0x108  }
0x21: {  	s3 =	sadd.s32 s3, s9;
	s6 =	sadd.s32 @!p0 $0x88, s6;
	s7 =	simm.s32 @p2 $0x1082  }
0x22: {  	[simem:s7], [sflag:s8] =	dma.local @!p0 [hbm:s6], $0xF7A  }
0x23: {  	s9 =	sor.u32 $0xD0000000, s2;
	s6 =	simm.s32 $0x108;
	_ =	swait.ge @!p0 [sflag:s8], $0x0  }
0x24: {  	s3 =	sadd.s32 $0x88, s3;
	s6 =	simm.s32 @!p1 $0x1082;
	[sflag:s4] =	ssyncset.s32 $0xFFFFF086  }
0x25: {  	[simem:s6], [sflag:s4] =	dma.local [hbm:s3], $0xF7A  }
0x26: {  	[smem:$0x3F93] =	sst s1;
	(tag) =	ssettag s2;
	_ =	strace s9  }
0x27: {  	s1 =	sld [smem:$0x3FA3]  }
0x28: {  	s2 =	sld [smem:$0x3FA4]  }
0x29: {  	s4 =	sld [smem:$0x3FA6]  }
0x2a: {  	p0 =	seq.s32 s5, $0x0;
	s5 =	sld [smem:$0x3FA7]  }
0x2b: {  	s6 =	sld [smem:$0x3FA8]  }
0x2c: {  	s7 =	sld [smem:$0x3FA9]  }
0x2d: {  	s3 =	simm.s32 $0x108;
	s8 =	sld [smem:$0x3FAA]  }
0x2e: {  	s3 =	simm.s32 @!p0 $0x1082;
	s9 =	sld [smem:$0x3FAB]  }
0x2f: {  	lr =	sadd.s32 s0, s3;
	s0 =	sld [smem:$0x3FA2]  }
0x30: {  	s3 =	sld [smem:$0x3FA5]  }
0x31: {  	[smem:$0x3FAE] =	sst s10  }
0x32: {  	s10 =	sld [smem:$0x3FAC];
	_ =	sdelay $0x3  }
0x33: {  	p0 =	seq.s32 s10, $0x1;
	s10 =	sld [smem:$0x3FAE];
	_ =	sdelay $0x3  }
0x34: {  	[smem:$0x3FAE] =	sst s10  }
0x35: {  	s10 =	sld [smem:$0x3FAD];
	_ =	sdelay $0x3  }
0x36: {  	p1 =	seq.s32 s10, $0x1;
	s10 =	sld [smem:$0x3FAE];
	_ =	sdelay $0x3  }
0x37: {  	[smem:$0x3FAE] =	sst s10  }
0x38: {  	s10 =	sld [smem:$0x3FAF]  }
0x39: {  	_ = 	snop;
	(pc) =	sbr.ind lr, $3  }
0x3a: {  	_ = 	snop  }
0x3b: {  	_ = 	snop  }
0x3c: {  	p2 =	seq.s32 s10, $0x1;
	s10 =	sld [smem:$0x3FAE]  }
0x3d: {  	_ =	shalt  }
0x3e: {  	_ =	shalt  }
0x3f: {  	_ =	shalt  }
0x40: {  	_ =	shalt  }
0x41: {  	_ =	shalt  }
0x42: {  	_ =	shalt  }
0x43: {  	_ =	shalt  }
0x44: {  	_ =	shalt  }
0x45: {  	_ =	shalt  }
0x46: {  	_ =	shalt  }
0x47: {  	_ =	shalt  }
0x48: {  	_ =	shalt  }
0x49: {  	_ =	shalt  }
0x4a: {  	_ =	shalt  }
0x4b: {  	_ =	shalt  }
0x4c: {  	_ =	shalt  }
0x4d: {  	_ =	shalt  }
0x4e: {  	_ =	shalt  }
0x4f: {  	_ =	shalt  }
0x50: {  	_ =	shalt  }
0x51: {  	_ =	shalt  }
0x52: {  	_ =	shalt  }
0x53: {  	_ =	shalt  }
0x54: {  	_ =	shalt  }
0x55: {  	_ =	shalt  }
0x56: {  	_ =	shalt  }
0x57: {  	_ =	shalt  }
0x58: {  	_ =	shalt  }
0x59: {  	_ =	shalt  }
0x5a: {  	_ =	shalt  }
0x5b: {  	_ =	shalt  }
0x5c: {  	_ =	shalt  }
0x5d: {  	_ =	shalt  }
0x5e: {  	_ =	shalt  }
0x5f: {  	_ =	shalt  }
0x60: {  	_ =	shalt  }
0x61: {  	_ =	shalt  }
0x62: {  	_ =	shalt  }
0x63: {  	_ =	shalt  }
0x64: {  	_ =	shalt  }
0x65: {  	_ =	shalt  }
0x66: {  	_ =	shalt  }
0x67: {  	_ =	shalt  }
0x68: {  	_ =	shalt  }
0x69: {  	_ =	shalt  }
0x6a: {  	_ =	shalt  }
0x6b: {  	_ =	shalt  }
0x6c: {  	_ =	shalt  }
0x6d: {  	_ =	shalt  }
0x6e: {  	_ =	shalt  }
0x6f: {  	_ =	shalt  }
0x70: {  	_ =	shalt  }
0x71: {  	_ =	shalt  }
0x72: {  	_ =	shalt  }
0x73: {  	_ =	shalt  }
0x74: {  	_ =	shalt  }
0x75: {  	_ =	shalt  }
0x76: {  	_ =	shalt  }
0x77: {  	_ =	shalt  }
0x78: {  	_ =	shalt  }
0x79: {  	_ =	shalt  }
0x7a: {  	_ =	shalt  }
0x7b: {  	_ =	shalt  }
0x7c: {  	_ =	shalt  }
0x7d: {  	_ =	shalt  }
0x7e: {  	_ =	shalt  }
0x7f: {  	_ =	shalt  }
0x80: {  	_ =	shalt  }
0x81: {  	_ =	shalt  }
0x82: {  	_ =	shalt  }
0x83: {  	_ =	shalt  }
0x84: {  	_ =	shalt  }
0x85: {  	_ =	shalt  }
0x86: {  	_ =	shalt  }
0x87: {  	_ =	shalt  }
.Lfunc_end0:
.L_simem_size_0:
called_computation_lowered:
.L_overlay_start_0:
0x88: {  	s2 =	sld [smem:$0x3FD9]  }
0x89: {  	s3 =	sld [smem:$0x3FFE];
	_ =	sdelay $0x1  }
0x8a: {  	s1 =	srdreg.scid  }
0x8b: {  	s0 =	sand.u32 $0x1, s1  }
0x8c: {  	s17 =	sshll.u32 s0, $0xA;
	s2 =	sadd.s32 s3, s2  }
0x8d: {  	s2 =	sadd.s32 s2, s17  }
0x8e: {  	[smem:$0x3FBA] =	sst s2  }
0x8f: {  	_ = 	snop  }
0x90: {  	s2 =	sld [smem:$0x3FD0];
	(tm) =	ssettm $0x1  }
0x91: {  	s18 =	sld [smem:$0x3FFB];
	_ =	sdelay $0x3  }
0x92: {  	_ =	strace s18  }
0x93: {  	s3 =	sld [smem:$0x3FFC];
	_ =	sdelay $0x3  }
0x94: {  	_ =	strace s3  }
0x95: {  	s3 =	sld [smem:$0x3FFD];
	_ =	sdelay $0x3  }
0x96: {  	_ =	strace s3  }
0x97: {  	_ =	strace $0x8FFFFFFF  }
0x98: {  	s19 =	sld [smem:$0x3FDB];
	_ =	sdelay $0x1  }
0x99: {  	s4 =	simm.s32 $_scs_section_size  }
0x9a: {  	s5 =	simm.s32 $_size__tile_overlayer_lowered;
	s6 =	simm.s32 $_tile_overlayer_lowered  }
0x9b: {  	s22 =	simm.s32 $0x1BFF;
	s21 =	sshll.u32 s6, $0x1;
	s3 =	sadd.s32 s4, s19  }
0x9c: {  	s7 =	simm.s32 $0x0;
	s20 =	sshll.u32 s5, $0x1;
	s5 =	sadd.s32 s21, s3  }
0x9d: {  	[timem:s7], [sflag:s22] =	dma.local [hbm:s5], s20  }
0x9e: {  	_ =	swait.ge [sflag:s22], s20  }
0x9f: {  	s4 =	ssub.s32 $0x0, s20;
	[sflag:s22] =	ssyncset.done $0x0  }
0xa0: {  	[sflag:s22] =	ssyncadd.s32 s4;
	_ =	sdelay $0x1  }
0xa1: {  	s23 =	simm.s32 $0x1B8B  }
0xa2: {  	_ =	swait.ge [sflag:s23], $0x1  }
0xa3: {  	[sflag:s23] =	ssyncset.done $0x0  }
0xa4: {  	s25 =	simm.s32 $0x1B8E;
	s24 =	sld [smem:$0x3FFE];
	[sflag:s23] =	ssyncadd.s32 $0xFFFFFFFF  }
0xa5: {  	s26 =	simm.s32 $execute0_lowered;
	[smem:$0x3FD2] =	sst s25  }
0xa6: {  	s5 =	sshll.u32 s26, $0x1;
	_ =	strace $0x80000046;
	[dreg:$0x1] =	wrdreg $0xFFFFFFFF  }
0xa7: {  	s28 =	simm.s32 $_size_execute0_lowered;
	s3 =	sadd.s32 s3, s5;
	[dreg:$0x0] =	wrdreg $0x0  }
0xa8: {  	s5 =	sshll.u32 s28, $0x1;
	[dreg:$0x2] =	wrdreg s3  }
0xa9: {  	[dreg:$0x3] =	wrdreg s5  }
0xaa: {  	[dreg:$0x4] =	wrdreg $0xC0  }
0xab: {  	_ =	task [dreg:s7], $0x5FFFF  }
0xac: {  	[dreg:$0x1] =	wrdreg $0xFFFFFFFF  }
0xad: {  	[dreg:$0x0] =	wrdreg $0x60  }
0xae: {  	[dreg:$0x2] =	wrdreg s24  }
0xaf: {  	[dreg:$0x3] =	wrdreg s2  }
0xb0: {  	[dreg:$0x4] =	wrdreg $0x9  }
0xb1: {  	_ =	task.clear_ibuf [dreg:s7], $0x5FFFF;
	_ =	strace $0x90000046  }
0xb2: {  	s29 =	simm.s32 $0x9;
	_ =	strace $0x80000048  }
0xb3: {  	_ =	swait.ge [sflag:s29], $0x1  }
0xb4: {  	[sflag:s29] =	ssyncadd.s32 $0xFFFFFFFF  }
0xb5: {  	_ =	strace $0x90000048  }
0xb6: {  	_ =	sfence  }
0xb7: {  	s30 =	sld [smem:$0x0];
	_ =	sdelay $0x2  }
0xb8: {  	s31 =	sshll.u32 s1, $0xD;
	s1 =	sshrl.u32 s1, $0x2  }
0xb9: {  	s3 =	sand.u32 $0x4000, s31;
	s1 =	sadd.s32 s1, s30  }
0xba: {  	s0 =	sor.u32 s3, s0;
	s1 =	sshll.u32 s1, $0x11  }
0xbb: {  	s0 =	sor.u32 s1, s0  }
0xbc: {  	s0 =	sadd.s32 $0x8F2B, s0  }
0xbd: {  	[sflag:s0] =	ssyncadd.remote.s32 $0x1  }
0xbe: {  	_ =	sfence.sel $0xFFFF  }
0xbf: {  	[dreg:$0x0] =	wrdreg $0xFFFFFFFF;
	(pc) =	sbr.abs _section_cstart, $3  }
0xc0: {  	[dreg:$0x1] =	wrdreg $0xFFFFFFFF  }
0xc1: {  	_ =	task.clear_ibuf [dreg:s7], $0x2FFFF;
	_ =	strace $0x9FFFFFFF  }
0xc2: {  	(tm) =	ssettm $0x7FFFFFFF  }
0xc3: {  	_ =	shalt  }
tec
execute0_lowered:
.L_overlay_start_1:
0x0: {  	(tag) =	ssettag $0x1  }
0x1: {  	s3 =	rddreg [dreg:$0x0]  }
0x2: {  	s0 =	rddreg [dreg:$0x1];
	s2 =	simm.s32 $0x0;
	s8 =	stileid.u32  }
0x3: {  	s1 =	srdreg.scid;
	[smem:$0x7FF] =	sst s2;
	s5 =	sadd.s32 $0x1200, s3  }
0x4: {  	s13 =	sshrl.u32 s8, $0x1;
	s12 =	sadd.s32 $0x1400, s3;
	s6 =	sand.u32 $0x1, s1  }
0x5: {  	s1 =	sadd.s32 $0x1800, s3;
	s8 =	sshll.u32 s8, $0x1;
	s9 =	smul.u32 $0x18, s13  }
0x6: {  	_ =	strace $0x80000047;
	s4 =	sshll.u32 s13, $0xB;
	s18 =	smul.u32 $0x3, s13  }
0x7: {  	s14 =	ssub.s32 $0x2, s6;
	s16 =	sand.u32 $0x2, s8;
	s10 =	smul.u32 $0x300, s13  }
0x8: {  	s30 =	sshll.u32 s13, $0xF;
	s7 =	sadd.s32 s4, s3;
	s15 =	sshrl.u32 s14, $0x1  }
0x9: {  	s0 =	sadd.s32 s0, s30;
	s17 =	ssub.s32 s14, s15;
	s15 =	sor.u32 s6, s16  }
0xa: {  	v0 =	vimm.s32 $0xFEDCBA98;
	v1 =	vimm.s32 $0x76543210;
	s19 =	sadd.s32 s5, s9;
	s14 =	sadd.s32 $0x1, s18;
	s16 =	sadd.s32 $0x2, s18  }
0xb: {  	v3 =	vimm.s32 $0x3210FEDC;
	v4 =	vimm.s32 $0xBA987654;
	s18 =	smul.u32 $0xC00, s13;
	[dreg:$0x3] =	wrdreg s19;
	s20 =	sshll.u32 s15, $0x6  }
0xc: {  	v5 =	vimm.s32 $0x10FEDCBA;
	v6 =	vimm.s32 $0x98765432;
	v7 =	vimm.s32 $0xFEDCBA9;
	s21 =	sshll.u32 s14, $0x3;
	s22 =	sshll.u32 s16, $0x3;
	s26 =	sshll.u32 s14, $0x8  }
0xd: {  	v8 =	vimm.s32 $0x87654321;
	v0 =	vunpack.c.l.s4.s8 v0;
	v1 =	vunpack.c.l.s4.s8 v1;
	s11 =	sshll.u32 s16, $0x8;
	s28 =	sshll.u32 s15, $0x9;
	s29 =	sshll.u32 s14, $0x5  }
0xe: {  	v3 =	vunpack.c.l.s4.s8 v3;
	v4 =	vunpack.c.l.s4.s8 v4;
	v5 =	vunpack.c.l.s4.s8 v5;
	s19 =	sshll.u32 s15, $0x8;
	s14 =	sshll.u32 s14, $0xA;
	s31 =	sshll.u32 s15, $0xD  }
0xf: {  	v6 =	vunpack.c.l.s4.s8 v6;
	v7 =	vunpack.c.l.s4.s8 v7;
	v8 =	vunpack.c.l.s4.s8 v8;
	s17 =	smax.u32 s17, $0x1;
	s23 =	sor.u32 s10, s20;
	s24 =	sadd.s32 s5, s21  }
0x10: {  	v3 =	vunpack.c.0.s8.s32 v3;
	v4 =	vunpack.c.0.s8.s32 v4;
	v5 =	vunpack.c.0.s8.s32 v5;
	s5 =	sadd.s32 s5, s22;
	s9 =	sor.u32 s20, s26;
	s8 =	sor.u32 s20, s11  }
0x11: {  	v6 =	vunpack.c.0.s8.s32 v6;
	v7 =	vunpack.c.0.s8.s32 v7;
	v8 =	vunpack.c.0.s8.s32 v8;
	s11 =	sadd.s32 s28, s7;
	s10 =	sshrl.u32 s10, $0x3;
	s20 =	sshll.u32 s16, $0x5  }
0x12: {  	v0 =	vunpack.c.0.s8.s32 v0;
	v3 =	vcombine.low v4, v3;
	s18 =	sor.u32 s18, s19;
	s14 =	sor.u32 s19, s14;
	s16 =	sshll.u32 s16, $0xA  }
0x13: {  	v1 =	vunpack.c.0.s8.s32 v1;
	v4 =	vcombine.low v6, v5;
	v6 =	vcombine.low v8, v7;
	[dreg:$0x4] =	wrdreg s24;
	s25 =	sshrl.u32 s23, $0x3;
	s9 =	sshrl.u32 s9, $0x3  }
0x14: {  	v5 =	vand.u32 $0xF, v0;
	s8 =	sshrl.u32 s8, $0x3;
	s10 =	sadd.s32 s12, s10;
	s18 =	sshrl.u32 s18, $0x3  }
0x15: {  	v2 =	vlaneseq.u32;
	v5 =	vcombine.low v5, v1;
	s14 =	sshrl.u32 s14, $0x3;
	s16 =	sor.u32 s19, s16;
	v1 =	vand.u32 $0xF, v6;
	s6 =	sadd.s32 s12, s25  }
0x16: {  	v2 =	vmul.u32 $0xFFFFFFFF, v2;
	v4 =	vand.u32 $0xF, v4;
	s7 =	sadd.s32 s12, s9;
	s8 =	sadd.s32 s12, s8;
	s9 =	sadd.s32 $0x2400, s11;
	[tilespmem:$0x1FFC0] =	vst v1  }
0x17: {  	s11 =	sadd.s32 s12, s29;
	s12 =	sadd.s32 s12, s20;
	s13 =	sadd.s32 s1, s18;
	[tilespmem:$0x1FFD0] =	vst v4  }
0x18: {  	v0 =	vadd.s32 $0xF, v2;
	v2 =	vand.u32 $0xF, v3;
	s14 =	sadd.s32 s1, s14;
	s16 =	sshrl.u32 s16, $0x3;
	s18 =	simm.s32 $0x1;
	[tilespmem:$0x1FFE0] =	vst v5  }
0x19: {  	[tilespmem:$0x1FFF0] =	vst v2;
	s15 =	sadd.s32 s1, s16;
	s16 =	sadd.s32 s31, s0;
	s1 =	simm.s32 $0x0  }
.LBB2_1:
0x1a: {  	s0 =	rddreg [dreg:$0x3]  }
0x1b: {  	[tilespmem:s2], [sflag:$0x1] =	stream.linear.gather [hbm4b:s0+s2], $0x40, $0x38;
	[tilespmem:$0x11900] =	vst v63  }
0x1c: {  	_ =	swait.ge [sflag:s18], $0x40  }
0x1d: {  	[sflag:s18] =	ssyncset.done $0x0  }
0x1e: {  	s3 =	simm.s32 $0x80;
	s20 =	rddreg [dreg:$0x4];
	[sflag:s18] =	ssyncadd.s32 $0xFFFFFFC0  }
0x1f: {  	[tilespmem:s3], [sflag:$0x1] =	stream.linear.gather [hbm4b:s20+s2], $0x40, $0x38;
	[tilespmem:$0x11900] =	vst v63  }
0x20: {  	_ =	swait.ge [sflag:s18], $0x40  }
0x21: {  	[sflag:s18] =	ssyncset.done $0x0  }
0x22: {  	s21 =	simm.s32 $0x100;
	[sflag:s18] =	ssyncadd.s32 $0xFFFFFFC0  }
0x23: {  	[tilespmem:s21], [sflag:$0x1] =	stream.linear.gather [hbm4b:s5+s2], $0x40, $0x38;
	[tilespmem:$0x11900] =	vst v63  }
0x24: {  	_ =	swait.ge [sflag:s18], $0x40  }
0x25: {  	[sflag:s18] =	ssyncset.done $0x0  }
0x26: {  	s22 =	simm.s32 $0x180;
	[sflag:s18] =	ssyncadd.s32 $0xFFFFFFC0  }
0x27: {  	[tilespmem:s22], [sflag:$0x1] =	stream.linear.gather [hbm4b:s6+s2], $0x40, $0x38;
	[tilespmem:$0x11900] =	vst v63  }
0x28: {  	_ =	swait.ge [sflag:s18], $0x40  }
0x29: {  	[sflag:s18] =	ssyncset.done $0x0  }
0x2a: {  	s23 =	simm.s32 $0x200;
	[sflag:s18] =	ssyncadd.s32 $0xFFFFFFC0  }
0x2b: {  	[tilespmem:s23], [sflag:$0x1] =	stream.linear.gather [hbm4b:s7+s2], $0x40, $0x38;
	[tilespmem:$0x11900] =	vst v63  }
0x2c: {  	_ =	swait.ge [sflag:s18], $0x40  }
0x2d: {  	[sflag:s18] =	ssyncset.done $0x0  }
0x2e: {  	s24 =	simm.s32 $0x280;
	[sflag:s18] =	ssyncadd.s32 $0xFFFFFFC0  }
0x2f: {  	[tilespmem:s24], [sflag:$0x1] =	stream.linear.gather [hbm4b:s8+s2], $0x40, $0x38;
	[tilespmem:$0x11900] =	vst v63  }
0x30: {  	_ =	swait.ge [sflag:s18], $0x40  }
0x31: {  	[sflag:s18] =	ssyncset.done $0x0  }
0x32: {  	[sflag:s18] =	ssyncadd.s32 $0xFFFFFFC0  }
0x33: {  	v9 =	vld [tilespmem:$0x100]  }
0x34: {  	v1 =	vld [tilespmem:$0x0]  }
0x35: {  	s19 =	simm.s32 $0x0;
	v6 =	vld [tilespmem:$0x80]  }
0x36: {  	s20 =	sand.u32 $0x30, s19;
	v7 =	vld [tilespmem:$0x110]  }
0x37: {  	v8 =	vld [tilespmem:s20+$0x280]  }
0x38: {  	v10 =	vld [tilespmem:s20+$0x180]  }
0x39: {  	s21 =	sand.u32 $0xFFFFFFF0, s2;
	v11 =	vld [tilespmem:s20+$0x200]  }
0x3a: {  	s25 =	ssub.s32 $0xFFFFFFFC, s21;
	v12 =	vld [tilespmem:$0x10]  }
0x3b: {  	s21 =	sadd.s32 $0x7, s25;
	v13 =	vld [tilespmem:$0x90]  }
0x3c: {  	v15 =	vmov s21;
	v14 =	vld [tilespmem:$0x20]  }
0x3d: {  	v16 =	vld [tilespmem:$0x30];
	v17 =	vperm.xlane v8, v15  }
0x3e: {  	v21 =	vld [tilespmem:$0xB0];
	v18 =	vperm.xlane v10, v15;
	v15 =	vperm.xlane v11, v15  }
0x3f: {  	v22 =	vld [tilespmem:$0xA0];
	v19 =	vsub.f32 v9, v17  }
0x40: {  	v23 =	vld [tilespmem:$0x130];
	v20 =	vsub.f32 v1, v18;
	v24 =	vsub.f32 v6, v15  }
0x41: {  	v25 =	vld [tilespmem:$0x120];
	v26 =	vsub.f32 v12, v18;
	v27 =	vsub.f32 v7, v17  }
0x42: {  	v28 =	vsub.f32 v13, v15;
	v29 =	vsub.f32 v14, v18  }
0x43: {  	v18 =	vsub.f32 v16, v18;
	v30 =	vsub.f32 v21, v15  }
0x44: {  	v15 =	vsub.f32 v22, v15;
	v20 =	vmul.f32 v20, v20;
	v26 =	vmul.f32 v26, v26  }
0x45: {  	v31 =	vsub.f32 v23, v17;
	v18 =	vmul.f32 v18, v18;
	v30 =	vmul.f32 v30, v30  }
0x46: {  	v17 =	vsub.f32 v25, v17;
	v28 =	vmul.f32 v28, v28;
	v29 =	vmul.f32 v29, v29  }
0x47: {  	v15 =	vmul.f32 v15, v15;
	v18 =	vadd.f32 v30, v18;
	v30 =	vmul.f32 v31, v31  }
0x48: {  	v24 =	vmul.f32 v24, v24;
	v27 =	vmul.f32 v27, v27;
	v26 =	vadd.f32 v28, v26  }
0x49: {  	v17 =	vmul.f32 v17, v17;
	v28 =	vadd.f32 v15, v29;
	v15 =	vadd.f32 v30, v18  }
0x4a: {  	v29 =	vmul.f32 v19, v19;
	v19 =	vadd.f32 v27, v26  }
0x4b: {  	s26 =	sadd.s32 $0x5, s25;
	v20 =	vadd.f32 v24, v20;
	v18 =	vadd.f32 v17, v28;
	(xrf1) =	vsort.ascd.msk.f32 $0xffff, v15, v15  }
0x4c: {  	v24 =	vmov s26;
	(xrf1) =	vsort.ascd.msk.f32 $0xffff, v19, v19  }
0x4d: {  	v20 =	vadd.f32 v29, v20;
	v29 =	vperm.xlane v10, v24;
	(xrf1) =	vsort.ascd.msk.f32 $0xffff, v18, v18  }
0x4e: {  	s19 =	sand.u32 $0xC, s19;
	v30 =	vperm.xlane v11, v24  }
0x4f: {  	v17 =	vmov s19;
	v33 =	vsub.f32 v16, v29;
	(xrf1) =	vsort.ascd.msk.f32 $0xffff, v20, v20  }
0x50: {  	s20 =	sadd.s32 $0x6, s25;
	v24 =	vperm.xlane v8, v24;
	v34 =	vsub.f32 v21, v30;
	v39 =	vsub.f32 v12, v29  }
0x51: {  	v27 =	vmov s20;
	v40 =	vsub.f32 v13, v30;
	v41 =	vsub.f32 v14, v29  }
0x52: {  	v26 =	vperm.xlane v10, v17;
	v43 =	vsub.f32 v22, v30;
	v44 =	vsub.f32 v23, v24  }
0x53: {  	v28 =	vperm.xlane v11, v17;
	v29 =	vsub.f32 v1, v29;
	v30 =	vsub.f32 v6, v30  }
0x54: {  	v10 =	vperm.xlane v10, v27;
	v61 =	vsub.f32 v7, v24;
	v62 =	vsub.f32 v25, v24  }
0x55: {  	v11 =	vperm.xlane v11, v27;
	v24 =	vsub.f32 v9, v24;
	v31 =	vsub.f32 v16, v26  }
0x56: {  	v17 =	vperm.xlane v8, v17;
	v32 =	vsub.f32 v21, v28;
	v16 =	vsub.f32 v16, v10  }
0x57: {  	v27 =	vperm.xlane v8, v27;
	v21 =	vsub.f32 v21, v11;
	v8 =	vsub.f32 v12, v26  }
0x58: {  	v35 =	vsub.f32 v13, v28;
	v36 =	vsub.f32 v14, v26  }
0x59: {  	v37 =	vsub.f32 v22, v28;
	v38 =	vsub.f32 v23, v17;
	v42, _, _ =	vpop (xrf1)  }
0x5a: {  	v12 =	vsub.f32 v12, v10;
	v13 =	vsub.f32 v13, v11;
	v42 =	vperm.xlane v42, v0;
	v45, _, _ =	vpop (xrf1)  }
0x5b: {  	v14 =	vsub.f32 v14, v10;
	v22 =	vsub.f32 v22, v11;
	v46, _, _ =	vpop (xrf1)  }
0x5c: {  	v23 =	vsub.f32 v23, v27;
	v45 =	vperm.xlane v45, v0;
	v42 =	vmin.f32 v46, v42  }
0x5d: {  	v33 =	vmul.f32 v33, v33;
	v34 =	vmul.f32 v34, v34;
	v54, _, _ =	vpop (xrf1);
	(xrf1) =	vsort.ascd.msk.f32 $0xffff, v42, v42  }
0x5e: {  	v55 =	vmul.f32 v39, v39;
	v40 =	vmul.f32 v40, v40;
	v56 =	vmin.f32 v54, v45  }
0x5f: {  	v57 =	vmul.f32 v43, v43;
	v58 =	vmul.f32 v44, v44;
	(xrf1) =	vsort.ascd.msk.f32 $0xffff, v56, v56  }
0x60: {  	v26 =	vsub.f32 v1, v26;
	v29 =	vmul.f32 v29, v29;
	v30 =	vmul.f32 v30, v30  }
0x61: {  	v28 =	vsub.f32 v6, v28;
	v44 =	vmul.f32 v62, v62;
	v31 =	vmul.f32 v31, v31  }
0x62: {  	v59 =	vsub.f32 v7, v17;
	v32 =	vmul.f32 v32, v32;
	v16 =	vmul.f32 v16, v16  }
0x63: {  	v60 =	vsub.f32 v25, v17;
	v21 =	vmul.f32 v21, v21;
	v8 =	vmul.f32 v8, v8  }
0x64: {  	v1 =	vsub.f32 v1, v10;
	v35 =	vmul.f32 v35, v35;
	v36 =	vmul.f32 v36, v36  }
0x65: {  	v63 =	vsub.f32 v6, v11;
	v37 =	vmul.f32 v37, v37;
	v38 =	vmul.f32 v38, v38  }
0x66: {  	v7 =	vsub.f32 v7, v27;
	v12 =	vmul.f32 v12, v12;
	v13 =	vmul.f32 v13, v13  }
0x67: {  	v25 =	vsub.f32 v25, v27;
	v14 =	vmul.f32 v14, v14;
	v22 =	vmul.f32 v22, v22  }
0x68: {  	v23 =	vmul.f32 v23, v23;
	v26 =	vmul.f32 v26, v26;
	v31 =	vadd.f32 v32, v31  }
0x69: {  	v28 =	vmul.f32 v28, v28;
	v47 =	vmul.f32 v1, v1;
	v33 =	vadd.f32 v34, v33  }
0x6a: {  	v49 =	vmul.f32 v63, v63;
	v16 =	vadd.f32 v21, v16;
	v3 =	vadd.f32 v38, v31  }
0x6b: {  	v21 =	vmul.f32 v41, v41;
	v41 =	vmul.f32 v59, v59;
	v11 =	vadd.f32 v58, v33;
	v43, _, _ =	vpop (xrf1)  }
0x6c: {  	v6 =	vadd.f32 v23, v16;
	(xrf1) =	vsort.ascd.msk.f32 $0xffff, v3, v3;
	v32 =	vperm.xlane v43, v0  }
0x6d: {  	v8 =	vadd.f32 v35, v8;
	v22 =	vadd.f32 v22, v14;
	(xrf1) =	vsort.ascd.msk.f32 $0xffff, v11, v11;
	v48, _, _ =	vpop (xrf1)  }
0x6e: {  	v16 =	vadd.f32 v37, v36;
	(xrf1) =	vsort.ascd.msk.f32 $0xffff, v6, v6;
	v1 =	vmin.f32 v48, v32  }
0x6f: {  	v23 =	vadd.f32 v40, v55;
	v21 =	vadd.f32 v57, v21;
	(xrf1) =	vsort.ascd.msk.f32 $0xffff, v1, v1  }
0x70: {  	v31 =	vmul.f32 v61, v61;
	v46 =	vadd.f32 v13, v12;
	v13 =	vsub.f32 v9, v17  }
0x71: {  	v17 =	vmul.f32 v25, v25;
	v1 =	vadd.f32 v41, v8;
	v8 =	vmul.f32 $-3.125000000e+00, v20  }
0x72: {  	v12 =	vadd.f32 v31, v23;
	v23 =	vmul.f32 $-3.125000000e+00, v19;
	v42 =	vmul.f32 v60, v60  }
0x73: {  	v43 =	vadd.f32 v44, v21;
	v21 =	vmul.f32 $-3.125000000e+00, v18;
	v8 =	vmul.f32 $1.442695020e+00, v8  }
0x74: {  	v25 =	vmul.f32 $-3.125000000e+00, v15;
	v23 =	vmul.f32 $1.442695020e+00, v23;
	v51 =	vadd.f32 v17, v22  }
0x75: {  	v14 =	vadd.f32 v42, v16;
	v21 =	vmul.f32 $1.442695020e+00, v21;
	(erf) = vpow2.f32 v8  }
0x76: {  	v17 =	vmul.f32 $1.442695020e+00, v25;
	v22 =	vadd.f32 v30, v29;
	(xrf1) =	vsort.ascd.msk.f32 $0xffff, v1, v1;
	(erf) = vpow2.f32 v23  }
0x77: {  	v7 =	vmul.f32 v7, v7;
	v9 =	vsub.f32 v9, v27;
	(xrf1) =	vsort.ascd.msk.f32 $0xffff, v14, v14;
	(erf) = vpow2.f32 v21  }
0x78: {  	(xrf1) =	vsort.ascd.msk.f32 $0xffff, v12, v12;
	v23 =	vmul.f32 v24, v24;
	v21 =	vadd.f32 v49, v47;
	(erf) = vpow2.f32 v17  }
0x79: {  	v26 =	vadd.f32 v28, v26;
	v50 =	vadd.f32 v7, v46;
	(xrf1) =	vsort.ascd.msk.f32 $0xffff, v43, v43  }
0x7a: {  	v9 =	vmul.f32 v9, v9;
	v16 =	vmul.f32 v13, v13;
	v17 =	vadd.f32 v23, v22;
	v22, _, _ =	vpop (xrf1)  }
0x7b: {  	v24, _, _ =	vpop (xrf1)  }
0x7c: {  	v16 =	vadd.f32 v16, v26;
	(xrf1) =	vsort.ascd.msk.f32 $0xffff, v50, v50;
	v9 =	vadd.f32 v9, v21;
	v21, _, _ =	vpop (xrf1)  }
0x7d: {  	v52 =	vimm.s32 $0xF;
	(xrf1) =	vsort.ascd.msk.f32 $0xffff, v51, v51;
	v23, _, _ =	vpop (xrf1)  }
0x7e: {  	(xrf1) =	vsort.ascd.msk.f32 $0xffff, v16, v16;
	v25 =	vpop (erf);
	v23 =	vperm.xlane v23, v52  }
0x7f: {  	(xrf1) =	vsort.ascd.msk.f32 $0xffff, v17, v17;
	v26 =	vpop (erf)  }
0x80: {  	v29 =	vmul.f32 $-3.125000000e+00, v11;
	vm1 =	vle.f32 v19, v23;
	v19 =	vpop (erf)  }
0x81: {  	vm0 =	vle.f32 v20, v23;
	vm6 =	vle.f32 v18, v23;
	vm2 =	vle.f32 v15, v23;
	v15 =	vpop (erf)  }
0x82: {  	(xrf1) =	vsort.ascd.msk.f32 $0xffff, v9, v9;
	v27 =	vnsel vm1, $0x0, v26;
	v26 =	vnsel vm6, $0x0, v19;
	v23 =	vnsel vm2, $0x0, v15  }
0x83: {  	v10 =	vmov v2;
	v28 =	vmul.f32 $-3.125000000e+00, v3;
	v20 =	vadd.f32 v23, v26  }
0x84: {  	v2 =	vmul.f32 $-3.125000000e+00, v51;
	v29 =	vmul.f32 $1.442695020e+00, v29;
	v25 =	vnsel vm0, $0x0, v25;
	v15, _, _ =	vpop (xrf1)  }
0x85: {  	v31 =	vmul.f32 $-3.125000000e+00, v14;
	v22 =	vperm.xlane v22, v0;
	v19 =	vadd.f32 v27, v25;
	v55, _, _ =	vpop (xrf1)  }
0x86: {  	v53 =	vmul.f32 $-3.125000000e+00, v16;
	v24 =	vperm.xlane v24, v0;
	v57, _, _ =	vpop (xrf1)  }
0x87: {  	v56 =	vmul.f32 $-3.125000000e+00, v43;
	v22 =	vmin.f32 v55, v22;
	v19 =	vadd.f32 v20, v19;
	v20, _, _ =	vpop (xrf1)  }
0x88: {  	v32 =	vmul.f32 $1.442695020e+00, v53;
	v21 =	vperm.xlane v21, v0;
	v20 =	vmin.f32 v20, v24  }
0x89: {  	v39 =	vmul.f32 $1.442695020e+00, v56;
	v30 =	vmul.f32 $-3.125000000e+00, v1  }
0x8a: {  	[tilespmem:$0x1FD40] =	vst v11;
	v54 =	vmul.f32 $-3.125000000e+00, v17;
	v58 =	vmul.f32 $-3.125000000e+00, v9;
	(xrf1) =	vsort.ascd.msk.f32 $0xffff, v22, v22;
	v22, _, _ =	vpop (xrf1)  }
0x8b: {  	[tilespmem:$0x1FD30] =	vst v12;
	v15 =	vperm.xlane v15, v0;
	v24 =	vperm.xlane v19, v5;
	(xrf1) =	vsort.ascd.msk.f32 $0xffff, v20, v20;
	v20, _, _ =	vpop (xrf1)  }
0x8c: {  	[tilespmem:$0x1FD90] =	vst v50;
	(erf) = vpow2.f32 v32;
	v36 =	vperm.xlane v57, v0;
	v20 =	vmin.f32 v20, v21;
	v21, _, _ =	vpop (xrf1)  }
0x8d: {  	[tilespmem:$0x1FDA0] =	vst v51;
	v18 =	vmul.f32 $-3.125000000e+00, v12;
	v19 =	vadd.f32 v19, v24;
	v15 =	vmin.f32 v21, v15;
	v21, _, _ =	vpop (xrf1)  }
0x8e: {  	s0 =	simm.s32 $0x4;
	v24 =	vmul.f32 $1.442695020e+00, v31;
	(xrf1) =	vsort.ascd.msk.f32 $0xffff, v20, v20;
	v20 =	vmul.f32 $1.442695020e+00, v30;
	v21 =	vmin.f32 v21, v36  }
0x8f: {  	s3 =	sand.u32 $0x30, s0;
	[tilespmem:$0x1FD80] =	vst v9;
	(xrf1) =	vsort.ascd.msk.f32 $0xffff, v15, v15;
	v15 =	vperm.xlane v22, v0;
	v22 =	vperm.xlane v19, v10  }
0x90: {  	v51 =	vld [tilespmem:s3+$0x280];
	v31 =	vmul.f32 $1.442695020e+00, v18;
	v30, _, _ =	vpop (xrf1);
	(xrf1) =	vsort.ascd.msk.f32 $0xffff, v21, v21;
	v21 =	vmul.f32 $1.442695020e+00, v28  }
0x91: {  	v42 =	vld [tilespmem:s3+$0x180];
	(erf) = vpow2.f32 v20;
	v18 =	vmin.f32 v30, v15;
	v30 =	vadd.f32 v19, v22  }
0x92: {  	v41 =	vld [tilespmem:$0x90];
	v28 =	vmul.f32 $1.442695020e+00, v54;
	(erf) = vpow2.f32 v24  }
0x93: {  	v63 =	vmovc v5;
	v8 =	vmovc v50;
	v5 =	vmov v4;
	(erf) = vpow2.f32 v21;
	v20 =	vperm.xlane v30, v4;
	v4 =	vld [tilespmem:$0x1FFC0]  }
0x94: {  	v59 =	vmul.f32 $-3.125000000e+00, v8;
	v52 =	vld [tilespmem:s3+$0x200];
	(xrf1) =	vsort.ascd.msk.f32 $0xffff, v18, v18;
	(erf) = vpow2.f32 v28  }
0x95: {  	s4 =	simm.s32 $0x4;
	v15 =	vld [tilespmem:$0x100];
	v24 =	vmul.f32 $1.442695020e+00, v58;
	(erf) = vpow2.f32 v31  }
0x96: {  	s21 =	sand.u32 $0xFFFFFFF0, s4;
	v19 =	vld [tilespmem:$0x0];
	v21 =	vmul.f32 $1.442695020e+00, v59;
	v20 =	vadd.f32 v30, v20;
	(erf) = vpow2.f32 v39  }
0x97: {  	s22 =	ssub.s32 $0x0, s21;
	v22 =	vld [tilespmem:$0x80];
	v30 =	vmul.f32 $1.442695020e+00, v2;
	(erf) = vpow2.f32 v29  }
0x98: {  	s21 =	sadd.s32 $0x7, s22;
	v39 =	vld [tilespmem:$0x10];
	(erf) = vpow2.f32 v24;
	v28 =	vperm.xlane v20, v4  }
0x99: {  	v48 =	vld [tilespmem:$0x20];
	v24 =	vmov s21;
	(erf) = vpow2.f32 v21  }
0x9a: {  	v54 =	vld [tilespmem:$0xB0];
	v31, _, _ =	vpop (xrf1);
	v21 =	vperm.xlane v51, v24;
	v45 =	vperm.xlane v42, v24  }
0x9b: {  	v53 =	vld [tilespmem:$0x30];
	v24 =	vperm.xlane v52, v24;
	(erf) = vpow2.f32 v30;
	v30 =	vpop (erf);
	v20 =	vadd.f32 v20, v28  }
0x9c: {  	v49 =	vld [tilespmem:$0xA0];
	v35 =	vsub.f32 v15, v21;
	v47 =	vsub.f32 v19, v45;
	v28, _, _ =	vpop (xrf1)  }
0x9d: {  	v18 =	vld [tilespmem:$0x110];
	v31 =	vperm.xlane v31, v0;
	v55 =	vsub.f32 v22, v24;
	v56 =	vsub.f32 v39, v45;
	v29, _, _ =	vpop (xrf1)  }
0x9e: {  	v50 =	vld [tilespmem:$0x130];
	v58 =	vsub.f32 v48, v45;
	v20 =	vadd.f32 $9.999999930e-09, v20;
	v28 =	vperm.xlane v28, v0;
	v44, _, _ =	vpop (xrf1)  }
0x9f: {  	v38 =	vld [tilespmem:$0x120];
	v59 =	vsub.f32 v54, v24;
	v60 =	vmul.f32 v47, v47;
	v31 =	vmin.f32 v44, v31;
	v46, _, _ =	vpop (xrf1)  }
0xa0: {  	v13 =	vpop (erf);
	v29 =	vperm.xlane v29, v0;
	v28 =	vmin.f32 v46, v28;
	(xrf1) =	vsort.ascd.msk.f32 $0xffff, v31, v31  }
0xa1: {  	v62 =	vpop (erf);
	(xrf1) =	vsort.ascd.msk.f32 $0xffff, v28, v28;
	v28 =	vsub.f32 v41, v24;
	v24 =	vsub.f32 v49, v24  }
0xa2: {  	v57 =	vsub.f32 v18, v21;
	v47 =	vmul.f32 v58, v58;
	(erf) = vrcp.f32 v20;
	v20, _, _ =	vpop (xrf1)  }
0xa3: {  	v34 =	vpop (erf);
	v20 =	vmin.f32 v20, v29;
	v29 =	vsub.f32 v53, v45;
	v24 =	vmul.f32 v24, v24  }
0xa4: {  	v7 =	vsub.f32 v50, v21;
	v21 =	vsub.f32 v38, v21;
	v61 =	vmul.f32 v56, v56;
	v36 =	vpop (erf)  }
0xa5: {  	v33 =	vmul.f32 v59, v59;
	[tilespmem:$0x1FD70] =	vst v36;
	v36 =	vpop (erf);
	v29 =	vmul.f32 v29, v29;
	v24 =	vadd.f32 v24, v47  }
0xa6: {  	v21 =	vmul.f32 v21, v21;
	v32 =	vpop (erf);
	v28 =	vmul.f32 v28, v28  }
0xa7: {  	v44 =	vmul.f32 v7, v7;
	(xrf1) =	vsort.ascd.msk.f32 $0xffff, v20, v20;
	v20 =	vpop (erf);
	v29 =	vadd.f32 v33, v29  }
0xa8: {  	v37 =	vmul.f32 v55, v55;
	v55 =	vmul.f32 v57, v57;
	[tilespmem:$0x1FD60] =	vst v34;
	v28 =	vadd.f32 v28, v61;
	v34 =	vpop (erf)  }
0xa9: {  	v40 =	vadd.f32 v44, v29;
	v45 =	vadd.f32 v21, v24;
	v24 =	vpop (erf)  }
0xaa: {  	v29 =	vmul.f32 v35, v35;
	v44 =	vadd.f32 v55, v28;
	v28 =	vadd.f32 v37, v60;
	v21 =	vpop (erf)  }
0xab: {  	v55 =	vmul.f32 $-3.125000000e+00, v6;
	v57 =	vpop (erf)  }
0xac: {  	s19 =	sand.u32 $0xC, s0;
	[tilespmem:$0x1FD50] =	vst v62;
	v46 =	vadd.f32 v29, v28;
	v58 =	vmul.f32 v57, v25;
	v59 =	vmul.f32 v57, v27  }
0xad: {  	(xrf1) =	vsort.ascd.msk.f32 $0xffff, v40, v40;
	v60 =	vmul.f32 v57, v26;
	v26 =	vmov s19;
	v61 =	vmul.f32 v57, v23  }
0xae: {  	v62 =	vimm.s32 $0xF;
	(xrf1) =	vsort.ascd.msk.f32 $0xffff, v44, v44;
	v27 =	vperm.xlane v42, v26;
	v56 =	vperm.xlane v52, v26;
	v25, _, _ =	vpop (xrf1)  }
0xaf: {  	s20 =	sadd.s32 $0x6, s22;
	(xrf1) =	vsort.ascd.msk.f32 $0xffff, v45, v45;
	[tilespmem:$0x1FF00] =	vst v58;
	v58 =	vperm.xlane v51, v26;
	v47 =	vperm.xlane v25, v62  }
0xb0: {  	[tilespmem:$0x1FF10] =	vst v59;
	v23, _, _ =	vpop (xrf1);
	v25 =	vmov s20;
	v26 =	vsub.f32 v53, v27;
	v59 =	vsub.f32 v54, v56  }
0xb1: {  	s23 =	sadd.s32 $0x5, s22;
	v9 =	vsub.f32 v48, v27;
	v10 =	vsub.f32 v49, v56;
	v35 =	vperm.xlane v23, v62  }
0xb2: {  	(xrf1) =	vsort.ascd.msk.f32 $0xffff, v46, v46;
	v23 =	vmov s23;
	v7 =	vperm.xlane v42, v25;
	v62 =	vsub.f32 v41, v56  }
0xb3: {  	vm7 =	vle.f32 v16, v47;
	v16 =	vperm.xlane v42, v23;
	v57 =	vperm.xlane v52, v23  }
0xb4: {  	v56 =	vsub.f32 v22, v56;
	v52 =	vperm.xlane v52, v25;
	v23 =	vperm.xlane v51, v23  }
0xb5: {  	vm8 =	vle.f32 v1, v47;
	v26 =	vmul.f32 v26, v26;
	v25 =	vperm.xlane v51, v25  }
0xb6: {  	v51 =	vsub.f32 v39, v27;
	v59 =	vmul.f32 v59, v59;
	v11 =	vmul.f32 v9, v9  }
0xb7: {  	v10 =	vmul.f32 v10, v10;
	v27 =	vsub.f32 v19, v27;
	vm9 =	vle.f32 v14, v47  }
0xb8: {  	[tilespmem:$0x1FF20] =	vst v60;
	v62 =	vmul.f32 v62, v62;
	v56 =	vmul.f32 v56, v56;
	v60 =	vsub.f32 v53, v16  }
0xb9: {  	[tilespmem:$0x1FF30] =	vst v61;
	vm4 =	vle.f32 v17, v35;
	v61 =	vsub.f32 v54, v57;
	v53 =	vsub.f32 v53, v7  }
0xba: {  	v54 =	vsub.f32 v54, v52;
	v26 =	vadd.f32 v59, v26;
	v51 =	vmul.f32 v51, v51  }
0xbb: {  	v8 =	vsub.f32 v39, v16;
	v39 =	vsub.f32 v39, v7;
	v12 =	vmul.f32 v27, v27  }
0xbc: {  	v28 =	vmovc v6;
	v27 =	vsub.f32 v18, v23;
	v60 =	vmul.f32 v60, v60;
	v61 =	vmul.f32 v61, v61  }
0xbd: {  	v42, _, _ =	vpop (xrf1);
	v10 =	vadd.f32 v10, v11;
	v53 =	vmul.f32 v53, v53;
	v54 =	vmul.f32 v54, v54  }
0xbe: {  	v9 =	vmul.f32 v8, v8;
	v39 =	vmul.f32 v39, v39;
	v51 =	vadd.f32 v62, v51;
	v6, _, _ =	vpop (xrf1)  }
0xbf: {  	v11 =	vmul.f32 v27, v27;
	v27 =	vimm.s32 $0xF;
	v6 =	vperm.xlane v6, v0;
	v33, _, _ =	vpop (xrf1)  }
0xc0: {  	v42 =	vperm.xlane v42, v27;
	v60 =	vadd.f32 v61, v60;
	v61 =	vsub.f32 v41, v57;
	v37, _, _ =	vpop (xrf1)  }
0xc1: {  	v53 =	vadd.f32 v54, v53;
	v1 =	vperm.xlane v33, v0;
	v6 =	vmin.f32 v37, v6  }
0xc2: {  	v55 =	vmul.f32 $1.442695020e+00, v55;
	v54 =	vsub.f32 v49, v57;
	v41 =	vsub.f32 v41, v52;
	v2, _, _ =	vpop (xrf1);
	(xrf1) =	vsort.ascd.msk.f32 $0xffff, v6, v6  }
0xc3: {  	v49 =	vsub.f32 v49, v52;
	v57 =	vsub.f32 v22, v57;
	v1 =	vmin.f32 v2, v1  }
0xc4: {  	(erf) = vpow2.f32 v55;
	v52 =	vsub.f32 v22, v52;
	v33 =	vsub.f32 v50, v58;
	(xrf1) =	vsort.ascd.msk.f32 $0xffff, v1, v1  }
0xc5: {  	v59 =	vmul.f32 v61, v61;
	v54 =	vmul.f32 v54, v54;
	v61 =	vsub.f32 v19, v16  }
0xc6: {  	v41 =	vmul.f32 v41, v41;
	v37 =	vsub.f32 v38, v58;
	v6 =	vsub.f32 v48, v16  }
0xc7: {  	v49 =	vmul.f32 v49, v49;
	v48 =	vsub.f32 v48, v7;
	v7 =	vsub.f32 v19, v7  }
0xc8: {  	v52 =	vmul.f32 v52, v52;
	v9 =	vadd.f32 v59, v9;
	v41 =	vadd.f32 v41, v39  }
0xc9: {  	v33 =	vmul.f32 v33, v33;
	v39 =	vsub.f32 v15, v58;
	v1 =	vsub.f32 v50, v23  }
0xca: {  	v50 =	vsub.f32 v50, v25;
	v8 =	vmul.f32 v6, v6;
	v48 =	vmul.f32 v48, v48  }
0xcb: {  	v33 =	vadd.f32 v33, v26;
	v7 =	vmul.f32 v7, v7;
	v6 =	vmul.f32 v1, v1  }
0xcc: {  	v19 =	vmul.f32 v50, v50;
	v50 =	vsub.f32 v18, v58;
	v18 =	vsub.f32 v18, v25  }
0xcd: {  	v55 =	vmul.f32 v61, v61;
	v8 =	vadd.f32 v54, v8;
	v48 =	vadd.f32 v49, v48  }
0xce: {  	v1 =	vmul.f32 v37, v37;
	v7 =	vadd.f32 v52, v7;
	v29 =	vadd.f32 v6, v60  }
0xcf: {  	(xrf1) =	vsort.ascd.msk.f32 $0xffff, v33, v33;
	v60 =	vsub.f32 v38, v23;
	v38 =	vsub.f32 v38, v25  }
0xd0: {  	v50 =	vmul.f32 v50, v50;
	v2 =	vadd.f32 v19, v53;
	v23 =	vsub.f32 v15, v23;
	v61, _, _ =	vpop (xrf1)  }
0xd1: {  	v31 =	vadd.f32 v1, v10;
	v10 =	vmul.f32 $-3.125000000e+00, v46;
	v62 =	vperm.xlane v61, v0  }
0xd2: {  	v16 =	vnsel vm7, $0x0, v30;
	v6 =	vmul.f32 v60, v60;
	v60 =	vsub.f32 v15, v25;
	(xrf1) =	vsort.ascd.msk.f32 $0xffff, v29, v29;
	v15, _, _ =	vpop (xrf1)  }
0xd3: {  	v30 =	vmul.f32 v38, v38;
	v10 =	vmul.f32 $1.442695020e+00, v10;
	(xrf1) =	vsort.ascd.msk.f32 $0xffff, v2, v2;
	v38 =	vmin.f32 v15, v62  }
0xd4: {  	v22 =	vnsel vm8, $0x0, v13;
	v19 =	vmul.f32 v57, v57;
	v18 =	vmul.f32 v18, v18;
	(xrf1) =	vsort.ascd.msk.f32 $0xffff, v38, v38  }
0xd5: {  	v53 =	vmul.f32 $-3.125000000e+00, v33;
	v59 =	vadd.f32 v50, v51;
	(erf) = vpow2.f32 v10  }
0xd6: {  	v15 =	vadd.f32 v6, v8;
	v8 =	vmul.f32 v23, v23;
	v23 =	vmul.f32 $-3.125000000e+00, v44  }
0xd7: {  	v1 =	vmul.f32 $-3.125000000e+00, v29;
	v26 =	vadd.f32 v30, v48;
	v30 =	vmul.f32 $-3.125000000e+00, v45;
	(xrf1) =	vsort.ascd.msk.f32 $0xffff, v59, v59  }
0xd8: {  	v25 =	vadd.f32 v11, v9;
	v9 =	vmul.f32 v39, v39;
	v23 =	vmul.f32 $1.442695020e+00, v23;
	(xrf1) =	vsort.ascd.msk.f32 $0xffff, v31, v31  }
0xd9: {  	v11 =	vadd.f32 v56, v12;
	v39 =	vmul.f32 $-3.125000000e+00, v31;
	v37 =	vmul.f32 $1.442695020e+00, v30  }
0xda: {  	v13 =	vadd.f32 v18, v41;
	v62 =	vmul.f32 $-3.125000000e+00, v40;
	(erf) = vpow2.f32 v23  }
0xdb: {  	v19 =	vadd.f32 v19, v55;
	v12 =	vmul.f32 v60, v60;
	(erf) = vpow2.f32 v37  }
0xdc: {  	[tilespmem:$0x1FDF0] =	vst v25;
	v17 =	vmovc v13;
	v30 =	vadd.f32 v9, v11;
	v9 =	vmul.f32 $1.442695020e+00, v62;
	(xrf1) =	vsort.ascd.msk.f32 $0xffff, v25, v25  }
0xdd: {  	v1 =	vmul.f32 $1.442695020e+00, v1;
	v49 =	vmul.f32 $-3.125000000e+00, v17;
	v11 =	vpop (erf);
	v55 =	vadd.f32 v8, v19;
	v8 =	vld [tilespmem:$0x1FD30];
	(xrf1) =	vsort.ascd.msk.f32 $0xffff, v15, v15  }
0xde: {  	v18 =	vmov v25;
	[tilespmem:$0x1FE50] =	vst v13;
	v50 =	vmul.f32 $-3.125000000e+00, v26;
	v10, _, _ =	vpop (xrf1);
	(erf) = vpow2.f32 v9  }
0xdf: {  	v49 =	vmul.f32 $1.442695020e+00, v49;
	v61 =	vmul.f32 $-3.125000000e+00, v59;
	v17 =	vpop (erf);
	v62 =	vld [tilespmem:$0x1FD60];
	v38 =	vmov v15;
	(xrf1) =	vsort.ascd.msk.f32 $0xffff, v13, v13  }
0xe0: {  	v10 =	vperm.xlane v10, v0;
	v25 =	vadd.f32 v12, v7;
	v12 =	vld [tilespmem:$0x1FD40];
	v23 =	vmul.f32 $-3.125000000e+00, v38;
	v13, _, _ =	vpop (xrf1);
	(xrf1) =	vsort.ascd.msk.f32 $0xffff, v26, v26  }
0xe1: {  	vm3 =	vle.f32 v3, v47;
	v9 =	vmul.f32 $-3.125000000e+00, v55;
	v19 =	vperm.xlane v13, v0;
	v13, _, _ =	vpop (xrf1);
	(xrf1) =	vsort.ascd.msk.f32 $0xffff, v30, v30  }
0xe2: {  	[tilespmem:$0x1FE40] =	vst v25;
	vm5 =	vle.f32 v8, v35;
	v47 =	vperm.xlane v13, v0;
	(xrf1) =	vsort.ascd.msk.f32 $0xffff, v55, v55;
	v13, _, _ =	vpop (xrf1)  }
0xe3: {  	v48 =	vmul.f32 $-3.125000000e+00, v25;
	v8 =	vmul.f32 $-3.125000000e+00, v30;
	(xrf1) =	vsort.ascd.msk.f32 $0xffff, v25, v25;
	v25 =	vnsel vm5, $0x0, v36;
	v36 =	vpop (erf)  }
0xe4: {  	vm10 =	vle.f32 v43, v35;
	v51 =	vmul.f32 $1.442695020e+00, v9;
	v13 =	vperm.xlane v13, v27;
	v37 =	vpop (erf)  }
0xe5: {  	vm11 =	vle.f32 v12, v35;
	v12 =	vmul.f32 $-3.125000000e+00, v18;
	v18 =	vnsel vm3, $0x0, v62;
	v38, _, _ =	vpop (xrf1)  }
0xe6: {  	v9, _, _ =	vpop (xrf1);
	vm12 =	vle.f32 v46, v13;
	vm13 =	vle.f32 v44, v13;
	vm14 =	vle.f32 v45, v13  }
0xe7: {  	vm15 =	vle.f32 v40, v13;
	v9 =	vmin.f32 v9, v10;
	v43 =	vnsel vm12, $0x0, v17;
	v17 =	vpop (erf)  }
0xe8: {  	v14 =	vld [tilespmem:$0x1FD50];
	[tilespmem:$0x1FE10] =	vst v29;
	v56 =	vnsel vm13, $0x0, v36;
	v62 =	vnsel vm14, $0x0, v37;
	v29 =	vnsel vm15, $0x0, v17  }
0xe9: {  	[tilespmem:$0x1FF50] =	vst v22;
	v7 =	vmul.f32 $1.442695020e+00, v39;
	v39 =	vadd.f32 v56, v43;
	v41 =	vadd.f32 v29, v62  }
0xea: {  	[tilespmem:$0x1FF40] =	vst v16;
	v6 =	vmul.f32 $1.442695020e+00, v61;
	v35 =	vld [tilespmem:$0x1FD70];
	v8 =	vmul.f32 $1.442695020e+00, v8;
	v57, _, _ =	vpop (xrf1)  }
0xeb: {  	v23 =	vmul.f32 $1.442695020e+00, v23;
	v48 =	vmul.f32 $1.442695020e+00, v48;
	(xrf1) =	vsort.ascd.msk.f32 $0xffff, v9, v9;
	v9, _, _ =	vpop (xrf1);
	v44 =	vadd.f32 v41, v39  }
0xec: {  	v3 =	vld [tilespmem:$0x1FFF0];
	[tilespmem:$0x1FE60] =	vst v26;
	v12 =	vmul.f32 $1.442695020e+00, v12;
	(erf) = vpow2.f32 v8;
	v9 =	vmin.f32 v9, v19  }
0xed: {  	[tilespmem:$0x1FE00] =	vst v15;
	v15 =	vnsel vm9, $0x0, v14;
	(erf) = vpow2.f32 v6;
	v60 =	vperm.xlane v44, v63  }
0xee: {  	v61 =	vadd.f32 v22, v16;
	[tilespmem:$0x1FF70] =	vst v15;
	(erf) = vpow2.f32 v7;
	v46 =	vmul.f32 $1.442695020e+00, v53;
	v19, _, _ =	vpop (xrf1)  }
0xef: {  	v14 =	vnsel vm4, $0x0, v35;
	v58 =	vperm.xlane v38, v0;
	(xrf1) =	vsort.ascd.msk.f32 $0xffff, v9, v9;
	v9, _, _ =	vpop (xrf1);
	v40 =	vadd.f32 v44, v60  }
0xf0: {  	[tilespmem:$0x1FF80] =	vst v18;
	v38 =	vadd.f32 v18, v15;
	(erf) = vpow2.f32 v46;
	v41 =	vld [tilespmem:$0x1FD90];
	v9 =	vmin.f32 v9, v47;
	v36, _, _ =	vpop (xrf1)  }
0xf1: {  	[tilespmem:$0x1FF90] =	vst v14;
	v46 =	vld [tilespmem:$0x1FDA0];
	v19 =	vperm.xlane v19, v0;
	v37, _, _ =	vpop (xrf1);
	(xrf1) =	vsort.ascd.msk.f32 $0xffff, v9, v9;
	v9 =	vperm.xlane v40, v3  }
0xf2: {  	[tilespmem:$0x1FFA0] =	vst v25;
	v13 =	vnsel vm10, $0x0, v32;
	v52 =	vperm.xlane v57, v0;
	v32 =	vmin.f32 v36, v58;
	v39, _, _ =	vpop (xrf1)  }
0xf3: {  	v10 =	vnsel vm11, $0x0, v20;
	(xrf1) =	vsort.ascd.msk.f32 $0xffff, v32, v32;
	v6 =	vmin.f32 v39, v19;
	v19 =	vadd.f32 v40, v9;
	v40 =	vld [tilespmem:$0x1FD80]  }
0xf4: {  	vm11 =	vle.f32 v28, v42;
	[tilespmem:$0x1FFB0] =	vst v13;
	(erf) = vpow2.f32 v51;
	v8 =	vmin.f32 v37, v52  }
0xf5: {  	v44 =	vmul.f32 $1.442695020e+00, v50;
	v50 =	vnsel vm11, $0x0, v11;
	vm9 =	vle.f32 v41, v42;
	(xrf1) =	vsort.ascd.msk.f32 $0xffff, v8, v8  }
0xf6: {  	(erf) = vpow2.f32 v12;
	vm10 =	vle.f32 v46, v42;
	[tilespmem:$0x1FDD0] =	vst v50;
	v47 =	vnsel vm9, $0x0, v24  }
0xf7: {  	v24 =	vadd.f32 v25, v14;
	(xrf1) =	vsort.ascd.msk.f32 $0xffff, v6, v6;
	v9 =	vnsel vm10, $0x0, v21;
	v21 =	vadd.f32 v10, v13  }
0xf8: {  	(erf) = vpow2.f32 v23;
	[tilespmem:$0x1FDB0] =	vst v47;
	v20 =	vperm.xlane v19, v5;
	vm8 =	vle.f32 v40, v42  }
0xf9: {  	(erf) = vpow2.f32 v1;
	[tilespmem:$0x1FDE0] =	vst v9;
	v12 =	vadd.f32 v21, v24;
	v8 =	vnsel vm8, $0x0, v34  }
0xfa: {  	(erf) = vpow2.f32 v48;
	v19 =	vadd.f32 v19, v20;
	v20 =	vadd.f32 v38, v61;
	[tilespmem:$0x1FDC0] =	vst v8  }
0xfb: {  	s19 =	simm.s32 $0x8;
	v52 =	vadd.f32 v50, v9;
	v58 =	vperm.xlane v12, v63;
	v11 =	vadd.f32 v47, v8;
	v34 =	vld [tilespmem:$0x0]  }
0xfc: {  	s24 =	sand.u32 $0x30, s19;
	(erf) = vpow2.f32 v49;
	v21 =	vperm.xlane v20, v63;
	v41 =	vld [tilespmem:$0x80]  }
0xfd: {  	(erf) = vpow2.f32 v44;
	v54, _, _ =	vpop (xrf1);
	v1 =	vadd.f32 v12, v58;
	v37 =	vld [tilespmem:s24+$0x280];
	v23 =	vadd.f32 v52, v11  }
0xfe: {  	v42 =	vperm.xlane v54, v0;
	v53 =	vperm.xlane v19, v4;
	v20 =	vadd.f32 v20, v21;
	v18 =	vld [tilespmem:s24+$0x180]  }
0xff: {  	s20 =	simm.s32 $0x8;
	v57, _, _ =	vpop (xrf1);
	v17 =	vld [tilespmem:s24+$0x200];
	v7 =	vperm.xlane v1, v3;
	v60 =	vperm.xlane v23, v63  }
0x100: {  	s25 =	sand.u32 $0xFFFFFFF0, s20;
	v21 =	vperm.xlane v57, v0;
	v36 =	vld [tilespmem:$0xB0];
	v11 =	vadd.f32 v19, v53;
	v61, _, _ =	vpop (xrf1);
	v12 =	vperm.xlane v20, v3  }
0x101: {  	s21 =	ssub.s32 $0x4, s25;
	v19 =	vld [tilespmem:$0x30];
	v44 =	vadd.f32 v1, v7;
	v45 =	vperm.xlane v61, v0;
	v6, _, _ =	vpop (xrf1);
	v40 =	vadd.f32 v23, v60  }
0x102: {  	s22 =	sadd.s32 $0x7, s21;
	v46 =	vpop (erf);
	v24 =	vld [tilespmem:$0x10];
	v20 =	vadd.f32 v20, v12;
	v12 =	vmin.f32 v6, v42;
	v6 =	vadd.f32 $9.999999930e-09, v11  }
0x103: {  	v61 =	vld [tilespmem:$0x90];
	v38 =	vperm.xlane v44, v5;
	v23, _, _ =	vpop (xrf1);
	(xrf1) =	vsort.ascd.msk.f32 $0xffff, v12, v12;
	v32 =	vperm.xlane v40, v3;
	v3 =	vmov s22  }
0x104: {  	v49 =	vpop (erf);
	v26 =	vld [tilespmem:$0xA0];
	v21 =	vmin.f32 v23, v21;
	v50 =	vperm.xlane v18, v3;
	v52 =	vperm.xlane v17, v3  }
0x105: {  	v27 =	vld [tilespmem:$0x130];
	v35 =	vperm.xlane v20, v5;
	v7, _, _ =	vpop (xrf1);
	v28 =	vadd.f32 v44, v38;
	v58 =	vadd.f32 v40, v32  }
0x106: {  	v51 =	vpop (erf);
	v23 =	vld [tilespmem:$0x20];
	v53 =	vmin.f32 v7, v45;
	v54 =	vsub.f32 v19, v50;
	v57 =	vsub.f32 v36, v52  }
0x107: {  	v39 =	vld [tilespmem:$0x110];
	(erf) = vrcp.f32 v6;
	(xrf1) =	vsort.ascd.msk.f32 $0xffff, v21, v21;
	v45 =	vpop (erf);
	v40 =	vsub.f32 v34, v50;
	v13 =	vsub.f32 v41, v52  }
0x108: {  	v38 =	vld [tilespmem:$0x120];
	v6 =	vpop (erf);
	v7 =	vsub.f32 v24, v50;
	v32 =	vsub.f32 v61, v52;
	v42 =	vmul.f32 v54, v54  }
0x109: {  	[tilespmem:$0x1FE80] =	vst v6;
	v52 =	vsub.f32 v26, v52;
	v60 =	vmul.f32 v57, v57;
	v57 =	vperm.xlane v37, v3  }
0x10a: {  	v35 =	vadd.f32 v20, v35;
	v14 =	vmul.f32 v40, v40;
	v47 =	vmul.f32 v7, v7;
	v40 =	vld [tilespmem:$0x100]  }
0x10b: {  	v50 =	vsub.f32 v23, v50;
	v54 =	vmul.f32 v32, v32;
	v52 =	vmul.f32 v52, v52  }
0x10c: {  	v13 =	vmul.f32 v13, v13;
	v7 =	vsub.f32 v27, v57;
	v11 =	vsub.f32 v39, v57  }
0x10d: {  	v32 =	vmul.f32 v50, v50;
	v60 =	vadd.f32 v60, v42;
	v6 =	vsub.f32 v38, v57;
	v42 =	vpop (erf)  }
0x10e: {  	v54 =	vadd.f32 v54, v47;
	v12 =	vmul.f32 v7, v7;
	v11 =	vmul.f32 v11, v11;
	v44 =	vpop (erf)  }
0x10f: {  	v52 =	vadd.f32 v52, v32;
	v1 =	vmul.f32 v6, v6;
	v7 =	vsub.f32 v40, v57;
	v50 =	vpop (erf)  }
0x110: {  	v15 =	vimm.s32 $0xF;
	(xrf1) =	vsort.ascd.msk.f32 $0xffff, v53, v53;
	v60 =	vadd.f32 v12, v60;
	v53 =	vadd.f32 v11, v54;
	v47 =	vpop (erf)  }
0x111: {  	v11 =	vadd.f32 v13, v14;
	v52 =	vadd.f32 v1, v52;
	v13 =	vperm.xlane v58, v5;
	v14, _, _ =	vpop (xrf1)  }
0x112: {  	s26 =	sand.u32 $0xC, s19;
	v1 =	vmul.f32 v7, v7;
	v48 =	vpop (erf);
	(xrf1) =	vsort.ascd.msk.f32 $0xffff, v60, v60;
	v14 =	vperm.xlane v14, v15  }
0x113: {  	v21 =	vmov s26;
	v7 =	vperm.xlane v35, v4;
	v22 =	vadd.f32 v58, v13;
	v54 =	vpop (erf);
	(xrf1) =	vsort.ascd.msk.f32 $0xffff, v53, v53  }
0x114: {  	v12 =	vpop (erf);
	vm12 =	vle.f32 v30, v14;
	vm14 =	vle.f32 v31, v14;
	v31 =	vperm.xlane v17, v21  }
0x115: {  	s0 =	sadd.s32 $0x5, s21;
	s21 =	sadd.s32 $0x6, s21;
	vm1 =	vle.f32 v33, v14;
	v57 =	vmul.f32 v12, v43;
	v58 =	vmul.f32 v12, v56  }
0x116: {  	(xrf1) =	vsort.ascd.msk.f32 $0xffff, v52, v52;
	v30 =	vmov s21;
	v56 =	vmul.f32 v12, v62;
	v32 =	vmul.f32 v12, v29  }
0x117: {  	v12 =	vperm.xlane v18, v21;
	v29 =	vmov s0;
	v21 =	vperm.xlane v37, v21  }
0x118: {  	v62 =	vadd.f32 v1, v11;
	v33 =	vperm.xlane v18, v29;
	v18 =	vperm.xlane v18, v30  }
0x119: {  	vm13 =	vle.f32 v59, v14;
	v14 =	vperm.xlane v17, v29;
	v17 =	vperm.xlane v17, v30  }
0x11a: {  	v6 =	vsub.f32 v36, v31;
	v29 =	vperm.xlane v37, v29;
	(xrf1) =	vsort.ascd.msk.f32 $0xffff, v62, v62  }
0x11b: {  	v37 =	vperm.xlane v37, v30;
	v43 =	vsub.f32 v19, v12;
	v11 =	vsub.f32 v19, v33  }
0x11c: {  	v19 =	vsub.f32 v19, v18;
	v25 =	vmul.f32 v6, v6;
	v13 =	vsub.f32 v36, v17  }
0x11d: {  	v59 =	vadd.f32 v35, v7;
	v20 =	vmul.f32 v43, v43;
	v43 =	vperm.xlane v22, v4  }
0x11e: {  	[tilespmem:$0x1FF60] =	vst v32;
	v32 =	vsub.f32 v36, v14;
	v19 =	vmul.f32 v19, v19;
	v13 =	vmul.f32 v13, v13  }
0x11f: {  	v1 =	vsub.f32 v23, v12;
	v16 =	vmul.f32 v11, v11;
	v11 =	vperm.xlane v28, v4  }
0x120: {  	v36, _, _ =	vpop (xrf1);
	v15 =	vmul.f32 v32, v32;
	v32 =	vadd.f32 v13, v19;
	v13 =	vmul.f32 $-3.125000000e+00, v2  }
0x121: {  	v35, _, _ =	vpop (xrf1);
	v1 =	vmul.f32 v1, v1;
	v43 =	vadd.f32 v22, v43;
	v11 =	vadd.f32 v28, v11  }
0x122: {  	v20 =	vadd.f32 v25, v20;
	v16 =	vadd.f32 v15, v16;
	v13 =	vmul.f32 $1.442695020e+00, v13;
	v28, _, _ =	vpop (xrf1)  }
0x123: {  	v15 =	vsub.f32 v23, v33;
	v11 =	vadd.f32 $9.999999930e-09, v11;
	v22 =	vperm.xlane v28, v0;
	v25, _, _ =	vpop (xrf1)  }
0x124: {  	(erf) = vpow2.f32 v13;
	v13 =	vsub.f32 v27, v21;
	v28 =	vsub.f32 v24, v12;
	v19, _, _ =	vpop (xrf1)  }
0x125: {  	v25 =	vperm.xlane v25, v0;
	v19 =	vmin.f32 v19, v22;
	v22 =	vadd.f32 $9.999999930e-09, v59  }
0x126: {  	v13 =	vmul.f32 v13, v13;
	v59 =	vsub.f32 v24, v33;
	v24 =	vsub.f32 v24, v18  }
0x127: {  	(xrf1) =	vsort.ascd.msk.f32 $0xffff, v19, v19;
	v19 =	vsub.f32 v23, v18;
	v23 =	vsub.f32 v34, v12  }
0x128: {  	v18 =	vsub.f32 v34, v18;
	v7 =	vadd.f32 v13, v20;
	v12, _, _ =	vpop (xrf1);
	(erf) = vrcp.f32 v22  }
0x129: {  	v22 =	vsub.f32 v61, v14;
	v12 =	vmin.f32 v12, v25;
	v25 =	vsub.f32 v34, v33  }
0x12a: {  	v15 =	vmul.f32 v15, v15;
	v33 =	vsub.f32 v61, v17;
	v34 =	vsub.f32 v26, v31  }
0x12b: {  	(erf) = vrcp.f32 v11;
	v11 =	vsub.f32 v27, v29;
	(xrf1) =	vsort.ascd.msk.f32 $0xffff, v12, v12;
	v12 =	vsub.f32 v61, v31  }
0x12c: {  	v19 =	vmul.f32 v19, v19;
	v61 =	vsub.f32 v26, v14;
	v26 =	vsub.f32 v26, v17  }
0x12d: {  	v18 =	vmul.f32 v18, v18;
	v31 =	vsub.f32 v41, v31;
	v14 =	vsub.f32 v41, v14  }
0x12e: {  	v41 =	vsub.f32 v41, v17;
	v17 =	vmul.f32 v28, v28;
	v22 =	vmul.f32 v22, v22  }
0x12f: {  	v27 =	vsub.f32 v27, v37;
	v11 =	vmul.f32 v11, v11;
	v20 =	vmul.f32 v12, v12  }
0x130: {  	v28 =	vsub.f32 v39, v21;
	v26 =	vmul.f32 v26, v26;
	v14 =	vmul.f32 v14, v14  }
0x131: {  	v6 =	vadd.f32 v11, v16;
	v16 =	vmul.f32 v34, v34;
	v11 =	vmul.f32 v27, v27  }
0x132: {  	v27 =	vmul.f32 v61, v61;
	v61 =	vmul.f32 $-3.125000000e+00, v53;
	v17 =	vadd.f32 v20, v17  }
0x133: {  	v20 =	vmul.f32 v59, v59;
	v26 =	vadd.f32 v26, v19;
	v19 =	vsub.f32 v39, v29  }
0x134: {  	v1 =	vadd.f32 v16, v1;
	v16 =	vmul.f32 v24, v24;
	v24 =	vmul.f32 v33, v33  }
0x135: {  	v3 =	vmovc v2;
	v2 =	vadd.f32 v11, v32;
	v22 =	vadd.f32 v22, v20;
	v20 =	vmul.f32 $-3.125000000e+00, v62  }
0x136: {  	v19 =	vmul.f32 v19, v19;
	v16 =	vadd.f32 v24, v16;
	v24 =	vmul.f32 v28, v28  }
0x137: {  	(xrf1) =	vsort.ascd.msk.f32 $0xffff, v7, v7;
	v15 =	vadd.f32 v27, v15;
	v28 =	vmul.f32 $1.442695020e+00, v61;
	v20 =	vmul.f32 $1.442695020e+00, v20;
	v30, _, _ =	vpop (xrf1)  }
0x138: {  	v32 =	vsub.f32 v38, v37;
	v61 =	vmul.f32 v31, v31;
	v27 =	vperm.xlane v30, v0  }
0x139: {  	(xrf1) =	vsort.ascd.msk.f32 $0xffff, v6, v6;
	v19 =	vadd.f32 v19, v22;
	(erf) = vpow2.f32 v20;
	v20 =	vsub.f32 v38, v21;
	v30, _, _ =	vpop (xrf1)  }
0x13a: {  	(xrf1) =	vsort.ascd.msk.f32 $0xffff, v2, v2;
	(erf) = vpow2.f32 v28;
	v28 =	vmul.f32 $-3.125000000e+00, v60;
	v27 =	vmin.f32 v30, v27  }
0x13b: {  	v30 =	vadd.f32 v24, v17;
	v17 =	vmul.f32 v20, v20;
	v20 =	vmul.f32 $-3.125000000e+00, v52;
	(xrf1) =	vsort.ascd.msk.f32 $0xffff, v27, v27  }
0x13c: {  	v22 =	vmul.f32 v41, v41;
	v24 =	vsub.f32 v39, v37;
	v39 =	vsub.f32 v40, v21  }
0x13d: {  	v21 =	vmul.f32 $1.442695020e+00, v28;
	v27 =	vsub.f32 v38, v29;
	v38 =	vmul.f32 $1.442695020e+00, v20  }
0x13e: {  	v28 =	vsub.f32 v40, v37;
	v9 =	vadd.f32 v17, v1;
	v17 =	vmul.f32 v24, v24  }
0x13f: {  	v29 =	vsub.f32 v40, v29;
	(xrf1) =	vsort.ascd.msk.f32 $0xffff, v30, v30;
	v59 =	vmul.f32 v27, v27;
	(erf) = vpow2.f32 v38  }
0x140: {  	(xrf1) =	vsort.ascd.msk.f32 $0xffff, v9, v9;
	v8 =	vadd.f32 v17, v16;
	(erf) = vpow2.f32 v21;
	v21 =	vmul.f32 v23, v23  }
0x141: {  	v16 =	vmul.f32 v32, v32;
	v23 =	vadd.f32 v59, v15;
	v15 =	vmul.f32 v25, v25  }
0x142: {  	v13 =	vld [tilespmem:$0x1FE00];
	v24 =	vmul.f32 v29, v29;
	v17 =	vimm.s32 $0xF;
	(xrf1) =	vsort.ascd.msk.f32 $0xffff, v19, v19;
	v1 =	vadd.f32 v61, v21  }
0x143: {  	v37 =	vld [tilespmem:$0x1FE10];
	v27 =	vpop (erf);
	v14 =	vadd.f32 v14, v15;
	v15 =	vadd.f32 v22, v18;
	v18 =	vmul.f32 v39, v39  }
0x144: {  	v33 =	vperm.xlane v36, v17;
	v36 =	vld [tilespmem:$0x1FDF0];
	v11 =	vadd.f32 v16, v26;
	v61 =	vpop (erf);
	(xrf1) =	vsort.ascd.msk.f32 $0xffff, v23, v23  }
0x145: {  	v26 =	vmul.f32 v28, v28;
	v16, _, _ =	vpop (xrf1);
	(xrf1) =	vsort.ascd.msk.f32 $0xffff, v8, v8;
	v32 =	vadd.f32 v18, v1  }
0x146: {  	v31 =	vperm.xlane v35, v17;
	v59 =	vld [tilespmem:$0x1FE60];
	v40 =	vpop (erf);
	(xrf1) =	vsort.ascd.msk.f32 $0xffff, v11, v11;
	v25 =	vadd.f32 v24, v14  }
0x147: {  	v34 =	vnsel vm12, $0x0, v46;
	vm7 =	vle.f32 v55, v33;
	v39 =	vld [tilespmem:$0x1FE40];
	v22, _, _ =	vpop (xrf1);
	v12 =	vadd.f32 v26, v15;
	(xrf1) =	vsort.ascd.msk.f32 $0xffff, v32, v32  }
0x148: {  	v41 =	vld [tilespmem:$0x1FE50];
	vm3 =	vle.f32 v13, v33;
	vm8 =	vle.f32 v37, v33;
	v24 =	vmov v2;
	v28, _, _ =	vpop (xrf1);
	(xrf1) =	vsort.ascd.msk.f32 $0xffff, v25, v25  }
0x149: {  	v16 =	vperm.xlane v16, v0;
	vm6 =	vle.f32 v36, v33;
	v33 =	vmul.f32 $-3.125000000e+00, v7;
	v18, _, _ =	vpop (xrf1);
	(xrf1) =	vsort.ascd.msk.f32 $0xffff, v12, v12  }
0x14a: {  	v2 =	vnsel vm14, $0x0, v51;
	v26 =	vpop (erf);
	v36 =	vmul.f32 $-3.125000000e+00, v30;
	v22 =	vperm.xlane v22, v0  }
0x14b: {  	vm14 =	vle.f32 v59, v31;
	v15 =	vmovc v4;
	v4 =	vnsel vm13, $0x0, v49;
	v55 =	vmul.f32 $-3.125000000e+00, v32  }
0x14c: {  	v29 =	vpop (erf);
	vm12 =	vle.f32 v39, v31;
	v39 =	vmul.f32 $-3.125000000e+00, v9;
	v18 =	vperm.xlane v18, v17  }
0x14d: {  	vm13 =	vle.f32 v41, v31;
	v28 =	vperm.xlane v28, v0;
	v38 =	vpop (erf);
	v37 =	vmul.f32 $1.442695020e+00, v55  }
0x14e: {  	v36 =	vmul.f32 $1.442695020e+00, v36;
	v39 =	vmul.f32 $1.442695020e+00, v39;
	v1, _, _ =	vpop (xrf1);
	vm9 =	vle.f32 v53, v18  }
0x14f: {  	(erf) = vpow2.f32 v37;
	vm10 =	vle.f32 v52, v18;
	v52 =	vnsel vm9, $0x0, v29;
	v29, _, _ =	vpop (xrf1)  }
0x150: {  	v37 =	vmul.f32 $-3.125000000e+00, v25;
	vm15 =	vle.f32 v62, v18;
	vm11 =	vle.f32 v60, v18;
	v18 =	vpop (erf)  }
0x151: {  	(erf) = vpow2.f32 v36;
	v36 =	vmul.f32 $-3.125000000e+00, v23;
	v49 =	vnsel vm10, $0x0, v38;
	v38, _, _ =	vpop (xrf1)  }
0x152: {  	v1 =	vperm.xlane v1, v0;
	v53 =	vnsel vm15, $0x0, v26;
	vm15 =	vle.f32 v3, v31;
	v31, _, _ =	vpop (xrf1)  }
0x153: {  	(erf) = vpow2.f32 v39;
	v62 =	vmov v34;
	v29 =	vmin.f32 v29, v16;
	v60, _, _ =	vpop (xrf1)  }
0x154: {  	[tilespmem:$0x1FE30] =	vst v6;
	v46 =	vnsel vm11, $0x0, v18;
	v18 =	vadd.f32 v52, v53;
	v38 =	vperm.xlane v38, v0;
	v51, _, _ =	vpop (xrf1)  }
0x155: {  	v34 =	vmul.f32 $-3.125000000e+00, v6;
	v26 =	vadd.f32 v46, v49;
	v31 =	vmin.f32 v31, v22;
	(xrf1) =	vsort.ascd.msk.f32 $0xffff, v29, v29;
	v59, _, _ =	vpop (xrf1)  }
0x156: {  	v6 =	vnsel vm1, $0x0, v45;
	v41 =	vperm.xlane v60, v0;
	v28 =	vmin.f32 v51, v28;
	(xrf1) =	vsort.ascd.msk.f32 $0xffff, v31, v31;
	v60, _, _ =	vpop (xrf1)  }
0x157: {  	v45 =	vld [tilespmem:$0x1FE80];
	v36 =	vmul.f32 $1.442695020e+00, v36;
	v26 =	vadd.f32 v26, v18;
	(xrf1) =	vsort.ascd.msk.f32 $0xffff, v28, v28;
	v1 =	vmin.f32 v59, v1;
	v3, _, _ =	vpop (xrf1)  }
0x158: {  	v29 =	vmul.f32 $-3.125000000e+00, v19;
	v31 =	vmin.f32 v60, v38;
	(xrf1) =	vsort.ascd.msk.f32 $0xffff, v1, v1;
	v28 =	vmin.f32 v3, v41;
	v3 =	vld [tilespmem:$0x1FFF0]  }
0x159: {  	v55 =	vperm.xlane v26, v63;
	(xrf1) =	vsort.ascd.msk.f32 $0xffff, v31, v31;
	v31 =	vmul.f32 $1.442695020e+00, v33  }
0x15a: {  	v34 =	vmul.f32 $1.442695020e+00, v34;
	v60 =	vmul.f32 $1.442695020e+00, v37  }
0x15b: {  	v29 =	vmul.f32 $1.442695020e+00, v29;
	v26 =	vadd.f32 v26, v55;
	(erf) = vpow2.f32 v31  }
0x15c: {  	v38 =	vmul.f32 $-3.125000000e+00, v12;
	(erf) = vpow2.f32 v60  }
0x15d: {  	[tilespmem:$0x1FE20] =	vst v7;
	v7 =	vnsel vm7, $0x0, v45;
	(erf) = vpow2.f32 v29;
	v55 =	vperm.xlane v26, v3  }
0x15e: {  	[tilespmem:$0x1FE70] =	vst v9;
	v45 =	vnsel vm3, $0x0, v44;
	v44 =	vnsel vm8, $0x0, v50;
	(erf) = vpow2.f32 v36  }
0x15f: {  	[tilespmem:$0x1FEC0] =	vst v4;
	v1 =	vadd.f32 v26, v55;
	v26 =	vadd.f32 v4, v62;
	v4 =	vmul.f32 $1.442695020e+00, v38  }
0x160: {  	[tilespmem:$0x1FEA0] =	vst v8;
	v50 =	vnsel vm13, $0x0, v48;
	v48 =	vnsel vm14, $0x0, v54;
	v54 =	vpop (erf);
	(erf) = vpow2.f32 v34  }
0x161: {  	[tilespmem:$0x1FEB0] =	vst v11;
	v55 =	vpop (erf);
	(erf) = vpow2.f32 v4;
	v4 =	vld [tilespmem:$0x1FF00]  }
0x162: {  	[tilespmem:$0x1FED0] =	vst v2  }
0x163: {  	[tilespmem:$0x1FE90] =	vst v12  }
0x164: {  	[tilespmem:$0x1FEE0] =	vst v6  }
0x165: {  	s21 =	simm.s32 $0x380;
	[tilespmem:$0x1FEF0] =	vst v7  }
0x166: {  	[tilespmem:s21+$0x40] =	vst v4  }
0x167: {  	(xrf1) =	vsort.ascd.msk.f32 $0xffff, v28, v28;
	v28 =	vadd.f32 v6, v2;
	v2 =	vld [tilespmem:$0x1FF10];
	_ =	sdelay $0x2  }
0x168: {  	s3 =	simm.s32 $0xC0  }
0x169: {  	s23 =	sor.u32 $0x50, s3  }
0x16a: {  	[tilespmem:s23+$0x300] =	vst v2  }
0x16b: {  	v2 =	vld [tilespmem:$0x1FF20];
	_ =	sdelay $0x2  }
0x16c: {  	v31 =	vperm.xlane v1, v5  }
0x16d: {  	s4 =	sor.u32 $0x60, s3;
	v51 =	vmul.f32 $-3.125000000e+00, v8  }
0x16e: {  	v42 =	vnsel vm6, $0x0, v42;
	v1 =	vadd.f32 v1, v31;
	[tilespmem:s4+$0x300] =	vst v2  }
0x16f: {  	v6 =	vmul.f32 $1.442695020e+00, v51;
	v51 =	vnsel vm12, $0x0, v47;
	v31 =	vadd.f32 v44, v45;
	v2 =	vld [tilespmem:$0x1FF30]  }
0x170: {  	v29 =	vadd.f32 v50, v51;
	v26 =	vadd.f32 v28, v26;
	v28 =	vperm.xlane v1, v15  }
0x171: {  	s25 =	simm.s32 $0x480;
	s24 =	simm.s32 $0x1C0;
	v47 =	vnsel vm15, $0x0, v27;
	v27 =	vadd.f32 v42, v7  }
0x172: {  	v38 =	vpop (erf);
	v1 =	vadd.f32 v1, v28;
	v28 =	vadd.f32 v47, v48;
	s23 =	sor.u32 $0x50, s24;
	[tilespmem:s25+$0x40] =	vst v57  }
0x173: {  	s22 =	sor.u32 $0x70, s3;
	v59 =	vmul.f32 $-3.125000000e+00, v11;
	v27 =	vadd.f32 v31, v27;
	v31, _, _ =	vpop (xrf1);
	[tilespmem:s23+$0x300] =	vst v58  }
0x174: {  	v28 =	vadd.f32 v28, v29;
	v29, _, _ =	vpop (xrf1);
	[tilespmem:s22+$0x300] =	vst v2  }
0x175: {  	s26 =	sor.u32 $0x60, s24;
	v60 =	vmul.f32 $1.442695020e+00, v59;
	v31 =	vperm.xlane v31, v0;
	v7, _, _ =	vpop (xrf1);
	v2 =	vld [tilespmem:$0x1FF40]  }
0x176: {  	(erf) = vpow2.f32 v6;
	v6 =	vperm.xlane v26, v63;
	v41, _, _ =	vpop (xrf1);
	v59 =	vld [tilespmem:$0x1FF50];
	[tilespmem:s26+$0x300] =	vst v56  }
0x177: {  	v36 =	vmin.f32 v41, v31;
	v31 =	vperm.xlane v27, v63;
	v57 =	vperm.xlane v28, v63;
	v63 =	vld [tilespmem:$0x1FF60];
	_ =	sdelay $0x3  }
0x178: {  	s0 =	sor.u32 $0x70, s24;
	v58 =	vmul.f32 v61, v2  }
0x179: {  	[tilespmem:s0+$0x300] =	vst v63  }
0x17a: {  	[tilespmem:s21+$0xFFFFFF80] =	vst v58  }
0x17b: {  	v2 =	vld [tilespmem:$0x1FF70]  }
0x17c: {  	v1 =	vadd.f32 $9.999999930e-09, v1  }
0x17d: {  	(erf) = vpow2.f32 v60  }
0x17e: {  	v35 =	vmul.f32 $-3.125000000e+00, v24;
	(erf) = vrcp.f32 v1;
	v27 =	vadd.f32 v27, v31  }
0x17f: {  	v34 =	vperm.xlane v7, v0;
	v1 =	vadd.f32 v28, v57;
	v37 =	vmul.f32 v61, v59  }
0x180: {  	v4 =	vperm.xlane v27, v3;
	v7 =	vmul.f32 v61, v2  }
0x181: {  	v35 =	vmul.f32 $1.442695020e+00, v35;
	v26 =	vadd.f32 v26, v6;
	v6 =	vperm.xlane v1, v3;
	[tilespmem:s21+$0xFFFFFF90] =	vst v37  }
0x182: {  	v59 =	vadd.f32 v27, v4;
	v4 =	vld [tilespmem:$0x1FF80];
	[tilespmem:s21+$0xFFFFFFA0] =	vst v7  }
0x183: {  	v39 =	vpop (erf);
	(erf) = vpow2.f32 v35;
	v35 =	vadd.f32 v1, v6;
	v6 =	vld [tilespmem:$0x1FF90];
	_ =	sdelay $0x3  }
0x184: {  	v27 =	vmul.f32 v61, v4  }
0x185: {  	v33 =	vadd.f32 $9.999999930e-09, v43;
	v43, _, _ =	vpop (xrf1);
	v7 =	vmul.f32 v40, v6  }
0x186: {  	v29 =	vperm.xlane v29, v0;
	v60, _, _ =	vpop (xrf1);
	v61 =	vld [tilespmem:$0x1FFA0];
	[tilespmem:s21+$0xFFFFFFB0] =	vst v27  }
0x187: {  	(xrf1) =	vsort.ascd.msk.f32 $0xffff, v36, v36;
	v31 =	vpop (erf);
	v28 =	vperm.xlane v26, v3;
	[tilespmem:s21+$0xFFFFFFC0] =	vst v7  }
0x188: {  	v29 =	vmin.f32 v43, v29;
	v41 =	vpop (erf);
	v63 =	vld [tilespmem:$0x1FFB0]  }
0x189: {  	v36 =	vmin.f32 v60, v34;
	(xrf1) =	vsort.ascd.msk.f32 $0xffff, v29, v29;
	v43 =	vpop (erf);
	v60 =	vadd.f32 v26, v28  }
0x18a: {  	s3 =	simm.s32 $0x40;
	v34 =	vpop (erf)  }
0x18b: {  	s29 =	sor.u32 $0x50, s3;
	(erf) = vrcp.f32 v33;
	s4 =	simm.s32 $0x140;
	v18 =	vpop (erf);
	v56 =	vperm.xlane v60, v5  }
0x18c: {  	s30 =	sor.u32 $0x60, s3;
	s31 =	sor.u32 $0x70, s3;
	(xrf1) =	vsort.ascd.msk.f32 $0xffff, v36, v36;
	s28 =	sor.u32 $0x60, s4;
	v28 =	vpop (erf);
	v36 =	vperm.xlane v35, v5;
	v26 =	vmul.f32 v40, v61  }
0x18d: {  	v20 =	vmov v0;
	s23 =	sor.u32 $0x70, s4;
	s22 =	simm.s32 $0x480;
	s26 =	sor.u32 $0x50, s4;
	v29 =	vpop (erf);
	v33 =	vperm.xlane v59, v5;
	v27 =	vmul.f32 v40, v63  }
.LBB2_2:
0x18e: {  	v57 =	vld [tilespmem:$0x100];
	v4 =	vmov v44;
	[tilespmem:s29+$0x300] =	vst v26  }
0x18f: {  	s0 =	smov.u32 s19;
	s19 =	sadd.s32 $0x4, s19;
	v1 =	vmov v45;
	v45 =	vld [tilespmem:$0x110];
	v37 =	vpop (erf);
	v59 =	vadd.f32 v59, v33;
	[tilespmem:$0x1FD00] =	vst v4  }
0x190: {  	v2 =	vmov v42;
	v56 =	vadd.f32 v60, v56;
	v4 =	vld [tilespmem:$0x20];
	v58 =	vmul.f32 v37, v53;
	[tilespmem:s30+$0x300] =	vst v27;
	s30 =	smov.u32 s28;
	s28 =	sand.u32 $0x30, s19  }
0x191: {  	s25 =	sadd.s32 $0x100, s25;
	v35 =	vadd.f32 v35, v36;
	[tilespmem:$0x1FD10] =	vst v2;
	v7 =	vperm.xlane v59, v15;
	v2 =	vld [tilespmem:s28+$0x200]  }
0x192: {  	v6 =	vperm.xlane v56, v15;
	v10 =	vmul.f32 v40, v10;
	[tilespmem:s25+$0x40] =	vst v58;
	v58 =	vld [tilespmem:s28+$0x280]  }
0x193: {  	s24 =	sadd.s32 $0x100, s24;
	v5 =	vmul.f32 v37, v52;
	v33 =	vperm.xlane v35, v15;
	v52 =	vadd.f32 v59, v7;
	v59 =	vld [tilespmem:$0x1FDC0]  }
0x194: {  	v49 =	vmul.f32 v37, v49;
	v42 =	vadd.f32 v56, v6;
	v6 =	vld [tilespmem:$0x1FDE0];
	[tilespmem:s31+$0x300] =	vst v10;
	s31 =	sor.u32 $0x50, s24  }
0x195: {  	s20 =	sadd.s32 $0x4, s20;
	s4 =	sand.u32 $0xC, s19;
	v61, _, _ =	vpop (xrf1);
	[tilespmem:s31+$0x300] =	vst v5;
	s31 =	sor.u32 $0x60, s24;
	v5 =	vmul.f32 v37, v46;
	v46 =	vld [tilespmem:s28+$0x180]  }
0x196: {  	v0 =	vpop (erf);
	v63 =	vmov s4;
	s4 =	sand.u32 $0xFFFFFFF0, s20;
	[tilespmem:s31+$0x300] =	vst v49;
	v49 =	vld [tilespmem:$0x1FDD0]  }
0x197: {  	s3 =	sadd.s32 $0xFFFFFF80, s24;
	v53 =	vld [tilespmem:$0x80];
	v44 =	vperm.xlane v61, v17;
	[tilespmem:$0x1FCF0] =	vst v0;
	s0 =	ssub.s32 s0, s4;
	v35 =	vadd.f32 v35, v33;
	v33, _, _ =	vpop (xrf1);
	s31 =	sor.u32 $0x70, s24  }
0x198: {  	s29 =	smov.u32 s26;
	s26 =	sor.u32 $0x50, s3;
	v60 =	vpop (erf);
	s4 =	sadd.s32 $0x6, s0;
	v3 =	vadd.f32 $9.999999930e-09, v42;
	v42 =	vperm.xlane v33, v17;
	v10 =	vmov v51;
	[tilespmem:s31+$0x300] =	vst v5;
	v5 =	vld [tilespmem:$0x1FDB0]  }
0x199: {  	v11 =	vmov v47;
	v40 =	vld [tilespmem:$0x0];
	s28 =	sor.u32 $0x60, s3;
	s3 =	sor.u32 $0x70, s3;
	s31 =	smov.u32 s23;
	[tilespmem:$0x1FDC0] =	vst v10;
	v10 =	vperm.xlane v2, v63;
	v8 =	vmul.f32 v60, v59  }
0x19a: {  	vm1 =	vle.f32 v30, v44;
	v56 =	vld [tilespmem:$0x10];
	[tilespmem:$0x1FDD0] =	vst v11;
	s23 =	smov.u32 s3;
	s3 =	sadd.s32 $0x5, s0;
	s0 =	sadd.s32 $0x7, s0;
	v30 =	vperm.xlane v58, v63;
	v9 =	vmul.f32 v60, v6  }
0x19b: {  	v33 =	vmovc v62;
	v11 =	vld [tilespmem:$0x130];
	v37 =	vmov s0;
	[tilespmem:s21+$0x0] =	vst v8;
	v62 =	vperm.xlane v46, v63;
	v6 =	vmul.f32 v60, v49  }
0x19c: {  	vm0 =	vle.f32 v32, v44;
	[tilespmem:s21+$0x20] =	vst v9;
	v8 =	vld [tilespmem:$0x30];
	v9 =	vperm.xlane v46, v37;
	v49 =	vperm.xlane v58, v37  }
0x19d: {  	v59 =	vmov v50;
	v37 =	vperm.xlane v2, v37;
	v7 =	vmul.f32 v60, v5;
	[tilespmem:s21+$0x30] =	vst v6;
	v6 =	vld [tilespmem:$0xB0]  }
0x19e: {  	v61 =	vld [tilespmem:$0x90];
	[tilespmem:$0x1FDB0] =	vst v59;
	v5 =	vmov s3;
	v47 =	vsub.f32 v40, v9;
	v14 =	vsub.f32 v4, v9  }
0x19f: {  	v0 =	vld [tilespmem:$0xA0];
	v60 =	vmovc v48;
	v50 =	vperm.xlane v46, v5;
	v48 =	vsub.f32 v57, v49;
	v59 =	vperm.xlane v2, v5  }
0x1a0: {  	v32 =	vld [tilespmem:$0x120];
	v12 =	vsub.f32 v53, v37;
	v13 =	vsub.f32 v45, v49;
	[tilespmem:s21+$0x10] =	vst v7;
	v7 =	vmov s4  }
0x1a1: {  	v15 =	vsub.f32 v11, v49;
	v51 =	vperm.xlane v46, v7;
	v46 =	vsub.f32 v56, v9  }
0x1a2: {  	[tilespmem:$0x1FD20] =	vst v1;
	v47 =	vmul.f32 v47, v47;
	v9 =	vsub.f32 v8, v9;
	v1 =	vsub.f32 v6, v37  }
0x1a3: {  	[tilespmem:$0x1FDE0] =	vst v60;
	v14 =	vmul.f32 v14, v14;
	v60 =	vperm.xlane v2, v7;
	v2 =	vsub.f32 v61, v37  }
0x1a4: {  	v9 =	vmul.f32 v9, v9;
	v37 =	vsub.f32 v0, v37;
	v63 =	vmul.f32 v1, v1  }
0x1a5: {  	v49 =	vsub.f32 v32, v49;
	v46 =	vmul.f32 v46, v46;
	v2 =	vmul.f32 v2, v2  }
0x1a6: {  	v15 =	vmul.f32 v15, v15;
	v37 =	vmul.f32 v37, v37;
	v9 =	vadd.f32 v63, v9  }
0x1a7: {  	v12 =	vmul.f32 v12, v12;
	v13 =	vmul.f32 v13, v13;
	v2 =	vadd.f32 v2, v46  }
0x1a8: {  	v14 =	vadd.f32 v37, v14;
	v63 =	vmul.f32 v49, v49;
	v46 =	vadd.f32 v15, v9  }
0x1a9: {  	v15 =	vmul.f32 v48, v48;
	v48 =	vadd.f32 v13, v2  }
0x1aa: {  	v36, _, _ =	vpop (xrf1);
	v49 =	vadd.f32 v12, v47;
	v47 =	vadd.f32 v63, v14;
	(xrf1) =	vsort.ascd.msk.f32 $0xffff, v46, v46  }
0x1ab: {  	v52 =	vadd.f32 $9.999999930e-09, v52;
	vm3 =	vle.f32 v19, v42;
	v16 =	vsub.f32 v61, v59;
	(xrf1) =	vsort.ascd.msk.f32 $0xffff, v48, v48  }
0x1ac: {  	v17 =	vsub.f32 v4, v50;
	v49 =	vadd.f32 v15, v49;
	(xrf1) =	vsort.ascd.msk.f32 $0xffff, v47, v47  }
0x1ad: {  	v27 =	vmovc v18;
	v7 =	vperm.xlane v58, v7;
	v18 =	vsub.f32 v0, v59;
	v16 =	vmul.f32 v16, v16  }
0x1ae: {  	(erf) = vrcp.f32 v3;
	v17 =	vmul.f32 v17, v17;
	v1 =	vsub.f32 v11, v30;
	(xrf1) =	vsort.ascd.msk.f32 $0xffff, v49, v49  }
0x1af: {  	v12 =	vsub.f32 v6, v10;
	v37 =	vnsel vm1, $0x0, v55;
	v55 =	vsub.f32 v8, v51  }
0x1b0: {  	v18 =	vmul.f32 v18, v18;
	v9 =	vsub.f32 v8, v62;
	v13 =	vsub.f32 v8, v50  }
0x1b1: {  	v14 =	vsub.f32 v6, v59;
	v2 =	vperm.xlane v58, v5;
	v63 =	vsub.f32 v6, v60  }
0x1b2: {  	v8 =	vsub.f32 v56, v62;
	v3 =	vmul.f32 v55, v55;
	v55 =	vsub.f32 v0, v10  }
0x1b3: {  	v0 =	vsub.f32 v0, v60;
	v6 =	vmul.f32 v9, v9;
	v9 =	vmul.f32 v12, v12  }
0x1b4: {  	v12 =	vmul.f32 v13, v13;
	v13 =	vsub.f32 v61, v10;
	v14 =	vmul.f32 v14, v14  }
0x1b5: {  	v15 =	vsub.f32 v4, v62;
	v5 =	vmul.f32 v63, v63;
	v63 =	vsub.f32 v56, v50  }
0x1b6: {  	v21 =	vsub.f32 v11, v2;
	v22 =	vmul.f32 v55, v55;
	v55 =	vsub.f32 v56, v51  }
0x1b7: {  	v58 =	vmul.f32 v1, v1;
	v61 =	vsub.f32 v61, v60;
	v56 =	vpop (erf);
	v4 =	vsub.f32 v4, v51  }
0x1b8: {  	v8 =	vmul.f32 v8, v8;
	v11 =	vsub.f32 v11, v7;
	v12 =	vadd.f32 v14, v12;
	v1, _, _ =	vpop (xrf1)  }
0x1b9: {  	v3 =	vadd.f32 v5, v3;
	v14 =	vsub.f32 v40, v62;
	v5 =	vperm.xlane v1, v20;
	v62, _, _ =	vpop (xrf1)  }
0x1ba: {  	v10 =	vsub.f32 v53, v10;
	v6 =	vadd.f32 v9, v6;
	v9 =	vmul.f32 v63, v63;
	v63, _, _ =	vpop (xrf1)  }
0x1bb: {  	v1 =	vmovc v24;
	v24 =	vmul.f32 v55, v55;
	v55 =	vperm.xlane v62, v20;
	v5 =	vmin.f32 v63, v5  }
0x1bc: {  	v0 =	vmul.f32 v0, v0;
	(erf) = vrcp.f32 v52;
	v52 =	vsub.f32 v45, v2;
	v62, _, _ =	vpop (xrf1);
	(xrf1) =	vsort.ascd.msk.f32 $0xffff, v5, v5  }
0x1bd: {  	v21 =	vmul.f32 v21, v21;
	v5 =	vmul.f32 v11, v11;
	v11 =	vmin.f32 v62, v55  }
0x1be: {  	v60 =	vsub.f32 v53, v60;
	v13 =	vmul.f32 v13, v13;
	(xrf1) =	vsort.ascd.msk.f32 $0xffff, v11, v11  }
0x1bf: {  	v4 =	vmul.f32 v4, v4;
	v6 =	vadd.f32 v58, v6;
	v12 =	vadd.f32 v21, v12  }
0x1c0: {  	v15 =	vmul.f32 v15, v15;
	v8 =	vadd.f32 v13, v8;
	v58 =	vadd.f32 v16, v9  }
0x1c1: {  	v61 =	vmul.f32 v61, v61;
	v0 =	vadd.f32 v0, v4;
	v55 =	vsub.f32 v45, v30  }
0x1c2: {  	v10 =	vmul.f32 v10, v10;
	v62 =	vsub.f32 v32, v30;
	v45 =	vsub.f32 v45, v7  }
0x1c3: {  	v11 =	vmul.f32 v14, v14;
	v14 =	vsub.f32 v40, v50;
	v50 =	vsub.f32 v53, v59  }
0x1c4: {  	v9 =	vmul.f32 v52, v52;
	v59 =	vsub.f32 v32, v2;
	v40 =	vsub.f32 v40, v51  }
0x1c5: {  	v21 =	vmul.f32 v60, v60;
	v32 =	vsub.f32 v32, v7;
	v2 =	vsub.f32 v57, v2  }
0x1c6: {  	v7 =	vsub.f32 v57, v7;
	v63 =	vmul.f32 v55, v55;
	v62 =	vmul.f32 v62, v62  }
0x1c7: {  	(xrf1) =	vsort.ascd.msk.f32 $0xffff, v6, v6;
	v13 =	vmul.f32 v50, v50;
	v50 =	vadd.f32 v22, v15  }
0x1c8: {  	v15 =	vadd.f32 v18, v17;
	v16 =	vmul.f32 v59, v59;
	v59 =	vsub.f32 v57, v30  }
0x1c9: {  	v53 =	vmul.f32 $-3.125000000e+00, v49;
	v55 =	vadd.f32 v5, v3;
	v5 =	vadd.f32 v9, v58;
	(xrf1) =	vsort.ascd.msk.f32 $0xffff, v12, v12  }
0x1ca: {  	v10 =	vadd.f32 v10, v11;
	v30 =	vadd.f32 v63, v8;
	v4 =	vmul.f32 v59, v59;
	v8, _, _ =	vpop (xrf1)  }
0x1cb: {  	v58 =	vmul.f32 $-3.125000000e+00, v46;
	v17 =	vadd.f32 v61, v24;
	(xrf1) =	vsort.ascd.msk.f32 $0xffff, v55, v55;
	v8 =	vperm.xlane v8, v20  }
0x1cc: {  	v24 =	vmul.f32 v32, v32;
	v9 =	vadd.f32 v16, v15;
	v32 =	vadd.f32 v4, v10;
	v10 =	vld [tilespmem:$0x1FE70];
	v15, _, _ =	vpop (xrf1)  }
0x1cd: {  	v14 =	vmul.f32 v14, v14;
	v18 =	vmul.f32 v40, v40;
	v60 =	vmin.f32 v15, v8  }
0x1ce: {  	v22 =	vmul.f32 v45, v45;
	v45 =	vmul.f32 v7, v7;
	(xrf1) =	vsort.ascd.msk.f32 $0xffff, v60, v60  }
0x1cf: {  	vm4 =	vle.f32 v23, v42;
	v57 =	vmul.f32 $-3.125000000e+00, v48;
	v7 =	vmul.f32 $1.442695020e+00, v53  }
0x1d0: {  	v63 =	vmul.f32 v2, v2;
	v3 =	vadd.f32 v62, v50;
	v11 =	vadd.f32 v13, v14  }
0x1d1: {  	v40 =	vpop (erf);
	v50 =	vadd.f32 v24, v0;
	vm14 =	vle.f32 v10, v44;
	v10 =	vmul.f32 $-3.125000000e+00, v47  }
0x1d2: {  	v2 =	vmul.f32 $1.442695020e+00, v57;
	(erf) = vpow2.f32 v7;
	v14 =	vmovc v3;
	v0 =	vadd.f32 v63, v11;
	v63 =	vld [tilespmem:$0x1FE30];
	(xrf1) =	vsort.ascd.msk.f32 $0xffff, v30, v30  }
0x1d3: {  	v19 =	vmovc v5;
	v51 =	vadd.f32 v22, v17;
	v10 =	vmul.f32 $1.442695020e+00, v10;
	(xrf1) =	vsort.ascd.msk.f32 $0xffff, v14, v3  }
0x1d4: {  	v13 =	vadd.f32 v21, v18;
	v59 =	vmul.f32 $1.442695020e+00, v58;
	(erf) = vpow2.f32 v2;
	v23 =	vmovc v9;
	(xrf1) =	vsort.ascd.msk.f32 $0xffff, v19, v5  }
0x1d5: {  	v26 =	vimm.s32 $0xF;
	v54 =	vnsel vm0, $0x0, v54;
	v11 =	vld [tilespmem:$0x1FE20];
	(erf) = vpow2.f32 v10;
	(xrf1) =	vsort.ascd.msk.f32 $0xffff, v23, v9  }
0x1d6: {  	v52 =	vmul.f32 $-3.125000000e+00, v6;
	(erf) = vpow2.f32 v59;
	v60 =	vadd.f32 v45, v13;
	v45, _, _ =	vpop (xrf1);
	(xrf1) =	vsort.ascd.msk.f32 $0xffff, v51, v51  }
0x1d7: {  	v61 =	vmul.f32 $-3.125000000e+00, v55;
	v62 =	vmul.f32 $-3.125000000e+00, v12;
	vm5 =	vle.f32 v63, v42;
	v63, _, _ =	vpop (xrf1);
	(xrf1) =	vsort.ascd.msk.f32 $0xffff, v50, v50  }
0x1d8: {  	vm2 =	vle.f32 v25, v42;
	v4 =	vmul.f32 $-3.125000000e+00, v3;
	v25 =	vmovc v0;
	v2 =	vmul.f32 $-3.125000000e+00, v32;
	(xrf1) =	vsort.ascd.msk.f32 $0xffff, v32, v32  }
0x1d9: {  	v53 =	vmul.f32 $-3.125000000e+00, v19;
	v58 =	vnsel vm2, $0x0, v31;
	v16 =	vmul.f32 $1.442695020e+00, v52;
	v10, _, _ =	vpop (xrf1);
	(xrf1) =	vsort.ascd.msk.f32 $0xffff, v25, v0  }
0x1da: {  	v4 =	vmul.f32 $1.442695020e+00, v4;
	v2 =	vmul.f32 $1.442695020e+00, v2;
	vm15 =	vle.f32 v11, v44;
	v11 =	vmovc v6;
	v44 =	vmovc v12  }
0x1db: {  	[tilespmem:$0x1FE70] =	vst v14;
	v42 =	vnsel vm3, $0x0, v41;
	v12 =	vmul.f32 $-3.125000000e+00, v50;
	v6 =	vmul.f32 $1.442695020e+00, v53;
	v14 =	vpop (erf)  }
0x1dc: {  	[tilespmem:$0x1FE30] =	vst v44;
	v57 =	vnsel vm15, $0x0, v39;
	v44 =	vnsel vm5, $0x0, v34;
	v8 =	vmul.f32 $-3.125000000e+00, v30;
	v13, _, _ =	vpop (xrf1)  }
0x1dd: {  	v59 =	vnsel vm14, $0x0, v38;
	v38 =	vmul.f32 $-3.125000000e+00, v51;
	v17 =	vpop (erf);
	(xrf1) =	vsort.ascd.msk.f32 $0xffff, v60, v60;
	v22 =	vperm.xlane v13, v26  }
0x1de: {  	v15 =	vadd.f32 v37, v54;
	v8 =	vmul.f32 $1.442695020e+00, v8;
	v3 =	vperm.xlane v45, v20;
	v21 =	vpop (erf)  }
0x1df: {  	[tilespmem:$0x1FE20] =	vst v11;
	v7 =	vperm.xlane v63, v20;
	v11 =	vmul.f32 $-3.125000000e+00, v60;
	v13 =	vpop (erf);
	vm11 =	vle.f32 v46, v22  }
0x1e0: {  	v5 =	vmul.f32 $-3.125000000e+00, v25;
	vm10 =	vle.f32 v47, v22;
	v46 =	vnsel vm11, $0x0, v13;
	v13, _, _ =	vpop (xrf1)  }
0x1e1: {  	v9 =	vmul.f32 $-3.125000000e+00, v23;
	vm8 =	vle.f32 v49, v22;
	v49 =	vnsel vm10, $0x0, v21;
	v21, _, _ =	vpop (xrf1)  }
0x1e2: {  	v11 =	vmul.f32 $1.442695020e+00, v11;
	v5 =	vmul.f32 $1.442695020e+00, v5;
	vm9 =	vle.f32 v48, v22;
	v22, _, _ =	vpop (xrf1)  }
0x1e3: {  	v10 =	vperm.xlane v10, v20;
	v53 =	vnsel vm8, $0x0, v14;
	v24 =	vmin.f32 v21, v3;
	v39, _, _ =	vpop (xrf1)  }
0x1e4: {  	v26 =	vld [tilespmem:$0x1FFE0];
	v52 =	vnsel vm9, $0x0, v17;
	v31 =	vmin.f32 v39, v7;
	v7 =	vmul.f32 $1.442695020e+00, v12;
	v12, _, _ =	vpop (xrf1)  }
0x1e5: {  	(erf) = vpow2.f32 v2;
	v14 =	vadd.f32 v52, v53;
	v17 =	vadd.f32 v46, v49;
	(xrf1) =	vsort.ascd.msk.f32 $0xffff, v24, v24;
	v41, _, _ =	vpop (xrf1)  }
0x1e6: {  	v45 =	vnsel vm4, $0x0, v43;
	(erf) = vpow2.f32 v8;
	v22 =	vperm.xlane v22, v20;
	(xrf1) =	vsort.ascd.msk.f32 $0xffff, v31, v31;
	v24, _, _ =	vpop (xrf1)  }
0x1e7: {  	v63 =	vld [tilespmem:$0x1FEB0];
	v9 =	vmul.f32 $1.442695020e+00, v9;
	(erf) = vpow2.f32 v4;
	v14 =	vadd.f32 v17, v14;
	v8, _, _ =	vpop (xrf1)  }
0x1e8: {  	v13 =	vperm.xlane v13, v20;
	v3 =	vmin.f32 v41, v10;
	v43 =	vmin.f32 v8, v22;
	v22 =	vld [tilespmem:$0x1FFF0]  }
0x1e9: {  	v18 =	vadd.f32 v57, v59;
	v48 =	vld [tilespmem:$0x1FE90];
	(erf) = vpow2.f32 v16;
	v17 =	vperm.xlane v14, v26;
	(xrf1) =	vsort.ascd.msk.f32 $0xffff, v3, v3  }
0x1ea: {  	v12 =	vperm.xlane v12, v20;
	v10 =	vmul.f32 $1.442695020e+00, v61;
	v61 =	vld [tilespmem:$0x1FEA0];
	v24 =	vmin.f32 v24, v13  }
0x1eb: {  	v16 =	vld [tilespmem:$0x1FFD0];
	v21 =	vmul.f32 $1.442695020e+00, v62;
	v13 =	vadd.f32 v14, v17;
	v17 =	vimm.s32 $0xF;
	(xrf1) =	vsort.ascd.msk.f32 $0xffff, v24, v24;
	v47, _, _ =	vpop (xrf1)  }
0x1ec: {  	v62 =	vmovc v51;
	v39 =	vld [tilespmem:$0x1FCF0];
	v8 =	vperm.xlane v36, v17;
	v2 =	vmin.f32 v47, v12;
	(xrf1) =	vsort.ascd.msk.f32 $0xffff, v43, v43  }
0x1ed: {  	v0 =	vmul.f32 $1.442695020e+00, v38;
	v41 =	vadd.f32 v42, v58;
	(xrf1) =	vsort.ascd.msk.f32 $0xffff, v2, v2;
	v12 =	vperm.xlane v13, v22  }
0x1ee: {  	v34 =	vmovc v50;
	vm12 =	vle.f32 v48, v8;
	vm14 =	vle.f32 v63, v8;
	vm15 =	vle.f32 v1, v8  }
0x1ef: {  	[tilespmem:$0x1FEA0] =	vst v62;
	v62 =	vmovc v54;
	vm13 =	vle.f32 v61, v8;
	v51 =	vnsel vm12, $0x0, v27;
	v2 =	vadd.f32 v13, v12;
	v12 =	vld [tilespmem:$0x1FEC0]  }
0x1f0: {  	v54 =	vpop (erf);
	v48 =	vnsel vm14, $0x0, v29;
	v8 =	vmul.f32 v56, v33;
	v33 =	vadd.f32 v18, v15;
	v15 =	vld [tilespmem:$0x1FFC0]  }
0x1f1: {  	v36 =	vmovc v60;
	v24 =	vmovc v55;
	v47 =	vnsel vm15, $0x0, v39;
	v50 =	vnsel vm13, $0x0, v28;
	v38 =	vperm.xlane v2, v16  }
0x1f2: {  	v55 =	vpop (erf);
	(erf) = vpow2.f32 v5;
	v63 =	vadd.f32 v50, v51;
	v13 =	vadd.f32 v47, v48  }
0x1f3: {  	[tilespmem:$0x1FEB0] =	vst v34;
	v43 =	vadd.f32 v44, v45;
	(erf) = vpow2.f32 v6;
	v14, _, _ =	vpop (xrf1);
	v1 =	vadd.f32 v2, v38  }
0x1f4: {  	s21 =	smov.u32 s22;
	[tilespmem:$0x1FE90] =	vst v36;
	v34 =	vperm.xlane v14, v20;
	v2 =	vadd.f32 v13, v63;
	v36, _, _ =	vpop (xrf1);
	v12 =	vmul.f32 v56, v12  }
0x1f5: {  	[tilespmem:s21+$0xFFFFFF80] =	vst v8;
	v6 =	vperm.xlane v36, v20;
	v8 =	vperm.xlane v1, v15  }
0x1f6: {  	v3 =	vadd.f32 v43, v41;
	v38 =	vpop (erf);
	(erf) = vpow2.f32 v9;
	v43 =	vperm.xlane v2, v26  }
0x1f7: {  	v9, _, _ =	vpop (xrf1);
	(erf) = vpow2.f32 v21;
	v1 =	vadd.f32 v1, v8;
	v8 =	vperm.xlane v33, v26  }
0x1f8: {  	[tilespmem:s21+$0xFFFFFF90] =	vst v12;
	v39 =	vpop (erf);
	(erf) = vpow2.f32 v11;
	v12 =	vmov v37;
	v37 =	vperm.xlane v3, v26  }
0x1f9: {  	v9 =	vperm.xlane v9, v20;
	v11, _, _ =	vpop (xrf1);
	(erf) = vpow2.f32 v0  }
0x1fa: {  	v41, _, _ =	vpop (xrf1);
	v5 =	vadd.f32 v33, v8;
	v8 =	vmin.f32 v11, v34;
	v0 =	vadd.f32 v3, v37;
	v37 =	vld [tilespmem:$0x1FED0]  }
0x1fb: {  	v6 =	vmin.f32 v41, v6;
	v60, _, _ =	vpop (xrf1);
	(xrf1) =	vsort.ascd.msk.f32 $0xffff, v8, v8  }
0x1fc: {  	v2 =	vadd.f32 v2, v43;
	v61 =	vmin.f32 v60, v9;
	(xrf1) =	vsort.ascd.msk.f32 $0xffff, v6, v6  }
0x1fd: {  	v1 =	vadd.f32 $9.999999930e-09, v1;
	(xrf1) =	vsort.ascd.msk.f32 $0xffff, v61, v61;
	v61 =	vld [tilespmem:$0x1FEE0]  }
0x1fe: {  	(erf) = vpow2.f32 v7;
	v36 =	vperm.xlane v2, v22  }
0x1ff: {  	v35 =	vadd.f32 $9.999999930e-09, v35;
	(erf) = vrcp.f32 v1;
	v6 =	vmul.f32 v56, v37  }
0x200: {  	v63 =	vperm.xlane v5, v22;
	(erf) = vpow2.f32 v10  }
0x201: {  	v31 =	vpop (erf);
	v60 =	vmov v59;
	v3 =	vperm.xlane v0, v22;
	(erf) = vrcp.f32 v35;
	[tilespmem:s21+$0xFFFFFFA0] =	vst v6;
	v6 =	vld [tilespmem:$0x1FEF0]  }
0x202: {  	[tilespmem:$0x1FED0] =	vst v60;
	v60 =	vadd.f32 v5, v63;
	v35 =	vadd.f32 v2, v36;
	v36 =	vld [tilespmem:$0x1FD10];
	v63 =	vmul.f32 v56, v61  }
0x203: {  	p0 =	slt.u32 s19, $0x3C;
	v41 =	vpop (erf);
	v61 =	vld [tilespmem:$0x1FD20]  }
.Ltmp0:
0x204: {  	[tilespmem:$0x1FEC0] =	vst v12;
	v43 =	vpop (erf);
	v59 =	vadd.f32 v0, v3;
	v37 =	vmov v57;
	(pc) =	sbr.rel @p0 .LBB2_2-.Ltmp0, $4  }
0x205: {  	v34 =	vpop (erf);
	[tilespmem:$0x1FEE0] =	vst v37  }
0x206: {  	v18 =	vpop (erf);
	v33 =	vperm.xlane v59, v16;
	[tilespmem:s21+$0xFFFFFFB0] =	vst v63;
	v63 =	vmov v58;
	v7 =	vmul.f32 v40, v6  }
0x207: {  	v28 =	vpop (erf);
	v56 =	vperm.xlane v60, v16;
	v26 =	vmul.f32 v40, v36;
	[tilespmem:$0x1FEF0] =	vst v63  }
0x208: {  	s22 =	smov.u32 s25;
	v10 =	vld [tilespmem:$0x1FD00];
	v29 =	vpop (erf);
	v36 =	vperm.xlane v35, v16;
	v27 =	vmul.f32 v40, v61;
	[tilespmem:s21+$0xFFFFFFC0] =	vst v7  }
0x209: {  	v0 =	vadd.f32 v60, v56;
	v3, _, _ =	vpop (xrf1)  }
0x20a: {  	v1 =	vld [tilespmem:$0x1FE70];
	v3 =	vperm.xlane v3, v17  }
0x20b: {  	v4 =	vadd.f32 v59, v33;
	v33 =	vld [tilespmem:$0x1FE20];
	v8, _, _ =	vpop (xrf1);
	v2 =	vperm.xlane v0, v15  }
0x20c: {  	v8 =	vperm.xlane v8, v17;
	vm0 =	vle.f32 v32, v3;
	vm1 =	vle.f32 v30, v3  }
0x20d: {  	v56 =	vld [tilespmem:$0x1FEB0];
	v0 =	vadd.f32 v0, v2;
	v5 =	vmul.f32 v40, v10;
	v9 =	vnsel vm0, $0x0, v54  }
0x20e: {  	v10 =	vnsel vm1, $0x0, v55;
	vm2 =	vle.f32 v25, v8;
	vm3 =	vle.f32 v19, v8;
	v40 =	vld [tilespmem:$0x1FE30]  }
0x20f: {  	v37, _, _ =	vpop (xrf1);
	vm4 =	vle.f32 v23, v8;
	v54 =	vld [tilespmem:$0x1FE90];
	v23 =	vadd.f32 v35, v36;
	vm10 =	vle.f32 v1, v3  }
0x210: {  	vm11 =	vle.f32 v33, v3;
	v12 =	vadd.f32 v10, v9;
	v3 =	vperm.xlane v37, v17  }
0x211: {  	v55 =	vld [tilespmem:$0x1FEA0];
	v14 =	vnsel vm2, $0x0, v31;
	v16 =	vnsel vm4, $0x0, v43;
	v2 =	vpop (erf);
	v11 =	vnsel vm11, $0x0, v39  }
0x212: {  	v6 =	vmul.f32 v2, v53;
	v7 =	vmul.f32 v2, v52;
	v52 =	vnsel vm10, $0x0, v38  }
0x213: {  	v58 =	vld [tilespmem:$0x1FFE0];
	v53 =	vmovc v15;
	v15 =	vnsel vm3, $0x0, v41;
	vm14 =	vle.f32 v56, v3;
	vm5 =	vle.f32 v40, v8  }
0x214: {  	v13 =	vadd.f32 v11, v52;
	vm12 =	vle.f32 v54, v3;
	v17 =	vnsel vm5, $0x0, v34  }
0x215: {  	v57 =	vadd.f32 v15, v14;
	v1 =	vnsel vm12, $0x0, v18;
	v18 =	vadd.f32 v17, v16  }
0x216: {  	v60 =	vld [tilespmem:$0x1FFF0];
	[tilespmem:s29+$0x300] =	vst v26;
	vm15 =	vle.f32 v24, v3;
	vm13 =	vle.f32 v55, v3;
	v12 =	vadd.f32 v13, v12  }
0x217: {  	[tilespmem:s30+$0x300] =	vst v27;
	v22 =	vpop (erf);
	v3 =	vnsel vm14, $0x0, v29;
	v13 =	vadd.f32 v18, v57;
	v18 =	vperm.xlane v4, v53  }
0x218: {  	s20 =	sadd.s32 $0x100, s24;
	s19 =	sadd.s32 $0x100, s25;
	v26 =	vld [tilespmem:$0x1FFD0];
	[tilespmem:s31+$0x300] =	vst v5;
	v21 =	vnsel vm13, $0x0, v28;
	v28 =	vnsel vm15, $0x0, v22;
	v19 =	vperm.xlane v12, v58  }
0x219: {  	s0 =	sor.u32 $0x50, s20;
	[tilespmem:s19+$0x40] =	vst v6;
	v22 =	vadd.f32 v28, v3;
	v4 =	vadd.f32 v4, v18;
	v18 =	vmul.f32 v2, v49  }
0x21a: {  	s3 =	sor.u32 $0x60, s20;
	[tilespmem:s0+$0x300] =	vst v7;
	v12 =	vadd.f32 v12, v19;
	v19 =	vadd.f32 v21, v1;
	v2 =	vmul.f32 v2, v46  }
0x21b: {  	s4 =	sor.u32 $0x70, s20;
	v7 =	vld [tilespmem:$0x1FDC0];
	[tilespmem:s3+$0x300] =	vst v18  }
0x21c: {  	v63 =	vadd.f32 v22, v19;
	v19 =	vperm.xlane v23, v53;
	[tilespmem:s4+$0x300] =	vst v2  }
0x21d: {  	v2 =	vld [tilespmem:$0x1FDB0];
	_ =	sdelay $0x2  }
0x21e: {  	v59 =	vperm.xlane v13, v58;
	v61 =	vperm.xlane v12, v60;
	v30 =	vadd.f32 v23, v19;
	v19 =	vpop (erf)  }
0x21f: {  	v0 =	vadd.f32 $9.999999930e-09, v0;
	v22 =	vperm.xlane v63, v58;
	v7 =	vmul.f32 v19, v7  }
0x220: {  	v13 =	vadd.f32 v13, v59;
	v12 =	vadd.f32 v12, v61;
	v2 =	vmul.f32 v19, v2  }
0x221: {  	(erf) = vrcp.f32 v0;
	v0 =	vadd.f32 v63, v22;
	v22 =	vld [tilespmem:$0x1FDE0];
	[tilespmem:s21+$0x0] =	vst v7  }
0x222: {  	v4 =	vadd.f32 $9.999999930e-09, v4;
	v24 =	vperm.xlane v13, v60;
	v25 =	vperm.xlane v12, v26;
	[tilespmem:s21+$0x10] =	vst v2  }
0x223: {  	v5 =	vadd.f32 $9.999999930e-09, v30;
	v34 =	vperm.xlane v0, v60;
	v2 =	vld [tilespmem:$0x1FDD0]  }
0x224: {  	(erf) = vrcp.f32 v4;
	v32 =	vadd.f32 v13, v24;
	v33 =	vadd.f32 v12, v25  }
0x225: {  	(erf) = vrcp.f32 v5;
	v0 =	vadd.f32 v0, v34  }
0x226: {  	v13 =	vperm.xlane v32, v26;
	v18 =	vperm.xlane v33, v53  }
0x227: {  	v22 =	vmul.f32 v19, v22;
	v12 =	vperm.xlane v0, v26  }
0x228: {  	v4 =	vadd.f32 v32, v13;
	v36 =	vadd.f32 v33, v18;
	v2 =	vmul.f32 v19, v2  }
0x229: {  	[tilespmem:s21+$0x20] =	vst v22;
	v0 =	vadd.f32 v0, v12  }
0x22a: {  	v13 =	vperm.xlane v4, v53;
	v5 =	vadd.f32 $9.999999930e-09, v36;
	[tilespmem:s21+$0x30] =	vst v2  }
0x22b: {  	v39 =	vperm.xlane v0, v53;
	v2 =	vld [tilespmem:$0x1FEC0]  }
0x22c: {  	v35 =	vpop (erf);
	v4 =	vadd.f32 v4, v13;
	(erf) = vrcp.f32 v5;
	v18 =	vld [tilespmem:$0x1FED0]  }
0x22d: {  	v0 =	vadd.f32 v0, v39  }
0x22e: {  	v38 =	vpop (erf);
	v4 =	vadd.f32 $9.999999930e-09, v4  }
0x22f: {  	v37 =	vmul.f32 v35, v62;
	v40 =	vmul.f32 v38, v42;
	v0 =	vadd.f32 $9.999999930e-09, v0  }
0x230: {  	(erf) = vrcp.f32 v4;
	v2 =	vmul.f32 v35, v2  }
0x231: {  	v43 =	vpop (erf);
	[tilespmem:s22+$0xFFFFFF80] =	vst v37;
	(erf) = vrcp.f32 v0;
	v18 =	vmul.f32 v35, v18  }
0x232: {  	v42 =	vmul.f32 v38, v44;
	v44 =	vmul.f32 v43, v51;
	[tilespmem:s22+$0xFFFFFF90] =	vst v2  }
0x233: {  	v41 =	vmul.f32 v38, v45;
	v45 =	vmul.f32 v43, v50;
	v2 =	vld [tilespmem:$0x1FEE0];
	[tilespmem:s22+$0xFFFFFFA0] =	vst v18  }
0x234: {  	v46 =	vmul.f32 v43, v48;
	v6 =	vld [tilespmem:$0x1FEF0];
	[tilespmem:s22+$0x0] =	vst v44  }
0x235: {  	v48 =	vmul.f32 v43, v47;
	v49 =	vpop (erf);
	[tilespmem:s22+$0x10] =	vst v45  }
0x236: {  	v50 =	vmul.f32 v49, v9;
	[tilespmem:s22+$0x20] =	vst v46  }
0x237: {  	v51 =	vmul.f32 v49, v10;
	[tilespmem:s22+$0x30] =	vst v48  }
0x238: {  	v52 =	vmul.f32 v49, v52;
	[tilespmem:s19+$0xFFFFFF80] =	vst v50  }
0x239: {  	v54 =	vmul.f32 v49, v11;
	v53 =	vpop (erf);
	[tilespmem:s19+$0xFFFFFF90] =	vst v51  }
0x23a: {  	v55 =	vmul.f32 v53, v14;
	[tilespmem:s19+$0xFFFFFFA0] =	vst v52;
	v59 =	vpop (erf)  }
0x23b: {  	[tilespmem:s19+$0xFFFFFFB0] =	vst v54;
	v60 =	vmul.f32 v59, v1  }
0x23c: {  	[tilespmem:s19+$0xFFFFFFC0] =	vst v55;
	v61 =	vmul.f32 v59, v21  }
0x23d: {  	v62 =	vmul.f32 v59, v3;
	[tilespmem:s19+$0x0] =	vst v60  }
0x23e: {  	v63 =	vmul.f32 v59, v28;
	[tilespmem:s19+$0x10] =	vst v61  }
0x23f: {  	[tilespmem:s19+$0x20] =	vst v62;
	v6 =	vmul.f32 v38, v6  }
0x240: {  	[tilespmem:s19+$0x30] =	vst v63  }
0x241: {  	[tilespmem:s22+$0xFFFFFFC0] =	vst v6  }
0x242: {  	[tilespmem:s26+$0x300] =	vst v40  }
0x243: {  	v2 =	vmul.f32 v35, v2;
	[tilespmem:s28+$0x300] =	vst v41  }
0x244: {  	v56 =	vmul.f32 v53, v15;
	[tilespmem:s23+$0x300] =	vst v42;
	s23 =	sadd.s32 $0xFFFFFF80, s20  }
0x245: {  	v57 =	vmul.f32 v53, v16;
	[tilespmem:s22+$0xFFFFFFB0] =	vst v2;
	s3 =	sor.u32 $0x50, s23  }
0x246: {  	v58 =	vmul.f32 v53, v17;
	s4 =	sor.u32 $0x60, s23;
	[tilespmem:s3+$0x300] =	vst v56  }
0x247: {  	s0 =	sor.u32 $0x70, s23;
	[tilespmem:s4+$0x300] =	vst v57  }
0x248: {  	s24 =	simm.s32 $0x300;
	s19 =	simm.s32 $0x0;
	[tilespmem:s0+$0x300] =	vst v58  }
0x249: {  	[hbm4b:s9+s19] =	stream.linear.scatter [tilespmem:s24], [sflag:$0x1], $0x1000, $0x38;
	[tilespmem:$0x11900] =	vst v63  }
0x24a: {  	_ =	swait.ge [sflag:s18], $0x1000  }
0x24b: {  	[sflag:s18] =	ssyncset.done $0x0  }
0x24c: {  	s25 =	simm.s32 $0x1300;
	[sflag:s18] =	ssyncadd.s32 $0xFFFFF000  }
0x24d: {  	[tilespmem:s25], [sflag:$0x1] =	stream.linear.gather [hbm4b:s10+s19], $0x100, $0x38;
	[tilespmem:$0x11900] =	vst v63  }
0x24e: {  	_ =	swait.ge [sflag:s18], $0x100  }
0x24f: {  	[sflag:s18] =	ssyncset.done $0x0  }
0x250: {  	s26 =	simm.s32 $0x1400;
	[sflag:s18] =	ssyncadd.s32 $0xFFFFFF00  }
0x251: {  	[tilespmem:s26], [sflag:$0x1] =	stream.linear.gather [hbm4b:s11+s19], $0x100, $0x38;
	[tilespmem:$0x11900] =	vst v63  }
0x252: {  	_ =	swait.ge [sflag:s18], $0x100  }
0x253: {  	[sflag:s18] =	ssyncset.done $0x0  }
0x254: {  	s28 =	simm.s32 $0x1500;
	[sflag:s18] =	ssyncadd.s32 $0xFFFFFF00  }
0x255: {  	[tilespmem:s28], [sflag:$0x1] =	stream.linear.gather [hbm4b:s12+s19], $0x100, $0x38;
	[tilespmem:$0x11900] =	vst v63  }
0x256: {  	_ =	swait.ge [sflag:s18], $0x100  }
0x257: {  	[sflag:s18] =	ssyncset.done $0x0  }
0x258: {  	s29 =	simm.s32 $0x1600;
	[sflag:s18] =	ssyncadd.s32 $0xFFFFFF00  }
0x259: {  	[tilespmem:s29], [sflag:$0x1] =	stream.linear.gather [hbm4b:s13+s19], $0x100, $0x38;
	[tilespmem:$0x11900] =	vst v63  }
0x25a: {  	_ =	swait.ge [sflag:s18], $0x100  }
0x25b: {  	[sflag:s18] =	ssyncset.done $0x0  }
0x25c: {  	s30 =	simm.s32 $0x1700;
	[sflag:s18] =	ssyncadd.s32 $0xFFFFFF00  }
0x25d: {  	[tilespmem:s30], [sflag:$0x1] =	stream.linear.gather [hbm4b:s14+s19], $0x100, $0x38;
	[tilespmem:$0x11900] =	vst v63  }
0x25e: {  	_ =	swait.ge [sflag:s18], $0x100  }
0x25f: {  	[sflag:s18] =	ssyncset.done $0x0  }
0x260: {  	s31 =	simm.s32 $0x1800;
	[sflag:s18] =	ssyncadd.s32 $0xFFFFFF00  }
0x261: {  	[tilespmem:s31], [sflag:$0x1] =	stream.linear.gather [hbm4b:s15+s19], $0x100, $0x38;
	[tilespmem:$0x11900] =	vst v63  }
0x262: {  	_ =	swait.ge [sflag:s18], $0x100  }
0x263: {  	[sflag:s18] =	ssyncset.done $0x0  }
0x264: {  	s20 =	simm.s32 $0x1B00;
	[sflag:s18] =	ssyncadd.s32 $0xFFFFFF00  }
.LBB2_4:
0x265: {  	v38 =	vld [tilespmem:$0x1300]  }
0x266: {  	v39 =	vld [tilespmem:$0x1400]  }
0x267: {  	v47 =	vld [tilespmem:$0x1500]  }
0x268: {  	v40 =	vld [tilespmem:$0x1310]  }
0x269: {  	v41 =	vld [tilespmem:$0x1410]  }
0x26a: {  	s0 =	sand.u32 $0xF0, s19;
	v37 =	vld [tilespmem:$0x1320]  }
0x26b: {  	v36 =	vld [tilespmem:s0+$0x1600]  }
0x26c: {  	v29 =	vld [tilespmem:s0+$0x1700]  }
0x26d: {  	v24 =	vld [tilespmem:s0+$0x1800]  }
0x26e: {  	v30 =	vld [tilespmem:$0x1420]  }
0x26f: {  	s3 =	sand.u32 $0xC, s19;
	v46 =	vld [tilespmem:$0x1510]  }
0x270: {  	v43 =	vld [tilespmem:$0x1520];
	v0 =	vmov s3  }
0x271: {  	v44 =	vld [tilespmem:$0x1330];
	v6 =	vperm.xlane v36, v0;
	v7 =	vperm.xlane v29, v0  }
0x272: {  	v45 =	vld [tilespmem:$0x1430];
	v8 =	vperm.xlane v24, v0  }
0x273: {  	v53 =	vld [tilespmem:$0x1340];
	v1 =	vsub.f32 v38, v6;
	v2 =	vsub.f32 v39, v7  }
0x274: {  	v54 =	vld [tilespmem:$0x1440];
	v35 =	vsub.f32 v47, v8;
	v42 =	vsub.f32 v40, v6  }
0x275: {  	v52 =	vld [tilespmem:$0x1540];
	v3 =	vsub.f32 v41, v7;
	v4 =	vsub.f32 v37, v6  }
0x276: {  	v57 =	vld [tilespmem:$0x1350];
	v5 =	vsub.f32 v30, v7;
	v50 =	vsub.f32 v46, v8  }
0x277: {  	v19 =	vld [tilespmem:$0x1450];
	v55 =	vsub.f32 v43, v8;
	v12 =	vsub.f32 v44, v6  }
0x278: {  	v61 =	vld [tilespmem:$0x1570];
	v13 =	vsub.f32 v45, v7;
	v9 =	vsub.f32 v53, v6;
	v33 =	vmul.f32 v1, v1  }
0x279: {  	v63 =	vld [tilespmem:$0x1360];
	v11 =	vsub.f32 v54, v7;
	v34 =	vmul.f32 v2, v2;
	v2 =	vmul.f32 v35, v35  }
0x27a: {  	v22 =	vld [tilespmem:$0x1460];
	v26 =	vsub.f32 v52, v8;
	v1 =	vmul.f32 v42, v42;
	v3 =	vmul.f32 v3, v3  }
0x27b: {  	v28 =	vsub.f32 v57, v6;
	v48 =	vmul.f32 v4, v4;
	v49 =	vmul.f32 v5, v5  }
0x27c: {  	v32 =	vsub.f32 v19, v7;
	v42 =	vld [tilespmem:$0x1530];
	v59 =	vmul.f32 v50, v50;
	v14 =	vmul.f32 v12, v12  }
0x27d: {  	v60 =	vsub.f32 v61, v8;
	v15 =	vmul.f32 v13, v13;
	v16 =	vmul.f32 v9, v9  }
0x27e: {  	v10 =	vld [tilespmem:$0x1370];
	v17 =	vmul.f32 v11, v11;
	v12 =	vsub.f32 v63, v6;
	v0 =	vadd.f32 v34, v33  }
0x27f: {  	v58 =	vld [tilespmem:$0x1470];
	v4 =	vmul.f32 v26, v26;
	v13 =	vsub.f32 v22, v7;
	v1 =	vadd.f32 v3, v1  }
0x280: {  	v18 =	vld [tilespmem:$0x13A0];
	v3 =	vmul.f32 v55, v55;
	v34 =	vadd.f32 v2, v0;
	v0 =	vadd.f32 v49, v48  }
0x281: {  	v35 =	vmul.f32 v32, v32;
	v49 =	vld [tilespmem:$0x1550];
	v2 =	vadd.f32 v15, v14;
	v25 =	vsub.f32 v42, v8  }
0x282: {  	v33 =	vmul.f32 v28, v28;
	v14 =	vld [tilespmem:$0x1380];
	v31 =	vadd.f32 v3, v0;
	v0 =	vadd.f32 v17, v16  }
0x283: {  	v32 =	vsub.f32 v10, v6;
	v55 =	vmul.f32 v13, v13;
	v48 =	vmul.f32 v12, v12;
	v16 =	vld [tilespmem:$0x1480]  }
0x284: {  	v50 =	vadd.f32 v59, v1;
	v59 =	vld [tilespmem:$0x1560];
	v27 =	vmul.f32 v25, v25;
	v56 =	vadd.f32 v4, v0  }
0x285: {  	v15 =	vld [tilespmem:$0x1580];
	v0 =	vadd.f32 v55, v48;
	v4 =	vmul.f32 v32, v32;
	v32 =	vsub.f32 v18, v6  }
0x286: {  	v26 =	vld [tilespmem:$0x1390];
	(xrf1) =	vsort.ascd.msk.f32 $0xffff, v34, v34;
	v51 =	vadd.f32 v27, v2;
	v62 =	vsub.f32 v49, v8  }
0x287: {  	v23 =	vld [tilespmem:$0x1490];
	(xrf1) =	vsort.ascd.msk.f32 $0xffff, v50, v50;
	v2 =	vadd.f32 v35, v33;
	v33 =	vsub.f32 v58, v7  }
0x288: {  	v21 =	vld [tilespmem:$0x14A0];
	(xrf1) =	vsort.ascd.msk.f32 $0xffff, v31, v31;
	v35 =	vsub.f32 v14, v6;
	v48 =	vsub.f32 v16, v7  }
0x289: {  	v28 =	vsub.f32 v59, v8;
	v5 =	vmul.f32 v62, v62;
	v9 =	vmul.f32 v33, v33  }
0x28a: {  	v25 =	vld [tilespmem:$0x15A0];
	v17 =	vsub.f32 v15, v8;
	v12 =	vmul.f32 v35, v35;
	v13 =	vmul.f32 v48, v48  }
0x28b: {  	v27 =	vsub.f32 v26, v6;
	[tilespmem:$0x1F9A0] =	vst v16;
	v3 =	vmul.f32 v28, v28;
	v62 =	vmul.f32 v60, v60;
	v16 =	vld [tilespmem:$0x14B0]  }
0x28c: {  	[tilespmem:$0x1F970] =	vst v10;
	v11 =	vmul.f32 v17, v17;
	v28 =	vsub.f32 v23, v7;
	v10 =	vadd.f32 v13, v12;
	v12 =	vld [tilespmem:$0x13B0]  }
0x28d: {  	v55 =	vld [tilespmem:$0x1590];
	[tilespmem:$0x1F990] =	vst v14;
	v33 =	vsub.f32 v21, v7;
	(xrf1) =	vsort.ascd.msk.f32 $0xffff, v51, v51;
	v4 =	vadd.f32 v9, v4  }
0x28e: {  	v1 =	vld [tilespmem:$0x14D0];
	[tilespmem:$0x1F620] =	vst v15;
	(xrf1) =	vsort.ascd.msk.f32 $0xffff, v56, v56;
	v15 =	vadd.f32 v5, v2;
	v14 =	vadd.f32 v3, v0  }
0x28f: {  	v0 =	vmul.f32 v27, v27;
	v48 =	vsub.f32 v25, v8;
	v35 =	vadd.f32 v62, v4;
	v62 =	vld [tilespmem:$0x15B0]  }
0x290: {  	v60 =	vld [tilespmem:$0x13C0];
	v3 =	vmul.f32 v32, v32;
	v5 =	vmul.f32 v33, v33;
	v17 =	vadd.f32 v11, v10  }
0x291: {  	v2 =	vmul.f32 v28, v28;
	v28 =	vld [tilespmem:$0x14C0];
	v11 =	vsub.f32 v16, v7;
	[tilespmem:$0x1F630] =	vst v12;
	v12 =	vsub.f32 v12, v6  }
0x292: {  	[tilespmem:$0x1F9D0] =	vst v18;
	v32 =	vld [tilespmem:$0x13D0];
	v4 =	vsub.f32 v55, v8;
	v48 =	vmul.f32 v48, v48;
	v3 =	vadd.f32 v5, v3  }
0x293: {  	v18 =	vmov v16;
	[tilespmem:$0x1F800] =	vst v16;
	v33 =	vmul.f32 v11, v11;
	v16 =	vmul.f32 v12, v12  }
0x294: {  	v0 =	vadd.f32 v2, v0;
	v13 =	vld [tilespmem:$0x15C0];
	v27 =	vmul.f32 v4, v4;
	v11 =	vsub.f32 v62, v8  }
0x295: {  	(xrf1) =	vsort.ascd.msk.f32 $0xffff, v15, v15;
	v48 =	vadd.f32 v48, v3;
	v2 =	vadd.f32 v33, v16;
	v16 =	vld [tilespmem:$0x15D0]  }
0x296: {  	[tilespmem:$0x1F650] =	vst v1;
	v3 =	vsub.f32 v60, v6;
	v27 =	vadd.f32 v27, v0;
	v0 =	vmul.f32 v11, v11  }
0x297: {  	(xrf1) =	vsort.ascd.msk.f32 $0xffff, v14, v14;
	v10 =	vld [tilespmem:$0x13E0];
	[tilespmem:$0x1F9F0] =	vst v28;
	v4 =	vsub.f32 v28, v7;
	v33 =	vsub.f32 v32, v6  }
0x298: {  	[tilespmem:$0x1F640] =	vst v32;
	v12 =	vsub.f32 v1, v7;
	v11 =	vld [tilespmem:$0x14E0];
	v28 =	vadd.f32 v0, v2;
	v0 =	vmul.f32 v3, v3  }
0x299: {  	[tilespmem:$0x1FA20] =	vst v13;
	v2 =	vmul.f32 v4, v4;
	v3 =	vmul.f32 v33, v33;
	v33 =	vsub.f32 v13, v8;
	v13 =	vld [tilespmem:$0x13F0]  }
0x29a: {  	v1 =	vmov v34;
	v32 =	vmul.f32 v12, v12;
	[tilespmem:$0x1FA30] =	vst v16;
	v34 =	vsub.f32 v16, v8;
	v16 =	vld [tilespmem:$0x14F0]  }
0x29b: {  	(xrf1) =	vsort.ascd.msk.f32 $0xffff, v35, v35;
	v12 =	vld [tilespmem:$0x15E0];
	v0 =	vadd.f32 v2, v0  }
0x29c: {  	v2 =	vadd.f32 v32, v3;
	v3 =	vmul.f32 v33, v33;
	v4 =	vmul.f32 v34, v34;
	v34 =	vld [tilespmem:$0x15F0]  }
0x29d: {  	(xrf1) =	vsort.ascd.msk.f32 $0xffff, v17, v17;
	v5 =	vsub.f32 v10, v6  }
0x29e: {  	[tilespmem:$0x1F660] =	vst v15;
	(xrf1) =	vsort.ascd.msk.f32 $0xffff, v27, v27;
	v9 =	vsub.f32 v11, v7;
	v32 =	vadd.f32 v3, v0  }
0x29f: {  	v0 =	vmul.f32 v5, v5;
	v15 =	vsub.f32 v13, v6;
	[tilespmem:$0x1FA40] =	vst v16;
	v16 =	vsub.f32 v16, v7  }
0x2a0: {  	v33 =	vadd.f32 v4, v2;
	v2 =	vmul.f32 v9, v9;
	v9 =	vsub.f32 v12, v8  }
0x2a1: {  	[tilespmem:$0x1FA50] =	vst v12;
	v3 =	vmul.f32 v15, v15;
	v12 =	vsub.f32 v34, v8;
	v4 =	vmul.f32 v16, v16  }
0x2a2: {  	(xrf1) =	vsort.ascd.msk.f32 $0xffff, v48, v48;
	[tilespmem:$0x1F670] =	vst v13;
	v0 =	vadd.f32 v2, v0;
	v13 =	vmul.f32 v9, v9  }
0x2a3: {  	[tilespmem:$0x1F680] =	vst v14;
	(xrf1) =	vsort.ascd.msk.f32 $0xffff, v28, v28;
	v3 =	vadd.f32 v4, v3;
	v14 =	vmul.f32 v12, v12  }
0x2a4: {  	[tilespmem:$0x1F6B0] =	vst v27;
	(xrf1) =	vsort.ascd.msk.f32 $0xffff, v32, v32;
	v27 =	vadd.f32 v13, v0  }
0x2a5: {  	[tilespmem:$0x1F690] =	vst v35;
	(xrf1) =	vsort.ascd.msk.f32 $0xffff, v33, v33;
	v35 =	vadd.f32 v14, v3  }
0x2a6: {  	(xrf1) =	vsort.ascd.msk.f32 $0xffff, v27, v27;
	v0, _, _ =	vpop (xrf1)  }
0x2a7: {  	v15, _, _ =	vpop (xrf1);
	(xrf1) =	vsort.ascd.msk.f32 $0xffff, v35, v35  }
0x2a8: {  	v3, _, _ =	vpop (xrf1)  }
0x2a9: {  	v16, _, _ =	vpop (xrf1)  }
0x2aa: {  	v5, _, _ =	vpop (xrf1)  }
0x2ab: {  	[tilespmem:$0x1F6A0] =	vst v17;
	v17, _, _ =	vpop (xrf1)  }
0x2ac: {  	v7, _, _ =	vpop (xrf1)  }
0x2ad: {  	[tilespmem:$0x1FA60] =	vst v34;
	v34, _, _ =	vpop (xrf1)  }
0x2ae: {  	v4 =	vperm.xlane v16, v20;
	v9, _, _ =	vpop (xrf1)  }
0x2af: {  	v2 =	vperm.xlane v15, v20;
	v12, _, _ =	vpop (xrf1)  }
0x2b0: {  	v13, _, _ =	vpop (xrf1)  }
0x2b1: {  	v0 =	vmin.f32 v0, v2;
	v15 =	vperm.xlane v17, v20;
	v17 =	vmin.f32 v3, v4;
	v16, _, _ =	vpop (xrf1)  }
0x2b2: {  	(xrf1) =	vsort.ascd.msk.f32 $0xffff, v0, v0;
	v34 =	vperm.xlane v34, v20;
	v4, _, _ =	vpop (xrf1)  }
0x2b3: {  	(xrf1) =	vsort.ascd.msk.f32 $0xffff, v17, v17;
	v8 =	vmin.f32 v5, v15;
	v12 =	vperm.xlane v12, v20;
	v14, _, _ =	vpop (xrf1)  }
0x2b4: {  	(xrf1) =	vsort.ascd.msk.f32 $0xffff, v8, v8;
	v15 =	vmin.f32 v7, v34;
	v16 =	vperm.xlane v16, v20;
	v17, _, _ =	vpop (xrf1)  }
0x2b5: {  	(xrf1) =	vsort.ascd.msk.f32 $0xffff, v15, v15;
	v34 =	vmin.f32 v9, v12;
	v8 =	vperm.xlane v14, v20;
	v9, _, _ =	vpop (xrf1)  }
0x2b6: {  	(xrf1) =	vsort.ascd.msk.f32 $0xffff, v34, v34;
	v12 =	vmin.f32 v13, v16;
	v13 =	vperm.xlane v9, v20  }
0x2b7: {  	(xrf1) =	vsort.ascd.msk.f32 $0xffff, v12, v12;
	v14 =	vmin.f32 v4, v8  }
0x2b8: {  	(xrf1) =	vsort.ascd.msk.f32 $0xffff, v14, v14;
	v15 =	vmin.f32 v17, v13  }
0x2b9: {  	(xrf1) =	vsort.ascd.msk.f32 $0xffff, v15, v15;
	_ =	sdelay $0x6  }
0x2ba: {  	v16, _, _ =	vpop (xrf1)  }
0x2bb: {  	v17, _, _ =	vpop (xrf1)  }
0x2bc: {  	v34, _, _ =	vpop (xrf1)  }
0x2bd: {  	v9, _, _ =	vpop (xrf1)  }
0x2be: {  	v12, _, _ =	vpop (xrf1)  }
0x2bf: {  	v2 =	vperm.xlane v17, v20;
	v13, _, _ =	vpop (xrf1)  }
0x2c0: {  	v4 =	vperm.xlane v9, v20;
	v14, _, _ =	vpop (xrf1)  }
0x2c1: {  	v0 =	vmin.f32 v16, v2;
	v15 =	vperm.xlane v13, v20;
	v16, _, _ =	vpop (xrf1)  }
0x2c2: {  	(xrf1) =	vsort.ascd.msk.f32 $0xffff, v0, v0;
	v17 =	vmin.f32 v34, v4;
	v34 =	vperm.xlane v16, v20  }
0x2c3: {  	(xrf1) =	vsort.ascd.msk.f32 $0xffff, v17, v17;
	v6 =	vmin.f32 v12, v15  }
0x2c4: {  	(xrf1) =	vsort.ascd.msk.f32 $0xffff, v6, v6;
	v7 =	vmin.f32 v14, v34  }
0x2c5: {  	(xrf1) =	vsort.ascd.msk.f32 $0xffff, v7, v7;
	_ =	sdelay $0xa  }
0x2c6: {  	v8, _, _ =	vpop (xrf1)  }
0x2c7: {  	v9, _, _ =	vpop (xrf1)  }
0x2c8: {  	s21 =	sand.u32 $0xF, s19;
	[tilespmem:$0x1F6E0] =	vst v38;
	v12, _, _ =	vpop (xrf1)  }
0x2c9: {  	s28 =	sadd.s32 $0x1, s21;
	[tilespmem:$0x1F910] =	vst v39;
	v2 =	vperm.xlane v9, v20;
	v13, _, _ =	vpop (xrf1)  }
0x2ca: {  	[tilespmem:$0x1F930] =	vst v40;
	v15 =	vmov s28;
	v4 =	vperm.xlane v13, v20  }
0x2cb: {  	[tilespmem:$0x1F6F0] =	vst v41;
	v7 =	vperm.xlane v36, v15;
	v0 =	vmin.f32 v8, v2  }
0x2cc: {  	[tilespmem:$0x1F6C0] =	vst v36;
	v36 =	vperm.xlane v29, v15;
	(xrf1) =	vsort.ascd.msk.f32 $0xffff, v0, v0;
	v14 =	vmin.f32 v12, v4  }
0x2cd: {  	[tilespmem:$0x1F700] =	vst v37;
	v16 =	vsub.f32 v38, v7;
	(xrf1) =	vsort.ascd.msk.f32 $0xffff, v14, v14  }
0x2ce: {  	[tilespmem:$0x1F6D0] =	vst v29;
	v6 =	vperm.xlane v24, v15;
	v17 =	vsub.f32 v39, v36;
	v29 =	vsub.f32 v40, v7  }
0x2cf: {  	[tilespmem:$0x1F710] =	vst v30;
	v34 =	vsub.f32 v41, v36;
	v37 =	vsub.f32 v37, v7  }
0x2d0: {  	[tilespmem:$0x1F720] =	vst v44;
	v40 =	vsub.f32 v47, v6;
	v41 =	vsub.f32 v46, v6  }
0x2d1: {  	[tilespmem:$0x1F730] =	vst v45;
	v3 =	vmul.f32 v17, v17;
	v39 =	vmul.f32 v37, v37;
	v17 =	vsub.f32 v45, v36  }
0x2d2: {  	[tilespmem:$0x1F920] =	vst v24;
	v38 =	vsub.f32 v30, v36;
	v5 =	vmul.f32 v40, v40;
	v24 =	vmul.f32 v41, v41  }
0x2d3: {  	[tilespmem:$0x1F750] =	vst v53;
	v45 =	vmul.f32 v17, v17;
	v17 =	vsub.f32 v53, v7;
	v2 =	vmul.f32 v16, v16  }
0x2d4: {  	[tilespmem:$0x1F940] =	vst v47;
	v53 =	vsub.f32 v49, v6;
	v16 =	vsub.f32 v44, v7;
	v0 =	vmul.f32 v29, v29  }
0x2d5: {  	v29 =	vmovc v47;
	v47 =	vsub.f32 v43, v6;
	v2 =	vadd.f32 v3, v2;
	v3 =	vmul.f32 v38, v38  }
0x2d6: {  	[tilespmem:$0x1F7A0] =	vst v63;
	v63 =	vsub.f32 v63, v7;
	v8 =	vmul.f32 v53, v53;
	v44 =	vmul.f32 v16, v16  }
0x2d7: {  	[tilespmem:$0x1F740] =	vst v43;
	v16 =	vsub.f32 v42, v6;
	v30 =	vmul.f32 v47, v47;
	v3 =	vadd.f32 v3, v39  }
0x2d8: {  	[tilespmem:$0x1F960] =	vst v42;
	v42 =	vmul.f32 v63, v63;
	v40 =	vadd.f32 v5, v2;
	v39 =	vsub.f32 v52, v6  }
0x2d9: {  	[tilespmem:$0x1F760] =	vst v54;
	v37 =	vadd.f32 v30, v3;
	v30 =	vsub.f32 v57, v7;
	v4 =	vmul.f32 v34, v34  }
0x2da: {  	[tilespmem:$0x1F780] =	vst v57;
	v2 =	vadd.f32 v45, v44;
	v3 =	vmul.f32 v16, v16;
	v57 =	vmul.f32 $-1.250000000e+01, v50;
	v34, _, _ =	vpop (xrf1)  }
0x2db: {  	[tilespmem:$0x1F770] =	vst v52;
	v52 =	vmul.f32 v39, v39;
	v45 =	vmul.f32 v30, v30;
	v0 =	vadd.f32 v4, v0;
	v47, _, _ =	vpop (xrf1)  }
0x2dc: {  	[tilespmem:$0x1F790] =	vst v19;
	v53 =	vsub.f32 v58, v36;
	v30 =	vmul.f32 $1.442695020e+00, v57;
	v15 =	vperm.xlane v47, v20  }
0x2dd: {  	[tilespmem:$0x1F7B0] =	vst v22;
	v4 =	vmul.f32 v17, v17;
	v17 =	vld [tilespmem:$0x1F9A0];
	v38 =	vadd.f32 v24, v0;
	v24 =	vsub.f32 v54, v36  }
0x2de: {  	[tilespmem:$0x1F980] =	vst v58;
	v54 =	vmul.f32 $-1.250000000e+01, v1;
	v0 =	vmin.f32 v34, v15;
	v34 =	vsub.f32 v19, v36  }
0x2df: {  	[tilespmem:$0x1F9B0] =	vst v61;
	v43 =	vadd.f32 v3, v2;
	v57 =	vmul.f32 v53, v53;
	v5 =	vmul.f32 v24, v24  }
0x2e0: {  	v24 =	vsub.f32 v22, v36;
	v3 =	vmul.f32 $1.442695020e+00, v54;
	v22 =	vmovc v58;
	v58 =	vsub.f32 v61, v6;
	v19 =	vmovc v61;
	v61 =	vld [tilespmem:$0x1F990]  }
0x2e1: {  	v54 =	vsub.f32 v59, v6;
	v4 =	vadd.f32 v5, v4;
	v47 =	vmul.f32 v34, v34  }
0x2e2: {  	[tilespmem:$0x1F7C0] =	vst v59;
	v59 =	vmul.f32 $-1.250000000e+01, v31;
	v16 =	vsub.f32 v17, v36;
	(erf) = vpow2.f32 v3;
	v34 =	vmovc v49;
	v49 =	vld [tilespmem:$0x1F970]  }
0x2e3: {  	v14 =	vmul.f32 v58, v58;
	v58 =	vld [tilespmem:$0x1F620];
	v15 =	vadd.f32 v52, v4;
	v2 =	vadd.f32 v47, v45  }
0x2e4: {  	v4 =	vmul.f32 v54, v54;
	v54 =	vsub.f32 v26, v7;
	v45 =	vmul.f32 v24, v24  }
0x2e5: {  	[tilespmem:$0x1F7D0] =	vst v26;
	v24 =	vmul.f32 $1.442695020e+00, v59;
	v63 =	vsub.f32 v61, v7;
	v39 =	vadd.f32 v8, v2  }
0x2e6: {  	[tilespmem:$0x1F9C0] =	vst v55;
	(erf) = vpow2.f32 v30;
	v26 =	vmovc v55;
	v2 =	vadd.f32 v45, v42;
	v42 =	vsub.f32 v55, v6;
	v55 =	vld [tilespmem:$0x1F9D0]  }
0x2e7: {  	v44 =	vmovc v50;
	v50 =	vmul.f32 v16, v16;
	(erf) = vpow2.f32 v24;
	v24 =	vld [tilespmem:$0x1F630];
	v52 =	vsub.f32 v49, v7  }
0x2e8: {  	v53 =	vsub.f32 v58, v6;
	v45 =	vmul.f32 v63, v63;
	v63 =	vsub.f32 v23, v36  }
0x2e9: {  	v47 =	vmovc v1;
	v1 =	vmul.f32 v54, v54;
	v30 =	vadd.f32 v4, v2;
	v3 =	vmul.f32 v52, v52  }
0x2ea: {  	v59 =	vadd.f32 v50, v45;
	v4 =	vmul.f32 v63, v63;
	v50 =	vsub.f32 v21, v36  }
0x2eb: {  	v2 =	vmul.f32 v53, v53;
	v45 =	vsub.f32 v55, v7;
	v3 =	vadd.f32 v57, v3  }
0x2ec: {  	v52 =	vmul.f32 $-1.250000000e+01, v51;
	v4 =	vadd.f32 v4, v1;
	v57 =	vmovc v51;
	v51 =	vsub.f32 v24, v7  }
0x2ed: {  	v8 =	vmul.f32 v42, v42;
	v1 =	vadd.f32 v2, v59;
	v41 =	vadd.f32 v14, v3  }
0x2ee: {  	v3 =	vmul.f32 $1.442695020e+00, v52;
	v52 =	vsub.f32 v18, v36;
	v59 =	vmul.f32 v51, v51  }
0x2ef: {  	v54 =	vmul.f32 v50, v50;
	v53 =	vmul.f32 v45, v45  }
0x2f0: {  	v13 =	vadd.f32 v8, v4;
	v63 =	vmul.f32 v52, v52  }
0x2f1: {  	[tilespmem:$0x1FA00] =	vst v25;
	(xrf1) =	vsort.ascd.msk.f32 $0xffff, v0, v0;
	v4 =	vadd.f32 v54, v53;
	v14 =	vsub.f32 v25, v6;
	v54 =	vld [tilespmem:$0x1F650]  }
0x2f2: {  	[tilespmem:$0x1F9E0] =	vst v60;
	v42 =	vmovc v25;
	v25 =	vsub.f32 v60, v7;
	v0 =	vadd.f32 v63, v59;
	v59 =	vmov v60;
	v60 =	vld [tilespmem:$0x1F9F0]  }
0x2f3: {  	(xrf1) =	vsort.ascd.msk.f32 $0xffff, v40, v40  }
0x2f4: {  	(xrf1) =	vsort.ascd.msk.f32 $0xffff, v38, v38  }
0x2f5: {  	(xrf1) =	vsort.ascd.msk.f32 $0xffff, v37, v37  }
0x2f6: {  	[tilespmem:$0x1F7E0] =	vst v23;
	v12 =	vmul.f32 $-1.250000000e+01, v56;
	v16 =	vsub.f32 v62, v6;
	(xrf1) =	vsort.ascd.msk.f32 $0xffff, v43, v43;
	v53 =	vld [tilespmem:$0x1F640]  }
0x2f7: {  	(xrf1) =	vsort.ascd.msk.f32 $0xffff, v15, v15;
	v23 =	vld [tilespmem:$0x1FA20];
	v45 =	vmov v56;
	v56 =	vsub.f32 v54, v36;
	v50 =	vsub.f32 v60, v36  }
0x2f8: {  	v5 =	vmul.f32 v16, v16;
	(xrf1) =	vsort.ascd.msk.f32 $0xffff, v39, v39;
	v2 =	vmul.f32 v14, v14  }
0x2f9: {  	[tilespmem:$0x1F7F0] =	vst v21;
	(xrf1) =	vsort.ascd.msk.f32 $0xffff, v30, v30;
	v16 =	vmul.f32 v50, v50;
	v50 =	vmul.f32 v56, v56;
	v56 =	vld [tilespmem:$0x1F660]  }
0x2fa: {  	[tilespmem:$0x1FA10] =	vst v62;
	(erf) = vpow2.f32 v3;
	(xrf1) =	vsort.ascd.msk.f32 $0xffff, v41, v41  }
0x2fb: {  	v21 =	vld [tilespmem:$0x1FA30];
	v3 =	vmul.f32 $1.442695020e+00, v12;
	(xrf1) =	vsort.ascd.msk.f32 $0xffff, v1, v1;
	v14 =	vadd.f32 v2, v4;
	v51 =	vsub.f32 v53, v7  }
0x2fc: {  	v18 =	vld [tilespmem:$0x1F670];
	v8 =	vmul.f32 v25, v25;
	v52 =	vmovc v62;
	v62 =	vsub.f32 v23, v6;
	(xrf1) =	vsort.ascd.msk.f32 $0xffff, v13, v13  }
0x2fd: {  	(erf) = vpow2.f32 v3;
	[tilespmem:$0x1F8D0] =	vst v14;
	(xrf1) =	vsort.ascd.msk.f32 $0xffff, v14, v14;
	v14 =	vld [tilespmem:$0x1F680];
	v25 =	vmul.f32 v51, v51  }
0x2fe: {  	[tilespmem:$0x1F840] =	vst v38;
	v38 =	vsub.f32 v11, v36;
	v3 =	vmul.f32 v62, v62;
	v62 =	vld [tilespmem:$0x1FA40];
	v51 =	vmul.f32 $-1.250000000e+01, v56  }
0x2ff: {  	v12 =	vadd.f32 v5, v0;
	v0 =	vadd.f32 v50, v25;
	v50 =	vld [tilespmem:$0x1FA50]  }
0x300: {  	[tilespmem:$0x1F830] =	vst v40;
	v63 =	vsub.f32 v21, v6;
	v2 =	vadd.f32 v16, v8;
	v16 =	vmul.f32 $1.442695020e+00, v51;
	v51 =	vld [tilespmem:$0x1FA60]  }
0x301: {  	[tilespmem:$0x1F850] =	vst v37;
	v37 =	vsub.f32 v10, v7;
	v40 =	vmul.f32 v38, v38  }
0x302: {  	[tilespmem:$0x1F860] =	vst v43;
	v43 =	vsub.f32 v18, v7;
	v38 =	vmul.f32 $-1.250000000e+01, v14;
	v25 =	vmul.f32 v63, v63  }
0x303: {  	[tilespmem:$0x1F870] =	vst v15;
	v15 =	vadd.f32 v3, v2;
	(erf) = vpow2.f32 v16;
	v16 =	vsub.f32 v62, v36  }
0x304: {  	v5 =	vadd.f32 v25, v0;
	v0 =	vmul.f32 v37, v37;
	v3 =	vmul.f32 v43, v43  }
0x305: {  	v25 =	vsub.f32 v50, v6;
	v4 =	vmul.f32 v16, v16;
	v6 =	vsub.f32 v51, v6  }
0x306: {  	v0 =	vadd.f32 v40, v0  }
0x307: {  	[tilespmem:$0x1F890] =	vst v30;
	v30 =	vmul.f32 v25, v25;
	v16 =	vld [tilespmem:$0x1F690];
	v3 =	vadd.f32 v4, v3;
	v37 =	vmul.f32 v6, v6  }
0x308: {  	v9, _, _ =	vpop (xrf1);
	v25 =	vld [tilespmem:$0x1F6A0]  }
0x309: {  	[tilespmem:$0x1F950] =	vst v46;
	v43 =	vmul.f32 $1.442695020e+00, v38;
	v38, _, _ =	vpop (xrf1);
	v40 =	vadd.f32 v30, v0;
	v30 =	vadd.f32 v37, v3;
	v37 =	vld [tilespmem:$0x1F6B0]  }
0x30a: {  	[tilespmem:$0x1F880] =	vst v39;
	v39, _, _ =	vpop (xrf1)  }
0x30b: {  	[tilespmem:$0x1F810] =	vst v10;
	v36 =	vpop (erf)  }
0x30c: {  	[tilespmem:$0x1F8A0] =	vst v41;
	v63 =	vpop (erf);
	(erf) = vpow2.f32 v43;
	v41 =	vmul.f32 $-1.250000000e+01, v16  }
0x30d: {  	[tilespmem:$0x1F820] =	vst v11;
	(xrf1) =	vsort.ascd.msk.f32 $0xffff, v12, v12;
	v11 =	vpop (erf);
	v4 =	vperm.xlane v39, v20;
	v8 =	vmul.f32 $-1.250000000e+01, v25  }
0x30e: {  	[tilespmem:$0x1F8F0] =	vst v15;
	(xrf1) =	vsort.ascd.msk.f32 $0xffff, v15, v15;
	v10 =	vpop (erf);
	v2 =	vmul.f32 $1.442695020e+00, v41;
	v15 =	vmul.f32 $-1.250000000e+01, v37  }
0x30f: {  	[tilespmem:$0x1F8C0] =	vst v13;
	(xrf1) =	vsort.ascd.msk.f32 $0xffff, v5, v5;
	v13 =	vpop (erf);
	v39 =	vmul.f32 $-1.250000000e+01, v32;
	v0 =	vmul.f32 $1.442695020e+00, v8  }
0x310: {  	[tilespmem:$0x1F8B0] =	vst v1;
	(xrf1) =	vsort.ascd.msk.f32 $0xffff, v40, v40;
	v3, _, _ =	vpop (xrf1);
	(erf) = vpow2.f32 v2;
	v1 =	vmul.f32 $1.442695020e+00, v15  }
0x311: {  	[tilespmem:$0x1F8E0] =	vst v12;
	(xrf1) =	vsort.ascd.msk.f32 $0xffff, v30, v30;
	v41 =	vmul.f32 $-1.250000000e+01, v48;
	v43, _, _ =	vpop (xrf1);
	(erf) = vpow2.f32 v0  }
0x312: {  	[tilespmem:$0x1F900] =	vst v5;
	v12 =	vpop (erf);
	v2 =	vperm.xlane v43, v20;
	(erf) = vpow2.f32 v1  }
0x313: {  	v0 =	vmul.f32 $1.442695020e+00, v41;
	v15 =	vmul.f32 $-1.250000000e+01, v28;
	v8, _, _ =	vpop (xrf1)  }
0x314: {  	v38 =	vmin.f32 v38, v4;
	v43 =	vmul.f32 $-1.250000000e+01, v33;
	v41 =	vmin.f32 v3, v2;
	v6, _, _ =	vpop (xrf1)  }
0x315: {  	v1 =	vmul.f32 $1.442695020e+00, v15;
	v15 =	vimm.s32 $0xF;
	(erf) = vpow2.f32 v0;
	(xrf1) =	vsort.ascd.msk.f32 $0xffff, v38, v38;
	v7, _, _ =	vpop (xrf1)  }
0x316: {  	v0 =	vperm.xlane v9, v15;
	(xrf1) =	vsort.ascd.msk.f32 $0xffff, v41, v41;
	v41 =	vperm.xlane v6, v20;
	v6 =	vpop (erf)  }
0x317: {  	v4 =	vmul.f32 $1.442695020e+00, v39;
	v5, _, _ =	vpop (xrf1)  }
0x318: {  	v39 =	vmul.f32 $1.442695020e+00, v43;
	(erf) = vpow2.f32 v1;
	vm0 =	vle.f32 v47, v0;
	v3, _, _ =	vpop (xrf1)  }
0x319: {  	(erf) = vpow2.f32 v4;
	vm1 =	vle.f32 v44, v0;
	vm2 =	vle.f32 v31, v0;
	v38, _, _ =	vpop (xrf1)  }
0x31a: {  	vm3 =	vle.f32 v57, v0;
	vm4 =	vle.f32 v45, v0;
	v44 =	vperm.xlane v5, v20;
	v2, _, _ =	vpop (xrf1)  }
0x31b: {  	v4 =	vmin.f32 v8, v41;
	v47 =	vperm.xlane v38, v20;
	v38 =	vmul.f32 $-1.250000000e+01, v27;
	v43, _, _ =	vpop (xrf1)  }
0x31c: {  	vm5 =	vle.f32 v56, v0;
	vm6 =	vle.f32 v14, v0;
	(erf) = vpow2.f32 v39;
	(xrf1) =	vsort.ascd.msk.f32 $0xffff, v4, v4;
	v5, _, _ =	vpop (xrf1)  }
0x31d: {  	v1 =	vmin.f32 v7, v44;
	v41 =	vperm.xlane v43, v20;
	v43 =	vmul.f32 $-1.250000000e+01, v35;
	v39, _, _ =	vpop (xrf1)  }
0x31e: {  	vm7 =	vle.f32 v16, v0;
	(xrf1) =	vsort.ascd.msk.f32 $0xffff, v1, v1;
	v44 =	vmin.f32 v3, v47;
	v47 =	vmul.f32 $1.442695020e+00, v38;
	v7, _, _ =	vpop (xrf1)  }
0x31f: {  	v15 =	vperm.xlane v39, v20;
	v39 =	vmin.f32 v2, v41;
	v41 =	vmul.f32 $1.442695020e+00, v43;
	v38, _, _ =	vpop (xrf1)  }
0x320: {  	vm8 =	vle.f32 v25, v0;
	v3 =	vpop (erf);
	(xrf1) =	vsort.ascd.msk.f32 $0xffff, v44, v44;
	(erf) = vpow2.f32 v47;
	v43 =	vperm.xlane v38, v20  }
0x321: {  	vm9 =	vle.f32 v37, v0;
	v57 =	vpop (erf);
	(xrf1) =	vsort.ascd.msk.f32 $0xffff, v39, v39;
	v44 =	vmin.f32 v5, v15  }
0x322: {  	vm10 =	vle.f32 v48, v0;
	v1 =	vpop (erf);
	(erf) = vpow2.f32 v41;
	(xrf1) =	vsort.ascd.msk.f32 $0xffff, v44, v44;
	v47 =	vmin.f32 v7, v43  }
0x323: {  	vm14 =	vle.f32 v28, v0;
	vm15 =	vle.f32 v32, v0;
	v31 =	vnsel vm0, $0x0, v36;
	v4 =	vpop (erf);
	(xrf1) =	vsort.ascd.msk.f32 $0xffff, v47, v47  }
0x324: {  	v36 =	vnsel vm1, $0x0, v63;
	v11 =	vnsel vm2, $0x0, v11;
	v37 =	vnsel vm3, $0x0, v10;
	v5 =	vpop (erf)  }
0x325: {  	vm12 =	vle.f32 v33, v0;
	[tilespmem:$0x1FB30] =	vst v31;
	v8 =	vadd.f32 v36, v31;
	v9 =	vadd.f32 v37, v11;
	v41 =	vpop (erf)  }
0x326: {  	vm13 =	vle.f32 v27, v0;
	vm11 =	vle.f32 v35, v0;
	v45 =	vnsel vm5, $0x0, v12;
	[tilespmem:$0x1FB40] =	vst v36;
	v38, _, _ =	vpop (xrf1)  }
0x327: {  	v48 =	vnsel vm6, $0x0, v6;
	[tilespmem:$0x1FB60] =	vst v37;
	v0 =	vadd.f32 v9, v8;
	v56 =	vnsel vm7, $0x0, v3;
	v39, _, _ =	vpop (xrf1)  }
0x328: {  	[tilespmem:$0x1FB80] =	vst v45;
	v57 =	vnsel vm8, $0x0, v57;
	v31 =	vnsel vm9, $0x0, v1;
	v44 =	vnsel vm4, $0x0, v13;
	v43 =	vpop (erf)  }
0x329: {  	v35 =	vnsel vm10, $0x0, v4;
	[tilespmem:$0x1FB70] =	vst v44;
	v44 =	vadd.f32 v45, v44;
	v10 =	vperm.xlane v39, v20;
	v47 =	vpop (erf)  }
0x32a: {  	[tilespmem:$0x1FBA0] =	vst v56;
	v36 =	vnsel vm14, $0x0, v5;
	v45 =	vadd.f32 v56, v48;
	v56 =	vadd.f32 v31, v57;
	v37, _, _ =	vpop (xrf1)  }
0x32b: {  	[tilespmem:$0x1FBB0] =	vst v57;
	v57 =	vadd.f32 v36, v35;
	v39 =	vnsel vm12, $0x0, v43;
	v7 =	vmin.f32 v38, v10;
	v63 =	vpop (erf)  }
0x32c: {  	[tilespmem:$0x1FB90] =	vst v48;
	v38 =	vnsel vm15, $0x0, v41;
	v41 =	vnsel vm13, $0x0, v47;
	v43, _, _ =	vpop (xrf1);
	v48 =	vnsel vm11, $0x0, v63  }
0x32d: {  	v13 =	vadd.f32 v39, v38;
	v3 =	vperm.xlane v43, v20;
	v9 =	vadd.f32 v48, v41  }
0x32e: {  	v4 =	vadd.f32 v45, v44;
	v47, _, _ =	vpop (xrf1)  }
0x32f: {  	v2 =	vadd.f32 v57, v56;
	v1 =	vmin.f32 v37, v3;
	v63, _, _ =	vpop (xrf1);
	v3 =	vadd.f32 v9, v13  }
0x330: {  	v27 =	vld [tilespmem:$0x1FFE0];
	v0 =	vadd.f32 v4, v0;
	(xrf1) =	vsort.ascd.msk.f32 $0xffff, v7, v7;
	v14, _, _ =	vpop (xrf1)  }
0x331: {  	v45 =	vld [tilespmem:$0x1F6C0];
	(xrf1) =	vsort.ascd.msk.f32 $0xffff, v1, v1;
	v15 =	vperm.xlane v63, v20;
	v2 =	vadd.f32 v3, v2;
	v16, _, _ =	vpop (xrf1)  }
0x332: {  	v32 =	vld [tilespmem:$0x1F920];
	v5 =	vperm.xlane v16, v20  }
0x333: {  	v63 =	vld [tilespmem:$0x1F6E0];
	v1 =	vmin.f32 v47, v15;
	v0 =	vadd.f32 v2, v0  }
0x334: {  	s29 =	sadd.s32 $0x2, s21;
	[tilespmem:$0x1FBC0] =	vst v31;
	v31 =	vld [tilespmem:$0x1FFF0];
	(xrf1) =	vsort.ascd.msk.f32 $0xffff, v1, v1;
	v25 =	vmin.f32 v14, v5  }
0x335: {  	v28 =	vmov s29;
	v43 =	vld [tilespmem:$0x1F6D0];
	v1 =	vperm.xlane v0, v27;
	(xrf1) =	vsort.ascd.msk.f32 $0xffff, v25, v25  }
0x336: {  	[tilespmem:$0x1FBD0] =	vst v35;
	v35 =	vld [tilespmem:$0x1F910];
	v10 =	vperm.xlane v45, v28  }
0x337: {  	v57 =	vld [tilespmem:$0x1F6F0];
	v0 =	vadd.f32 v0, v1;
	v1 =	vperm.xlane v32, v28  }
0x338: {  	[tilespmem:$0x1FC00] =	vst v39;
	v39 =	vld [tilespmem:$0x1F930];
	v33 =	vsub.f32 v63, v10  }
0x339: {  	[tilespmem:$0x1FBF0] =	vst v38;
	v47 =	vld [tilespmem:$0x1FFD0];
	v38 =	vsub.f32 v29, v1  }
0x33a: {  	[tilespmem:$0x1FB50] =	vst v11;
	v11 =	vperm.xlane v43, v28;
	v3 =	vmul.f32 v33, v33;
	v33 =	vld [tilespmem:$0x1F700]  }
0x33b: {  	v2 =	vperm.xlane v0, v31;
	v44 =	vmul.f32 v38, v38;
	v38 =	vld [tilespmem:$0x1F720]  }
0x33c: {  	v4 =	vsub.f32 v35, v11;
	v35 =	vld [tilespmem:$0x1F710]  }
0x33d: {  	v0 =	vadd.f32 v0, v2  }
0x33e: {  	[tilespmem:$0x1FBE0] =	vst v36;
	v7 =	vsub.f32 v39, v10;
	v4 =	vmul.f32 v4, v4;
	v36, _, _ =	vpop (xrf1)  }
0x33f: {  	[tilespmem:$0x1FC10] =	vst v41;
	v41 =	vsub.f32 v57, v11;
	v28 =	vsub.f32 v33, v10;
	v37, _, _ =	vpop (xrf1);
	v6 =	vperm.xlane v0, v47;
	v47 =	vld [tilespmem:$0x1F960]  }
0x340: {  	v3 =	vadd.f32 v4, v3;
	v5 =	vperm.xlane v37, v20;
	v37 =	vld [tilespmem:$0x1F730];
	v32 =	vsub.f32 v38, v10  }
0x341: {  	v31 =	vsub.f32 v35, v11;
	v16 =	vadd.f32 v0, v6;
	v0 =	vmul.f32 v28, v28;
	v28 =	vld [tilespmem:$0x1F760]  }
0x342: {  	[tilespmem:$0x1FC20] =	vst v48;
	v7 =	vmul.f32 v7, v7;
	v29 =	vadd.f32 v44, v3;
	v48, _, _ =	vpop (xrf1);
	v3 =	vmul.f32 v32, v32;
	v32 =	vld [tilespmem:$0x1F750]  }
0x343: {  	v8 =	vmul.f32 v41, v41;
	v56 =	vsub.f32 v46, v1;
	v41 =	vmul.f32 v31, v31;
	v15, _, _ =	vpop (xrf1)  }
0x344: {  	v2 =	vperm.xlane v15, v20  }
0x345: {  	v25 =	vadd.f32 v8, v7;
	v27 =	vmul.f32 v56, v56;
	v0 =	vadd.f32 v41, v0  }
0x346: {  	v44 =	vsub.f32 v37, v11;
	v2 =	vmin.f32 v48, v2;
	v48 =	vsub.f32 v47, v1  }
0x347: {  	v14 =	vmin.f32 v36, v5;
	v36 =	vsub.f32 v28, v11;
	v56 =	vsub.f32 v32, v10  }
0x348: {  	v5 =	vmul.f32 v44, v44;
	v15 =	vadd.f32 v27, v25;
	v25 =	vld [tilespmem:$0x1F740];
	v41 =	vmul.f32 v48, v48  }
0x349: {  	v44 =	vld [tilespmem:$0x1F770];
	v48 =	vmul.f32 v56, v56;
	v56 =	vmul.f32 v36, v36  }
0x34a: {  	v27 =	vld [tilespmem:$0x1F780]  }
0x34b: {  	v9 =	vadd.f32 v56, v48;
	v56 =	vld [tilespmem:$0x1F790];
	_ =	sdelay $0x1  }
0x34c: {  	v46 =	vsub.f32 v25, v1;
	_ =	sdelay $0x1  }
0x34d: {  	v3 =	vadd.f32 v5, v3;
	v12 =	vsub.f32 v27, v10;
	v39 =	vmul.f32 v46, v46  }
0x34e: {  	v6 =	vsub.f32 v44, v1;
	v13 =	vsub.f32 v56, v11  }
0x34f: {  	(xrf1) =	vsort.ascd.msk.f32 $0xffff, v14, v14;
	v47 =	vmul.f32 v12, v12;
	v14 =	vadd.f32 v39, v0;
	v39 =	vld [tilespmem:$0x1F7A0]  }
0x350: {  	v46 =	vadd.f32 v41, v3;
	v41 =	vld [tilespmem:$0x1F7B0];
	v0 =	vmul.f32 v6, v6;
	v48 =	vmul.f32 v13, v13  }
0x351: {  	(xrf1) =	vsort.ascd.msk.f32 $0xffff, v2, v2  }
0x352: {  	v6 =	vadd.f32 v0, v9;
	v0 =	vadd.f32 v48, v47;
	v47 =	vld [tilespmem:$0x1F7C0]  }
0x353: {  	v61 =	vsub.f32 v61, v10  }
0x354: {  	v17 =	vsub.f32 v17, v11;
	v31 =	vsub.f32 v39, v10  }
0x355: {  	v36 =	vsub.f32 v41, v11;
	v48 =	vsub.f32 v19, v1  }
0x356: {  	v12 =	vsub.f32 v49, v10;
	v8 =	vmul.f32 v31, v31;
	v31 =	vsub.f32 v34, v1  }
0x357: {  	v49 =	vmovc v34;
	v9 =	vmul.f32 v36, v36;
	v34 =	vmul.f32 v48, v48;
	v36 =	vsub.f32 v47, v1  }
0x358: {  	v48 =	vmul.f32 v17, v17;
	v5 =	vmul.f32 v31, v31  }
0x359: {  	v13 =	vsub.f32 v22, v11;
	v31 =	vmul.f32 v36, v36;
	v36 =	vmul.f32 v61, v61  }
0x35a: {  	v4 =	vmul.f32 v12, v12;
	v3 =	vadd.f32 v9, v8  }
0x35b: {  	v2 =	vmul.f32 v13, v13;
	v17 =	vadd.f32 v5, v0;
	v0 =	vadd.f32 v48, v36;
	v36 =	vld [tilespmem:$0x1F7D0]  }
0x35c: {  	v61 =	vsub.f32 v58, v1;
	v48 =	vld [tilespmem:$0x1F7E0]  }
0x35d: {  	v2 =	vadd.f32 v2, v4  }
0x35e: {  	v31 =	vadd.f32 v31, v3;
	v13 =	vmul.f32 v61, v61;
	v3, _, _ =	vpop (xrf1)  }
0x35f: {  	v12 =	vsub.f32 v55, v10;
	v19 =	vadd.f32 v34, v2;
	v34, _, _ =	vpop (xrf1)  }
0x360: {  	v8 =	vsub.f32 v26, v1;
	v26 =	vld [tilespmem:$0x1F800];
	v22 =	vadd.f32 v13, v0;
	v0 =	vperm.xlane v34, v20  }
0x361: {  	v55 =	vld [tilespmem:$0x1F7F0];
	v61 =	vsub.f32 v36, v10;
	v9 =	vsub.f32 v48, v11  }
0x362: {  	v2 =	vmul.f32 v12, v12;
	v0 =	vmin.f32 v3, v0  }
0x363: {  	(xrf1) =	vsort.ascd.msk.f32 $0xffff, v0, v0;
	v4 =	vmul.f32 v61, v61;
	v5 =	vmul.f32 v9, v9  }
0x364: {  	v34 =	vsub.f32 v24, v10;
	(xrf1) =	vsort.ascd.msk.f32 $0xffff, v29, v29;
	v9 =	vsub.f32 v42, v1  }
0x365: {  	v42 =	vmovc v24;
	v61 =	vsub.f32 v26, v11;
	v24 =	vmul.f32 v8, v8;
	v4 =	vadd.f32 v5, v4  }
0x366: {  	v13 =	vsub.f32 v55, v11;
	v34 =	vmul.f32 v34, v34;
	(xrf1) =	vsort.ascd.msk.f32 $0xffff, v15, v15  }
0x367: {  	v61 =	vmul.f32 v61, v61;
	v12 =	vadd.f32 v24, v4;
	v24 =	vsub.f32 v52, v1  }
0x368: {  	v59 =	vsub.f32 v59, v10;
	v7 =	vmul.f32 v13, v13;
	(xrf1) =	vsort.ascd.msk.f32 $0xffff, v14, v14  }
0x369: {  	v34 =	vadd.f32 v61, v34;
	v61 =	vsub.f32 v60, v11;
	v52 =	vmul.f32 v24, v24  }
0x36a: {  	v2 =	vadd.f32 v7, v2;
	v8 =	vmul.f32 v9, v9;
	(xrf1) =	vsort.ascd.msk.f32 $0xffff, v46, v46  }
0x36b: {  	[tilespmem:$0x1FAA0] =	vst v46;
	v46 =	vld [tilespmem:$0x1F810];
	v9 =	vadd.f32 v52, v34;
	v34 =	vmul.f32 v59, v59;
	v52 =	vmul.f32 v61, v61  }
0x36c: {  	v13 =	vsub.f32 v53, v10;
	v8 =	vadd.f32 v8, v2  }
0x36d: {  	(xrf1) =	vsort.ascd.msk.f32 $0xffff, v6, v6;
	v24 =	vsub.f32 v54, v11;
	v2 =	vadd.f32 v52, v34;
	v52 =	vld [tilespmem:$0x1F820]  }
0x36e: {  	v60 =	vsub.f32 v23, v1;
	(xrf1) =	vsort.ascd.msk.f32 $0xffff, v17, v17  }
0x36f: {  	v0 =	vmul.f32 v13, v13;
	(xrf1) =	vsort.ascd.msk.f32 $0xffff, v31, v31;
	v59 =	vmul.f32 v24, v24  }
0x370: {  	[tilespmem:$0x1FA80] =	vst v15;
	v13 =	vmul.f32 v60, v60;
	v15 =	vsub.f32 v46, v10;
	v61 =	vsub.f32 v21, v1  }
0x371: {  	v23 =	vld [tilespmem:$0x1F840];
	(xrf1) =	vsort.ascd.msk.f32 $0xffff, v19, v19;
	v10 =	vsub.f32 v18, v10;
	v0 =	vadd.f32 v59, v0  }
0x372: {  	[tilespmem:$0x1FA90] =	vst v14;
	v14 =	vmul.f32 v61, v61;
	v24 =	vsub.f32 v52, v11;
	v11 =	vsub.f32 v62, v11;
	v62 =	vld [tilespmem:$0x1FFC0]  }
0x373: {  	[tilespmem:$0x1FA70] =	vst v29;
	(xrf1) =	vsort.ascd.msk.f32 $0xffff, v22, v22;
	v60 =	vadd.f32 v13, v2;
	v13 =	vsub.f32 v50, v1  }
0x374: {  	[tilespmem:$0x1FAC0] =	vst v17;
	v17 =	vld [tilespmem:$0x1F830];
	v29 =	vmul.f32 v15, v15;
	v3 =	vmul.f32 v10, v10;
	v59 =	vadd.f32 v14, v0  }
0x375: {  	v1 =	vsub.f32 v51, v1;
	v14 =	vmul.f32 v13, v13;
	v61 =	vmul.f32 v24, v24  }
0x376: {  	(xrf1) =	vsort.ascd.msk.f32 $0xffff, v12, v12;
	v4 =	vmul.f32 v11, v11;
	v24 =	vmul.f32 $-1.250000000e+01, v23  }
0x377: {  	v1 =	vmul.f32 v1, v1;
	v0 =	vadd.f32 v61, v29;
	v15 =	vperm.xlane v16, v62  }
0x378: {  	[tilespmem:$0x1FAD0] =	vst v31;
	v3 =	vadd.f32 v4, v3;
	v31 =	vmul.f32 $1.442695020e+00, v24  }
0x379: {  	v24 =	vld [tilespmem:$0x1F860];
	v50 =	vadd.f32 v14, v0;
	v0 =	vadd.f32 v16, v15;
	v16 =	vmul.f32 $-1.250000000e+01, v17  }
0x37a: {  	v2, _, _ =	vpop (xrf1)  }
0x37b: {  	v51 =	vadd.f32 v1, v3;
	v1, _, _ =	vpop (xrf1);
	v4 =	vmul.f32 $1.442695020e+00, v16;
	v16 =	vld [tilespmem:$0x1F850]  }
0x37c: {  	(xrf1) =	vsort.ascd.msk.f32 $0xffff, v8, v8;
	v3, _, _ =	vpop (xrf1)  }
0x37d: {  	(xrf1) =	vsort.ascd.msk.f32 $0xffff, v9, v9;
	v0 =	vadd.f32 $9.999999930e-09, v0;
	v5, _, _ =	vpop (xrf1)  }
0x37e: {  	[tilespmem:$0x1FAB0] =	vst v6;
	v61 =	vmul.f32 $-1.250000000e+01, v24;
	v6, _, _ =	vpop (xrf1)  }
0x37f: {  	[tilespmem:$0x1FB10] =	vst v8;
	(xrf1) =	vsort.ascd.msk.f32 $0xffff, v60, v60;
	v15 =	vld [tilespmem:$0x1F870];
	v3 =	vperm.xlane v3, v20;
	(erf) = vrcp.f32 v0;
	v8, _, _ =	vpop (xrf1)  }
0x380: {  	(xrf1) =	vsort.ascd.msk.f32 $0xffff, v59, v59;
	v61 =	vmul.f32 $1.442695020e+00, v61;
	v7, _, _ =	vpop (xrf1);
	v29 =	vmul.f32 $-1.250000000e+01, v16  }
0x381: {  	[tilespmem:$0x1FB00] =	vst v12;
	(xrf1) =	vsort.ascd.msk.f32 $0xffff, v50, v50;
	v11 =	vperm.xlane v6, v20;
	(erf) = vpow2.f32 v4;
	v12, _, _ =	vpop (xrf1)  }
0x382: {  	(xrf1) =	vsort.ascd.msk.f32 $0xffff, v51, v51;
	v1 =	vmin.f32 v1, v3;
	(erf) = vpow2.f32 v31;
	v31, _, _ =	vpop (xrf1);
	v0 =	vmul.f32 $1.442695020e+00, v29  }
0x383: {  	[tilespmem:$0x1FB20] =	vst v9;
	(xrf1) =	vsort.ascd.msk.f32 $0xffff, v1, v1;
	v14 =	vperm.xlane v7, v20;
	v9, _, _ =	vpop (xrf1);
	v1 =	vperm.xlane v31, v20  }
0x384: {  	[tilespmem:$0x1FAE0] =	vst v19;
	v29 =	vmul.f32 $-1.250000000e+01, v15;
	v19, _, _ =	vpop (xrf1);
	(erf) = vpow2.f32 v0;
	v0 =	vmin.f32 v5, v11  }
0x385: {  	(erf) = vpow2.f32 v61;
	(xrf1) =	vsort.ascd.msk.f32 $0xffff, v0, v0;
	v0 =	vmin.f32 v8, v14;
	v61 =	vperm.xlane v19, v20  }
0x386: {  	v4 =	vmul.f32 $1.442695020e+00, v29;
	v29 =	vld [tilespmem:$0x1F880];
	v14 =	vmin.f32 v12, v1;
	(xrf1) =	vsort.ascd.msk.f32 $0xffff, v0, v0  }
0x387: {  	(xrf1) =	vsort.ascd.msk.f32 $0xffff, v14, v14;
	v61 =	vmin.f32 v9, v61  }
0x388: {  	(xrf1) =	vsort.ascd.msk.f32 $0xffff, v61, v61;
	v61 =	vld [tilespmem:$0x1F8A0]  }
0x389: {  	v31 =	vld [tilespmem:$0x1F890]  }
0x38a: {  	v6, _, _ =	vpop (xrf1)  }
0x38b: {  	(erf) = vpow2.f32 v4;
	v4, _, _ =	vpop (xrf1);
	v5 =	vmul.f32 $-1.250000000e+01, v29  }
0x38c: {  	v4 =	vperm.xlane v4, v20  }
0x38d: {  	v34 =	vmov v18;
	v18 =	vld [tilespmem:$0x1F8B0];
	v7, _, _ =	vpop (xrf1);
	v9 =	vmul.f32 $-1.250000000e+01, v61  }
0x38e: {  	v8 =	vmul.f32 $-1.250000000e+01, v31;
	v11, _, _ =	vpop (xrf1);
	v13 =	vmin.f32 v6, v4  }
0x38f: {  	v1 =	vmul.f32 $1.442695020e+00, v5;
	(xrf1) =	vsort.ascd.msk.f32 $0xffff, v13, v13;
	v5, _, _ =	vpop (xrf1);
	v13 =	vmul.f32 $1.442695020e+00, v9;
	v9 =	vld [tilespmem:$0x1F8C0]  }
0x390: {  	v3 =	vmul.f32 $1.442695020e+00, v8;
	v8 =	vperm.xlane v11, v20;
	v12, _, _ =	vpop (xrf1)  }
0x391: {  	v14 =	vperm.xlane v12, v20  }
0x392: {  	v11 =	vmul.f32 $-1.250000000e+01, v18;
	v4 =	vld [tilespmem:$0x1F8E0];
	(erf) = vpow2.f32 v1;
	v10 =	vmin.f32 v7, v8  }
0x393: {  	(erf) = vpow2.f32 v3;
	(xrf1) =	vsort.ascd.msk.f32 $0xffff, v10, v10;
	v12 =	vmin.f32 v5, v14;
	v5 =	vld [tilespmem:$0x1F8D0]  }
0x394: {  	v14 =	vmul.f32 $1.442695020e+00, v11;
	(xrf1) =	vsort.ascd.msk.f32 $0xffff, v12, v12;
	v12 =	vmul.f32 $-1.250000000e+01, v9  }
0x395: {  	v7, _, _ =	vpop (xrf1);
	(erf) = vpow2.f32 v13  }
0x396: {  	v1 =	vld [tilespmem:$0x1F8F0];
	v11 =	vpop (erf);
	(erf) = vpow2.f32 v14;
	v14 =	vmul.f32 $1.442695020e+00, v12;
	v12 =	vimm.s32 $0xF  }
0x397: {  	v21 =	vpop (erf);
	v2 =	vperm.xlane v2, v12  }
0x398: {  	[tilespmem:$0x1FAF0] =	vst v22;
	v10 =	vmul.f32 $-1.250000000e+01, v4;
	v22 =	vpop (erf);
	v13 =	vmul.f32 $-1.250000000e+01, v5  }
0x399: {  	vm0 =	vle.f32 v17, v2;
	v17, _, _ =	vpop (xrf1)  }
0x39a: {  	v0 =	vld [tilespmem:$0x1F900];
	v3 =	vmul.f32 $1.442695020e+00, v13;
	(erf) = vpow2.f32 v14;
	v14 =	vpop (erf)  }
0x39b: {  	v8 =	vmul.f32 $-1.250000000e+01, v40;
	v13 =	vmul.f32 $-1.250000000e+01, v1;
	vm1 =	vle.f32 v23, v2;
	v19, _, _ =	vpop (xrf1)  }
0x39c: {  	vm2 =	vle.f32 v16, v2;
	(erf) = vpow2.f32 v3;
	v3 =	vmul.f32 $1.442695020e+00, v10;
	v10 =	vpop (erf)  }
0x39d: {  	vm3 =	vle.f32 v24, v2;
	v6 =	vmul.f32 $1.442695020e+00, v13;
	v13 =	vperm.xlane v17, v20;
	v16, _, _ =	vpop (xrf1)  }
0x39e: {  	vm4 =	vle.f32 v15, v2;
	vm5 =	vle.f32 v29, v2;
	v12 =	vpop (erf);
	(erf) = vpow2.f32 v3  }
0x39f: {  	v3 =	vmul.f32 $-1.250000000e+01, v0;
	v17 =	vmin.f32 v7, v13;
	v13 =	vperm.xlane v16, v20  }
0x3a0: {  	vm6 =	vle.f32 v31, v2;
	(erf) = vpow2.f32 v6;
	v6 =	vmul.f32 $1.442695020e+00, v8;
	v8, _, _ =	vpop (xrf1)  }
0x3a1: {  	v16 =	vmul.f32 $-1.250000000e+01, v30;
	v3 =	vmul.f32 $1.442695020e+00, v3;
	v7 =	vmin.f32 v19, v13;
	v19 =	vpop (erf)  }
0x3a2: {  	vm7 =	vle.f32 v61, v2;
	vm8 =	vle.f32 v18, v2;
	(xrf1) =	vsort.ascd.msk.f32 $0xffff, v17, v17;
	v17, _, _ =	vpop (xrf1)  }
0x3a3: {  	vm9 =	vle.f32 v9, v2;
	v61 =	vpop (erf);
	(erf) = vpow2.f32 v3;
	v3 =	vmul.f32 $1.442695020e+00, v16  }
0x3a4: {  	vm10 =	vle.f32 v5, v2;
	vm11 =	vle.f32 v4, v2;
	v24, _, _ =	vpop (xrf1);
	(erf) = vpow2.f32 v6  }
0x3a5: {  	vm12 =	vle.f32 v1, v2;
	vm13 =	vle.f32 v0, v2;
	(xrf1) =	vsort.ascd.msk.f32 $0xffff, v7, v7;
	v16 =	vpop (erf);
	(erf) = vpow2.f32 v3  }
0x3a6: {  	vm15 =	vle.f32 v30, v2;
	v1 =	vnsel vm3, $0x0, v10;
	v6 =	vperm.xlane v17, v20;
	v31, _, _ =	vpop (xrf1)  }
0x3a7: {  	v12 =	vnsel vm4, $0x0, v12;
	v4 =	vnsel vm5, $0x0, v19;
	v23 =	vpop (erf);
	v7 =	vperm.xlane v31, v20  }
0x3a8: {  	[tilespmem:$0x1FC40] =	vst v4;
	v29 =	vnsel vm6, $0x0, v61;
	v4 =	vadd.f32 v4, v12;
	v17 =	vpop (erf);
	v6 =	vmin.f32 v8, v6  }
0x3a9: {  	v30 =	vnsel vm8, $0x0, v23;
	v8 =	vnsel vm2, $0x0, v14;
	(xrf1) =	vsort.ascd.msk.f32 $0xffff, v6, v6;
	v9 =	vmin.f32 v24, v7;
	v24 =	vpop (erf)  }
0x3aa: {  	v13 =	vnsel vm9, $0x0, v17;
	v6 =	vnsel vm0, $0x0, v21;
	v7 =	vnsel vm1, $0x0, v22;
	(xrf1) =	vsort.ascd.msk.f32 $0xffff, v9, v9;
	v61 =	vpop (erf)  }
0x3ab: {  	v9 =	vnsel vm7, $0x0, v16;
	v24 =	vnsel vm10, $0x0, v24;
	v10 =	vpop (erf);
	v16 =	vnsel vm11, $0x0, v61  }
0x3ac: {  	[tilespmem:$0x1FC90] =	vst v24;
	v19 =	vnsel vm12, $0x0, v10;
	v10 =	vadd.f32 v13, v30;
	v24 =	vadd.f32 v16, v24;
	v14 =	vpop (erf)  }
0x3ad: {  	vm14 =	vle.f32 v40, v2;
	[tilespmem:$0x1FC30] =	vst v1;
	v3 =	vadd.f32 v1, v8;
	v2 =	vadd.f32 v7, v6;
	v15 =	vpop (erf)  }
0x3ae: {  	[tilespmem:$0x1FC70] =	vst v30;
	v61 =	vadd.f32 v9, v29;
	v0 =	vadd.f32 v24, v10;
	v24 =	vld [tilespmem:$0x1F910];
	v31 =	vpop (erf)  }
0x3af: {  	s30 =	sadd.s32 $0x3, s21;
	[tilespmem:$0x1FC60] =	vst v9;
	v17 =	vnsel vm13, $0x0, v14;
	v23 =	vnsel vm14, $0x0, v15;
	v9 =	vnsel vm15, $0x0, v31  }
0x3b0: {  	[tilespmem:$0x1FC80] =	vst v13;
	v1 =	vld [tilespmem:$0x1F920];
	v13 =	vmov s30;
	v30 =	vadd.f32 v17, v19;
	v31 =	vadd.f32 v9, v23  }
0x3b1: {  	[tilespmem:$0x1FC50] =	vst v29;
	v2 =	vadd.f32 v3, v2;
	v40 =	vadd.f32 v61, v4;
	v29 =	vperm.xlane v43, v13  }
0x3b2: {  	[tilespmem:$0x1FCC0] =	vst v17;
	v5, _, _ =	vpop (xrf1);
	v17 =	vld [tilespmem:$0x1F940];
	v61 =	vadd.f32 v31, v30;
	v30 =	vperm.xlane v45, v13  }
0x3b3: {  	v2 =	vadd.f32 v40, v2;
	[tilespmem:$0x1FCE0] =	vst v9;
	v9, _, _ =	vpop (xrf1);
	v31 =	vsub.f32 v24, v29  }
0x3b4: {  	v10 =	vperm.xlane v9, v20;
	v9 =	vld [tilespmem:$0x1F930];
	v0 =	vadd.f32 v61, v0;
	v14 =	vsub.f32 v63, v30  }
0x3b5: {  	v63 =	vmul.f32 v31, v31;
	v31 =	vperm.xlane v1, v13  }
0x3b6: {  	v61 =	vadd.f32 v0, v2;
	v45 =	vmul.f32 v14, v14;
	v14 =	vsub.f32 v57, v29  }
0x3b7: {  	v3, _, _ =	vpop (xrf1);
	v43 =	vmin.f32 v5, v10;
	v24 =	vsub.f32 v17, v31;
	v57 =	vsub.f32 v33, v30  }
0x3b8: {  	[tilespmem:$0x1FCB0] =	vst v19;
	v19, _, _ =	vpop (xrf1);
	(xrf1) =	vsort.ascd.msk.f32 $0xffff, v43, v43;
	v1 =	vsub.f32 v25, v31;
	v33 =	vsub.f32 v27, v30  }
0x3b9: {  	v40 =	vperm.xlane v19, v20;
	v19 =	vsub.f32 v37, v29;
	v10 =	vsub.f32 v9, v30  }
0x3ba: {  	v2 =	vadd.f32 v63, v45;
	v43 =	vmul.f32 v14, v14;
	v63 =	vsub.f32 v35, v29  }
0x3bb: {  	v13 =	vmul.f32 v57, v57;
	v9 =	vsub.f32 v38, v30;
	v14 =	vsub.f32 v28, v29  }
0x3bc: {  	v37 =	vld [tilespmem:$0x1F960];
	v35 =	vsub.f32 v56, v29;
	v0 =	vmin.f32 v3, v40;
	v3 =	vmul.f32 v24, v24  }
0x3bd: {  	v56 =	vsub.f32 v47, v31;
	v19 =	vmul.f32 v19, v19;
	v40 =	vmul.f32 v10, v10  }
0x3be: {  	v45 =	vld [tilespmem:$0x1F950];
	v5 =	vmul.f32 v63, v63;
	v10 =	vsub.f32 v32, v30;
	v38 =	vmul.f32 v9, v9  }
0x3bf: {  	[tilespmem:$0x1FCA0] =	vst v16;
	v57 =	vld [tilespmem:$0x1F970];
	v16 =	vadd.f32 v3, v2;
	v3 =	vmul.f32 v33, v33;
	v33 =	vsub.f32 v58, v31  }
0x3c0: {  	[tilespmem:$0x1FCD0] =	vst v23;
	v23 =	vmul.f32 v1, v1;
	v4 =	vadd.f32 v43, v40;
	v5 =	vadd.f32 v5, v13  }
0x3c1: {  	(xrf1) =	vsort.ascd.msk.f32 $0xffff, v0, v0;
	v32 =	vadd.f32 v19, v38;
	v38 =	vsub.f32 v37, v31  }
0x3c2: {  	v15 =	vld [tilespmem:$0x1F9A0];
	v28 =	vmul.f32 v14, v14;
	v19 =	vsub.f32 v44, v31;
	v40 =	vsub.f32 v39, v30  }
0x3c3: {  	v27 =	vld [tilespmem:$0x1F9B0];
	v25 =	vmul.f32 v10, v10;
	v43 =	vsub.f32 v41, v29;
	v0 =	vsub.f32 v45, v31  }
0x3c4: {  	v63 =	vsub.f32 v57, v30;
	v57 =	vsub.f32 v36, v30  }
0x3c5: {  	v13 =	vadd.f32 v23, v5;
	v2 =	vadd.f32 v28, v25  }
0x3c6: {  	v23 =	vsub.f32 v49, v31;
	v5 =	vmul.f32 v38, v38;
	v44 =	vmul.f32 v19, v19  }
0x3c7: {  	v10 =	vld [tilespmem:$0x1F990];
	v45 =	vmul.f32 v40, v40;
	v25 =	vsub.f32 v15, v29;
	v0 =	vmul.f32 v0, v0  }
0x3c8: {  	v28 =	vsub.f32 v27, v31;
	v19 =	vmul.f32 v23, v23;
	v23 =	vadd.f32 v5, v32;
	v5 =	vld [tilespmem:$0x1F980]  }
0x3c9: {  	v27 =	vsub.f32 v55, v29;
	v17 =	vadd.f32 v0, v4;
	v4 =	vmul.f32 v35, v35  }
0x3ca: {  	v49 =	vmul.f32 v43, v43;
	v55 =	vsub.f32 v53, v30;
	v24 =	vadd.f32 v44, v2  }
0x3cb: {  	v2 =	vmul.f32 v56, v56;
	v37 =	vmul.f32 v25, v25;
	v3 =	vadd.f32 v4, v3  }
0x3cc: {  	v15 =	vld [tilespmem:$0x1F9D0];
	v56 =	vmul.f32 v33, v33;
	v0 =	vadd.f32 v49, v45;
	v14 =	vsub.f32 v10, v30  }
0x3cd: {  	v49 =	vmul.f32 v28, v28;
	v19 =	vadd.f32 v19, v3;
	v9 =	vsub.f32 v5, v29  }
0x3ce: {  	v33 =	vld [tilespmem:$0x1F9E0];
	v3 =	vmul.f32 v63, v63;
	v5 =	vmul.f32 v14, v14;
	v63 =	vsub.f32 v48, v29  }
0x3cf: {  	v53 =	vld [tilespmem:$0x1FA50];
	v10 =	vmul.f32 v57, v57;
	v28 =	vsub.f32 v42, v30;
	v32, _, _ =	vpop (xrf1);
	v4 =	vmul.f32 v9, v9  }
0x3d0: {  	v58 =	vadd.f32 v2, v0;
	v47 =	vadd.f32 v37, v5;
	v14 =	vmul.f32 v63, v63;
	v35, _, _ =	vpop (xrf1)  }
0x3d1: {  	v25 =	vsub.f32 v15, v30;
	v48 =	vld [tilespmem:$0x1F9F0];
	v44 =	vadd.f32 v4, v3;
	v45 =	vperm.xlane v35, v20  }
0x3d2: {  	v5 =	vmul.f32 v27, v27;
	v38 =	vadd.f32 v56, v47;
	v3 =	vadd.f32 v14, v10  }
0x3d3: {  	v4 =	vmul.f32 v28, v28;
	v35 =	vsub.f32 v33, v30;
	v2 =	vmin.f32 v32, v45  }
0x3d4: {  	v9 =	vld [tilespmem:$0x1F9C0];
	v56 =	vsub.f32 v54, v29;
	v54 =	vsub.f32 v53, v31;
	(xrf1) =	vsort.ascd.msk.f32 $0xffff, v2, v2  }
0x3d5: {  	v15 =	vld [tilespmem:$0x1FA00];
	v40 =	vadd.f32 v49, v44;
	v32 =	vsub.f32 v26, v29;
	(xrf1) =	vsort.ascd.msk.f32 $0xffff, v16, v16  }
0x3d6: {  	v49 =	vsub.f32 v48, v29;
	v57 =	vmul.f32 v35, v35;
	(xrf1) =	vsort.ascd.msk.f32 $0xffff, v17, v17  }
0x3d7: {  	v28 =	vld [tilespmem:$0x1FA20];
	v10 =	vmul.f32 v56, v56;
	v44 =	vsub.f32 v46, v30;
	(xrf1) =	vsort.ascd.msk.f32 $0xffff, v13, v13  }
0x3d8: {  	v33 =	vld [tilespmem:$0x1FA30];
	v45 =	vsub.f32 v34, v30;
	v46 =	vsub.f32 v52, v29;
	(xrf1) =	vsort.ascd.msk.f32 $0xffff, v23, v23  }
0x3d9: {  	v47 =	vld [tilespmem:$0x1FA40];
	v0 =	vsub.f32 v9, v31;
	v2 =	vmul.f32 v25, v25;
	(xrf1) =	vsort.ascd.msk.f32 $0xffff, v24, v24  }
0x3da: {  	v9 =	vmul.f32 v55, v55;
	v25 =	vsub.f32 v15, v31;
	(xrf1) =	vsort.ascd.msk.f32 $0xffff, v19, v19  }
0x3db: {  	v26 =	vld [tilespmem:$0x1FA10];
	v37 =	vmul.f32 v32, v32;
	v63 =	vmul.f32 v49, v49;
	(xrf1) =	vsort.ascd.msk.f32 $0xffff, v58, v58  }
0x3dc: {  	v2 =	vadd.f32 v5, v2;
	v14 =	vadd.f32 v10, v9;
	(xrf1) =	vsort.ascd.msk.f32 $0xffff, v40, v40  }
0x3dd: {  	v55 =	vld [tilespmem:$0x1FA60];
	v0 =	vmul.f32 v0, v0;
	v32 =	vsub.f32 v28, v31;
	v35 =	vsub.f32 v33, v31  }
0x3de: {  	v52 =	vsub.f32 v47, v29;
	v4 =	vadd.f32 v37, v4  }
0x3df: {  	v5 =	vmul.f32 v25, v25;
	v42 =	vadd.f32 v0, v3;
	v0 =	vadd.f32 v63, v57  }
0x3e0: {  	v27 =	vsub.f32 v26, v31;
	v39 =	vmul.f32 v32, v32;
	v41 =	vmul.f32 v35, v35  }
0x3e1: {  	v43 =	vadd.f32 v5, v2;
	v3 =	vmul.f32 v46, v46;
	v2 =	vmul.f32 v45, v45  }
0x3e2: {  	v57 =	vmul.f32 v54, v54;
	v56 =	vsub.f32 v55, v31;
	v37 =	vmul.f32 v27, v27;
	v30, _, _ =	vpop (xrf1)  }
0x3e3: {  	v49 =	vadd.f32 v39, v0;
	v0 =	vmul.f32 v44, v44;
	(xrf1) =	vsort.ascd.msk.f32 $0xffff, v38, v38;
	v63, _, _ =	vpop (xrf1)  }
0x3e4: {  	v37 =	vadd.f32 v37, v4;
	v4 =	vmul.f32 v52, v52;
	(xrf1) =	vsort.ascd.msk.f32 $0xffff, v42, v42;
	v10, _, _ =	vpop (xrf1)  }
0x3e5: {  	v54 =	vld [tilespmem:$0x1FFE0];
	v48 =	vadd.f32 v41, v14;
	v0 =	vadd.f32 v3, v0;
	(xrf1) =	vsort.ascd.msk.f32 $0xffff, v43, v43;
	v14, _, _ =	vpop (xrf1)  }
0x3e6: {  	v9 =	vmul.f32 v56, v56;
	v2 =	vadd.f32 v4, v2;
	(xrf1) =	vsort.ascd.msk.f32 $0xffff, v37, v37;
	v25, _, _ =	vpop (xrf1)  }
0x3e7: {  	v41 =	vadd.f32 v57, v0;
	(xrf1) =	vsort.ascd.msk.f32 $0xffff, v49, v49;
	v26, _, _ =	vpop (xrf1)  }
0x3e8: {  	v39 =	vadd.f32 v9, v2;
	(xrf1) =	vsort.ascd.msk.f32 $0xffff, v48, v48;
	v27, _, _ =	vpop (xrf1)  }
0x3e9: {  	v53 =	vld [tilespmem:$0x1FFF0];
	(xrf1) =	vsort.ascd.msk.f32 $0xffff, v41, v41;
	v29 =	vperm.xlane v10, v20;
	v33, _, _ =	vpop (xrf1)  }
0x3ea: {  	v15 =	vperm.xlane v61, v54;
	(xrf1) =	vsort.ascd.msk.f32 $0xffff, v39, v39;
	v3 =	vperm.xlane v25, v20;
	v36, _, _ =	vpop (xrf1)  }
0x3eb: {  	v5 =	vmin.f32 v63, v29;
	v34 =	vperm.xlane v27, v20;
	v52 =	vperm.xlane v36, v20  }
0x3ec: {  	v2 =	vadd.f32 v61, v15;
	(xrf1) =	vsort.ascd.msk.f32 $0xffff, v5, v5;
	v0 =	vmin.f32 v14, v3  }
0x3ed: {  	(xrf1) =	vsort.ascd.msk.f32 $0xffff, v0, v0;
	v55 =	vmin.f32 v26, v34;
	v56 =	vmin.f32 v33, v52;
	v52 =	vld [tilespmem:$0x1FFD0]  }
0x3ee: {  	v35 =	vperm.xlane v2, v53;
	(xrf1) =	vsort.ascd.msk.f32 $0xffff, v55, v55  }
0x3ef: {  	v18 =	vld [tilespmem:$0x1FAA0];
	(xrf1) =	vsort.ascd.msk.f32 $0xffff, v56, v56  }
0x3f0: {  	v2 =	vadd.f32 v2, v35;
	v14 =	vld [tilespmem:$0x1FA70]  }
0x3f1: {  	v61, _, _ =	vpop (xrf1)  }
0x3f2: {  	v15 =	vld [tilespmem:$0x1FA80];
	v63, _, _ =	vpop (xrf1);
	v57 =	vperm.xlane v2, v52  }
0x3f3: {  	v9, _, _ =	vpop (xrf1)  }
0x3f4: {  	v21 =	vld [tilespmem:$0x1FA90];
	v31 =	vmul.f32 $-1.250000000e+01, v18;
	v10, _, _ =	vpop (xrf1);
	v0 =	vadd.f32 v2, v57  }
0x3f5: {  	v28 =	vld [tilespmem:$0x1FAC0];
	v32 =	vmul.f32 $-1.250000000e+01, v14;
	v26, _, _ =	vpop (xrf1);
	v2 =	vperm.xlane v63, v20  }
0x3f6: {  	v27 =	vld [tilespmem:$0x1FAF0];
	v5 =	vperm.xlane v10, v20;
	v33, _, _ =	vpop (xrf1);
	v25 =	vperm.xlane v0, v62  }
0x3f7: {  	v36 =	vmul.f32 $-1.250000000e+01, v15;
	v35, _, _ =	vpop (xrf1);
	v29 =	vperm.xlane v33, v20;
	v2 =	vmin.f32 v61, v2  }
0x3f8: {  	v34 =	vmul.f32 $1.442695020e+00, v32;
	v56 =	vmin.f32 v9, v5;
	v55, _, _ =	vpop (xrf1);
	(xrf1) =	vsort.ascd.msk.f32 $0xffff, v2, v2;
	v0 =	vadd.f32 v0, v25  }
0x3f9: {  	v9 =	vmul.f32 $1.442695020e+00, v36;
	v57 =	vperm.xlane v55, v20;
	v63 =	vmin.f32 v26, v29  }
0x3fa: {  	v22 =	vld [tilespmem:$0x1FAB0];
	v61 =	vmul.f32 $-1.250000000e+01, v21;
	v26, _, _ =	vpop (xrf1);
	v2 =	vmul.f32 $1.442695020e+00, v31;
	(xrf1) =	vsort.ascd.msk.f32 $0xffff, v56, v56;
	v0 =	vadd.f32 $9.999999930e-09, v0  }
0x3fb: {  	v1 =	vld [tilespmem:$0x1FB00];
	v10 =	vmin.f32 v35, v57;
	v35 =	vmul.f32 $-1.250000000e+01, v28;
	v57 =	vmul.f32 $-1.250000000e+01, v27;
	v29, _, _ =	vpop (xrf1);
	(xrf1) =	vsort.ascd.msk.f32 $0xffff, v63, v63  }
0x3fc: {  	v25 =	vmul.f32 $1.442695020e+00, v61;
	(xrf1) =	vsort.ascd.msk.f32 $0xffff, v10, v10;
	v32, _, _ =	vpop (xrf1);
	v10 =	vld [tilespmem:$0x1FB10];
	(erf) = vrcp.f32 v0  }
0x3fd: {  	v0 =	vperm.xlane v29, v20;
	v33, _, _ =	vpop (xrf1);
	(erf) = vpow2.f32 v34  }
0x3fe: {  	v5 =	vperm.xlane v33, v20;
	(erf) = vpow2.f32 v9  }
0x3ff: {  	v34 =	vmul.f32 $-1.250000000e+01, v22;
	v0 =	vmin.f32 v26, v0;
	(erf) = vpow2.f32 v25;
	v25 =	vld [tilespmem:$0x1FAD0]  }
0x400: {  	v61 =	vmul.f32 $-1.250000000e+01, v1;
	v46 =	vmul.f32 $1.442695020e+00, v35;
	v26 =	vld [tilespmem:$0x1FAE0];
	(xrf1) =	vsort.ascd.msk.f32 $0xffff, v0, v0;
	v36 =	vmin.f32 v32, v5  }
0x401: {  	v44 =	vmul.f32 $1.442695020e+00, v34;
	v63 =	vmul.f32 $-1.250000000e+01, v10;
	(xrf1) =	vsort.ascd.msk.f32 $0xffff, v36, v36  }
0x402: {  	v9 =	vld [tilespmem:$0x1FB20];
	v0 =	vmul.f32 $1.442695020e+00, v61;
	v61 =	vmul.f32 $-1.250000000e+01, v60  }
0x403: {  	(erf) = vpow2.f32 v2;
	v2 =	vmul.f32 $1.442695020e+00, v57  }
0x404: {  	(erf) = vpow2.f32 v44;
	v45 =	vmul.f32 $-1.250000000e+01, v25  }
0x405: {  	v34 =	vmul.f32 $1.442695020e+00, v63;
	v47 =	vmul.f32 $-1.250000000e+01, v26  }
0x406: {  	(erf) = vpow2.f32 v46;
	v3, _, _ =	vpop (xrf1);
	v55 =	vmul.f32 $1.442695020e+00, v45  }
0x407: {  	v33 =	vmul.f32 $-1.250000000e+01, v9;
	v56 =	vmul.f32 $1.442695020e+00, v47;
	v44 =	vpop (erf)  }
0x408: {  	v63 =	vmul.f32 $-1.250000000e+01, v59;
	v32, _, _ =	vpop (xrf1);
	(erf) = vpow2.f32 v55  }
0x409: {  	v35 =	vmul.f32 $1.442695020e+00, v33;
	v4, _, _ =	vpop (xrf1);
	(erf) = vpow2.f32 v56  }
0x40a: {  	v5 =	vperm.xlane v32, v20;
	v36, _, _ =	vpop (xrf1);
	(erf) = vpow2.f32 v2  }
0x40b: {  	v56 =	vimm.s32 $0xF;
	v29 =	vperm.xlane v36, v20;
	(erf) = vpow2.f32 v0;
	v0 =	vpop (erf)  }
0x40c: {  	v3 =	vmin.f32 v3, v5;
	v2 =	vperm.xlane v30, v56;
	(erf) = vpow2.f32 v34;
	v30 =	vpop (erf)  }
0x40d: {  	v33 =	vmul.f32 $1.442695020e+00, v63;
	(xrf1) =	vsort.ascd.msk.f32 $0xffff, v3, v3;
	(erf) = vpow2.f32 v35;
	v35 =	vpop (erf)  }
0x40e: {  	v32 =	vmin.f32 v4, v29;
	vm0 =	vle.f32 v14, v2;
	v14 =	vmul.f32 $1.442695020e+00, v61;
	v45, _, _ =	vpop (xrf1)  }
0x40f: {  	vm1 =	vle.f32 v15, v2;
	v15 =	vmul.f32 $-1.250000000e+01, v50;
	v34 =	vmul.f32 $-1.250000000e+01, v51;
	v46, _, _ =	vpop (xrf1)  }
0x410: {  	vm2 =	vle.f32 v21, v2;
	(xrf1) =	vsort.ascd.msk.f32 $0xffff, v32, v32;
	vm3 =	vle.f32 v18, v2;
	(erf) = vpow2.f32 v14;
	v47 =	vpop (erf)  }
0x411: {  	vm4 =	vle.f32 v22, v2;
	v36 =	vmul.f32 $1.442695020e+00, v15;
	(erf) = vpow2.f32 v33;
	v57 =	vpop (erf)  }
0x412: {  	vm5 =	vle.f32 v28, v2;
	vm6 =	vle.f32 v25, v2;
	v55 =	vmul.f32 $1.442695020e+00, v34;
	v61 =	vpop (erf)  }
0x413: {  	vm7 =	vle.f32 v26, v2;
	vm8 =	vle.f32 v27, v2;
	(erf) = vpow2.f32 v36;
	v63 =	vpop (erf)  }
0x414: {  	vm9 =	vle.f32 v1, v2;
	vm10 =	vle.f32 v10, v2;
	(erf) = vpow2.f32 v55;
	v22 =	vpop (erf)  }
0x415: {  	vm11 =	vle.f32 v9, v2;
	vm12 =	vle.f32 v60, v2;
	vm13 =	vle.f32 v59, v2;
	v10 =	vpop (erf)  }
0x416: {  	vm14 =	vle.f32 v50, v2;
	vm15 =	vle.f32 v51, v2;
	v34 =	vnsel vm2, $0x0, v35;
	v15 =	vpop (erf)  }
0x417: {  	v33 =	vnsel vm1, $0x0, v30;
	v32 =	vnsel vm3, $0x0, v47;
	v31 =	vperm.xlane v46, v20;
	v47 =	vpop (erf)  }
0x418: {  	v36 =	vnsel vm0, $0x0, v0;
	v35 =	vnsel vm4, $0x0, v57;
	v3 =	vadd.f32 v32, v34;
	v50 =	vpop (erf)  }
0x419: {  	v28 =	vnsel vm5, $0x0, v61;
	v2 =	vadd.f32 v33, v36;
	v1 =	vmin.f32 v45, v31;
	v51 =	vpop (erf)  }
0x41a: {  	v25 =	vnsel vm6, $0x0, v63;
	v60 =	vadd.f32 v28, v35;
	v26 =	vnsel vm7, $0x0, v22;
	v55 =	vpop (erf)  }
0x41b: {  	v22 =	vnsel vm8, $0x0, v10;
	v61 =	vadd.f32 v26, v25;
	v15 =	vnsel vm9, $0x0, v15;
	v30, _, _ =	vpop (xrf1)  }
0x41c: {  	v18 =	vnsel vm10, $0x0, v47;
	v0 =	vadd.f32 v15, v22;
	v14 =	vnsel vm11, $0x0, v50;
	v57 =	vpop (erf)  }
0x41d: {  	v60 =	vadd.f32 v61, v60;
	v10 =	vnsel vm12, $0x0, v51;
	v63 =	vadd.f32 v14, v18;
	v59 =	vpop (erf)  }
0x41e: {  	v9 =	vnsel vm13, $0x0, v55;
	v51 =	vnsel vm14, $0x0, v57;
	v27 =	vnsel vm15, $0x0, v59;
	v59, _, _ =	vpop (xrf1)  }
0x41f: {  	v55 =	vadd.f32 v9, v10;
	v57 =	vadd.f32 v27, v51;
	v61 =	vperm.xlane v59, v20  }
0x420: {  	v2 =	vadd.f32 v3, v2;
	(xrf1) =	vsort.ascd.msk.f32 $0xffff, v1, v1  }
0x421: {  	v0 =	vadd.f32 v63, v0;
	v63 =	vadd.f32 v57, v55;
	v4 =	vmin.f32 v30, v61  }
0x422: {  	(xrf1) =	vsort.ascd.msk.f32 $0xffff, v4, v4  }
0x423: {  	v2 =	vadd.f32 v60, v2;
	v0 =	vadd.f32 v63, v0;
	_ =	sdelay $0x1  }
0x424: {  	v0 =	vadd.f32 v0, v2;
	_ =	sdelay $0x1  }
0x425: {  	v2 =	vperm.xlane v0, v54;
	_ =	sdelay $0x1  }
0x426: {  	v0 =	vadd.f32 v0, v2;
	_ =	sdelay $0x1  }
0x427: {  	v2 =	vperm.xlane v0, v53;
	_ =	sdelay $0x1  }
0x428: {  	v0 =	vadd.f32 v0, v2;
	_ =	sdelay $0x1  }
0x429: {  	v45, _, _ =	vpop (xrf1);
	v2 =	vperm.xlane v0, v52  }
0x42a: {  	v29 =	vmul.f32 $-1.250000000e+01, v19;
	v46, _, _ =	vpop (xrf1)  }
0x42b: {  	v7 =	vmul.f32 v44, v7;
	v0 =	vadd.f32 v0, v2;
	v2 =	vperm.xlane v46, v20  }
0x42c: {  	v31 =	vmul.f32 $1.442695020e+00, v29;
	v50 =	vmul.f32 $-1.250000000e+01, v16  }
0x42d: {  	v60 =	vmul.f32 $-1.250000000e+01, v23;
	v47 =	vperm.xlane v0, v62;
	v2 =	vmin.f32 v45, v2  }
0x42e: {  	v55 =	vmul.f32 $-1.250000000e+01, v17;
	v57 =	vmul.f32 $-1.250000000e+01, v13;
	(xrf1) =	vsort.ascd.msk.f32 $0xffff, v2, v2  }
0x42f: {  	v61 =	vmul.f32 $-1.250000000e+01, v24;
	v30 =	vmul.f32 $-1.250000000e+01, v58;
	v0 =	vadd.f32 v0, v47  }
0x430: {  	v59 =	vmul.f32 $1.442695020e+00, v55;
	v63 =	vmul.f32 $1.442695020e+00, v60  }
0x431: {  	v55 =	vmul.f32 $-1.250000000e+01, v42;
	v45 =	vmul.f32 $-1.250000000e+01, v40;
	v0 =	vadd.f32 $9.999999930e-09, v0  }
0x432: {  	v2 =	vmul.f32 $1.442695020e+00, v50;
	v50 =	vmul.f32 $-1.250000000e+01, v38  }
0x433: {  	v46 =	vmul.f32 $1.442695020e+00, v45;
	(erf) = vrcp.f32 v0  }
0x434: {  	v0 =	vmul.f32 $1.442695020e+00, v57;
	(erf) = vpow2.f32 v2  }
0x435: {  	v3 =	vmul.f32 $1.442695020e+00, v50;
	(erf) = vpow2.f32 v59  }
0x436: {  	v2 =	vmul.f32 $1.442695020e+00, v61;
	(erf) = vpow2.f32 v0  }
0x437: {  	v57 =	vmul.f32 $-1.250000000e+01, v37;
	(erf) = vpow2.f32 v63  }
0x438: {  	v0 =	vmul.f32 $1.442695020e+00, v30;
	(erf) = vpow2.f32 v2  }
0x439: {  	v61 =	vmul.f32 $-1.250000000e+01, v49;
	(erf) = vpow2.f32 v31  }
0x43a: {  	v60 =	vmul.f32 $1.442695020e+00, v57;
	(erf) = vpow2.f32 v0  }
0x43b: {  	v30 =	vmul.f32 $-1.250000000e+01, v41;
	(erf) = vpow2.f32 v46  }
0x43c: {  	v0 =	vmul.f32 $1.442695020e+00, v55;
	v47, _, _ =	vpop (xrf1);
	(erf) = vpow2.f32 v3  }
0x43d: {  	v3 =	vmul.f32 $1.442695020e+00, v61;
	v2 =	vperm.xlane v47, v56  }
0x43e: {  	v56 =	vmul.f32 $-1.250000000e+01, v43;
	(erf) = vpow2.f32 v0  }
0x43f: {  	vm0 =	vle.f32 v16, v2;
	vm1 =	vle.f32 v17, v2;
	vm2 =	vle.f32 v13, v2  }
0x440: {  	v59 =	vmul.f32 $1.442695020e+00, v56;
	vm3 =	vle.f32 v23, v2;
	vm4 =	vle.f32 v24, v2  }
0x441: {  	vm5 =	vle.f32 v19, v2;
	v24 =	vmul.f32 $-1.250000000e+01, v48;
	vm6 =	vle.f32 v58, v2  }
0x442: {  	v50 =	vld [tilespmem:$0x1FB30];
	v13 =	vpop (erf);
	vm12 =	vle.f32 v40, v2;
	v19 =	vmul.f32 $-1.250000000e+01, v39;
	v40 =	vmul.f32 $1.442695020e+00, v30  }
0x443: {  	[tilespmem:s20+$0xFFFFFF10] =	vst v7;
	vm13 =	vle.f32 v38, v2;
	v56 =	vld [tilespmem:$0x1FB40];
	v63 =	vpop (erf);
	v7 =	vmul.f32 v13, v34;
	v25 =	vmul.f32 v13, v25  }
0x444: {  	v61 =	vld [tilespmem:$0x1FB70];
	vm14 =	vle.f32 v42, v2;
	v34 =	vmul.f32 v13, v18;
	(erf) = vpow2.f32 v59;
	v29 =	vpop (erf)  }
0x445: {  	vm15 =	vle.f32 v43, v2;
	v58 =	vld [tilespmem:$0x1FB50];
	v4 =	vmul.f32 $1.442695020e+00, v24;
	(erf) = vpow2.f32 v60;
	v31 =	vpop (erf)  }
0x446: {  	vm11 =	vle.f32 v37, v2;
	v45 =	vmul.f32 $1.442695020e+00, v19;
	v60 =	vld [tilespmem:$0x1FB60];
	(erf) = vpow2.f32 v3;
	v23 =	vpop (erf)  }
0x447: {  	v16 =	vnsel vm0, $0x0, v63;
	(erf) = vpow2.f32 v4;
	v19 =	vpop (erf);
	v4 =	vmul.f32 v11, v50  }
0x448: {  	v24 =	vnsel vm1, $0x0, v29;
	v0 =	vmul.f32 v11, v56;
	v56 =	vld [tilespmem:$0x1FBA0];
	(erf) = vpow2.f32 v40;
	v46 =	vpop (erf)  }
0x449: {  	v17 =	vnsel vm2, $0x0, v31;
	v30 =	vnsel vm3, $0x0, v23;
	(erf) = vpow2.f32 v45;
	v47 =	vpop (erf)  }
0x44a: {  	v3 =	vmul.f32 v11, v58;
	v19 =	vnsel vm4, $0x0, v19;
	[tilespmem:s20+$0xFFFFFE00] =	vst v4;
	v55 =	vpop (erf);
	v23 =	vnsel vm6, $0x0, v47;
	v47 =	vld [tilespmem:$0x1FB80]  }
0x44b: {  	v38 =	vnsel vm5, $0x0, v46;
	[tilespmem:s20+$0xFFFFFE10] =	vst v0;
	v4 =	vmul.f32 v11, v61;
	v0 =	vmul.f32 v11, v60;
	v60 =	vld [tilespmem:$0x1FBC0];
	v57 =	vpop (erf)  }
0x44c: {  	v42 =	vnsel vm12, $0x0, v55;
	vm12 =	vle.f32 v49, v2;
	v40 =	vnsel vm13, $0x0, v57;
	v59 =	vpop (erf);
	v57 =	vld [tilespmem:$0x1FBB0]  }
0x44d: {  	v37 =	vld [tilespmem:$0x1FBD0];
	[tilespmem:s20+$0xFFFFFE40] =	vst v4;
	v4 =	vadd.f32 v30, v17;
	v5 =	vmul.f32 v11, v56;
	vm13 =	vle.f32 v48, v2;
	v63 =	vpop (erf)  }
0x44e: {  	[tilespmem:s20+$0xFFFFFE30] =	vst v0;
	v0 =	vadd.f32 v24, v16;
	v56 =	vadd.f32 v38, v19;
	v43 =	vnsel vm14, $0x0, v59;
	v55 =	vpop (erf)  }
0x44f: {  	[tilespmem:s20+$0x20] =	vst v7;
	vm14 =	vle.f32 v41, v2;
	v45 =	vnsel vm15, $0x0, v63;
	vm15 =	vle.f32 v39, v2;
	v59 =	vpop (erf)  }
0x450: {  	v50 =	vld [tilespmem:$0x1FB90];
	[tilespmem:s20+$0xFFFFFE20] =	vst v3;
	v3 =	vmul.f32 v11, v47;
	v61 =	vmul.f32 v11, v60;
	v29 =	vnsel vm11, $0x0, v55;
	v63 =	vpop (erf)  }
0x451: {  	[tilespmem:s20+$0x60] =	vst v25;
	v60 =	vld [tilespmem:$0x1FBF0];
	v31 =	vnsel vm12, $0x0, v59;
	v59 =	vadd.f32 v29, v45;
	v58 =	vmul.f32 v11, v57;
	v48 =	vpop (erf)  }
0x452: {  	[tilespmem:s20+$0xFFFFFE50] =	vst v3;
	v3 =	vmul.f32 v11, v37;
	v37 =	vnsel vm13, $0x0, v63;
	v57 =	vadd.f32 v42, v23;
	v55 =	vpop (erf)  }
0x453: {  	v49 =	vld [tilespmem:$0x1FBE0];
	[tilespmem:s20+$0xFFFFFE90] =	vst v61;
	v41 =	vnsel vm14, $0x0, v48;
	v61 =	vadd.f32 v37, v31;
	v2 =	vnsel vm15, $0x0, v55  }
0x454: {  	v39 =	vld [tilespmem:$0x1FC30];
	[tilespmem:s20+$0xFFFFFE80] =	vst v58;
	v58 =	vadd.f32 v43, v40;
	v63 =	vadd.f32 v2, v41  }
0x455: {  	[tilespmem:s20+$0xA0] =	vst v34;
	v46 =	vmul.f32 v11, v50;
	v0 =	vadd.f32 v4, v0;
	v55 =	vadd.f32 v57, v56  }
0x456: {  	[tilespmem:s20+$0xFFFFFEA0] =	vst v3;
	v3 =	vmul.f32 v11, v60;
	v57 =	vadd.f32 v59, v58;
	v58 =	vadd.f32 v63, v61  }
0x457: {  	[tilespmem:s20+$0xFFFFFE60] =	vst v46  }
0x458: {  	v46 =	vmul.f32 v11, v49;
	v0 =	vadd.f32 v55, v0;
	[tilespmem:s20+$0xFFFFFEC0] =	vst v3;
	v3 =	vadd.f32 v58, v57  }
0x459: {  	[tilespmem:s20+$0xFFFFFE70] =	vst v5;
	v48 =	vld [tilespmem:$0x1FC40];
	v1 =	vmul.f32 v44, v39  }
0x45a: {  	[tilespmem:s20+$0xFFFFFEB0] =	vst v46;
	v56 =	vld [tilespmem:$0x1FC00];
	v39 =	vmul.f32 v13, v9;
	v0 =	vadd.f32 v3, v0  }
0x45b: {  	[tilespmem:s20+$0xFFFFFF30] =	vst v1;
	v63 =	vmul.f32 v44, v6  }
0x45c: {  	[tilespmem:s20+$0xD0] =	vst v39;
	v6 =	vmul.f32 v13, v33;
	v47 =	vperm.xlane v0, v54  }
0x45d: {  	v60 =	vld [tilespmem:$0x1FC20];
	v33 =	vmul.f32 v13, v15;
	[tilespmem:s20+$0xFFFFFF00] =	vst v63  }
0x45e: {  	v50 =	vld [tilespmem:$0x1FC60];
	v1 =	vmul.f32 v44, v48;
	[tilespmem:s20+$0x10] =	vst v6;
	v0 =	vadd.f32 v0, v47  }
0x45f: {  	v59 =	vld [tilespmem:$0x1FC10];
	v5 =	vmul.f32 v11, v56;
	[tilespmem:s20+$0x90] =	vst v33  }
0x460: {  	v63 =	vmul.f32 v13, v36;
	[tilespmem:s20+$0xFFFFFF50] =	vst v1;
	v4 =	vperm.xlane v0, v53  }
0x461: {  	v49 =	vld [tilespmem:$0x1FC50];
	v36 =	vmul.f32 v13, v10;
	[tilespmem:s20+$0xFFFFFED0] =	vst v5  }
0x462: {  	v61 =	vmul.f32 v11, v60;
	[tilespmem:s20+$0x0] =	vst v63;
	v0 =	vadd.f32 v0, v4  }
0x463: {  	v1 =	vmul.f32 v44, v50;
	[tilespmem:s20+$0xC0] =	vst v36  }
0x464: {  	v55 =	vld [tilespmem:$0x1FC80];
	v46 =	vmul.f32 v11, v59;
	[tilespmem:s20+$0xFFFFFEF0] =	vst v61;
	v4 =	vperm.xlane v0, v52  }
0x465: {  	v11 =	vmul.f32 v44, v8;
	[tilespmem:s20+$0xFFFFFF70] =	vst v1  }
0x466: {  	v3 =	vmul.f32 v44, v49;
	[tilespmem:s20+$0xFFFFFEE0] =	vst v46;
	v0 =	vadd.f32 v0, v4  }
0x467: {  	v8 =	vmul.f32 v13, v32;
	[tilespmem:s20+$0xFFFFFF20] =	vst v11  }
0x468: {  	v32 =	vmul.f32 v13, v22;
	[tilespmem:s20+$0xFFFFFF60] =	vst v3;
	v4 =	vperm.xlane v0, v62  }
0x469: {  	v1 =	vmul.f32 v44, v55;
	[tilespmem:s20+$0x30] =	vst v8  }
0x46a: {  	v57 =	vld [tilespmem:$0x1FCA0];
	v46 =	vmul.f32 v44, v12;
	[tilespmem:s20+$0x80] =	vst v32;
	v0 =	vadd.f32 v0, v4  }
0x46b: {  	v54 =	vld [tilespmem:$0x1FC70];
	v11 =	vmul.f32 v13, v35;
	[tilespmem:s20+$0xFFFFFF90] =	vst v1  }
0x46c: {  	v12 =	vmul.f32 v13, v28;
	[tilespmem:s20+$0xFFFFFF40] =	vst v46;
	v0 =	vadd.f32 $9.999999930e-09, v0  }
0x46d: {  	v56 =	vld [tilespmem:$0x1FC90];
	v28 =	vmul.f32 v13, v26;
	[tilespmem:s20+$0x40] =	vst v11  }
0x46e: {  	v59 =	vld [tilespmem:$0x1FCC0];
	v35 =	vmul.f32 v13, v14;
	[tilespmem:s20+$0x50] =	vst v12;
	(erf) = vrcp.f32 v0  }
0x46f: {  	v58 =	vld [tilespmem:$0x1FCB0];
	v1 =	vmul.f32 v44, v57;
	[tilespmem:s20+$0x70] =	vst v28  }
0x470: {  	v61 =	vld [tilespmem:$0x1FCE0];
	[tilespmem:s20+$0xB0] =	vst v35;
	v3 =	vmul.f32 v44, v54  }
0x471: {  	v60 =	vld [tilespmem:$0x1FCD0];
	v46 =	vmul.f32 v13, v27;
	[tilespmem:s20+$0xFFFFFFB0] =	vst v1  }
0x472: {  	[tilespmem:s20+$0xFFFFFF80] =	vst v3;
	v3 =	vmul.f32 v44, v56  }
0x473: {  	v1 =	vmul.f32 v44, v59;
	[tilespmem:s20+$0xF0] =	vst v46  }
0x474: {  	[tilespmem:s20+$0xFFFFFFA0] =	vst v3;
	v3 =	vmul.f32 v44, v58  }
0x475: {  	[tilespmem:s20+$0xFFFFFFD0] =	vst v1;
	v1 =	vmul.f32 v44, v61  }
0x476: {  	[tilespmem:s20+$0xFFFFFFC0] =	vst v3;
	v3 =	vmul.f32 v44, v60  }
0x477: {  	[tilespmem:s20+$0xFFFFFFF0] =	vst v1;
	v44 =	vmul.f32 v13, v51;
	v47 =	vpop (erf)  }
0x478: {  	[tilespmem:s20+$0xFFFFFFE0] =	vst v3;
	v48 =	vmul.f32 v47, v16  }
0x479: {  	[tilespmem:s20+$0xE0] =	vst v44;
	v49 =	vmul.f32 v47, v24  }
0x47a: {  	v50 =	vmul.f32 v47, v17;
	[tilespmem:s20+$0x100] =	vst v48  }
0x47b: {  	v51 =	vmul.f32 v47, v30;
	[tilespmem:s20+$0x110] =	vst v49  }
0x47c: {  	v52 =	vmul.f32 v47, v19;
	[tilespmem:s20+$0x120] =	vst v50  }
0x47d: {  	v53 =	vmul.f32 v47, v38;
	[tilespmem:s20+$0x130] =	vst v51  }
0x47e: {  	v54 =	vmul.f32 v47, v23;
	[tilespmem:s20+$0x140] =	vst v52  }
0x47f: {  	v55 =	vmul.f32 v47, v42;
	[tilespmem:s20+$0x150] =	vst v53  }
0x480: {  	v56 =	vmul.f32 v47, v40;
	[tilespmem:s20+$0x160] =	vst v54  }
0x481: {  	v57 =	vmul.f32 v47, v43;
	[tilespmem:s20+$0x170] =	vst v55  }
0x482: {  	v58 =	vmul.f32 v47, v45;
	[tilespmem:s20+$0x180] =	vst v56  }
0x483: {  	v59 =	vmul.f32 v47, v29;
	[tilespmem:s20+$0x190] =	vst v57  }
0x484: {  	p0 =	slt.u32 s19, $0xFC;
	v60 =	vmul.f32 v47, v31;
	[tilespmem:s20+$0x1A0] =	vst v58  }
.Ltmp1:
0x485: {  	v61 =	vmul.f32 v47, v37;
	[tilespmem:s20+$0x1B0] =	vst v59;
	(pc) =	sbr.rel @p0 .LBB2_4-.Ltmp1, $4  }
0x486: {  	v62 =	vmul.f32 v47, v41;
	[tilespmem:s20+$0x1C0] =	vst v60  }
0x487: {  	v63 =	vmul.f32 v47, v2;
	[tilespmem:s20+$0x1D0] =	vst v61  }
0x488: {  	s31 =	sadd.s32 $0x4, s19;
	[tilespmem:s20+$0x1E0] =	vst v62  }
0x489: {  	s19 =	smov.u32 s31;
	[tilespmem:s20+$0x1F0] =	vst v63;
	s20 =	sadd.s32 $0x400, s20  }
0x48a: {  	s0 =	simm.s32 $0x1900;
	s1 =	sadd.s32 $0x1, s1  }
0x48b: {  	[hbm4b:s16+s2] =	stream.linear.scatter [tilespmem:s0], [sflag:$0x1], $0x10000, $0x38;
	[tilespmem:$0x11900] =	vst v63  }
0x48c: {  	p0 =	sne.s32 s1, s17  }
.Ltmp2:
0x48d: {  	_ = 	snop;
	(pc) =	sbr.rel @p0 .LBB2_1-.Ltmp2, $4  }
0x48e: {  	_ =	swait.ge [sflag:s18], $0x10000  }
0x48f: {  	v5 =	vld [tilespmem:$0x1FFE0]  }
0x490: {  	[sflag:s18] =	ssyncset.done $0x0;
	v2 =	vld [tilespmem:$0x1FFF0]  }
0x491: {  	v0 =	vmov v20;
	v4 =	vld [tilespmem:$0x1FFD0];
	[sflag:s18] =	ssyncadd.s32 $0xFFFF0000  }
0x492: {  	_ =	sfence.sel $0x180000  }
0x493: {  	[bflag:$0x0] =	sbarrier.arrive $0xFFFF  }
0x494: {  	_ =	strace $0x90000047  }
0x495: {  	s0 =	stileid.u32;
	[bflag:$0x2] =	sbarrier.arrive $0xFFFF  }
0x496: {  	p0 =	sne.s32 s0, $0x0;
	s0 =	rddreg [dreg:$0x2]  }
0x497: {  	s0 =	sadd.s32 @!p0 $0x100000, s0  }
0x498: {  	[sflag:s0] =	ssyncadd.tile.s32 @!p0 $0x1;
	_ =	shalt  }
.Lfunc_end2:
_tile_overlayer_lowered:
.L_overlay_start_2:
0x499: {  	(tag) =	ssettag $0x2  }
0x49a: {  	s0 =	rddreg [dreg:$0x0];
	s2 =	stileid.u32  }
0x49b: {  	s1 =	rddreg [dreg:$0x1];
	p0 =	sne.s32 s2, $0x0  }
0x49c: {  	s3 =	rddreg [dreg:$0x2];
	[bflag:$0x3] =	sbarrier.arrive $0xFFFF;
	s2 =	simm.s32 @!p0 $0x1C01  }
0x49d: {  	[timem:s3], [sflag:s2] =	dma.local @!p0 [hbm:s0], s1  }
0x49e: {  	s0 =	simm.s32 @!p0 $0x1  }
0x49f: {  	_ =	swait.ge @!p0 [sflag:s0], s1  }
0x4a0: {  	s1 =	ssub.s32 @!p0 $0x0, s1;
	[sflag:s0] =	ssyncset.done @!p0 $0x0  }
0x4a1: {  	[sflag:s0] =	ssyncadd.s32 @!p0 s1  }
0x4a2: {  	[bflag:$0x3] =	sbarrier.arrive $0xFFFF  }
0x4a3: {  	_ =	shalt  }

</sc_bundles>
